<compile_context>
chip_gen: v7x
topology: tpu7x:2x2x1
jax: 0.10.2.dev20260603
libtpu: 0.0.44.dev20260713+nightly
codegen_flags: <defaults>
</compile_context>

<pallas_src>
import functools

import jax
import jax.numpy as jnp
from jax import lax
from jax.experimental import pallas as pl
from jax.experimental.pallas import tpu as pltpu
from jax.experimental.pallas import tpu_sc as plsc

N = 10000
E = 320000
D_IN = 128
H = 64
G = 64

NC = 2
NS = 16
NW = NC * NS
EPW = E // NW
B = 112
CH = 90
EPWP = CH * B
NP = 10240
NROW = NP // NS
DEGW = 16

_mesh = plsc.VectorSubcoreMesh(core_axis_name="c", subcore_axis_name="s")
_sc_params = pltpu.CompilerParams(use_tc_tiling_on_sc=False)


def _zero_vmem(ref, nrows, width):
  def row(i, _):
    for j in range(width // 16):
      ref[i, pl.ds(j * 16, 16)] = jnp.zeros((16,), jnp.float32)
    return 0
  lax.fori_loop(0, nrows, row, 0, unroll=4)


@functools.partial(
    pl.kernel,
    out_type=jax.ShapeDtypeStruct((NC, NP, DEGW), jnp.float32),
    mesh=_mesh,
    compiler_params=_sc_params,
    scratch_types=[
        pltpu.VMEM_SHARED((NP, DEGW), jnp.float32),
        pltpu.VMEM((CH, B), jnp.int32),
        pltpu.VMEM((B, DEGW), jnp.float32),
        pltpu.VMEM((B, DEGW), jnp.float32),
    ],
)
def _sc_deg(dst_hbm, out_hbm, acc_sp, idx_d, ones_v, zbuf):
  cid = lax.axis_index("c")
  sid = lax.axis_index("s")
  wid = cid * NS + sid

  _zero_vmem(zbuf, B, DEGW)
  def onesrow(i, _):
    ones_v[i, pl.ds(0, 16)] = jnp.ones((16,), jnp.float32)
    return 0
  lax.fori_loop(0, B, onesrow, 0, unroll=4)

  for z in range(NROW // 80):
    pltpu.sync_copy(zbuf.at[pl.ds(0, 80)],
                    acc_sp.at[pl.ds(sid * NROW + z * 80, 80)])
  pltpu.sync_copy(dst_hbm.at[wid], idx_d)
  plsc.subcore_barrier()

  def body(j, _):
    pltpu.sync_copy(ones_v, acc_sp.at[idx_d.at[j]], add=True)
    return 0
  lax.fori_loop(0, CH, body, 0)

  plsc.subcore_barrier()
  pltpu.sync_copy(acc_sp.at[pl.ds(sid * NROW, NROW)],
                  out_hbm.at[cid, pl.ds(sid * NROW, NROW)])


@functools.partial(
    pl.kernel,
    out_type=jax.ShapeDtypeStruct((NC, NP, H), jnp.float32),
    mesh=_mesh,
    compiler_params=_sc_params,
    scratch_types=[
        pltpu.VMEM_SHARED((NP, H), jnp.float32),
        pltpu.VMEM_SHARED((NP, H), jnp.float32),
        pltpu.VMEM((CH, B), jnp.int32),
        pltpu.VMEM((CH, B), jnp.int32),
        pltpu.VMEM((B, H), jnp.float32),
        pltpu.VMEM((B, H), jnp.float32),
        pltpu.VMEM((B, H), jnp.float32),
        pltpu.VMEM((B, H), jnp.float32),
        [pltpu.SemaphoreType.DMA] * 4,
        [pltpu.SemaphoreType.DMA] * 4,
    ],
)
def _sc_scatter(hp_hbm, src_hbm, dst_hbm, out_hbm,
                hp_sp, acc_sp, idx_s, idx_d, r0, r1, r2, r3, gsem, ssem):
  cid = lax.axis_index("c")
  sid = lax.axis_index("s")
  wid = cid * NS + sid
  rows = [r0, r1, r2, r3]

  _zero_vmem(r0, B, H)
  for z in range(NROW // 80):
    pltpu.sync_copy(r0.at[pl.ds(0, 80)],
                    acc_sp.at[pl.ds(sid * NROW + z * 80, 80)])
  pltpu.sync_copy(hp_hbm.at[pl.ds(sid * NROW, NROW)],
                  hp_sp.at[pl.ds(sid * NROW, NROW)])
  pltpu.sync_copy(src_hbm.at[wid], idx_s)
  pltpu.sync_copy(dst_hbm.at[wid], idx_d)
  plsc.subcore_barrier()

  def gather(j, k):
    pltpu.async_copy(hp_sp.at[idx_s.at[j]], rows[k], gsem[k])

  def gwait(j, k):
    pltpu.make_async_copy(hp_sp.at[idx_s.at[j]], rows[k], gsem[k]).wait()

  def scat(j, k):
    pltpu.async_copy(rows[k], acc_sp.at[idx_d.at[j]], ssem[k], add=True)

  def swait(j, k):
    pltpu.make_async_copy(rows[k], acc_sp.at[idx_d.at[j]], ssem[k]).wait()

  gather(0, 0)
  gather(1, 1)
  gwait(0, 0); scat(0, 0); gather(2, 2)
  gwait(1, 1); scat(1, 1); gather(3, 3)
  def body(i, _):
    for k in range(4):
      j = 4 * i + 2 + k
      kb = (2 + k) % 4
      kf = k
      gwait(j, kb)
      scat(j, kb)
      swait(j - 2, kf)
      jn = lax.rem(j + 2, CH)
      gather(jn, kf)
    return 0
  lax.fori_loop(0, (CH - 2) // 4, body, 0)
  swait(CH - 2, (CH - 2) % 4)
  swait(CH - 1, (CH - 1) % 4)
  gwait(0, CH % 4)
  gwait(1, (CH + 1) % 4)

  plsc.subcore_barrier()
  pltpu.sync_copy(acc_sp.at[pl.ds(sid * NROW, NROW)],
                  out_hbm.at[cid, pl.ds(sid * NROW, NROW)])


def _tc_first_body(deg2_ref, x_ref, w_ref, dinv_ref, hp_ref):
  deg = deg2_ref[0, 0:N, 0:1] + deg2_ref[1, 0:N, 0:1] + 1.0
  dinv = 1.0 / jnp.sqrt(deg)
  dinv_ref[...] = dinv
  hw = jnp.dot(x_ref[...], w_ref[...], preferred_element_type=jnp.float32)
  hp_ref[0:N, :] = hw * dinv
  hp_ref[N:NP, :] = jnp.zeros((NP - N, H), jnp.float32)


def _tc_first(deg2, x, w0):
  return pl.pallas_call(
      _tc_first_body,
      out_shape=[
          jax.ShapeDtypeStruct((N, 1), jnp.float32),
          jax.ShapeDtypeStruct((NP, H), jnp.float32),
      ],
  )(deg2, x, w0)


def _tc_layer_body(has_resid, has_next, *refs):
  refs = list(refs)
  acc_ref = refs.pop(0)
  hp_ref = refs.pop(0)
  dinv_ref = refs.pop(0)
  b_ref = refs.pop(0)
  g_ref = refs.pop(0)
  be_ref = refs.pop(0)
  resid_ref = refs.pop(0) if has_resid else None
  wn_ref = refs.pop(0) if has_next else None
  h_ref = refs.pop(0)
  hpn_ref = refs.pop(0) if has_next else None

  dinv = dinv_ref[...]
  conv = dinv * (hp_ref[0:N, :] + acc_ref[0, 0:N, :] + acc_ref[1, 0:N, :])
  conv = conv + b_ref[...]
  m = jnp.mean(conv, axis=0, keepdims=True)
  d = conv - m
  v = jnp.mean(d * d, axis=0, keepdims=True)
  y = g_ref[...] * d / jnp.sqrt(v + 1e-5) + be_ref[...]
  y = jnp.maximum(y, 0.0)
  if has_resid:
    y = y + resid_ref[...]
  h_ref[...] = y
  if has_next:
    hpn_ref[0:N, :] = jnp.dot(y, wn_ref[...],
                              preferred_element_type=jnp.float32) * dinv
    hpn_ref[N:NP, :] = jnp.zeros((NP - N, H), jnp.float32)


def _tc_layer(acc, hp, dinv, b, g, be, resid=None, w_next=None):
  args = [acc, hp, dinv, b.reshape(1, H), g.reshape(1, H), be.reshape(1, H)]
  if resid is not None:
    args.append(resid)
  if w_next is not None:
    args.append(w_next)
  out_shape = [jax.ShapeDtypeStruct((N, H), jnp.float32)]
  if w_next is not None:
    out_shape.append(jax.ShapeDtypeStruct((NP, H), jnp.float32))
  res = pl.pallas_call(
      functools.partial(_tc_layer_body, resid is not None, w_next is not None),
      out_shape=out_shape,
  )(*args)
  return res if w_next is not None else (res[0], None)


def _tc_head_body(acc_ref, hp_ref, dinv_ref, b_ref, g_ref, be_ref,
                  resid_ref, batch_ref, wm1_ref, bm1_ref, wm2_ref, bm2_ref,
                  out_ref):
  dinv = dinv_ref[...]
  conv = dinv * (hp_ref[0:N, :] + acc_ref[0, 0:N, :] + acc_ref[1, 0:N, :])
  conv = conv + b_ref[...]
  m = jnp.mean(conv, axis=0, keepdims=True)
  d = conv - m
  v = jnp.mean(d * d, axis=0, keepdims=True)
  y = g_ref[...] * d / jnp.sqrt(v + 1e-5) + be_ref[...]
  h = jnp.maximum(y, 0.0) + resid_ref[...]

  ids = lax.broadcasted_iota(jnp.int32, (N, G), 1)
  oh = (batch_ref[...] == ids).astype(jnp.float32)
  dn = (((0,), (0,)), ((), ()))
  s = lax.dot_general(oh, h, dn, precision=lax.Precision.HIGHEST,
                      preferred_element_type=jnp.float32)
  cnt = lax.dot_general(oh, jnp.ones((N, 1), jnp.float32), dn,
                        precision=lax.Precision.HIGHEST,
                        preferred_element_type=jnp.float32)
  pooled = s / jnp.maximum(cnt, 1.0) + s
  z = jnp.dot(pooled, wm1_ref[...], preferred_element_type=jnp.float32)
  z = jnp.maximum(z + bm1_ref[...], 0.0)
  out_ref[...] = jnp.dot(z, wm2_ref[...],
                         preferred_element_type=jnp.float32) + bm2_ref[...]


def _tc_head(acc, hp, dinv, b, g, be, resid, batch2, wm1, bm1, wm2, bm2):
  return pl.pallas_call(
      _tc_head_body,
      out_shape=jax.ShapeDtypeStruct((G, 1), jnp.float32),
  )(acc, hp, dinv, b.reshape(1, H), g.reshape(1, H), be.reshape(1, H),
    resid, batch2, wm1, bm1.reshape(1, H // 2), wm2, bm2.reshape(1, 1))


@jax.jit
def kernel(x, edge_index, batch, W0, b0, g0, be0, W1, b1, g1, be1,
           W2, b2, g2, be2, Wm1, bm1, Wm2, bm2):
  pad = jnp.full((NW, EPWP - EPW), NP - 1, dtype=jnp.int32)
  src_r = jnp.concatenate(
      [edge_index[0].reshape(NW, EPW), pad], axis=1).reshape(NW, CH, B)
  dst_r = jnp.concatenate(
      [edge_index[1].reshape(NW, EPW), pad], axis=1).reshape(NW, CH, B)
  batch2 = batch.reshape(N, 1)

  deg2 = _sc_deg(dst_r)
  dinv, hp = _tc_first(deg2, x, W0)

  acc = _sc_scatter(hp, src_r, dst_r)
  h, hp = _tc_layer(acc, hp, dinv, b0, g0, be0, resid=None, w_next=W1)

  acc = _sc_scatter(hp, src_r, dst_r)
  h, hp = _tc_layer(acc, hp, dinv, b1, g1, be1, resid=h, w_next=W2)

  acc = _sc_scatter(hp, src_r, dst_r)
  return _tc_head(acc, hp, dinv, b2, g2, be2, h, batch2, Wm1, bm1, Wm2, bm2)

# --- scband reference (transcript-rebuilt; emitter-appended) ---
"""Pipeline reference for scband-gcn-48498770706497 (READ-ONLY COPY).

The authoritative reference and input builder live on the scoring server;
editing this copy changes nothing except your own understanding.
"""

import jax, jax.numpy as jnp
import numpy as np

N = 10000
E = 320000
D_IN = 128
H = 64
G = 64


def setup_inputs(seed: int = 0):
    key = jax.random.key(seed)
    ks = jax.random.split(key, 12)
    inp = {}
    inp["x"] = jax.random.normal(ks[0], (N, D_IN), dtype=jnp.float32)
    inp["edge_index"] = jax.random.randint(ks[1], (2, E), 0, N, dtype=jnp.int32)
    inp["batch"] = jnp.sort(jax.random.randint(ks[2], (N,), 0, G, dtype=jnp.int32))
    inp["W0"] = jax.random.normal(ks[3], (D_IN, H), dtype=jnp.float32) * (1.0 / np.sqrt(D_IN))
    inp["b0"] = jnp.zeros((H,), dtype=jnp.float32)
    inp["g0"] = jnp.ones((H,), dtype=jnp.float32)
    inp["be0"] = jnp.zeros((H,), dtype=jnp.float32)
    inp["W1"] = jax.random.normal(ks[4], (H, H), dtype=jnp.float32) * (1.0 / np.sqrt(H))
    inp["b1"] = jnp.zeros((H,), dtype=jnp.float32)
    inp["g1"] = jnp.ones((H,), dtype=jnp.float32)
    inp["be1"] = jnp.zeros((H,), dtype=jnp.float32)
    inp["W2"] = jax.random.normal(ks[5], (H, H), dtype=jnp.float32) * (1.0 / np.sqrt(H))
    inp["b2"] = jnp.zeros((H,), dtype=jnp.float32)
    inp["g2"] = jnp.ones((H,), dtype=jnp.float32)
    inp["be2"] = jnp.zeros((H,), dtype=jnp.float32)
    inp["Wm1"] = jax.random.normal(ks[6], (H, H // 2), dtype=jnp.float32) * (1.0 / np.sqrt(H))
    inp["bm1"] = jnp.zeros((H // 2,), dtype=jnp.float32)
    inp["Wm2"] = jax.random.normal(ks[7], (H // 2, 1), dtype=jnp.float32) * (1.0 / np.sqrt(H // 2))
    inp["bm2"] = jnp.zeros((1,), dtype=jnp.float32)
    return inp


def _gcn_conv(x, src, dst, W, b):
    # PyG GCNConv: x @ W, add self-loops, symmetric D^-1/2 (A+I) D^-1/2 aggregation, + bias
    h = x @ W
    n = x.shape[0]
    loop = jnp.arange(n, dtype=src.dtype)
    s = jnp.concatenate([src, loop])
    d = jnp.concatenate([dst, loop])
    deg = jnp.zeros((n,), h.dtype).at[d].add(1.0)
    dinv = 1.0 / jnp.sqrt(deg)
    norm = (dinv[s] * dinv[d])[:, None]
    out = jnp.zeros_like(h).at[d].add(h[s] * norm)
    return out + b


def _bn(x, g, be):
    m = jnp.mean(x, axis=0)
    v = jnp.var(x, axis=0)
    return g * (x - m) / jnp.sqrt(v + 1e-5) + be


def reference(x, edge_index, batch, W0, b0, g0, be0, W1, b1, g1, be1, W2, b2, g2, be2, Wm1, bm1, Wm2, bm2):
    src, dst = edge_index[0], edge_index[1]
    h = jax.nn.relu(_bn(_gcn_conv(x, src, dst, W0, b0), g0, be0))
    h = h + jax.nn.relu(_bn(_gcn_conv(h, src, dst, W1, b1), g1, be1))
    h = h + jax.nn.relu(_bn(_gcn_conv(h, src, dst, W2, b2), g2, be2))
    s = jax.ops.segment_sum(h, batch, num_segments=G)
    cnt = jax.ops.segment_sum(jnp.ones((h.shape[0],), h.dtype), batch, num_segments=G)
    mean = s / jnp.maximum(cnt, 1.0)[:, None]
    pooled = mean + s  # global_mean_pool + global_add_pool
    z = jax.nn.relu(pooled @ Wm1 + bm1)
    return z @ Wm2 + bm2

if __name__ == "__main__":
    import jax
    _d = setup_inputs()
    print(jax.jit(kernel)(*tuple(_d.values())))

</pallas_src>

<mosaic_0001>
#map = affine_map<(d0, d1) -> (0, 0)>
#map1 = affine_map<(d0, d1) -> (0, 0, 0)>
module attributes {stable_mosaic.version = 14 : i64} {
  func.func @_sc_scatter(%arg0: i32, %arg1: i32, %arg2: memref<10240x64xf32, #tpu.memory_space<hbm>>, %arg3: memref<32x90x112xi32, #tpu.memory_space<hbm>>, %arg4: memref<32x90x112xi32, #tpu.memory_space<hbm>>, %arg5: memref<2x10240x64xf32, #tpu.memory_space<hbm>>, %arg6: memref<10240x64xf32, #tpu.memory_space<vmem_shared>>, %arg7: memref<10240x64xf32, #tpu.memory_space<vmem_shared>>, %arg8: memref<90x112xi32, #tpu.memory_space<vmem>>, %arg9: memref<90x112xi32, #tpu.memory_space<vmem>>, %arg10: memref<112x64xf32, #tpu.memory_space<vmem>>, %arg11: memref<112x64xf32, #tpu.memory_space<vmem>>, %arg12: memref<112x64xf32, #tpu.memory_space<vmem>>, %arg13: memref<112x64xf32, #tpu.memory_space<vmem>>, %arg14: memref<!tpu.dma_semaphore, #tpu.memory_space<semaphore_mem>>, %arg15: memref<!tpu.dma_semaphore, #tpu.memory_space<semaphore_mem>>, %arg16: memref<!tpu.dma_semaphore, #tpu.memory_space<semaphore_mem>>, %arg17: memref<!tpu.dma_semaphore, #tpu.memory_space<semaphore_mem>>, %arg18: memref<!tpu.dma_semaphore, #tpu.memory_space<semaphore_mem>>, %arg19: memref<!tpu.dma_semaphore, #tpu.memory_space<semaphore_mem>>, %arg20: memref<!tpu.dma_semaphore, #tpu.memory_space<semaphore_mem>>, %arg21: memref<!tpu.dma_semaphore, #tpu.memory_space<semaphore_mem>>) attributes {dimension_semantics = [#tpu.dimension_semantics<core_parallel>, #tpu.dimension_semantics<subcore_parallel>], iteration_bounds = array<i64: 2, 16>, scalar_prefetch = 0 : i64, scratch_operands = 16 : i64, tpu.core_type = #tpu.core_type<sc_vector_subcore>, window_params = [{transform_indices = #map}, {transform_indices = #map1}, {transform_indices = #map1}, {transform_indices = #map1}]} {
    %mul3A = arith.constant 16 : i32
    %mul3A_0 = arith.muli %arg0, %mul3A : i32
    %add3A = arith.addi %mul3A_0, %arg1 : i32
    %scan3A = arith.constant 0 : i32
    %scan3A_1 = arith.constant 0 : i32
    %scan3A_2 = arith.constant 112 : i32
    %scan3A_3 = arith.addi %scan3A_1, %scan3A_2 : i32
    %scan3A_4 = arith.constant 4 : i32
    %scan3A_5 = scf.for %scan3A_137 = %scan3A_1 to %scan3A_3 step %scan3A_4 iter_args(%scan3A_138 = %scan3A) -> (i32)  : i32 {
      %broadcast_in_dim3A = arith.constant 0.000000e+00 : f32
      %broadcast_in_dim3A_139 = vector.broadcast %broadcast_in_dim3A : f32 to vector<16xf32>
      %swap3A = arith.index_cast %scan3A_137 : i32 to index
      %swap3A_140 = arith.constant 0 : index
      %swap3A_141 = tpu.vector_load %arg10[%swap3A, %swap3A_140] {strides = array<i32>} : memref<112x64xf32, #tpu.memory_space<vmem>>, vector<1x16xf32>,
      %swap3A_142 = vector.shape_cast %swap3A_141 : vector<1x16xf32> to vector<16xf32>
      %swap3A_143 = vector.shape_cast %broadcast_in_dim3A_139 : vector<16xf32> to vector<1x16xf32>
      tpu.vector_store %arg10[%swap3A, %swap3A_140], %swap3A_143 {strides = array<i32>} : memref<112x64xf32, #tpu.memory_space<vmem>>, vector<1x16xf32>,
      %broadcast_in_dim3A_144 = arith.constant 0.000000e+00 : f32
      %broadcast_in_dim3A_145 = vector.broadcast %broadcast_in_dim3A_144 : f32 to vector<16xf32>
      %swap3A_146 = arith.index_cast %scan3A_137 : i32 to index
      %swap3A_147 = arith.constant 16 : index
      %swap3A_148 = tpu.vector_load %arg10[%swap3A_146, %swap3A_147] {strides = array<i32>} : memref<112x64xf32, #tpu.memory_space<vmem>>, vector<1x16xf32>,
      %swap3A_149 = vector.shape_cast %swap3A_148 : vector<1x16xf32> to vector<16xf32>
      %swap3A_150 = vector.shape_cast %broadcast_in_dim3A_145 : vector<16xf32> to vector<1x16xf32>
      tpu.vector_store %arg10[%swap3A_146, %swap3A_147], %swap3A_150 {strides = array<i32>} : memref<112x64xf32, #tpu.memory_space<vmem>>, vector<1x16xf32>,
      %broadcast_in_dim3A_151 = arith.constant 0.000000e+00 : f32
      %broadcast_in_dim3A_152 = vector.broadcast %broadcast_in_dim3A_151 : f32 to vector<16xf32>
      %swap3A_153 = arith.index_cast %scan3A_137 : i32 to index
      %swap3A_154 = arith.constant 32 : index
      %swap3A_155 = tpu.vector_load %arg10[%swap3A_153, %swap3A_154] {strides = array<i32>} : memref<112x64xf32, #tpu.memory_space<vmem>>, vector<1x16xf32>,
      %swap3A_156 = vector.shape_cast %swap3A_155 : vector<1x16xf32> to vector<16xf32>
      %swap3A_157 = vector.shape_cast %broadcast_in_dim3A_152 : vector<16xf32> to vector<1x16xf32>
      tpu.vector_store %arg10[%swap3A_153, %swap3A_154], %swap3A_157 {strides = array<i32>} : memref<112x64xf32, #tpu.memory_space<vmem>>, vector<1x16xf32>,
      %broadcast_in_dim3A_158 = arith.constant 0.000000e+00 : f32
      %broadcast_in_dim3A_159 = vector.broadcast %broadcast_in_dim3A_158 : f32 to vector<16xf32>
      %swap3A_160 = arith.index_cast %scan3A_137 : i32 to index
      %swap3A_161 = arith.constant 48 : index
      %swap3A_162 = tpu.vector_load %arg10[%swap3A_160, %swap3A_161] {strides = array<i32>} : memref<112x64xf32, #tpu.memory_space<vmem>>, vector<1x16xf32>,
      %swap3A_163 = vector.shape_cast %swap3A_162 : vector<1x16xf32> to vector<16xf32>
      %swap3A_164 = vector.shape_cast %broadcast_in_dim3A_159 : vector<16xf32> to vector<1x16xf32>
      tpu.vector_store %arg10[%swap3A_160, %swap3A_161], %swap3A_164 {strides = array<i32>} : memref<112x64xf32, #tpu.memory_space<vmem>>, vector<1x16xf32>,
      %scan3A_165 = arith.constant 0 : i32
      %scan3A_166 = arith.constant 1 : i32
      %scan3A_167 = arith.addi %scan3A_137, %scan3A_166 : i32
      %broadcast_in_dim3A_168 = arith.constant 0.000000e+00 : f32
      %broadcast_in_dim3A_169 = vector.broadcast %broadcast_in_dim3A_168 : f32 to vector<16xf32>
      %swap3A_170 = arith.index_cast %scan3A_167 : i32 to index
      %swap3A_171 = arith.constant 0 : index
      %swap3A_172 = tpu.vector_load %arg10[%swap3A_170, %swap3A_171] {strides = array<i32>} : memref<112x64xf32, #tpu.memory_space<vmem>>, vector<1x16xf32>,
      %swap3A_173 = vector.shape_cast %swap3A_172 : vector<1x16xf32> to vector<16xf32>
      %swap3A_174 = vector.shape_cast %broadcast_in_dim3A_169 : vector<16xf32> to vector<1x16xf32>
      tpu.vector_store %arg10[%swap3A_170, %swap3A_171], %swap3A_174 {strides = array<i32>} : memref<112x64xf32, #tpu.memory_space<vmem>>, vector<1x16xf32>,
      %broadcast_in_dim3A_175 = arith.constant 0.000000e+00 : f32
      %broadcast_in_dim3A_176 = vector.broadcast %broadcast_in_dim3A_175 : f32 to vector<16xf32>
      %swap3A_177 = arith.index_cast %scan3A_167 : i32 to index
      %swap3A_178 = arith.constant 16 : index
      %swap3A_179 = tpu.vector_load %arg10[%swap3A_177, %swap3A_178] {strides = array<i32>} : memref<112x64xf32, #tpu.memory_space<vmem>>, vector<1x16xf32>,
      %swap3A_180 = vector.shape_cast %swap3A_179 : vector<1x16xf32> to vector<16xf32>
      %swap3A_181 = vector.shape_cast %broadcast_in_dim3A_176 : vector<16xf32> to vector<1x16xf32>
      tpu.vector_store %arg10[%swap3A_177, %swap3A_178], %swap3A_181 {strides = array<i32>} : memref<112x64xf32, #tpu.memory_space<vmem>>, vector<1x16xf32>,
      %broadcast_in_dim3A_182 = arith.constant 0.000000e+00 : f32
      %broadcast_in_dim3A_183 = vector.broadcast %broadcast_in_dim3A_182 : f32 to vector<16xf32>
      %swap3A_184 = arith.index_cast %scan3A_167 : i32 to index
      %swap3A_185 = arith.constant 32 : index
      %swap3A_186 = tpu.vector_load %arg10[%swap3A_184, %swap3A_185] {strides = array<i32>} : memref<112x64xf32, #tpu.memory_space<vmem>>, vector<1x16xf32>,
      %swap3A_187 = vector.shape_cast %swap3A_186 : vector<1x16xf32> to vector<16xf32>
      %swap3A_188 = vector.shape_cast %broadcast_in_dim3A_183 : vector<16xf32> to vector<1x16xf32>
      tpu.vector_store %arg10[%swap3A_184, %swap3A_185], %swap3A_188 {strides = array<i32>} : memref<112x64xf32, #tpu.memory_space<vmem>>, vector<1x16xf32>,
      %broadcast_in_dim3A_189 = arith.constant 0.000000e+00 : f32
      %broadcast_in_dim3A_190 = vector.broadcast %broadcast_in_dim3A_189 : f32 to vector<16xf32>
      %swap3A_191 = arith.index_cast %scan3A_167 : i32 to index
      %swap3A_192 = arith.constant 48 : index
      %swap3A_193 = tpu.vector_load %arg10[%swap3A_191, %swap3A_192] {strides = array<i32>} : memref<112x64xf32, #tpu.memory_space<vmem>>, vector<1x16xf32>,
      %swap3A_194 = vector.shape_cast %swap3A_193 : vector<1x16xf32> to vector<16xf32>
      %swap3A_195 = vector.shape_cast %broadcast_in_dim3A_190 : vector<16xf32> to vector<1x16xf32>
      tpu.vector_store %arg10[%swap3A_191, %swap3A_192], %swap3A_195 {strides = array<i32>} : memref<112x64xf32, #tpu.memory_space<vmem>>, vector<1x16xf32>,
      %scan3A_196 = arith.constant 0 : i32
      %scan3A_197 = arith.constant 2 : i32
      %scan3A_198 = arith.addi %scan3A_137, %scan3A_197 : i32
      %broadcast_in_dim3A_199 = arith.constant 0.000000e+00 : f32
      %broadcast_in_dim3A_200 = vector.broadcast %broadcast_in_dim3A_199 : f32 to vector<16xf32>
      %swap3A_201 = arith.index_cast %scan3A_198 : i32 to index
      %swap3A_202 = arith.constant 0 : index
      %swap3A_203 = tpu.vector_load %arg10[%swap3A_201, %swap3A_202] {strides = array<i32>} : memref<112x64xf32, #tpu.memory_space<vmem>>, vector<1x16xf32>,
      %swap3A_204 = vector.shape_cast %swap3A_203 : vector<1x16xf32> to vector<16xf32>
      %swap3A_205 = vector.shape_cast %broadcast_in_dim3A_200 : vector<16xf32> to vector<1x16xf32>
      tpu.vector_store %arg10[%swap3A_201, %swap3A_202], %swap3A_205 {strides = array<i32>} : memref<112x64xf32, #tpu.memory_space<vmem>>, vector<1x16xf32>,
      %broadcast_in_dim3A_206 = arith.constant 0.000000e+00 : f32
      %broadcast_in_dim3A_207 = vector.broadcast %broadcast_in_dim3A_206 : f32 to vector<16xf32>
      %swap3A_208 = arith.index_cast %scan3A_198 : i32 to index
      %swap3A_209 = arith.constant 16 : index
      %swap3A_210 = tpu.vector_load %arg10[%swap3A_208, %swap3A_209] {strides = array<i32>} : memref<112x64xf32, #tpu.memory_space<vmem>>, vector<1x16xf32>,
      %swap3A_211 = vector.shape_cast %swap3A_210 : vector<1x16xf32> to vector<16xf32>
      %swap3A_212 = vector.shape_cast %broadcast_in_dim3A_207 : vector<16xf32> to vector<1x16xf32>
      tpu.vector_store %arg10[%swap3A_208, %swap3A_209], %swap3A_212 {strides = array<i32>} : memref<112x64xf32, #tpu.memory_space<vmem>>, vector<1x16xf32>,
      %broadcast_in_dim3A_213 = arith.constant 0.000000e+00 : f32
      %broadcast_in_dim3A_214 = vector.broadcast %broadcast_in_dim3A_213 : f32 to vector<16xf32>
      %swap3A_215 = arith.index_cast %scan3A_198 : i32 to index
      %swap3A_216 = arith.constant 32 : index
      %swap3A_217 = tpu.vector_load %arg10[%swap3A_215, %swap3A_216] {strides = array<i32>} : memref<112x64xf32, #tpu.memory_space<vmem>>, vector<1x16xf32>,
      %swap3A_218 = vector.shape_cast %swap3A_217 : vector<1x16xf32> to vector<16xf32>
      %swap3A_219 = vector.shape_cast %broadcast_in_dim3A_214 : vector<16xf32> to vector<1x16xf32>
      tpu.vector_store %arg10[%swap3A_215, %swap3A_216], %swap3A_219 {strides = array<i32>} : memref<112x64xf32, #tpu.memory_space<vmem>>, vector<1x16xf32>,
      %broadcast_in_dim3A_220 = arith.constant 0.000000e+00 : f32
      %broadcast_in_dim3A_221 = vector.broadcast %broadcast_in_dim3A_220 : f32 to vector<16xf32>
      %swap3A_222 = arith.index_cast %scan3A_198 : i32 to index
      %swap3A_223 = arith.constant 48 : index
      %swap3A_224 = tpu.vector_load %arg10[%swap3A_222, %swap3A_223] {strides = array<i32>} : memref<112x64xf32, #tpu.memory_space<vmem>>, vector<1x16xf32>,
      %swap3A_225 = vector.shape_cast %swap3A_224 : vector<1x16xf32> to vector<16xf32>
      %swap3A_226 = vector.shape_cast %broadcast_in_dim3A_221 : vector<16xf32> to vector<1x16xf32>
      tpu.vector_store %arg10[%swap3A_222, %swap3A_223], %swap3A_226 {strides = array<i32>} : memref<112x64xf32, #tpu.memory_space<vmem>>, vector<1x16xf32>,
      %scan3A_227 = arith.constant 0 : i32
      %scan3A_228 = arith.constant 3 : i32
      %scan3A_229 = arith.addi %scan3A_137, %scan3A_228 : i32
      %broadcast_in_dim3A_230 = arith.constant 0.000000e+00 : f32
      %broadcast_in_dim3A_231 = vector.broadcast %broadcast_in_dim3A_230 : f32 to vector<16xf32>
      %swap3A_232 = arith.index_cast %scan3A_229 : i32 to index
      %swap3A_233 = arith.constant 0 : index
      %swap3A_234 = tpu.vector_load %arg10[%swap3A_232, %swap3A_233] {strides = array<i32>} : memref<112x64xf32, #tpu.memory_space<vmem>>, vector<1x16xf32>,
      %swap3A_235 = vector.shape_cast %swap3A_234 : vector<1x16xf32> to vector<16xf32>
      %swap3A_236 = vector.shape_cast %broadcast_in_dim3A_231 : vector<16xf32> to vector<1x16xf32>
      tpu.vector_store %arg10[%swap3A_232, %swap3A_233], %swap3A_236 {strides = array<i32>} : memref<112x64xf32, #tpu.memory_space<vmem>>, vector<1x16xf32>,
      %broadcast_in_dim3A_237 = arith.constant 0.000000e+00 : f32
      %broadcast_in_dim3A_238 = vector.broadcast %broadcast_in_dim3A_237 : f32 to vector<16xf32>
      %swap3A_239 = arith.index_cast %scan3A_229 : i32 to index
      %swap3A_240 = arith.constant 16 : index
      %swap3A_241 = tpu.vector_load %arg10[%swap3A_239, %swap3A_240] {strides = array<i32>} : memref<112x64xf32, #tpu.memory_space<vmem>>, vector<1x16xf32>,
      %swap3A_242 = vector.shape_cast %swap3A_241 : vector<1x16xf32> to vector<16xf32>
      %swap3A_243 = vector.shape_cast %broadcast_in_dim3A_238 : vector<16xf32> to vector<1x16xf32>
      tpu.vector_store %arg10[%swap3A_239, %swap3A_240], %swap3A_243 {strides = array<i32>} : memref<112x64xf32, #tpu.memory_space<vmem>>, vector<1x16xf32>,
      %broadcast_in_dim3A_244 = arith.constant 0.000000e+00 : f32
      %broadcast_in_dim3A_245 = vector.broadcast %broadcast_in_dim3A_244 : f32 to vector<16xf32>
      %swap3A_246 = arith.index_cast %scan3A_229 : i32 to index
      %swap3A_247 = arith.constant 32 : index
      %swap3A_248 = tpu.vector_load %arg10[%swap3A_246, %swap3A_247] {strides = array<i32>} : memref<112x64xf32, #tpu.memory_space<vmem>>, vector<1x16xf32>,
      %swap3A_249 = vector.shape_cast %swap3A_248 : vector<1x16xf32> to vector<16xf32>
      %swap3A_250 = vector.shape_cast %broadcast_in_dim3A_245 : vector<16xf32> to vector<1x16xf32>
      tpu.vector_store %arg10[%swap3A_246, %swap3A_247], %swap3A_250 {strides = array<i32>} : memref<112x64xf32, #tpu.memory_space<vmem>>, vector<1x16xf32>,
      %broadcast_in_dim3A_251 = arith.constant 0.000000e+00 : f32
      %broadcast_in_dim3A_252 = vector.broadcast %broadcast_in_dim3A_251 : f32 to vector<16xf32>
      %swap3A_253 = arith.index_cast %scan3A_229 : i32 to index
      %swap3A_254 = arith.constant 48 : index
      %swap3A_255 = tpu.vector_load %arg10[%swap3A_253, %swap3A_254] {strides = array<i32>} : memref<112x64xf32, #tpu.memory_space<vmem>>, vector<1x16xf32>,
      %swap3A_256 = vector.shape_cast %swap3A_255 : vector<1x16xf32> to vector<16xf32>
      %swap3A_257 = vector.shape_cast %broadcast_in_dim3A_252 : vector<16xf32> to vector<1x16xf32>
      tpu.vector_store %arg10[%swap3A_253, %swap3A_254], %swap3A_257 {strides = array<i32>} : memref<112x64xf32, #tpu.memory_space<vmem>>, vector<1x16xf32>,
      %scan3A_258 = arith.constant 0 : i32
      scf.yield %scan3A_258 : i32
    }
    %scan3A_6 = arith.constant 112 : i32
    %mul3A_7 = arith.constant 640 : i32
    %mul3A_8 = arith.muli %arg1, %mul3A_7 : i32
    %add3A_9 = arith.constant 0 : i32
    %add3A_10 = arith.addi %mul3A_8, %add3A_9 : i32
    "tpu.region"() ({
      %run_scoped3A = tpu.sem_alloc : memref<!tpu.dma_semaphore, #tpu.memory_space<semaphore_mem>>
      %dma_start3A_137 = arith.constant 0 : i32
      %dma_start3A_138 = arith.constant 0 : i32
      %dma_start3A_139 = tpu.memref_slice %arg10[%dma_start3A_137, %dma_start3A_138] : memref<112x64xf32, #tpu.memory_space<vmem>> -> memref<80x64xf32, #tpu.memory_space<vmem>>
      %dma_start3A_140 = arith.constant 0 : i32
      %dma_start3A_141 = tpu.memref_slice %arg7[%add3A_10, %dma_start3A_140] : memref<10240x64xf32, #tpu.memory_space<vmem_shared>> -> memref<80x64xf32, #tpu.memory_space<vmem_shared>>
      %dma_start3A_142 = arith.constant 0 : i32
      %dma_start3A_143 = tpu.memref_slice %arg7[%add3A_10, %dma_start3A_142] : memref<10240x64xf32, #tpu.memory_space<vmem_shared>> -> memref<80x64xf32, #tpu.memory_space<vmem_shared>>
      %dma_start3A_144 = arith.constant 0 : i32
      %dma_start3A_145 = arith.constant 0 : i32
      %dma_start3A_146 = tpu.memref_slice %arg10[%dma_start3A_144, %dma_start3A_145] : memref<112x64xf32, #tpu.memory_space<vmem>> -> memref<80x64xf32, #tpu.memory_space<vmem>>
      tpu.enqueue_dma source(%dma_start3A_146 : memref<80x64xf32, #tpu.memory_space<vmem>>) target(%dma_start3A_143 : memref<80x64xf32, #tpu.memory_space<vmem_shared>>) target_semaphore(%run_scoped3A : memref<!tpu.dma_semaphore, #tpu.memory_space<semaphore_mem>>)
      %dma_wait3A_147 = arith.constant 0 : i32
      %dma_wait3A_148 = arith.constant 0 : i32
      %dma_wait3A_149 = tpu.memref_slice %arg10[%dma_wait3A_147, %dma_wait3A_148] : memref<112x64xf32, #tpu.memory_space<vmem>> -> memref<80x64xf32, #tpu.memory_space<vmem>>
      %dma_wait3A_150 = arith.constant 0 : i32
      %dma_wait3A_151 = tpu.memref_slice %arg7[%add3A_10, %dma_wait3A_150] : memref<10240x64xf32, #tpu.memory_space<vmem_shared>> -> memref<80x64xf32, #tpu.memory_space<vmem_shared>>
      %dma_wait3A_152 = arith.constant 0 : i32
      %dma_wait3A_153 = tpu.memref_slice %arg7[%add3A_10, %dma_wait3A_152] : memref<10240x64xf32, #tpu.memory_space<vmem_shared>> -> memref<80x64xf32, #tpu.memory_space<vmem_shared>>
      %dma_wait3A_154 = arith.constant 0 : i32
      %dma_wait3A_155 = arith.constant 0 : i32
      %dma_wait3A_156 = tpu.memref_slice %arg10[%dma_wait3A_154, %dma_wait3A_155] : memref<112x64xf32, #tpu.memory_space<vmem>> -> memref<80x64xf32, #tpu.memory_space<vmem>>
      tpu.wait_dma2 semaphore(%run_scoped3A : memref<!tpu.dma_semaphore, #tpu.memory_space<semaphore_mem>>) src(%dma_wait3A_156 : memref<80x64xf32, #tpu.memory_space<vmem>>) dst(%dma_wait3A_153 : memref<80x64xf32, #tpu.memory_space<vmem_shared>>)
      tpu.yield
    }) : () -> ()
    %mul3A_11 = arith.constant 640 : i32
    %mul3A_12 = arith.muli %arg1, %mul3A_11 : i32
    %add3A_13 = arith.constant 80 : i32
    %add3A_14 = arith.addi %mul3A_12, %add3A_13 : i32
    "tpu.region"() ({
      %run_scoped3A = tpu.sem_alloc : memref<!tpu.dma_semaphore, #tpu.memory_space<semaphore_mem>>
      %dma_start3A_137 = arith.constant 0 : i32
      %dma_start3A_138 = arith.constant 0 : i32
      %dma_start3A_139 = tpu.memref_slice %arg10[%dma_start3A_137, %dma_start3A_138] : memref<112x64xf32, #tpu.memory_space<vmem>> -> memref<80x64xf32, #tpu.memory_space<vmem>>
      %dma_start3A_140 = arith.constant 0 : i32
      %dma_start3A_141 = tpu.memref_slice %arg7[%add3A_14, %dma_start3A_140] : memref<10240x64xf32, #tpu.memory_space<vmem_shared>> -> memref<80x64xf32, #tpu.memory_space<vmem_shared>>
      %dma_start3A_142 = arith.constant 0 : i32
      %dma_start3A_143 = tpu.memref_slice %arg7[%add3A_14, %dma_start3A_142] : memref<10240x64xf32, #tpu.memory_space<vmem_shared>> -> memref<80x64xf32, #tpu.memory_space<vmem_shared>>
      %dma_start3A_144 = arith.constant 0 : i32
      %dma_start3A_145 = arith.constant 0 : i32
      %dma_start3A_146 = tpu.memref_slice %arg10[%dma_start3A_144, %dma_start3A_145] : memref<112x64xf32, #tpu.memory_space<vmem>> -> memref<80x64xf32, #tpu.memory_space<vmem>>
      tpu.enqueue_dma source(%dma_start3A_146 : memref<80x64xf32, #tpu.memory_space<vmem>>) target(%dma_start3A_143 : memref<80x64xf32, #tpu.memory_space<vmem_shared>>) target_semaphore(%run_scoped3A : memref<!tpu.dma_semaphore, #tpu.memory_space<semaphore_mem>>)
      %dma_wait3A_147 = arith.constant 0 : i32
      %dma_wait3A_148 = arith.constant 0 : i32
      %dma_wait3A_149 = tpu.memref_slice %arg10[%dma_wait3A_147, %dma_wait3A_148] : memref<112x64xf32, #tpu.memory_space<vmem>> -> memref<80x64xf32, #tpu.memory_space<vmem>>
      %dma_wait3A_150 = arith.constant 0 : i32
      %dma_wait3A_151 = tpu.memref_slice %arg7[%add3A_14, %dma_wait3A_150] : memref<10240x64xf32, #tpu.memory_space<vmem_shared>> -> memref<80x64xf32, #tpu.memory_space<vmem_shared>>
      %dma_wait3A_152 = arith.constant 0 : i32
      %dma_wait3A_153 = tpu.memref_slice %arg7[%add3A_14, %dma_wait3A_152] : memref<10240x64xf32, #tpu.memory_space<vmem_shared>> -> memref<80x64xf32, #tpu.memory_space<vmem_shared>>
      %dma_wait3A_154 = arith.constant 0 : i32
      %dma_wait3A_155 = arith.constant 0 : i32
      %dma_wait3A_156 = tpu.memref_slice %arg10[%dma_wait3A_154, %dma_wait3A_155] : memref<112x64xf32, #tpu.memory_space<vmem>> -> memref<80x64xf32, #tpu.memory_space<vmem>>
      tpu.wait_dma2 semaphore(%run_scoped3A : memref<!tpu.dma_semaphore, #tpu.memory_space<semaphore_mem>>) src(%dma_wait3A_156 : memref<80x64xf32, #tpu.memory_space<vmem>>) dst(%dma_wait3A_153 : memref<80x64xf32, #tpu.memory_space<vmem_shared>>)
      tpu.yield
    }) : () -> ()
    %mul3A_15 = arith.constant 640 : i32
    %mul3A_16 = arith.muli %arg1, %mul3A_15 : i32
    %add3A_17 = arith.constant 160 : i32
    %add3A_18 = arith.addi %mul3A_16, %add3A_17 : i32
    "tpu.region"() ({
      %run_scoped3A = tpu.sem_alloc : memref<!tpu.dma_semaphore, #tpu.memory_space<semaphore_mem>>
      %dma_start3A_137 = arith.constant 0 : i32
      %dma_start3A_138 = arith.constant 0 : i32
      %dma_start3A_139 = tpu.memref_slice %arg10[%dma_start3A_137, %dma_start3A_138] : memref<112x64xf32, #tpu.memory_space<vmem>> -> memref<80x64xf32, #tpu.memory_space<vmem>>
      %dma_start3A_140 = arith.constant 0 : i32
      %dma_start3A_141 = tpu.memref_slice %arg7[%add3A_18, %dma_start3A_140] : memref<10240x64xf32, #tpu.memory_space<vmem_shared>> -> memref<80x64xf32, #tpu.memory_space<vmem_shared>>
      %dma_start3A_142 = arith.constant 0 : i32
      %dma_start3A_143 = tpu.memref_slice %arg7[%add3A_18, %dma_start3A_142] : memref<10240x64xf32, #tpu.memory_space<vmem_shared>> -> memref<80x64xf32, #tpu.memory_space<vmem_shared>>
      %dma_start3A_144 = arith.constant 0 : i32
      %dma_start3A_145 = arith.constant 0 : i32
      %dma_start3A_146 = tpu.memref_slice %arg10[%dma_start3A_144, %dma_start3A_145] : memref<112x64xf32, #tpu.memory_space<vmem>> -> memref<80x64xf32, #tpu.memory_space<vmem>>
      tpu.enqueue_dma source(%dma_start3A_146 : memref<80x64xf32, #tpu.memory_space<vmem>>) target(%dma_start3A_143 : memref<80x64xf32, #tpu.memory_space<vmem_shared>>) target_semaphore(%run_scoped3A : memref<!tpu.dma_semaphore, #tpu.memory_space<semaphore_mem>>)
      %dma_wait3A_147 = arith.constant 0 : i32
      %dma_wait3A_148 = arith.constant 0 : i32
      %dma_wait3A_149 = tpu.memref_slice %arg10[%dma_wait3A_147, %dma_wait3A_148] : memref<112x64xf32, #tpu.memory_space<vmem>> -> memref<80x64xf32, #tpu.memory_space<vmem>>
      %dma_wait3A_150 = arith.constant 0 : i32
      %dma_wait3A_151 = tpu.memref_slice %arg7[%add3A_18, %dma_wait3A_150] : memref<10240x64xf32, #tpu.memory_space<vmem_shared>> -> memref<80x64xf32, #tpu.memory_space<vmem_shared>>
      %dma_wait3A_152 = arith.constant 0 : i32
      %dma_wait3A_153 = tpu.memref_slice %arg7[%add3A_18, %dma_wait3A_152] : memref<10240x64xf32, #tpu.memory_space<vmem_shared>> -> memref<80x64xf32, #tpu.memory_space<vmem_shared>>
      %dma_wait3A_154 = arith.constant 0 : i32
      %dma_wait3A_155 = arith.constant 0 : i32
      %dma_wait3A_156 = tpu.memref_slice %arg10[%dma_wait3A_154, %dma_wait3A_155] : memref<112x64xf32, #tpu.memory_space<vmem>> -> memref<80x64xf32, #tpu.memory_space<vmem>>
      tpu.wait_dma2 semaphore(%run_scoped3A : memref<!tpu.dma_semaphore, #tpu.memory_space<semaphore_mem>>) src(%dma_wait3A_156 : memref<80x64xf32, #tpu.memory_space<vmem>>) dst(%dma_wait3A_153 : memref<80x64xf32, #tpu.memory_space<vmem_shared>>)
      tpu.yield
    }) : () -> ()
    %mul3A_19 = arith.constant 640 : i32
    %mul3A_20 = arith.muli %arg1, %mul3A_19 : i32
    %add3A_21 = arith.constant 240 : i32
    %add3A_22 = arith.addi %mul3A_20, %add3A_21 : i32
    "tpu.region"() ({
      %run_scoped3A = tpu.sem_alloc : memref<!tpu.dma_semaphore, #tpu.memory_space<semaphore_mem>>
      %dma_start3A_137 = arith.constant 0 : i32
      %dma_start3A_138 = arith.constant 0 : i32
      %dma_start3A_139 = tpu.memref_slice %arg10[%dma_start3A_137, %dma_start3A_138] : memref<112x64xf32, #tpu.memory_space<vmem>> -> memref<80x64xf32, #tpu.memory_space<vmem>>
      %dma_start3A_140 = arith.constant 0 : i32
      %dma_start3A_141 = tpu.memref_slice %arg7[%add3A_22, %dma_start3A_140] : memref<10240x64xf32, #tpu.memory_space<vmem_shared>> -> memref<80x64xf32, #tpu.memory_space<vmem_shared>>
      %dma_start3A_142 = arith.constant 0 : i32
      %dma_start3A_143 = tpu.memref_slice %arg7[%add3A_22, %dma_start3A_142] : memref<10240x64xf32, #tpu.memory_space<vmem_shared>> -> memref<80x64xf32, #tpu.memory_space<vmem_shared>>
      %dma_start3A_144 = arith.constant 0 : i32
      %dma_start3A_145 = arith.constant 0 : i32
      %dma_start3A_146 = tpu.memref_slice %arg10[%dma_start3A_144, %dma_start3A_145] : memref<112x64xf32, #tpu.memory_space<vmem>> -> memref<80x64xf32, #tpu.memory_space<vmem>>
      tpu.enqueue_dma source(%dma_start3A_146 : memref<80x64xf32, #tpu.memory_space<vmem>>) target(%dma_start3A_143 : memref<80x64xf32, #tpu.memory_space<vmem_shared>>) target_semaphore(%run_scoped3A : memref<!tpu.dma_semaphore, #tpu.memory_space<semaphore_mem>>)
      %dma_wait3A_147 = arith.constant 0 : i32
      %dma_wait3A_148 = arith.constant 0 : i32
      %dma_wait3A_149 = tpu.memref_slice %arg10[%dma_wait3A_147, %dma_wait3A_148] : memref<112x64xf32, #tpu.memory_space<vmem>> -> memref<80x64xf32, #tpu.memory_space<vmem>>
      %dma_wait3A_150 = arith.constant 0 : i32
      %dma_wait3A_151 = tpu.memref_slice %arg7[%add3A_22, %dma_wait3A_150] : memref<10240x64xf32, #tpu.memory_space<vmem_shared>> -> memref<80x64xf32, #tpu.memory_space<vmem_shared>>
      %dma_wait3A_152 = arith.constant 0 : i32
      %dma_wait3A_153 = tpu.memref_slice %arg7[%add3A_22, %dma_wait3A_152] : memref<10240x64xf32, #tpu.memory_space<vmem_shared>> -> memref<80x64xf32, #tpu.memory_space<vmem_shared>>
      %dma_wait3A_154 = arith.constant 0 : i32
      %dma_wait3A_155 = arith.constant 0 : i32
      %dma_wait3A_156 = tpu.memref_slice %arg10[%dma_wait3A_154, %dma_wait3A_155] : memref<112x64xf32, #tpu.memory_space<vmem>> -> memref<80x64xf32, #tpu.memory_space<vmem>>
      tpu.wait_dma2 semaphore(%run_scoped3A : memref<!tpu.dma_semaphore, #tpu.memory_space<semaphore_mem>>) src(%dma_wait3A_156 : memref<80x64xf32, #tpu.memory_space<vmem>>) dst(%dma_wait3A_153 : memref<80x64xf32, #tpu.memory_space<vmem_shared>>)
      tpu.yield
    }) : () -> ()
    %mul3A_23 = arith.constant 640 : i32
    %mul3A_24 = arith.muli %arg1, %mul3A_23 : i32
    %add3A_25 = arith.constant 320 : i32
    %add3A_26 = arith.addi %mul3A_24, %add3A_25 : i32
    "tpu.region"() ({
      %run_scoped3A = tpu.sem_alloc : memref<!tpu.dma_semaphore, #tpu.memory_space<semaphore_mem>>
      %dma_start3A_137 = arith.constant 0 : i32
      %dma_start3A_138 = arith.constant 0 : i32
      %dma_start3A_139 = tpu.memref_slice %arg10[%dma_start3A_137, %dma_start3A_138] : memref<112x64xf32, #tpu.memory_space<vmem>> -> memref<80x64xf32, #tpu.memory_space<vmem>>
      %dma_start3A_140 = arith.constant 0 : i32
      %dma_start3A_141 = tpu.memref_slice %arg7[%add3A_26, %dma_start3A_140] : memref<10240x64xf32, #tpu.memory_space<vmem_shared>> -> memref<80x64xf32, #tpu.memory_space<vmem_shared>>
      %dma_start3A_142 = arith.constant 0 : i32
      %dma_start3A_143 = tpu.memref_slice %arg7[%add3A_26, %dma_start3A_142] : memref<10240x64xf32, #tpu.memory_space<vmem_shared>> -> memref<80x64xf32, #tpu.memory_space<vmem_shared>>
      %dma_start3A_144 = arith.constant 0 : i32
      %dma_start3A_145 = arith.constant 0 : i32
      %dma_start3A_146 = tpu.memref_slice %arg10[%dma_start3A_144, %dma_start3A_145] : memref<112x64xf32, #tpu.memory_space<vmem>> -> memref<80x64xf32, #tpu.memory_space<vmem>>
      tpu.enqueue_dma source(%dma_start3A_146 : memref<80x64xf32, #tpu.memory_space<vmem>>) target(%dma_start3A_143 : memref<80x64xf32, #tpu.memory_space<vmem_shared>>) target_semaphore(%run_scoped3A : memref<!tpu.dma_semaphore, #tpu.memory_space<semaphore_mem>>)
      %dma_wait3A_147 = arith.constant 0 : i32
      %dma_wait3A_148 = arith.constant 0 : i32
      %dma_wait3A_149 = tpu.memref_slice %arg10[%dma_wait3A_147, %dma_wait3A_148] : memref<112x64xf32, #tpu.memory_space<vmem>> -> memref<80x64xf32, #tpu.memory_space<vmem>>
      %dma_wait3A_150 = arith.constant 0 : i32
      %dma_wait3A_151 = tpu.memref_slice %arg7[%add3A_26, %dma_wait3A_150] : memref<10240x64xf32, #tpu.memory_space<vmem_shared>> -> memref<80x64xf32, #tpu.memory_space<vmem_shared>>
      %dma_wait3A_152 = arith.constant 0 : i32
      %dma_wait3A_153 = tpu.memref_slice %arg7[%add3A_26, %dma_wait3A_152] : memref<10240x64xf32, #tpu.memory_space<vmem_shared>> -> memref<80x64xf32, #tpu.memory_space<vmem_shared>>
      %dma_wait3A_154 = arith.constant 0 : i32
      %dma_wait3A_155 = arith.constant 0 : i32
      %dma_wait3A_156 = tpu.memref_slice %arg10[%dma_wait3A_154, %dma_wait3A_155] : memref<112x64xf32, #tpu.memory_space<vmem>> -> memref<80x64xf32, #tpu.memory_space<vmem>>
      tpu.wait_dma2 semaphore(%run_scoped3A : memref<!tpu.dma_semaphore, #tpu.memory_space<semaphore_mem>>) src(%dma_wait3A_156 : memref<80x64xf32, #tpu.memory_space<vmem>>) dst(%dma_wait3A_153 : memref<80x64xf32, #tpu.memory_space<vmem_shared>>)
      tpu.yield
    }) : () -> ()
    %mul3A_27 = arith.constant 640 : i32
    %mul3A_28 = arith.muli %arg1, %mul3A_27 : i32
    %add3A_29 = arith.constant 400 : i32
    %add3A_30 = arith.addi %mul3A_28, %add3A_29 : i32
    "tpu.region"() ({
      %run_scoped3A = tpu.sem_alloc : memref<!tpu.dma_semaphore, #tpu.memory_space<semaphore_mem>>
      %dma_start3A_137 = arith.constant 0 : i32
      %dma_start3A_138 = arith.constant 0 : i32
      %dma_start3A_139 = tpu.memref_slice %arg10[%dma_start3A_137, %dma_start3A_138] : memref<112x64xf32, #tpu.memory_space<vmem>> -> memref<80x64xf32, #tpu.memory_space<vmem>>
      %dma_start3A_140 = arith.constant 0 : i32
      %dma_start3A_141 = tpu.memref_slice %arg7[%add3A_30, %dma_start3A_140] : memref<10240x64xf32, #tpu.memory_space<vmem_shared>> -> memref<80x64xf32, #tpu.memory_space<vmem_shared>>
      %dma_start3A_142 = arith.constant 0 : i32
      %dma_start3A_143 = tpu.memref_slice %arg7[%add3A_30, %dma_start3A_142] : memref<10240x64xf32, #tpu.memory_space<vmem_shared>> -> memref<80x64xf32, #tpu.memory_space<vmem_shared>>
      %dma_start3A_144 = arith.constant 0 : i32
      %dma_start3A_145 = arith.constant 0 : i32
      %dma_start3A_146 = tpu.memref_slice %arg10[%dma_start3A_144, %dma_start3A_145] : memref<112x64xf32, #tpu.memory_space<vmem>> -> memref<80x64xf32, #tpu.memory_space<vmem>>
      tpu.enqueue_dma source(%dma_start3A_146 : memref<80x64xf32, #tpu.memory_space<vmem>>) target(%dma_start3A_143 : memref<80x64xf32, #tpu.memory_space<vmem_shared>>) target_semaphore(%run_scoped3A : memref<!tpu.dma_semaphore, #tpu.memory_space<semaphore_mem>>)
      %dma_wait3A_147 = arith.constant 0 : i32
      %dma_wait3A_148 = arith.constant 0 : i32
      %dma_wait3A_149 = tpu.memref_slice %arg10[%dma_wait3A_147, %dma_wait3A_148] : memref<112x64xf32, #tpu.memory_space<vmem>> -> memref<80x64xf32, #tpu.memory_space<vmem>>
      %dma_wait3A_150 = arith.constant 0 : i32
      %dma_wait3A_151 = tpu.memref_slice %arg7[%add3A_30, %dma_wait3A_150] : memref<10240x64xf32, #tpu.memory_space<vmem_shared>> -> memref<80x64xf32, #tpu.memory_space<vmem_shared>>
      %dma_wait3A_152 = arith.constant 0 : i32
      %dma_wait3A_153 = tpu.memref_slice %arg7[%add3A_30, %dma_wait3A_152] : memref<10240x64xf32, #tpu.memory_space<vmem_shared>> -> memref<80x64xf32, #tpu.memory_space<vmem_shared>>
      %dma_wait3A_154 = arith.constant 0 : i32
      %dma_wait3A_155 = arith.constant 0 : i32
      %dma_wait3A_156 = tpu.memref_slice %arg10[%dma_wait3A_154, %dma_wait3A_155] : memref<112x64xf32, #tpu.memory_space<vmem>> -> memref<80x64xf32, #tpu.memory_space<vmem>>
      tpu.wait_dma2 semaphore(%run_scoped3A : memref<!tpu.dma_semaphore, #tpu.memory_space<semaphore_mem>>) src(%dma_wait3A_156 : memref<80x64xf32, #tpu.memory_space<vmem>>) dst(%dma_wait3A_153 : memref<80x64xf32, #tpu.memory_space<vmem_shared>>)
      tpu.yield
    }) : () -> ()
    %mul3A_31 = arith.constant 640 : i32
    %mul3A_32 = arith.muli %arg1, %mul3A_31 : i32
    %add3A_33 = arith.constant 480 : i32
    %add3A_34 = arith.addi %mul3A_32, %add3A_33 : i32
    "tpu.region"() ({
      %run_scoped3A = tpu.sem_alloc : memref<!tpu.dma_semaphore, #tpu.memory_space<semaphore_mem>>
      %dma_start3A_137 = arith.constant 0 : i32
      %dma_start3A_138 = arith.constant 0 : i32
      %dma_start3A_139 = tpu.memref_slice %arg10[%dma_start3A_137, %dma_start3A_138] : memref<112x64xf32, #tpu.memory_space<vmem>> -> memref<80x64xf32, #tpu.memory_space<vmem>>
      %dma_start3A_140 = arith.constant 0 : i32
      %dma_start3A_141 = tpu.memref_slice %arg7[%add3A_34, %dma_start3A_140] : memref<10240x64xf32, #tpu.memory_space<vmem_shared>> -> memref<80x64xf32, #tpu.memory_space<vmem_shared>>
      %dma_start3A_142 = arith.constant 0 : i32
      %dma_start3A_143 = tpu.memref_slice %arg7[%add3A_34, %dma_start3A_142] : memref<10240x64xf32, #tpu.memory_space<vmem_shared>> -> memref<80x64xf32, #tpu.memory_space<vmem_shared>>
      %dma_start3A_144 = arith.constant 0 : i32
      %dma_start3A_145 = arith.constant 0 : i32
      %dma_start3A_146 = tpu.memref_slice %arg10[%dma_start3A_144, %dma_start3A_145] : memref<112x64xf32, #tpu.memory_space<vmem>> -> memref<80x64xf32, #tpu.memory_space<vmem>>
      tpu.enqueue_dma source(%dma_start3A_146 : memref<80x64xf32, #tpu.memory_space<vmem>>) target(%dma_start3A_143 : memref<80x64xf32, #tpu.memory_space<vmem_shared>>) target_semaphore(%run_scoped3A : memref<!tpu.dma_semaphore, #tpu.memory_space<semaphore_mem>>)
      %dma_wait3A_147 = arith.constant 0 : i32
      %dma_wait3A_148 = arith.constant 0 : i32
      %dma_wait3A_149 = tpu.memref_slice %arg10[%dma_wait3A_147, %dma_wait3A_148] : memref<112x64xf32, #tpu.memory_space<vmem>> -> memref<80x64xf32, #tpu.memory_space<vmem>>
      %dma_wait3A_150 = arith.constant 0 : i32
      %dma_wait3A_151 = tpu.memref_slice %arg7[%add3A_34, %dma_wait3A_150] : memref<10240x64xf32, #tpu.memory_space<vmem_shared>> -> memref<80x64xf32, #tpu.memory_space<vmem_shared>>
      %dma_wait3A_152 = arith.constant 0 : i32
      %dma_wait3A_153 = tpu.memref_slice %arg7[%add3A_34, %dma_wait3A_152] : memref<10240x64xf32, #tpu.memory_space<vmem_shared>> -> memref<80x64xf32, #tpu.memory_space<vmem_shared>>
      %dma_wait3A_154 = arith.constant 0 : i32
      %dma_wait3A_155 = arith.constant 0 : i32
      %dma_wait3A_156 = tpu.memref_slice %arg10[%dma_wait3A_154, %dma_wait3A_155] : memref<112x64xf32, #tpu.memory_space<vmem>> -> memref<80x64xf32, #tpu.memory_space<vmem>>
      tpu.wait_dma2 semaphore(%run_scoped3A : memref<!tpu.dma_semaphore, #tpu.memory_space<semaphore_mem>>) src(%dma_wait3A_156 : memref<80x64xf32, #tpu.memory_space<vmem>>) dst(%dma_wait3A_153 : memref<80x64xf32, #tpu.memory_space<vmem_shared>>)
      tpu.yield
    }) : () -> ()
    %mul3A_35 = arith.constant 640 : i32
    %mul3A_36 = arith.muli %arg1, %mul3A_35 : i32
    %add3A_37 = arith.constant 560 : i32
    %add3A_38 = arith.addi %mul3A_36, %add3A_37 : i32
    "tpu.region"() ({
      %run_scoped3A = tpu.sem_alloc : memref<!tpu.dma_semaphore, #tpu.memory_space<semaphore_mem>>
      %dma_start3A_137 = arith.constant 0 : i32
      %dma_start3A_138 = arith.constant 0 : i32
      %dma_start3A_139 = tpu.memref_slice %arg10[%dma_start3A_137, %dma_start3A_138] : memref<112x64xf32, #tpu.memory_space<vmem>> -> memref<80x64xf32, #tpu.memory_space<vmem>>
      %dma_start3A_140 = arith.constant 0 : i32
      %dma_start3A_141 = tpu.memref_slice %arg7[%add3A_38, %dma_start3A_140] : memref<10240x64xf32, #tpu.memory_space<vmem_shared>> -> memref<80x64xf32, #tpu.memory_space<vmem_shared>>
      %dma_start3A_142 = arith.constant 0 : i32
      %dma_start3A_143 = tpu.memref_slice %arg7[%add3A_38, %dma_start3A_142] : memref<10240x64xf32, #tpu.memory_space<vmem_shared>> -> memref<80x64xf32, #tpu.memory_space<vmem_shared>>
      %dma_start3A_144 = arith.constant 0 : i32
      %dma_start3A_145 = arith.constant 0 : i32
      %dma_start3A_146 = tpu.memref_slice %arg10[%dma_start3A_144, %dma_start3A_145] : memref<112x64xf32, #tpu.memory_space<vmem>> -> memref<80x64xf32, #tpu.memory_space<vmem>>
      tpu.enqueue_dma source(%dma_start3A_146 : memref<80x64xf32, #tpu.memory_space<vmem>>) target(%dma_start3A_143 : memref<80x64xf32, #tpu.memory_space<vmem_shared>>) target_semaphore(%run_scoped3A : memref<!tpu.dma_semaphore, #tpu.memory_space<semaphore_mem>>)
      %dma_wait3A_147 = arith.constant 0 : i32
      %dma_wait3A_148 = arith.constant 0 : i32
      %dma_wait3A_149 = tpu.memref_slice %arg10[%dma_wait3A_147, %dma_wait3A_148] : memref<112x64xf32, #tpu.memory_space<vmem>> -> memref<80x64xf32, #tpu.memory_space<vmem>>
      %dma_wait3A_150 = arith.constant 0 : i32
      %dma_wait3A_151 = tpu.memref_slice %arg7[%add3A_38, %dma_wait3A_150] : memref<10240x64xf32, #tpu.memory_space<vmem_shared>> -> memref<80x64xf32, #tpu.memory_space<vmem_shared>>
      %dma_wait3A_152 = arith.constant 0 : i32
      %dma_wait3A_153 = tpu.memref_slice %arg7[%add3A_38, %dma_wait3A_152] : memref<10240x64xf32, #tpu.memory_space<vmem_shared>> -> memref<80x64xf32, #tpu.memory_space<vmem_shared>>
      %dma_wait3A_154 = arith.constant 0 : i32
      %dma_wait3A_155 = arith.constant 0 : i32
      %dma_wait3A_156 = tpu.memref_slice %arg10[%dma_wait3A_154, %dma_wait3A_155] : memref<112x64xf32, #tpu.memory_space<vmem>> -> memref<80x64xf32, #tpu.memory_space<vmem>>
      tpu.wait_dma2 semaphore(%run_scoped3A : memref<!tpu.dma_semaphore, #tpu.memory_space<semaphore_mem>>) src(%dma_wait3A_156 : memref<80x64xf32, #tpu.memory_space<vmem>>) dst(%dma_wait3A_153 : memref<80x64xf32, #tpu.memory_space<vmem_shared>>)
      tpu.yield
    }) : () -> ()
    %mul3A_39 = arith.constant 640 : i32
    %mul3A_40 = arith.muli %arg1, %mul3A_39 : i32
    %mul3A_41 = arith.constant 640 : i32
    %mul3A_42 = arith.muli %arg1, %mul3A_41 : i32
    "tpu.region"() ({
      %run_scoped3A = tpu.sem_alloc : memref<!tpu.dma_semaphore, #tpu.memory_space<semaphore_mem>>
      %dma_start3A_137 = arith.constant 0 : i32
      %dma_start3A_138 = tpu.memref_slice %arg6[%mul3A_42, %dma_start3A_137] : memref<10240x64xf32, #tpu.memory_space<vmem_shared>> -> memref<640x64xf32, #tpu.memory_space<vmem_shared>>
      %dma_start3A_139 = arith.constant 0 : i32
      %dma_start3A_140 = tpu.memref_slice %arg2[%mul3A_40, %dma_start3A_139] : memref<10240x64xf32, #tpu.memory_space<hbm>> -> memref<640x64xf32, #tpu.memory_space<hbm>>
      tpu.enqueue_dma source(%dma_start3A_140 : memref<640x64xf32, #tpu.memory_space<hbm>>) target(%dma_start3A_138 : memref<640x64xf32, #tpu.memory_space<vmem_shared>>) target_semaphore(%run_scoped3A : memref<!tpu.dma_semaphore, #tpu.memory_space<semaphore_mem>>)
      %dma_wait3A_141 = arith.constant 0 : i32
      %dma_wait3A_142 = tpu.memref_slice %arg6[%mul3A_42, %dma_wait3A_141] : memref<10240x64xf32, #tpu.memory_space<vmem_shared>> -> memref<640x64xf32, #tpu.memory_space<vmem_shared>>
      %dma_wait3A_143 = arith.constant 0 : i32
      %dma_wait3A_144 = tpu.memref_slice %arg2[%mul3A_40, %dma_wait3A_143] : memref<10240x64xf32, #tpu.memory_space<hbm>> -> memref<640x64xf32, #tpu.memory_space<hbm>>
      tpu.wait_dma2 semaphore(%run_scoped3A : memref<!tpu.dma_semaphore, #tpu.memory_space<semaphore_mem>>) src(%dma_wait3A_144 : memref<640x64xf32, #tpu.memory_space<hbm>>) dst(%dma_wait3A_142 : memref<640x64xf32, #tpu.memory_space<vmem_shared>>)
      tpu.yield
    }) : () -> ()
    "tpu.region"() ({
      %run_scoped3A = tpu.sem_alloc : memref<!tpu.dma_semaphore, #tpu.memory_space<semaphore_mem>>
      %dma_start3A_137 = arith.constant 0 : i32
      %dma_start3A_138 = arith.constant 0 : i32
      %dma_start3A_139 = tpu.memref_slice %arg3[%add3A, %dma_start3A_137, %dma_start3A_138] : memref<32x90x112xi32, #tpu.memory_space<hbm>> -> memref<1x90x112xi32, #tpu.memory_space<hbm>>
      %dma_start3A_140 = tpu.memref_squeeze %dma_start3A_139 : memref<1x90x112xi32, #tpu.memory_space<hbm>> -> memref<90x112xi32, #tpu.memory_space<hbm>>
      %dma_start3A_141 = arith.constant 0 : i32
      %dma_start3A_142 = arith.constant 0 : i32
      %dma_start3A_143 = tpu.memref_slice %arg3[%add3A, %dma_start3A_141, %dma_start3A_142] : memref<32x90x112xi32, #tpu.memory_space<hbm>> -> memref<1x90x112xi32, #tpu.memory_space<hbm>>
      %dma_start3A_144 = tpu.memref_squeeze %dma_start3A_143 : memref<1x90x112xi32, #tpu.memory_space<hbm>> -> memref<90x112xi32, #tpu.memory_space<hbm>>
      tpu.enqueue_dma source(%dma_start3A_144 : memref<90x112xi32, #tpu.memory_space<hbm>>) target(%arg8 : memref<90x112xi32, #tpu.memory_space<vmem>>) target_semaphore(%run_scoped3A : memref<!tpu.dma_semaphore, #tpu.memory_space<semaphore_mem>>)
      %dma_wait3A_145 = arith.constant 0 : i32
      %dma_wait3A_146 = arith.constant 0 : i32
      %dma_wait3A_147 = tpu.memref_slice %arg3[%add3A, %dma_wait3A_145, %dma_wait3A_146] : memref<32x90x112xi32, #tpu.memory_space<hbm>> -> memref<1x90x112xi32, #tpu.memory_space<hbm>>
      %dma_wait3A_148 = tpu.memref_squeeze %dma_wait3A_147 : memref<1x90x112xi32, #tpu.memory_space<hbm>> -> memref<90x112xi32, #tpu.memory_space<hbm>>
      %dma_wait3A_149 = arith.constant 0 : i32
      %dma_wait3A_150 = arith.constant 0 : i32
      %dma_wait3A_151 = tpu.memref_slice %arg3[%add3A, %dma_wait3A_149, %dma_wait3A_150] : memref<32x90x112xi32, #tpu.memory_space<hbm>> -> memref<1x90x112xi32, #tpu.memory_space<hbm>>
      %dma_wait3A_152 = tpu.memref_squeeze %dma_wait3A_151 : memref<1x90x112xi32, #tpu.memory_space<hbm>> -> memref<90x112xi32, #tpu.memory_space<hbm>>
      tpu.wait_dma2 semaphore(%run_scoped3A : memref<!tpu.dma_semaphore, #tpu.memory_space<semaphore_mem>>) src(%dma_wait3A_152 : memref<90x112xi32, #tpu.memory_space<hbm>>) dst(%arg8 : memref<90x112xi32, #tpu.memory_space<vmem>>)
      tpu.yield
    }) : () -> ()
    "tpu.region"() ({
      %run_scoped3A = tpu.sem_alloc : memref<!tpu.dma_semaphore, #tpu.memory_space<semaphore_mem>>
      %dma_start3A_137 = arith.constant 0 : i32
      %dma_start3A_138 = arith.constant 0 : i32
      %dma_start3A_139 = tpu.memref_slice %arg4[%add3A, %dma_start3A_137, %dma_start3A_138] : memref<32x90x112xi32, #tpu.memory_space<hbm>> -> memref<1x90x112xi32, #tpu.memory_space<hbm>>
      %dma_start3A_140 = tpu.memref_squeeze %dma_start3A_139 : memref<1x90x112xi32, #tpu.memory_space<hbm>> -> memref<90x112xi32, #tpu.memory_space<hbm>>
      %dma_start3A_141 = arith.constant 0 : i32
      %dma_start3A_142 = arith.constant 0 : i32
      %dma_start3A_143 = tpu.memref_slice %arg4[%add3A, %dma_start3A_141, %dma_start3A_142] : memref<32x90x112xi32, #tpu.memory_space<hbm>> -> memref<1x90x112xi32, #tpu.memory_space<hbm>>
      %dma_start3A_144 = tpu.memref_squeeze %dma_start3A_143 : memref<1x90x112xi32, #tpu.memory_space<hbm>> -> memref<90x112xi32, #tpu.memory_space<hbm>>
      tpu.enqueue_dma source(%dma_start3A_144 : memref<90x112xi32, #tpu.memory_space<hbm>>) target(%arg9 : memref<90x112xi32, #tpu.memory_space<vmem>>) target_semaphore(%run_scoped3A : memref<!tpu.dma_semaphore, #tpu.memory_space<semaphore_mem>>)
      %dma_wait3A_145 = arith.constant 0 : i32
      %dma_wait3A_146 = arith.constant 0 : i32
      %dma_wait3A_147 = tpu.memref_slice %arg4[%add3A, %dma_wait3A_145, %dma_wait3A_146] : memref<32x90x112xi32, #tpu.memory_space<hbm>> -> memref<1x90x112xi32, #tpu.memory_space<hbm>>
      %dma_wait3A_148 = tpu.memref_squeeze %dma_wait3A_147 : memref<1x90x112xi32, #tpu.memory_space<hbm>> -> memref<90x112xi32, #tpu.memory_space<hbm>>
      %dma_wait3A_149 = arith.constant 0 : i32
      %dma_wait3A_150 = arith.constant 0 : i32
      %dma_wait3A_151 = tpu.memref_slice %arg4[%add3A, %dma_wait3A_149, %dma_wait3A_150] : memref<32x90x112xi32, #tpu.memory_space<hbm>> -> memref<1x90x112xi32, #tpu.memory_space<hbm>>
      %dma_wait3A_152 = tpu.memref_squeeze %dma_wait3A_151 : memref<1x90x112xi32, #tpu.memory_space<hbm>> -> memref<90x112xi32, #tpu.memory_space<hbm>>
      tpu.wait_dma2 semaphore(%run_scoped3A : memref<!tpu.dma_semaphore, #tpu.memory_space<semaphore_mem>>) src(%dma_wait3A_152 : memref<90x112xi32, #tpu.memory_space<hbm>>) dst(%arg9 : memref<90x112xi32, #tpu.memory_space<vmem>>)
      tpu.yield
    }) : () -> ()
    %barrier3A = arith.constant 0 : index
    tpu.barrier barrier_id(%barrier3A)
    %dma_start3A = arith.constant 0 : i32
    %dma_start3A_43 = arith.constant 0 : i32
    %dma_start3A_44 = tpu.memref_slice %arg8[%dma_start3A, %dma_start3A_43] : memref<90x112xi32, #tpu.memory_space<vmem>> -> memref<1x112xi32, #tpu.memory_space<vmem>>
    %dma_start3A_45 = tpu.memref_squeeze %dma_start3A_44 : memref<1x112xi32, #tpu.memory_space<vmem>> -> memref<112xi32, #tpu.memory_space<vmem>>
    %dma_start3A_46 = arith.constant 0 : i32
    %dma_start3A_47 = arith.constant 0 : i32
    %dma_start3A_48 = tpu.memref_slice %arg6[%dma_start3A_46, %dma_start3A_47] : memref<10240x64xf32, #tpu.memory_space<vmem_shared>> -> memref<10240x64xf32, #tpu.memory_space<vmem_shared>>
    tpu.enqueue_indirect_dma source(%dma_start3A_48 : memref<10240x64xf32, #tpu.memory_space<vmem_shared>>) target(%arg10 : memref<112x64xf32, #tpu.memory_space<vmem>>) offsets(%dma_start3A_45 : memref<112xi32, #tpu.memory_space<vmem>>) semaphore(%arg14 : memref<!tpu.dma_semaphore, #tpu.memory_space<semaphore_mem>>)
    %dma_start3A_49 = arith.constant 1 : i32
    %dma_start3A_50 = arith.constant 0 : i32
    %dma_start3A_51 = tpu.memref_slice %arg8[%dma_start3A_49, %dma_start3A_50] : memref<90x112xi32, #tpu.memory_space<vmem>> -> memref<1x112xi32, #tpu.memory_space<vmem>>
    %dma_start3A_52 = tpu.memref_squeeze %dma_start3A_51 : memref<1x112xi32, #tpu.memory_space<vmem>> -> memref<112xi32, #tpu.memory_space<vmem>>
    %dma_start3A_53 = arith.constant 0 : i32
    %dma_start3A_54 = arith.constant 0 : i32
    %dma_start3A_55 = tpu.memref_slice %arg6[%dma_start3A_53, %dma_start3A_54] : memref<10240x64xf32, #tpu.memory_space<vmem_shared>> -> memref<10240x64xf32, #tpu.memory_space<vmem_shared>>
    tpu.enqueue_indirect_dma source(%dma_start3A_55 : memref<10240x64xf32, #tpu.memory_space<vmem_shared>>) target(%arg11 : memref<112x64xf32, #tpu.memory_space<vmem>>) offsets(%dma_start3A_52 : memref<112xi32, #tpu.memory_space<vmem>>) semaphore(%arg15 : memref<!tpu.dma_semaphore, #tpu.memory_space<semaphore_mem>>)
    %dma_wait3A = arith.constant 0 : i32
    %dma_wait3A_56 = arith.constant 0 : i32
    %dma_wait3A_57 = tpu.memref_slice %arg8[%dma_wait3A, %dma_wait3A_56] : memref<90x112xi32, #tpu.memory_space<vmem>> -> memref<1x112xi32, #tpu.memory_space<vmem>>
    %dma_wait3A_58 = tpu.memref_squeeze %dma_wait3A_57 : memref<1x112xi32, #tpu.memory_space<vmem>> -> memref<112xi32, #tpu.memory_space<vmem>>
    %dma_wait3A_59 = arith.constant 0 : i32
    %dma_wait3A_60 = arith.constant 0 : i32
    %dma_wait3A_61 = tpu.memref_slice %arg6[%dma_wait3A_59, %dma_wait3A_60] : memref<10240x64xf32, #tpu.memory_space<vmem_shared>> -> memref<10240x64xf32, #tpu.memory_space<vmem_shared>>
    tpu.wait_indirect_dma semaphore(%arg14 : memref<!tpu.dma_semaphore, #tpu.memory_space<semaphore_mem>>) src(%dma_wait3A_61 : memref<10240x64xf32, #tpu.memory_space<vmem_shared>>) dst(%arg10 : memref<112x64xf32, #tpu.memory_space<vmem>>)
    %dma_start3A_62 = arith.constant 0 : i32
    %dma_start3A_63 = arith.constant 0 : i32
    %dma_start3A_64 = tpu.memref_slice %arg9[%dma_start3A_62, %dma_start3A_63] : memref<90x112xi32, #tpu.memory_space<vmem>> -> memref<1x112xi32, #tpu.memory_space<vmem>>
    %dma_start3A_65 = tpu.memref_squeeze %dma_start3A_64 : memref<1x112xi32, #tpu.memory_space<vmem>> -> memref<112xi32, #tpu.memory_space<vmem>>
    %dma_start3A_66 = arith.constant 0 : i32
    %dma_start3A_67 = arith.constant 0 : i32
    %dma_start3A_68 = tpu.memref_slice %arg7[%dma_start3A_66, %dma_start3A_67] : memref<10240x64xf32, #tpu.memory_space<vmem_shared>> -> memref<10240x64xf32, #tpu.memory_space<vmem_shared>>
    tpu.enqueue_indirect_dma source(%arg10 : memref<112x64xf32, #tpu.memory_space<vmem>>) target(%dma_start3A_68 : memref<10240x64xf32, #tpu.memory_space<vmem_shared>>) offsets(%dma_start3A_65 : memref<112xi32, #tpu.memory_space<vmem>>) semaphore(%arg18 : memref<!tpu.dma_semaphore, #tpu.memory_space<semaphore_mem>>) {add = true}
    %dma_start3A_69 = arith.constant 2 : i32
    %dma_start3A_70 = arith.constant 0 : i32
    %dma_start3A_71 = tpu.memref_slice %arg8[%dma_start3A_69, %dma_start3A_70] : memref<90x112xi32, #tpu.memory_space<vmem>> -> memref<1x112xi32, #tpu.memory_space<vmem>>
    %dma_start3A_72 = tpu.memref_squeeze %dma_start3A_71 : memref<1x112xi32, #tpu.memory_space<vmem>> -> memref<112xi32, #tpu.memory_space<vmem>>
    %dma_start3A_73 = arith.constant 0 : i32
    %dma_start3A_74 = arith.constant 0 : i32
    %dma_start3A_75 = tpu.memref_slice %arg6[%dma_start3A_73, %dma_start3A_74] : memref<10240x64xf32, #tpu.memory_space<vmem_shared>> -> memref<10240x64xf32, #tpu.memory_space<vmem_shared>>
    tpu.enqueue_indirect_dma source(%dma_start3A_75 : memref<10240x64xf32, #tpu.memory_space<vmem_shared>>) target(%arg12 : memref<112x64xf32, #tpu.memory_space<vmem>>) offsets(%dma_start3A_72 : memref<112xi32, #tpu.memory_space<vmem>>) semaphore(%arg16 : memref<!tpu.dma_semaphore, #tpu.memory_space<semaphore_mem>>)
    %dma_wait3A_76 = arith.constant 1 : i32
    %dma_wait3A_77 = arith.constant 0 : i32
    %dma_wait3A_78 = tpu.memref_slice %arg8[%dma_wait3A_76, %dma_wait3A_77] : memref<90x112xi32, #tpu.memory_space<vmem>> -> memref<1x112xi32, #tpu.memory_space<vmem>>
    %dma_wait3A_79 = tpu.memref_squeeze %dma_wait3A_78 : memref<1x112xi32, #tpu.memory_space<vmem>> -> memref<112xi32, #tpu.memory_space<vmem>>
    %dma_wait3A_80 = arith.constant 0 : i32
    %dma_wait3A_81 = arith.constant 0 : i32
    %dma_wait3A_82 = tpu.memref_slice %arg6[%dma_wait3A_80, %dma_wait3A_81] : memref<10240x64xf32, #tpu.memory_space<vmem_shared>> -> memref<10240x64xf32, #tpu.memory_space<vmem_shared>>
    tpu.wait_indirect_dma semaphore(%arg15 : memref<!tpu.dma_semaphore, #tpu.memory_space<semaphore_mem>>) src(%dma_wait3A_82 : memref<10240x64xf32, #tpu.memory_space<vmem_shared>>) dst(%arg11 : memref<112x64xf32, #tpu.memory_space<vmem>>)
    %dma_start3A_83 = arith.constant 1 : i32
    %dma_start3A_84 = arith.constant 0 : i32
    %dma_start3A_85 = tpu.memref_slice %arg9[%dma_start3A_83, %dma_start3A_84] : memref<90x112xi32, #tpu.memory_space<vmem>> -> memref<1x112xi32, #tpu.memory_space<vmem>>
    %dma_start3A_86 = tpu.memref_squeeze %dma_start3A_85 : memref<1x112xi32, #tpu.memory_space<vmem>> -> memref<112xi32, #tpu.memory_space<vmem>>
    %dma_start3A_87 = arith.constant 0 : i32
    %dma_start3A_88 = arith.constant 0 : i32
    %dma_start3A_89 = tpu.memref_slice %arg7[%dma_start3A_87, %dma_start3A_88] : memref<10240x64xf32, #tpu.memory_space<vmem_shared>> -> memref<10240x64xf32, #tpu.memory_space<vmem_shared>>
    tpu.enqueue_indirect_dma source(%arg11 : memref<112x64xf32, #tpu.memory_space<vmem>>) target(%dma_start3A_89 : memref<10240x64xf32, #tpu.memory_space<vmem_shared>>) offsets(%dma_start3A_86 : memref<112xi32, #tpu.memory_space<vmem>>) semaphore(%arg19 : memref<!tpu.dma_semaphore, #tpu.memory_space<semaphore_mem>>) {add = true}
    %dma_start3A_90 = arith.constant 3 : i32
    %dma_start3A_91 = arith.constant 0 : i32
    %dma_start3A_92 = tpu.memref_slice %arg8[%dma_start3A_90, %dma_start3A_91] : memref<90x112xi32, #tpu.memory_space<vmem>> -> memref<1x112xi32, #tpu.memory_space<vmem>>
    %dma_start3A_93 = tpu.memref_squeeze %dma_start3A_92 : memref<1x112xi32, #tpu.memory_space<vmem>> -> memref<112xi32, #tpu.memory_space<vmem>>
    %dma_start3A_94 = arith.constant 0 : i32
    %dma_start3A_95 = arith.constant 0 : i32
    %dma_start3A_96 = tpu.memref_slice %arg6[%dma_start3A_94, %dma_start3A_95] : memref<10240x64xf32, #tpu.memory_space<vmem_shared>> -> memref<10240x64xf32, #tpu.memory_space<vmem_shared>>
    tpu.enqueue_indirect_dma source(%dma_start3A_96 : memref<10240x64xf32, #tpu.memory_space<vmem_shared>>) target(%arg13 : memref<112x64xf32, #tpu.memory_space<vmem>>) offsets(%dma_start3A_93 : memref<112xi32, #tpu.memory_space<vmem>>) semaphore(%arg17 : memref<!tpu.dma_semaphore, #tpu.memory_space<semaphore_mem>>)
    %scan3A_97 = arith.constant 0 : i32
    %scan3A_98 = arith.constant 0 : i32
    %scan3A_99 = arith.constant 22 : i32
    %scan3A_100 = arith.addi %scan3A_98, %scan3A_99 : i32
    %scan3A_101 = arith.constant 1 : i32
    %scan3A_102 = scf.for %scan3A_137 = %scan3A_98 to %scan3A_100 step %scan3A_101 iter_args(%scan3A_138 = %scan3A_97) -> (i32)  : i32 {
      %mul3A_139 = arith.constant 4 : i32
      %mul3A_140 = arith.muli %mul3A_139, %scan3A_137 : i32
      %add3A_141 = arith.constant 2 : i32
      %add3A_142 = arith.addi %mul3A_140, %add3A_141 : i32
      %add3A_143 = arith.constant 0 : i32
      %add3A_144 = arith.addi %add3A_142, %add3A_143 : i32
      %dma_wait3A_145 = arith.constant 0 : i32
      %dma_wait3A_146 = tpu.memref_slice %arg8[%add3A_144, %dma_wait3A_145] : memref<90x112xi32, #tpu.memory_space<vmem>> -> memref<1x112xi32, #tpu.memory_space<vmem>>
      %dma_wait3A_147 = tpu.memref_squeeze %dma_wait3A_146 : memref<1x112xi32, #tpu.memory_space<vmem>> -> memref<112xi32, #tpu.memory_space<vmem>>
      %dma_wait3A_148 = arith.constant 0 : i32
      %dma_wait3A_149 = arith.constant 0 : i32
      %dma_wait3A_150 = tpu.memref_slice %arg6[%dma_wait3A_148, %dma_wait3A_149] : memref<10240x64xf32, #tpu.memory_space<vmem_shared>> -> memref<10240x64xf32, #tpu.memory_space<vmem_shared>>
      tpu.wait_indirect_dma semaphore(%arg16 : memref<!tpu.dma_semaphore, #tpu.memory_space<semaphore_mem>>) src(%dma_wait3A_150 : memref<10240x64xf32, #tpu.memory_space<vmem_shared>>) dst(%arg12 : memref<112x64xf32, #tpu.memory_space<vmem>>)
      %dma_start3A_151 = arith.constant 0 : i32
      %dma_start3A_152 = tpu.memref_slice %arg9[%add3A_144, %dma_start3A_151] : memref<90x112xi32, #tpu.memory_space<vmem>> -> memref<1x112xi32, #tpu.memory_space<vmem>>
      %dma_start3A_153 = tpu.memref_squeeze %dma_start3A_152 : memref<1x112xi32, #tpu.memory_space<vmem>> -> memref<112xi32, #tpu.memory_space<vmem>>
      %dma_start3A_154 = arith.constant 0 : i32
      %dma_start3A_155 = arith.constant 0 : i32
      %dma_start3A_156 = tpu.memref_slice %arg7[%dma_start3A_154, %dma_start3A_155] : memref<10240x64xf32, #tpu.memory_space<vmem_shared>> -> memref<10240x64xf32, #tpu.memory_space<vmem_shared>>
      tpu.enqueue_indirect_dma source(%arg12 : memref<112x64xf32, #tpu.memory_space<vmem>>) target(%dma_start3A_156 : memref<10240x64xf32, #tpu.memory_space<vmem_shared>>) offsets(%dma_start3A_153 : memref<112xi32, #tpu.memory_space<vmem>>) semaphore(%arg20 : memref<!tpu.dma_semaphore, #tpu.memory_space<semaphore_mem>>) {add = true}
      %sub3A = arith.constant 2 : i32
      %sub3A_157 = arith.subi %add3A_144, %sub3A : i32
      %dma_wait3A_158 = arith.constant 0 : i32
      %dma_wait3A_159 = tpu.memref_slice %arg9[%sub3A_157, %dma_wait3A_158] : memref<90x112xi32, #tpu.memory_space<vmem>> -> memref<1x112xi32, #tpu.memory_space<vmem>>
      %dma_wait3A_160 = tpu.memref_squeeze %dma_wait3A_159 : memref<1x112xi32, #tpu.memory_space<vmem>> -> memref<112xi32, #tpu.memory_space<vmem>>
      %dma_wait3A_161 = arith.constant 0 : i32
      %dma_wait3A_162 = arith.constant 0 : i32
      %dma_wait3A_163 = tpu.memref_slice %arg7[%dma_wait3A_161, %dma_wait3A_162] : memref<10240x64xf32, #tpu.memory_space<vmem_shared>> -> memref<10240x64xf32, #tpu.memory_space<vmem_shared>>
      tpu.wait_indirect_dma semaphore(%arg18 : memref<!tpu.dma_semaphore, #tpu.memory_space<semaphore_mem>>) src(%arg10 : memref<112x64xf32, #tpu.memory_space<vmem>>) dst(%dma_wait3A_163 : memref<10240x64xf32, #tpu.memory_space<vmem_shared>>)
      %add3A_164 = arith.constant 2 : i32
      %add3A_165 = arith.addi %add3A_144, %add3A_164 : i32
      %rem3A = arith.constant 90 : i32
      %rem3A_166 = arith.remsi %add3A_165, %rem3A : i32
      %dma_start3A_167 = arith.constant 0 : i32
      %dma_start3A_168 = tpu.memref_slice %arg8[%rem3A_166, %dma_start3A_167] : memref<90x112xi32, #tpu.memory_space<vmem>> -> memref<1x112xi32, #tpu.memory_space<vmem>>
      %dma_start3A_169 = tpu.memref_squeeze %dma_start3A_168 : memref<1x112xi32, #tpu.memory_space<vmem>> -> memref<112xi32, #tpu.memory_space<vmem>>
      %dma_start3A_170 = arith.constant 0 : i32
      %dma_start3A_171 = arith.constant 0 : i32
      %dma_start3A_172 = tpu.memref_slice %arg6[%dma_start3A_170, %dma_start3A_171] : memref<10240x64xf32, #tpu.memory_space<vmem_shared>> -> memref<10240x64xf32, #tpu.memory_space<vmem_shared>>
      tpu.enqueue_indirect_dma source(%dma_start3A_172 : memref<10240x64xf32, #tpu.memory_space<vmem_shared>>) target(%arg10 : memref<112x64xf32, #tpu.memory_space<vmem>>) offsets(%dma_start3A_169 : memref<112xi32, #tpu.memory_space<vmem>>) semaphore(%arg14 : memref<!tpu.dma_semaphore, #tpu.memory_space<semaphore_mem>>)
      %mul3A_173 = arith.constant 4 : i32
      %mul3A_174 = arith.muli %mul3A_173, %scan3A_137 : i32
      %add3A_175 = arith.constant 2 : i32
      %add3A_176 = arith.addi %mul3A_174, %add3A_175 : i32
      %add3A_177 = arith.constant 1 : i32
      %add3A_178 = arith.addi %add3A_176, %add3A_177 : i32
      %dma_wait3A_179 = arith.constant 0 : i32
      %dma_wait3A_180 = tpu.memref_slice %arg8[%add3A_178, %dma_wait3A_179] : memref<90x112xi32, #tpu.memory_space<vmem>> -> memref<1x112xi32, #tpu.memory_space<vmem>>
      %dma_wait3A_181 = tpu.memref_squeeze %dma_wait3A_180 : memref<1x112xi32, #tpu.memory_space<vmem>> -> memref<112xi32, #tpu.memory_space<vmem>>
      %dma_wait3A_182 = arith.constant 0 : i32
      %dma_wait3A_183 = arith.constant 0 : i32
      %dma_wait3A_184 = tpu.memref_slice %arg6[%dma_wait3A_182, %dma_wait3A_183] : memref<10240x64xf32, #tpu.memory_space<vmem_shared>> -> memref<10240x64xf32, #tpu.memory_space<vmem_shared>>
      tpu.wait_indirect_dma semaphore(%arg17 : memref<!tpu.dma_semaphore, #tpu.memory_space<semaphore_mem>>) src(%dma_wait3A_184 : memref<10240x64xf32, #tpu.memory_space<vmem_shared>>) dst(%arg13 : memref<112x64xf32, #tpu.memory_space<vmem>>)
      %dma_start3A_185 = arith.constant 0 : i32
      %dma_start3A_186 = tpu.memref_slice %arg9[%add3A_178, %dma_start3A_185] : memref<90x112xi32, #tpu.memory_space<vmem>> -> memref<1x112xi32, #tpu.memory_space<vmem>>
      %dma_start3A_187 = tpu.memref_squeeze %dma_start3A_186 : memref<1x112xi32, #tpu.memory_space<vmem>> -> memref<112xi32, #tpu.memory_space<vmem>>
      %dma_start3A_188 = arith.constant 0 : i32
      %dma_start3A_189 = arith.constant 0 : i32
      %dma_start3A_190 = tpu.memref_slice %arg7[%dma_start3A_188, %dma_start3A_189] : memref<10240x64xf32, #tpu.memory_space<vmem_shared>> -> memref<10240x64xf32, #tpu.memory_space<vmem_shared>>
      tpu.enqueue_indirect_dma source(%arg13 : memref<112x64xf32, #tpu.memory_space<vmem>>) target(%dma_start3A_190 : memref<10240x64xf32, #tpu.memory_space<vmem_shared>>) offsets(%dma_start3A_187 : memref<112xi32, #tpu.memory_space<vmem>>) semaphore(%arg21 : memref<!tpu.dma_semaphore, #tpu.memory_space<semaphore_mem>>) {add = true}
      %sub3A_191 = arith.constant 2 : i32
      %sub3A_192 = arith.subi %add3A_178, %sub3A_191 : i32
      %dma_wait3A_193 = arith.constant 0 : i32
      %dma_wait3A_194 = tpu.memref_slice %arg9[%sub3A_192, %dma_wait3A_193] : memref<90x112xi32, #tpu.memory_space<vmem>> -> memref<1x112xi32, #tpu.memory_space<vmem>>
      %dma_wait3A_195 = tpu.memref_squeeze %dma_wait3A_194 : memref<1x112xi32, #tpu.memory_space<vmem>> -> memref<112xi32, #tpu.memory_space<vmem>>
      %dma_wait3A_196 = arith.constant 0 : i32
      %dma_wait3A_197 = arith.constant 0 : i32
      %dma_wait3A_198 = tpu.memref_slice %arg7[%dma_wait3A_196, %dma_wait3A_197] : memref<10240x64xf32, #tpu.memory_space<vmem_shared>> -> memref<10240x64xf32, #tpu.memory_space<vmem_shared>>
      tpu.wait_indirect_dma semaphore(%arg19 : memref<!tpu.dma_semaphore, #tpu.memory_space<semaphore_mem>>) src(%arg11 : memref<112x64xf32, #tpu.memory_space<vmem>>) dst(%dma_wait3A_198 : memref<10240x64xf32, #tpu.memory_space<vmem_shared>>)
      %add3A_199 = arith.constant 2 : i32
      %add3A_200 = arith.addi %add3A_178, %add3A_199 : i32
      %rem3A_201 = arith.constant 90 : i32
      %rem3A_202 = arith.remsi %add3A_200, %rem3A_201 : i32
      %dma_start3A_203 = arith.constant 0 : i32
      %dma_start3A_204 = tpu.memref_slice %arg8[%rem3A_202, %dma_start3A_203] : memref<90x112xi32, #tpu.memory_space<vmem>> -> memref<1x112xi32, #tpu.memory_space<vmem>>
      %dma_start3A_205 = tpu.memref_squeeze %dma_start3A_204 : memref<1x112xi32, #tpu.memory_space<vmem>> -> memref<112xi32, #tpu.memory_space<vmem>>
      %dma_start3A_206 = arith.constant 0 : i32
      %dma_start3A_207 = arith.constant 0 : i32
      %dma_start3A_208 = tpu.memref_slice %arg6[%dma_start3A_206, %dma_start3A_207] : memref<10240x64xf32, #tpu.memory_space<vmem_shared>> -> memref<10240x64xf32, #tpu.memory_space<vmem_shared>>
      tpu.enqueue_indirect_dma source(%dma_start3A_208 : memref<10240x64xf32, #tpu.memory_space<vmem_shared>>) target(%arg11 : memref<112x64xf32, #tpu.memory_space<vmem>>) offsets(%dma_start3A_205 : memref<112xi32, #tpu.memory_space<vmem>>) semaphore(%arg15 : memref<!tpu.dma_semaphore, #tpu.memory_space<semaphore_mem>>)
      %mul3A_209 = arith.constant 4 : i32
      %mul3A_210 = arith.muli %mul3A_209, %scan3A_137 : i32
      %add3A_211 = arith.constant 2 : i32
      %add3A_212 = arith.addi %mul3A_210, %add3A_211 : i32
      %add3A_213 = arith.constant 2 : i32
      %add3A_214 = arith.addi %add3A_212, %add3A_213 : i32
      %dma_wait3A_215 = arith.constant 0 : i32
      %dma_wait3A_216 = tpu.memref_slice %arg8[%add3A_214, %dma_wait3A_215] : memref<90x112xi32, #tpu.memory_space<vmem>> -> memref<1x112xi32, #tpu.memory_space<vmem>>
      %dma_wait3A_217 = tpu.memref_squeeze %dma_wait3A_216 : memref<1x112xi32, #tpu.memory_space<vmem>> -> memref<112xi32, #tpu.memory_space<vmem>>
      %dma_wait3A_218 = arith.constant 0 : i32
      %dma_wait3A_219 = arith.constant 0 : i32
      %dma_wait3A_220 = tpu.memref_slice %arg6[%dma_wait3A_218, %dma_wait3A_219] : memref<10240x64xf32, #tpu.memory_space<vmem_shared>> -> memref<10240x64xf32, #tpu.memory_space<vmem_shared>>
      tpu.wait_indirect_dma semaphore(%arg14 : memref<!tpu.dma_semaphore, #tpu.memory_space<semaphore_mem>>) src(%dma_wait3A_220 : memref<10240x64xf32, #tpu.memory_space<vmem_shared>>) dst(%arg10 : memref<112x64xf32, #tpu.memory_space<vmem>>)
      %dma_start3A_221 = arith.constant 0 : i32
      %dma_start3A_222 = tpu.memref_slice %arg9[%add3A_214, %dma_start3A_221] : memref<90x112xi32, #tpu.memory_space<vmem>> -> memref<1x112xi32, #tpu.memory_space<vmem>>
      %dma_start3A_223 = tpu.memref_squeeze %dma_start3A_222 : memref<1x112xi32, #tpu.memory_space<vmem>> -> memref<112xi32, #tpu.memory_space<vmem>>
      %dma_start3A_224 = arith.constant 0 : i32
      %dma_start3A_225 = arith.constant 0 : i32
      %dma_start3A_226 = tpu.memref_slice %arg7[%dma_start3A_224, %dma_start3A_225] : memref<10240x64xf32, #tpu.memory_space<vmem_shared>> -> memref<10240x64xf32, #tpu.memory_space<vmem_shared>>
      tpu.enqueue_indirect_dma source(%arg10 : memref<112x64xf32, #tpu.memory_space<vmem>>) target(%dma_start3A_226 : memref<10240x64xf32, #tpu.memory_space<vmem_shared>>) offsets(%dma_start3A_223 : memref<112xi32, #tpu.memory_space<vmem>>) semaphore(%arg18 : memref<!tpu.dma_semaphore, #tpu.memory_space<semaphore_mem>>) {add = true}
      %sub3A_227 = arith.constant 2 : i32
      %sub3A_228 = arith.subi %add3A_214, %sub3A_227 : i32
      %dma_wait3A_229 = arith.constant 0 : i32
      %dma_wait3A_230 = tpu.memref_slice %arg9[%sub3A_228, %dma_wait3A_229] : memref<90x112xi32, #tpu.memory_space<vmem>> -> memref<1x112xi32, #tpu.memory_space<vmem>>
      %dma_wait3A_231 = tpu.memref_squeeze %dma_wait3A_230 : memref<1x112xi32, #tpu.memory_space<vmem>> -> memref<112xi32, #tpu.memory_space<vmem>>
      %dma_wait3A_232 = arith.constant 0 : i32
      %dma_wait3A_233 = arith.constant 0 : i32
      %dma_wait3A_234 = tpu.memref_slice %arg7[%dma_wait3A_232, %dma_wait3A_233] : memref<10240x64xf32, #tpu.memory_space<vmem_shared>> -> memref<10240x64xf32, #tpu.memory_space<vmem_shared>>
      tpu.wait_indirect_dma semaphore(%arg20 : memref<!tpu.dma_semaphore, #tpu.memory_space<semaphore_mem>>) src(%arg12 : memref<112x64xf32, #tpu.memory_space<vmem>>) dst(%dma_wait3A_234 : memref<10240x64xf32, #tpu.memory_space<vmem_shared>>)
      %add3A_235 = arith.constant 2 : i32
      %add3A_236 = arith.addi %add3A_214, %add3A_235 : i32
      %rem3A_237 = arith.constant 90 : i32
      %rem3A_238 = arith.remsi %add3A_236, %rem3A_237 : i32
      %dma_start3A_239 = arith.constant 0 : i32
      %dma_start3A_240 = tpu.memref_slice %arg8[%rem3A_238, %dma_start3A_239] : memref<90x112xi32, #tpu.memory_space<vmem>> -> memref<1x112xi32, #tpu.memory_space<vmem>>
      %dma_start3A_241 = tpu.memref_squeeze %dma_start3A_240 : memref<1x112xi32, #tpu.memory_space<vmem>> -> memref<112xi32, #tpu.memory_space<vmem>>
      %dma_start3A_242 = arith.constant 0 : i32
      %dma_start3A_243 = arith.constant 0 : i32
      %dma_start3A_244 = tpu.memref_slice %arg6[%dma_start3A_242, %dma_start3A_243] : memref<10240x64xf32, #tpu.memory_space<vmem_shared>> -> memref<10240x64xf32, #tpu.memory_space<vmem_shared>>
      tpu.enqueue_indirect_dma source(%dma_start3A_244 : memref<10240x64xf32, #tpu.memory_space<vmem_shared>>) target(%arg12 : memref<112x64xf32, #tpu.memory_space<vmem>>) offsets(%dma_start3A_241 : memref<112xi32, #tpu.memory_space<vmem>>) semaphore(%arg16 : memref<!tpu.dma_semaphore, #tpu.memory_space<semaphore_mem>>)
      %mul3A_245 = arith.constant 4 : i32
      %mul3A_246 = arith.muli %mul3A_245, %scan3A_137 : i32
      %add3A_247 = arith.constant 2 : i32
      %add3A_248 = arith.addi %mul3A_246, %add3A_247 : i32
      %add3A_249 = arith.constant 3 : i32
      %add3A_250 = arith.addi %add3A_248, %add3A_249 : i32
      %dma_wait3A_251 = arith.constant 0 : i32
      %dma_wait3A_252 = tpu.memref_slice %arg8[%add3A_250, %dma_wait3A_251] : memref<90x112xi32, #tpu.memory_space<vmem>> -> memref<1x112xi32, #tpu.memory_space<vmem>>
      %dma_wait3A_253 = tpu.memref_squeeze %dma_wait3A_252 : memref<1x112xi32, #tpu.memory_space<vmem>> -> memref<112xi32, #tpu.memory_space<vmem>>
      %dma_wait3A_254 = arith.constant 0 : i32
      %dma_wait3A_255 = arith.constant 0 : i32
      %dma_wait3A_256 = tpu.memref_slice %arg6[%dma_wait3A_254, %dma_wait3A_255] : memref<10240x64xf32, #tpu.memory_space<vmem_shared>> -> memref<10240x64xf32, #tpu.memory_space<vmem_shared>>
      tpu.wait_indirect_dma semaphore(%arg15 : memref<!tpu.dma_semaphore, #tpu.memory_space<semaphore_mem>>) src(%dma_wait3A_256 : memref<10240x64xf32, #tpu.memory_space<vmem_shared>>) dst(%arg11 : memref<112x64xf32, #tpu.memory_space<vmem>>)
      %dma_start3A_257 = arith.constant 0 : i32
      %dma_start3A_258 = tpu.memref_slice %arg9[%add3A_250, %dma_start3A_257] : memref<90x112xi32, #tpu.memory_space<vmem>> -> memref<1x112xi32, #tpu.memory_space<vmem>>
      %dma_start3A_259 = tpu.memref_squeeze %dma_start3A_258 : memref<1x112xi32, #tpu.memory_space<vmem>> -> memref<112xi32, #tpu.memory_space<vmem>>
      %dma_start3A_260 = arith.constant 0 : i32
      %dma_start3A_261 = arith.constant 0 : i32
      %dma_start3A_262 = tpu.memref_slice %arg7[%dma_start3A_260, %dma_start3A_261] : memref<10240x64xf32, #tpu.memory_space<vmem_shared>> -> memref<10240x64xf32, #tpu.memory_space<vmem_shared>>
      tpu.enqueue_indirect_dma source(%arg11 : memref<112x64xf32, #tpu.memory_space<vmem>>) target(%dma_start3A_262 : memref<10240x64xf32, #tpu.memory_space<vmem_shared>>) offsets(%dma_start3A_259 : memref<112xi32, #tpu.memory_space<vmem>>) semaphore(%arg19 : memref<!tpu.dma_semaphore, #tpu.memory_space<semaphore_mem>>) {add = true}
      %sub3A_263 = arith.constant 2 : i32
      %sub3A_264 = arith.subi %add3A_250, %sub3A_263 : i32
      %dma_wait3A_265 = arith.constant 0 : i32
      %dma_wait3A_266 = tpu.memref_slice %arg9[%sub3A_264, %dma_wait3A_265] : memref<90x112xi32, #tpu.memory_space<vmem>> -> memref<1x112xi32, #tpu.memory_space<vmem>>
      %dma_wait3A_267 = tpu.memref_squeeze %dma_wait3A_266 : memref<1x112xi32, #tpu.memory_space<vmem>> -> memref<112xi32, #tpu.memory_space<vmem>>
      %dma_wait3A_268 = arith.constant 0 : i32
      %dma_wait3A_269 = arith.constant 0 : i32
      %dma_wait3A_270 = tpu.memref_slice %arg7[%dma_wait3A_268, %dma_wait3A_269] : memref<10240x64xf32, #tpu.memory_space<vmem_shared>> -> memref<10240x64xf32, #tpu.memory_space<vmem_shared>>
      tpu.wait_indirect_dma semaphore(%arg21 : memref<!tpu.dma_semaphore, #tpu.memory_space<semaphore_mem>>) src(%arg13 : memref<112x64xf32, #tpu.memory_space<vmem>>) dst(%dma_wait3A_270 : memref<10240x64xf32, #tpu.memory_space<vmem_shared>>)
      %add3A_271 = arith.constant 2 : i32
      %add3A_272 = arith.addi %add3A_250, %add3A_271 : i32
      %rem3A_273 = arith.constant 90 : i32
      %rem3A_274 = arith.remsi %add3A_272, %rem3A_273 : i32
      %dma_start3A_275 = arith.constant 0 : i32
      %dma_start3A_276 = tpu.memref_slice %arg8[%rem3A_274, %dma_start3A_275] : memref<90x112xi32, #tpu.memory_space<vmem>> -> memref<1x112xi32, #tpu.memory_space<vmem>>
      %dma_start3A_277 = tpu.memref_squeeze %dma_start3A_276 : memref<1x112xi32, #tpu.memory_space<vmem>> -> memref<112xi32, #tpu.memory_space<vmem>>
      %dma_start3A_278 = arith.constant 0 : i32
      %dma_start3A_279 = arith.constant 0 : i32
      %dma_start3A_280 = tpu.memref_slice %arg6[%dma_start3A_278, %dma_start3A_279] : memref<10240x64xf32, #tpu.memory_space<vmem_shared>> -> memref<10240x64xf32, #tpu.memory_space<vmem_shared>>
      tpu.enqueue_indirect_dma source(%dma_start3A_280 : memref<10240x64xf32, #tpu.memory_space<vmem_shared>>) target(%arg13 : memref<112x64xf32, #tpu.memory_space<vmem>>) offsets(%dma_start3A_277 : memref<112xi32, #tpu.memory_space<vmem>>) semaphore(%arg17 : memref<!tpu.dma_semaphore, #tpu.memory_space<semaphore_mem>>)
      %scan3A_281 = arith.constant 0 : i32
      scf.yield %scan3A_281 : i32
    }
    %scan3A_103 = arith.constant 22 : i32
    %dma_wait3A_104 = arith.constant 88 : i32
    %dma_wait3A_105 = arith.constant 0 : i32
    %dma_wait3A_106 = tpu.memref_slice %arg9[%dma_wait3A_104, %dma_wait3A_105] : memref<90x112xi32, #tpu.memory_space<vmem>> -> memref<1x112xi32, #tpu.memory_space<vmem>>
    %dma_wait3A_107 = tpu.memref_squeeze %dma_wait3A_106 : memref<1x112xi32, #tpu.memory_space<vmem>> -> memref<112xi32, #tpu.memory_space<vmem>>
    %dma_wait3A_108 = arith.constant 0 : i32
    %dma_wait3A_109 = arith.constant 0 : i32
    %dma_wait3A_110 = tpu.memref_slice %arg7[%dma_wait3A_108, %dma_wait3A_109] : memref<10240x64xf32, #tpu.memory_space<vmem_shared>> -> memref<10240x64xf32, #tpu.memory_space<vmem_shared>>
    tpu.wait_indirect_dma semaphore(%arg18 : memref<!tpu.dma_semaphore, #tpu.memory_space<semaphore_mem>>) src(%arg10 : memref<112x64xf32, #tpu.memory_space<vmem>>) dst(%dma_wait3A_110 : memref<10240x64xf32, #tpu.memory_space<vmem_shared>>)
    %dma_wait3A_111 = arith.constant 89 : i32
    %dma_wait3A_112 = arith.constant 0 : i32
    %dma_wait3A_113 = tpu.memref_slice %arg9[%dma_wait3A_111, %dma_wait3A_112] : memref<90x112xi32, #tpu.memory_space<vmem>> -> memref<1x112xi32, #tpu.memory_space<vmem>>
    %dma_wait3A_114 = tpu.memref_squeeze %dma_wait3A_113 : memref<1x112xi32, #tpu.memory_space<vmem>> -> memref<112xi32, #tpu.memory_space<vmem>>
    %dma_wait3A_115 = arith.constant 0 : i32
    %dma_wait3A_116 = arith.constant 0 : i32
    %dma_wait3A_117 = tpu.memref_slice %arg7[%dma_wait3A_115, %dma_wait3A_116] : memref<10240x64xf32, #tpu.memory_space<vmem_shared>> -> memref<10240x64xf32, #tpu.memory_space<vmem_shared>>
    tpu.wait_indirect_dma semaphore(%arg19 : memref<!tpu.dma_semaphore, #tpu.memory_space<semaphore_mem>>) src(%arg11 : memref<112x64xf32, #tpu.memory_space<vmem>>) dst(%dma_wait3A_117 : memref<10240x64xf32, #tpu.memory_space<vmem_shared>>)
    %dma_wait3A_118 = arith.constant 0 : i32
    %dma_wait3A_119 = arith.constant 0 : i32
    %dma_wait3A_120 = tpu.memref_slice %arg8[%dma_wait3A_118, %dma_wait3A_119] : memref<90x112xi32, #tpu.memory_space<vmem>> -> memref<1x112xi32, #tpu.memory_space<vmem>>
    %dma_wait3A_121 = tpu.memref_squeeze %dma_wait3A_120 : memref<1x112xi32, #tpu.memory_space<vmem>> -> memref<112xi32, #tpu.memory_space<vmem>>
    %dma_wait3A_122 = arith.constant 0 : i32
    %dma_wait3A_123 = arith.constant 0 : i32
    %dma_wait3A_124 = tpu.memref_slice %arg6[%dma_wait3A_122, %dma_wait3A_123] : memref<10240x64xf32, #tpu.memory_space<vmem_shared>> -> memref<10240x64xf32, #tpu.memory_space<vmem_shared>>
    tpu.wait_indirect_dma semaphore(%arg16 : memref<!tpu.dma_semaphore, #tpu.memory_space<semaphore_mem>>) src(%dma_wait3A_124 : memref<10240x64xf32, #tpu.memory_space<vmem_shared>>) dst(%arg12 : memref<112x64xf32, #tpu.memory_space<vmem>>)
    %dma_wait3A_125 = arith.constant 1 : i32
    %dma_wait3A_126 = arith.constant 0 : i32
    %dma_wait3A_127 = tpu.memref_slice %arg8[%dma_wait3A_125, %dma_wait3A_126] : memref<90x112xi32, #tpu.memory_space<vmem>> -> memref<1x112xi32, #tpu.memory_space<vmem>>
    %dma_wait3A_128 = tpu.memref_squeeze %dma_wait3A_127 : memref<1x112xi32, #tpu.memory_space<vmem>> -> memref<112xi32, #tpu.memory_space<vmem>>
    %dma_wait3A_129 = arith.constant 0 : i32
    %dma_wait3A_130 = arith.constant 0 : i32
    %dma_wait3A_131 = tpu.memref_slice %arg6[%dma_wait3A_129, %dma_wait3A_130] : memref<10240x64xf32, #tpu.memory_space<vmem_shared>> -> memref<10240x64xf32, #tpu.memory_space<vmem_shared>>
    tpu.wait_indirect_dma semaphore(%arg17 : memref<!tpu.dma_semaphore, #tpu.memory_space<semaphore_mem>>) src(%dma_wait3A_131 : memref<10240x64xf32, #tpu.memory_space<vmem_shared>>) dst(%arg13 : memref<112x64xf32, #tpu.memory_space<vmem>>)
    %barrier3A_132 = arith.constant 0 : index
    tpu.barrier barrier_id(%barrier3A_132)
    %mul3A_133 = arith.constant 640 : i32
    %mul3A_134 = arith.muli %arg1, %mul3A_133 : i32
    %mul3A_135 = arith.constant 640 : i32
    %mul3A_136 = arith.muli %arg1, %mul3A_135 : i32
    "tpu.region"() ({
      %run_scoped3A = tpu.sem_alloc : memref<!tpu.dma_semaphore, #tpu.memory_space<semaphore_mem>>
      %dma_start3A_137 = arith.constant 0 : i32
      %dma_start3A_138 = tpu.memref_slice %arg5[%arg0, %mul3A_136, %dma_start3A_137] : memref<2x10240x64xf32, #tpu.memory_space<hbm>> -> memref<1x640x64xf32, #tpu.memory_space<hbm>>
      %dma_start3A_139 = tpu.memref_squeeze %dma_start3A_138 : memref<1x640x64xf32, #tpu.memory_space<hbm>> -> memref<640x64xf32, #tpu.memory_space<hbm>>
      %dma_start3A_140 = arith.constant 0 : i32
      %dma_start3A_141 = tpu.memref_slice %arg7[%mul3A_134, %dma_start3A_140] : memref<10240x64xf32, #tpu.memory_space<vmem_shared>> -> memref<640x64xf32, #tpu.memory_space<vmem_shared>>
      tpu.enqueue_dma source(%dma_start3A_141 : memref<640x64xf32, #tpu.memory_space<vmem_shared>>) target(%dma_start3A_139 : memref<640x64xf32, #tpu.memory_space<hbm>>) target_semaphore(%run_scoped3A : memref<!tpu.dma_semaphore, #tpu.memory_space<semaphore_mem>>)
      %dma_wait3A_142 = arith.constant 0 : i32
      %dma_wait3A_143 = tpu.memref_slice %arg5[%arg0, %mul3A_136, %dma_wait3A_142] : memref<2x10240x64xf32, #tpu.memory_space<hbm>> -> memref<1x640x64xf32, #tpu.memory_space<hbm>>
      %dma_wait3A_144 = tpu.memref_squeeze %dma_wait3A_143 : memref<1x640x64xf32, #tpu.memory_space<hbm>> -> memref<640x64xf32, #tpu.memory_space<hbm>>
      %dma_wait3A_145 = arith.constant 0 : i32
      %dma_wait3A_146 = tpu.memref_slice %arg7[%mul3A_134, %dma_wait3A_145] : memref<10240x64xf32, #tpu.memory_space<vmem_shared>> -> memref<640x64xf32, #tpu.memory_space<vmem_shared>>
      tpu.wait_dma2 semaphore(%run_scoped3A : memref<!tpu.dma_semaphore, #tpu.memory_space<semaphore_mem>>) src(%dma_wait3A_146 : memref<640x64xf32, #tpu.memory_space<vmem_shared>>) dst(%dma_wait3A_144 : memref<640x64xf32, #tpu.memory_space<hbm>>)
      tpu.yield
    }) : () -> ()
    return
  }
}

#map = affine_map<(d0, d1) -> (0, 0, 0)>
module attributes {stable_mosaic.version = 14 : i64} {
  func.func @_sc_deg(%arg0: i32, %arg1: i32, %arg2: memref<32x90x112xi32, #tpu.memory_space<hbm>>, %arg3: memref<2x10240x16xf32, #tpu.memory_space<hbm>>, %arg4: memref<10240x16xf32, #tpu.memory_space<vmem_shared>>, %arg5: memref<90x112xi32, #tpu.memory_space<vmem>>, %arg6: memref<112x16xf32, #tpu.memory_space<vmem>>, %arg7: memref<112x16xf32, #tpu.memory_space<vmem>>) attributes {dimension_semantics = [#tpu.dimension_semantics<core_parallel>, #tpu.dimension_semantics<subcore_parallel>], iteration_bounds = array<i64: 2, 16>, scalar_prefetch = 0 : i64, scratch_operands = 4 : i64, tpu.core_type = #tpu.core_type<sc_vector_subcore>, window_params = [{transform_indices = #map}, {transform_indices = #map}]} {
    %mul3A = arith.constant 16 : i32
    %mul3A_0 = arith.muli %arg0, %mul3A : i32
    %add3A = arith.addi %mul3A_0, %arg1 : i32
    %scan3A = arith.constant 0 : i32
    %scan3A_1 = arith.constant 0 : i32
    %scan3A_2 = arith.constant 112 : i32
    %scan3A_3 = arith.addi %scan3A_1, %scan3A_2 : i32
    %scan3A_4 = arith.constant 4 : i32
    %scan3A_5 = scf.for %scan3A_58 = %scan3A_1 to %scan3A_3 step %scan3A_4 iter_args(%scan3A_59 = %scan3A) -> (i32)  : i32 {
      %broadcast_in_dim3A = arith.constant 0.000000e+00 : f32
      %broadcast_in_dim3A_60 = vector.broadcast %broadcast_in_dim3A : f32 to vector<16xf32>
      %swap3A = arith.index_cast %scan3A_58 : i32 to index
      %swap3A_61 = arith.constant 0 : index
      %swap3A_62 = tpu.vector_load %arg7[%swap3A, %swap3A_61] {strides = array<i32>} : memref<112x16xf32, #tpu.memory_space<vmem>>, vector<1x16xf32>,
      %swap3A_63 = vector.shape_cast %swap3A_62 : vector<1x16xf32> to vector<16xf32>
      %swap3A_64 = vector.shape_cast %broadcast_in_dim3A_60 : vector<16xf32> to vector<1x16xf32>
      tpu.vector_store %arg7[%swap3A, %swap3A_61], %swap3A_64 {strides = array<i32>} : memref<112x16xf32, #tpu.memory_space<vmem>>, vector<1x16xf32>,
      %scan3A_65 = arith.constant 0 : i32
      %scan3A_66 = arith.constant 1 : i32
      %scan3A_67 = arith.addi %scan3A_58, %scan3A_66 : i32
      %broadcast_in_dim3A_68 = arith.constant 0.000000e+00 : f32
      %broadcast_in_dim3A_69 = vector.broadcast %broadcast_in_dim3A_68 : f32 to vector<16xf32>
      %swap3A_70 = arith.index_cast %scan3A_67 : i32 to index
      %swap3A_71 = arith.constant 0 : index
      %swap3A_72 = tpu.vector_load %arg7[%swap3A_70, %swap3A_71] {strides = array<i32>} : memref<112x16xf32, #tpu.memory_space<vmem>>, vector<1x16xf32>,
      %swap3A_73 = vector.shape_cast %swap3A_72 : vector<1x16xf32> to vector<16xf32>
      %swap3A_74 = vector.shape_cast %broadcast_in_dim3A_69 : vector<16xf32> to vector<1x16xf32>
      tpu.vector_store %arg7[%swap3A_70, %swap3A_71], %swap3A_74 {strides = array<i32>} : memref<112x16xf32, #tpu.memory_space<vmem>>, vector<1x16xf32>,
      %scan3A_75 = arith.constant 0 : i32
      %scan3A_76 = arith.constant 2 : i32
      %scan3A_77 = arith.addi %scan3A_58, %scan3A_76 : i32
      %broadcast_in_dim3A_78 = arith.constant 0.000000e+00 : f32
      %broadcast_in_dim3A_79 = vector.broadcast %broadcast_in_dim3A_78 : f32 to vector<16xf32>
      %swap3A_80 = arith.index_cast %scan3A_77 : i32 to index
      %swap3A_81 = arith.constant 0 : index
      %swap3A_82 = tpu.vector_load %arg7[%swap3A_80, %swap3A_81] {strides = array<i32>} : memref<112x16xf32, #tpu.memory_space<vmem>>, vector<1x16xf32>,
      %swap3A_83 = vector.shape_cast %swap3A_82 : vector<1x16xf32> to vector<16xf32>
      %swap3A_84 = vector.shape_cast %broadcast_in_dim3A_79 : vector<16xf32> to vector<1x16xf32>
      tpu.vector_store %arg7[%swap3A_80, %swap3A_81], %swap3A_84 {strides = array<i32>} : memref<112x16xf32, #tpu.memory_space<vmem>>, vector<1x16xf32>,
      %scan3A_85 = arith.constant 0 : i32
      %scan3A_86 = arith.constant 3 : i32
      %scan3A_87 = arith.addi %scan3A_58, %scan3A_86 : i32
      %broadcast_in_dim3A_88 = arith.constant 0.000000e+00 : f32
      %broadcast_in_dim3A_89 = vector.broadcast %broadcast_in_dim3A_88 : f32 to vector<16xf32>
      %swap3A_90 = arith.index_cast %scan3A_87 : i32 to index
      %swap3A_91 = arith.constant 0 : index
      %swap3A_92 = tpu.vector_load %arg7[%swap3A_90, %swap3A_91] {strides = array<i32>} : memref<112x16xf32, #tpu.memory_space<vmem>>, vector<1x16xf32>,
      %swap3A_93 = vector.shape_cast %swap3A_92 : vector<1x16xf32> to vector<16xf32>
      %swap3A_94 = vector.shape_cast %broadcast_in_dim3A_89 : vector<16xf32> to vector<1x16xf32>
      tpu.vector_store %arg7[%swap3A_90, %swap3A_91], %swap3A_94 {strides = array<i32>} : memref<112x16xf32, #tpu.memory_space<vmem>>, vector<1x16xf32>,
      %scan3A_95 = arith.constant 0 : i32
      scf.yield %scan3A_95 : i32
    }
    %scan3A_6 = arith.constant 112 : i32
    %scan3A_7 = arith.constant 0 : i32
    %scan3A_8 = arith.constant 0 : i32
    %scan3A_9 = arith.constant 112 : i32
    %scan3A_10 = arith.addi %scan3A_8, %scan3A_9 : i32
    %scan3A_11 = arith.constant 4 : i32
    %scan3A_12 = scf.for %scan3A_58 = %scan3A_8 to %scan3A_10 step %scan3A_11 iter_args(%scan3A_59 = %scan3A_7) -> (i32)  : i32 {
      %broadcast_in_dim3A = arith.constant 1.000000e+00 : f32
      %broadcast_in_dim3A_60 = vector.broadcast %broadcast_in_dim3A : f32 to vector<16xf32>
      %swap3A = arith.index_cast %scan3A_58 : i32 to index
      %swap3A_61 = arith.constant 0 : index
      %swap3A_62 = tpu.vector_load %arg6[%swap3A, %swap3A_61] {strides = array<i32>} : memref<112x16xf32, #tpu.memory_space<vmem>>, vector<1x16xf32>,
      %swap3A_63 = vector.shape_cast %swap3A_62 : vector<1x16xf32> to vector<16xf32>
      %swap3A_64 = vector.shape_cast %broadcast_in_dim3A_60 : vector<16xf32> to vector<1x16xf32>
      tpu.vector_store %arg6[%swap3A, %swap3A_61], %swap3A_64 {strides = array<i32>} : memref<112x16xf32, #tpu.memory_space<vmem>>, vector<1x16xf32>,
      %scan3A_65 = arith.constant 0 : i32
      %scan3A_66 = arith.constant 1 : i32
      %scan3A_67 = arith.addi %scan3A_58, %scan3A_66 : i32
      %broadcast_in_dim3A_68 = arith.constant 1.000000e+00 : f32
      %broadcast_in_dim3A_69 = vector.broadcast %broadcast_in_dim3A_68 : f32 to vector<16xf32>
      %swap3A_70 = arith.index_cast %scan3A_67 : i32 to index
      %swap3A_71 = arith.constant 0 : index
      %swap3A_72 = tpu.vector_load %arg6[%swap3A_70, %swap3A_71] {strides = array<i32>} : memref<112x16xf32, #tpu.memory_space<vmem>>, vector<1x16xf32>,
      %swap3A_73 = vector.shape_cast %swap3A_72 : vector<1x16xf32> to vector<16xf32>
      %swap3A_74 = vector.shape_cast %broadcast_in_dim3A_69 : vector<16xf32> to vector<1x16xf32>
      tpu.vector_store %arg6[%swap3A_70, %swap3A_71], %swap3A_74 {strides = array<i32>} : memref<112x16xf32, #tpu.memory_space<vmem>>, vector<1x16xf32>,
      %scan3A_75 = arith.constant 0 : i32
      %scan3A_76 = arith.constant 2 : i32
      %scan3A_77 = arith.addi %scan3A_58, %scan3A_76 : i32
      %broadcast_in_dim3A_78 = arith.constant 1.000000e+00 : f32
      %broadcast_in_dim3A_79 = vector.broadcast %broadcast_in_dim3A_78 : f32 to vector<16xf32>
      %swap3A_80 = arith.index_cast %scan3A_77 : i32 to index
      %swap3A_81 = arith.constant 0 : index
      %swap3A_82 = tpu.vector_load %arg6[%swap3A_80, %swap3A_81] {strides = array<i32>} : memref<112x16xf32, #tpu.memory_space<vmem>>, vector<1x16xf32>,
      %swap3A_83 = vector.shape_cast %swap3A_82 : vector<1x16xf32> to vector<16xf32>
      %swap3A_84 = vector.shape_cast %broadcast_in_dim3A_79 : vector<16xf32> to vector<1x16xf32>
      tpu.vector_store %arg6[%swap3A_80, %swap3A_81], %swap3A_84 {strides = array<i32>} : memref<112x16xf32, #tpu.memory_space<vmem>>, vector<1x16xf32>,
      %scan3A_85 = arith.constant 0 : i32
      %scan3A_86 = arith.constant 3 : i32
      %scan3A_87 = arith.addi %scan3A_58, %scan3A_86 : i32
      %broadcast_in_dim3A_88 = arith.constant 1.000000e+00 : f32
      %broadcast_in_dim3A_89 = vector.broadcast %broadcast_in_dim3A_88 : f32 to vector<16xf32>
      %swap3A_90 = arith.index_cast %scan3A_87 : i32 to index
      %swap3A_91 = arith.constant 0 : index
      %swap3A_92 = tpu.vector_load %arg6[%swap3A_90, %swap3A_91] {strides = array<i32>} : memref<112x16xf32, #tpu.memory_space<vmem>>, vector<1x16xf32>,
      %swap3A_93 = vector.shape_cast %swap3A_92 : vector<1x16xf32> to vector<16xf32>
      %swap3A_94 = vector.shape_cast %broadcast_in_dim3A_89 : vector<16xf32> to vector<1x16xf32>
      tpu.vector_store %arg6[%swap3A_90, %swap3A_91], %swap3A_94 {strides = array<i32>} : memref<112x16xf32, #tpu.memory_space<vmem>>, vector<1x16xf32>,
      %scan3A_95 = arith.constant 0 : i32
      scf.yield %scan3A_95 : i32
    }
    %scan3A_13 = arith.constant 112 : i32
    %mul3A_14 = arith.constant 640 : i32
    %mul3A_15 = arith.muli %arg1, %mul3A_14 : i32
    %add3A_16 = arith.constant 0 : i32
    %add3A_17 = arith.addi %mul3A_15, %add3A_16 : i32
    "tpu.region"() ({
      %run_scoped3A = tpu.sem_alloc : memref<!tpu.dma_semaphore, #tpu.memory_space<semaphore_mem>>
      %dma_start3A = arith.constant 0 : i32
      %dma_start3A_58 = arith.constant 0 : i32
      %dma_start3A_59 = tpu.memref_slice %arg7[%dma_start3A, %dma_start3A_58] : memref<112x16xf32, #tpu.memory_space<vmem>> -> memref<80x16xf32, #tpu.memory_space<vmem>>
      %dma_start3A_60 = arith.constant 0 : i32
      %dma_start3A_61 = tpu.memref_slice %arg4[%add3A_17, %dma_start3A_60] : memref<10240x16xf32, #tpu.memory_space<vmem_shared>> -> memref<80x16xf32, #tpu.memory_space<vmem_shared>>
      %dma_start3A_62 = arith.constant 0 : i32
      %dma_start3A_63 = tpu.memref_slice %arg4[%add3A_17, %dma_start3A_62] : memref<10240x16xf32, #tpu.memory_space<vmem_shared>> -> memref<80x16xf32, #tpu.memory_space<vmem_shared>>
      %dma_start3A_64 = arith.constant 0 : i32
      %dma_start3A_65 = arith.constant 0 : i32
      %dma_start3A_66 = tpu.memref_slice %arg7[%dma_start3A_64, %dma_start3A_65] : memref<112x16xf32, #tpu.memory_space<vmem>> -> memref<80x16xf32, #tpu.memory_space<vmem>>
      tpu.enqueue_dma source(%dma_start3A_66 : memref<80x16xf32, #tpu.memory_space<vmem>>) target(%dma_start3A_63 : memref<80x16xf32, #tpu.memory_space<vmem_shared>>) target_semaphore(%run_scoped3A : memref<!tpu.dma_semaphore, #tpu.memory_space<semaphore_mem>>)
      %dma_wait3A = arith.constant 0 : i32
      %dma_wait3A_67 = arith.constant 0 : i32
      %dma_wait3A_68 = tpu.memref_slice %arg7[%dma_wait3A, %dma_wait3A_67] : memref<112x16xf32, #tpu.memory_space<vmem>> -> memref<80x16xf32, #tpu.memory_space<vmem>>
      %dma_wait3A_69 = arith.constant 0 : i32
      %dma_wait3A_70 = tpu.memref_slice %arg4[%add3A_17, %dma_wait3A_69] : memref<10240x16xf32, #tpu.memory_space<vmem_shared>> -> memref<80x16xf32, #tpu.memory_space<vmem_shared>>
      %dma_wait3A_71 = arith.constant 0 : i32
      %dma_wait3A_72 = tpu.memref_slice %arg4[%add3A_17, %dma_wait3A_71] : memref<10240x16xf32, #tpu.memory_space<vmem_shared>> -> memref<80x16xf32, #tpu.memory_space<vmem_shared>>
      %dma_wait3A_73 = arith.constant 0 : i32
      %dma_wait3A_74 = arith.constant 0 : i32
      %dma_wait3A_75 = tpu.memref_slice %arg7[%dma_wait3A_73, %dma_wait3A_74] : memref<112x16xf32, #tpu.memory_space<vmem>> -> memref<80x16xf32, #tpu.memory_space<vmem>>
      tpu.wait_dma2 semaphore(%run_scoped3A : memref<!tpu.dma_semaphore, #tpu.memory_space<semaphore_mem>>) src(%dma_wait3A_75 : memref<80x16xf32, #tpu.memory_space<vmem>>) dst(%dma_wait3A_72 : memref<80x16xf32, #tpu.memory_space<vmem_shared>>)
      tpu.yield
    }) : () -> ()
    %mul3A_18 = arith.constant 640 : i32
    %mul3A_19 = arith.muli %arg1, %mul3A_18 : i32
    %add3A_20 = arith.constant 80 : i32
    %add3A_21 = arith.addi %mul3A_19, %add3A_20 : i32
    "tpu.region"() ({
      %run_scoped3A = tpu.sem_alloc : memref<!tpu.dma_semaphore, #tpu.memory_space<semaphore_mem>>
      %dma_start3A = arith.constant 0 : i32
      %dma_start3A_58 = arith.constant 0 : i32
      %dma_start3A_59 = tpu.memref_slice %arg7[%dma_start3A, %dma_start3A_58] : memref<112x16xf32, #tpu.memory_space<vmem>> -> memref<80x16xf32, #tpu.memory_space<vmem>>
      %dma_start3A_60 = arith.constant 0 : i32
      %dma_start3A_61 = tpu.memref_slice %arg4[%add3A_21, %dma_start3A_60] : memref<10240x16xf32, #tpu.memory_space<vmem_shared>> -> memref<80x16xf32, #tpu.memory_space<vmem_shared>>
      %dma_start3A_62 = arith.constant 0 : i32
      %dma_start3A_63 = tpu.memref_slice %arg4[%add3A_21, %dma_start3A_62] : memref<10240x16xf32, #tpu.memory_space<vmem_shared>> -> memref<80x16xf32, #tpu.memory_space<vmem_shared>>
      %dma_start3A_64 = arith.constant 0 : i32
      %dma_start3A_65 = arith.constant 0 : i32
      %dma_start3A_66 = tpu.memref_slice %arg7[%dma_start3A_64, %dma_start3A_65] : memref<112x16xf32, #tpu.memory_space<vmem>> -> memref<80x16xf32, #tpu.memory_space<vmem>>
      tpu.enqueue_dma source(%dma_start3A_66 : memref<80x16xf32, #tpu.memory_space<vmem>>) target(%dma_start3A_63 : memref<80x16xf32, #tpu.memory_space<vmem_shared>>) target_semaphore(%run_scoped3A : memref<!tpu.dma_semaphore, #tpu.memory_space<semaphore_mem>>)
      %dma_wait3A = arith.constant 0 : i32
      %dma_wait3A_67 = arith.constant 0 : i32
      %dma_wait3A_68 = tpu.memref_slice %arg7[%dma_wait3A, %dma_wait3A_67] : memref<112x16xf32, #tpu.memory_space<vmem>> -> memref<80x16xf32, #tpu.memory_space<vmem>>
      %dma_wait3A_69 = arith.constant 0 : i32
      %dma_wait3A_70 = tpu.memref_slice %arg4[%add3A_21, %dma_wait3A_69] : memref<10240x16xf32, #tpu.memory_space<vmem_shared>> -> memref<80x16xf32, #tpu.memory_space<vmem_shared>>
      %dma_wait3A_71 = arith.constant 0 : i32
      %dma_wait3A_72 = tpu.memref_slice %arg4[%add3A_21, %dma_wait3A_71] : memref<10240x16xf32, #tpu.memory_space<vmem_shared>> -> memref<80x16xf32, #tpu.memory_space<vmem_shared>>
      %dma_wait3A_73 = arith.constant 0 : i32
      %dma_wait3A_74 = arith.constant 0 : i32
      %dma_wait3A_75 = tpu.memref_slice %arg7[%dma_wait3A_73, %dma_wait3A_74] : memref<112x16xf32, #tpu.memory_space<vmem>> -> memref<80x16xf32, #tpu.memory_space<vmem>>
      tpu.wait_dma2 semaphore(%run_scoped3A : memref<!tpu.dma_semaphore, #tpu.memory_space<semaphore_mem>>) src(%dma_wait3A_75 : memref<80x16xf32, #tpu.memory_space<vmem>>) dst(%dma_wait3A_72 : memref<80x16xf32, #tpu.memory_space<vmem_shared>>)
      tpu.yield
    }) : () -> ()
    %mul3A_22 = arith.constant 640 : i32
    %mul3A_23 = arith.muli %arg1, %mul3A_22 : i32
    %add3A_24 = arith.constant 160 : i32
    %add3A_25 = arith.addi %mul3A_23, %add3A_24 : i32
    "tpu.region"() ({
      %run_scoped3A = tpu.sem_alloc : memref<!tpu.dma_semaphore, #tpu.memory_space<semaphore_mem>>
      %dma_start3A = arith.constant 0 : i32
      %dma_start3A_58 = arith.constant 0 : i32
      %dma_start3A_59 = tpu.memref_slice %arg7[%dma_start3A, %dma_start3A_58] : memref<112x16xf32, #tpu.memory_space<vmem>> -> memref<80x16xf32, #tpu.memory_space<vmem>>
      %dma_start3A_60 = arith.constant 0 : i32
      %dma_start3A_61 = tpu.memref_slice %arg4[%add3A_25, %dma_start3A_60] : memref<10240x16xf32, #tpu.memory_space<vmem_shared>> -> memref<80x16xf32, #tpu.memory_space<vmem_shared>>
      %dma_start3A_62 = arith.constant 0 : i32
      %dma_start3A_63 = tpu.memref_slice %arg4[%add3A_25, %dma_start3A_62] : memref<10240x16xf32, #tpu.memory_space<vmem_shared>> -> memref<80x16xf32, #tpu.memory_space<vmem_shared>>
      %dma_start3A_64 = arith.constant 0 : i32
      %dma_start3A_65 = arith.constant 0 : i32
      %dma_start3A_66 = tpu.memref_slice %arg7[%dma_start3A_64, %dma_start3A_65] : memref<112x16xf32, #tpu.memory_space<vmem>> -> memref<80x16xf32, #tpu.memory_space<vmem>>
      tpu.enqueue_dma source(%dma_start3A_66 : memref<80x16xf32, #tpu.memory_space<vmem>>) target(%dma_start3A_63 : memref<80x16xf32, #tpu.memory_space<vmem_shared>>) target_semaphore(%run_scoped3A : memref<!tpu.dma_semaphore, #tpu.memory_space<semaphore_mem>>)
      %dma_wait3A = arith.constant 0 : i32
      %dma_wait3A_67 = arith.constant 0 : i32
      %dma_wait3A_68 = tpu.memref_slice %arg7[%dma_wait3A, %dma_wait3A_67] : memref<112x16xf32, #tpu.memory_space<vmem>> -> memref<80x16xf32, #tpu.memory_space<vmem>>
      %dma_wait3A_69 = arith.constant 0 : i32
      %dma_wait3A_70 = tpu.memref_slice %arg4[%add3A_25, %dma_wait3A_69] : memref<10240x16xf32, #tpu.memory_space<vmem_shared>> -> memref<80x16xf32, #tpu.memory_space<vmem_shared>>
      %dma_wait3A_71 = arith.constant 0 : i32
      %dma_wait3A_72 = tpu.memref_slice %arg4[%add3A_25, %dma_wait3A_71] : memref<10240x16xf32, #tpu.memory_space<vmem_shared>> -> memref<80x16xf32, #tpu.memory_space<vmem_shared>>
      %dma_wait3A_73 = arith.constant 0 : i32
      %dma_wait3A_74 = arith.constant 0 : i32
      %dma_wait3A_75 = tpu.memref_slice %arg7[%dma_wait3A_73, %dma_wait3A_74] : memref<112x16xf32, #tpu.memory_space<vmem>> -> memref<80x16xf32, #tpu.memory_space<vmem>>
      tpu.wait_dma2 semaphore(%run_scoped3A : memref<!tpu.dma_semaphore, #tpu.memory_space<semaphore_mem>>) src(%dma_wait3A_75 : memref<80x16xf32, #tpu.memory_space<vmem>>) dst(%dma_wait3A_72 : memref<80x16xf32, #tpu.memory_space<vmem_shared>>)
      tpu.yield
    }) : () -> ()
    %mul3A_26 = arith.constant 640 : i32
    %mul3A_27 = arith.muli %arg1, %mul3A_26 : i32
    %add3A_28 = arith.constant 240 : i32
    %add3A_29 = arith.addi %mul3A_27, %add3A_28 : i32
    "tpu.region"() ({
      %run_scoped3A = tpu.sem_alloc : memref<!tpu.dma_semaphore, #tpu.memory_space<semaphore_mem>>
      %dma_start3A = arith.constant 0 : i32
      %dma_start3A_58 = arith.constant 0 : i32
      %dma_start3A_59 = tpu.memref_slice %arg7[%dma_start3A, %dma_start3A_58] : memref<112x16xf32, #tpu.memory_space<vmem>> -> memref<80x16xf32, #tpu.memory_space<vmem>>
      %dma_start3A_60 = arith.constant 0 : i32
      %dma_start3A_61 = tpu.memref_slice %arg4[%add3A_29, %dma_start3A_60] : memref<10240x16xf32, #tpu.memory_space<vmem_shared>> -> memref<80x16xf32, #tpu.memory_space<vmem_shared>>
      %dma_start3A_62 = arith.constant 0 : i32
      %dma_start3A_63 = tpu.memref_slice %arg4[%add3A_29, %dma_start3A_62] : memref<10240x16xf32, #tpu.memory_space<vmem_shared>> -> memref<80x16xf32, #tpu.memory_space<vmem_shared>>
      %dma_start3A_64 = arith.constant 0 : i32
      %dma_start3A_65 = arith.constant 0 : i32
      %dma_start3A_66 = tpu.memref_slice %arg7[%dma_start3A_64, %dma_start3A_65] : memref<112x16xf32, #tpu.memory_space<vmem>> -> memref<80x16xf32, #tpu.memory_space<vmem>>
      tpu.enqueue_dma source(%dma_start3A_66 : memref<80x16xf32, #tpu.memory_space<vmem>>) target(%dma_start3A_63 : memref<80x16xf32, #tpu.memory_space<vmem_shared>>) target_semaphore(%run_scoped3A : memref<!tpu.dma_semaphore, #tpu.memory_space<semaphore_mem>>)
      %dma_wait3A = arith.constant 0 : i32
      %dma_wait3A_67 = arith.constant 0 : i32
      %dma_wait3A_68 = tpu.memref_slice %arg7[%dma_wait3A, %dma_wait3A_67] : memref<112x16xf32, #tpu.memory_space<vmem>> -> memref<80x16xf32, #tpu.memory_space<vmem>>
      %dma_wait3A_69 = arith.constant 0 : i32
      %dma_wait3A_70 = tpu.memref_slice %arg4[%add3A_29, %dma_wait3A_69] : memref<10240x16xf32, #tpu.memory_space<vmem_shared>> -> memref<80x16xf32, #tpu.memory_space<vmem_shared>>
      %dma_wait3A_71 = arith.constant 0 : i32
      %dma_wait3A_72 = tpu.memref_slice %arg4[%add3A_29, %dma_wait3A_71] : memref<10240x16xf32, #tpu.memory_space<vmem_shared>> -> memref<80x16xf32, #tpu.memory_space<vmem_shared>>
      %dma_wait3A_73 = arith.constant 0 : i32
      %dma_wait3A_74 = arith.constant 0 : i32
      %dma_wait3A_75 = tpu.memref_slice %arg7[%dma_wait3A_73, %dma_wait3A_74] : memref<112x16xf32, #tpu.memory_space<vmem>> -> memref<80x16xf32, #tpu.memory_space<vmem>>
      tpu.wait_dma2 semaphore(%run_scoped3A : memref<!tpu.dma_semaphore, #tpu.memory_space<semaphore_mem>>) src(%dma_wait3A_75 : memref<80x16xf32, #tpu.memory_space<vmem>>) dst(%dma_wait3A_72 : memref<80x16xf32, #tpu.memory_space<vmem_shared>>)
      tpu.yield
    }) : () -> ()
    %mul3A_30 = arith.constant 640 : i32
    %mul3A_31 = arith.muli %arg1, %mul3A_30 : i32
    %add3A_32 = arith.constant 320 : i32
    %add3A_33 = arith.addi %mul3A_31, %add3A_32 : i32
    "tpu.region"() ({
      %run_scoped3A = tpu.sem_alloc : memref<!tpu.dma_semaphore, #tpu.memory_space<semaphore_mem>>
      %dma_start3A = arith.constant 0 : i32
      %dma_start3A_58 = arith.constant 0 : i32
      %dma_start3A_59 = tpu.memref_slice %arg7[%dma_start3A, %dma_start3A_58] : memref<112x16xf32, #tpu.memory_space<vmem>> -> memref<80x16xf32, #tpu.memory_space<vmem>>
      %dma_start3A_60 = arith.constant 0 : i32
      %dma_start3A_61 = tpu.memref_slice %arg4[%add3A_33, %dma_start3A_60] : memref<10240x16xf32, #tpu.memory_space<vmem_shared>> -> memref<80x16xf32, #tpu.memory_space<vmem_shared>>
      %dma_start3A_62 = arith.constant 0 : i32
      %dma_start3A_63 = tpu.memref_slice %arg4[%add3A_33, %dma_start3A_62] : memref<10240x16xf32, #tpu.memory_space<vmem_shared>> -> memref<80x16xf32, #tpu.memory_space<vmem_shared>>
      %dma_start3A_64 = arith.constant 0 : i32
      %dma_start3A_65 = arith.constant 0 : i32
      %dma_start3A_66 = tpu.memref_slice %arg7[%dma_start3A_64, %dma_start3A_65] : memref<112x16xf32, #tpu.memory_space<vmem>> -> memref<80x16xf32, #tpu.memory_space<vmem>>
      tpu.enqueue_dma source(%dma_start3A_66 : memref<80x16xf32, #tpu.memory_space<vmem>>) target(%dma_start3A_63 : memref<80x16xf32, #tpu.memory_space<vmem_shared>>) target_semaphore(%run_scoped3A : memref<!tpu.dma_semaphore, #tpu.memory_space<semaphore_mem>>)
      %dma_wait3A = arith.constant 0 : i32
      %dma_wait3A_67 = arith.constant 0 : i32
      %dma_wait3A_68 = tpu.memref_slice %arg7[%dma_wait3A, %dma_wait3A_67] : memref<112x16xf32, #tpu.memory_space<vmem>> -> memref<80x16xf32, #tpu.memory_space<vmem>>
      %dma_wait3A_69 = arith.constant 0 : i32
      %dma_wait3A_70 = tpu.memref_slice %arg4[%add3A_33, %dma_wait3A_69] : memref<10240x16xf32, #tpu.memory_space<vmem_shared>> -> memref<80x16xf32, #tpu.memory_space<vmem_shared>>
      %dma_wait3A_71 = arith.constant 0 : i32
      %dma_wait3A_72 = tpu.memref_slice %arg4[%add3A_33, %dma_wait3A_71] : memref<10240x16xf32, #tpu.memory_space<vmem_shared>> -> memref<80x16xf32, #tpu.memory_space<vmem_shared>>
      %dma_wait3A_73 = arith.constant 0 : i32
      %dma_wait3A_74 = arith.constant 0 : i32
      %dma_wait3A_75 = tpu.memref_slice %arg7[%dma_wait3A_73, %dma_wait3A_74] : memref<112x16xf32, #tpu.memory_space<vmem>> -> memref<80x16xf32, #tpu.memory_space<vmem>>
      tpu.wait_dma2 semaphore(%run_scoped3A : memref<!tpu.dma_semaphore, #tpu.memory_space<semaphore_mem>>) src(%dma_wait3A_75 : memref<80x16xf32, #tpu.memory_space<vmem>>) dst(%dma_wait3A_72 : memref<80x16xf32, #tpu.memory_space<vmem_shared>>)
      tpu.yield
    }) : () -> ()
    %mul3A_34 = arith.constant 640 : i32
    %mul3A_35 = arith.muli %arg1, %mul3A_34 : i32
    %add3A_36 = arith.constant 400 : i32
    %add3A_37 = arith.addi %mul3A_35, %add3A_36 : i32
    "tpu.region"() ({
      %run_scoped3A = tpu.sem_alloc : memref<!tpu.dma_semaphore, #tpu.memory_space<semaphore_mem>>
      %dma_start3A = arith.constant 0 : i32
      %dma_start3A_58 = arith.constant 0 : i32
      %dma_start3A_59 = tpu.memref_slice %arg7[%dma_start3A, %dma_start3A_58] : memref<112x16xf32, #tpu.memory_space<vmem>> -> memref<80x16xf32, #tpu.memory_space<vmem>>
      %dma_start3A_60 = arith.constant 0 : i32
      %dma_start3A_61 = tpu.memref_slice %arg4[%add3A_37, %dma_start3A_60] : memref<10240x16xf32, #tpu.memory_space<vmem_shared>> -> memref<80x16xf32, #tpu.memory_space<vmem_shared>>
      %dma_start3A_62 = arith.constant 0 : i32
      %dma_start3A_63 = tpu.memref_slice %arg4[%add3A_37, %dma_start3A_62] : memref<10240x16xf32, #tpu.memory_space<vmem_shared>> -> memref<80x16xf32, #tpu.memory_space<vmem_shared>>
      %dma_start3A_64 = arith.constant 0 : i32
      %dma_start3A_65 = arith.constant 0 : i32
      %dma_start3A_66 = tpu.memref_slice %arg7[%dma_start3A_64, %dma_start3A_65] : memref<112x16xf32, #tpu.memory_space<vmem>> -> memref<80x16xf32, #tpu.memory_space<vmem>>
      tpu.enqueue_dma source(%dma_start3A_66 : memref<80x16xf32, #tpu.memory_space<vmem>>) target(%dma_start3A_63 : memref<80x16xf32, #tpu.memory_space<vmem_shared>>) target_semaphore(%run_scoped3A : memref<!tpu.dma_semaphore, #tpu.memory_space<semaphore_mem>>)
      %dma_wait3A = arith.constant 0 : i32
      %dma_wait3A_67 = arith.constant 0 : i32
      %dma_wait3A_68 = tpu.memref_slice %arg7[%dma_wait3A, %dma_wait3A_67] : memref<112x16xf32, #tpu.memory_space<vmem>> -> memref<80x16xf32, #tpu.memory_space<vmem>>
      %dma_wait3A_69 = arith.constant 0 : i32
      %dma_wait3A_70 = tpu.memref_slice %arg4[%add3A_37, %dma_wait3A_69] : memref<10240x16xf32, #tpu.memory_space<vmem_shared>> -> memref<80x16xf32, #tpu.memory_space<vmem_shared>>
      %dma_wait3A_71 = arith.constant 0 : i32
      %dma_wait3A_72 = tpu.memref_slice %arg4[%add3A_37, %dma_wait3A_71] : memref<10240x16xf32, #tpu.memory_space<vmem_shared>> -> memref<80x16xf32, #tpu.memory_space<vmem_shared>>
      %dma_wait3A_73 = arith.constant 0 : i32
      %dma_wait3A_74 = arith.constant 0 : i32
      %dma_wait3A_75 = tpu.memref_slice %arg7[%dma_wait3A_73, %dma_wait3A_74] : memref<112x16xf32, #tpu.memory_space<vmem>> -> memref<80x16xf32, #tpu.memory_space<vmem>>
      tpu.wait_dma2 semaphore(%run_scoped3A : memref<!tpu.dma_semaphore, #tpu.memory_space<semaphore_mem>>) src(%dma_wait3A_75 : memref<80x16xf32, #tpu.memory_space<vmem>>) dst(%dma_wait3A_72 : memref<80x16xf32, #tpu.memory_space<vmem_shared>>)
      tpu.yield
    }) : () -> ()
    %mul3A_38 = arith.constant 640 : i32
    %mul3A_39 = arith.muli %arg1, %mul3A_38 : i32
    %add3A_40 = arith.constant 480 : i32
    %add3A_41 = arith.addi %mul3A_39, %add3A_40 : i32
    "tpu.region"() ({
      %run_scoped3A = tpu.sem_alloc : memref<!tpu.dma_semaphore, #tpu.memory_space<semaphore_mem>>
      %dma_start3A = arith.constant 0 : i32
      %dma_start3A_58 = arith.constant 0 : i32
      %dma_start3A_59 = tpu.memref_slice %arg7[%dma_start3A, %dma_start3A_58] : memref<112x16xf32, #tpu.memory_space<vmem>> -> memref<80x16xf32, #tpu.memory_space<vmem>>
      %dma_start3A_60 = arith.constant 0 : i32
      %dma_start3A_61 = tpu.memref_slice %arg4[%add3A_41, %dma_start3A_60] : memref<10240x16xf32, #tpu.memory_space<vmem_shared>> -> memref<80x16xf32, #tpu.memory_space<vmem_shared>>
      %dma_start3A_62 = arith.constant 0 : i32
      %dma_start3A_63 = tpu.memref_slice %arg4[%add3A_41, %dma_start3A_62] : memref<10240x16xf32, #tpu.memory_space<vmem_shared>> -> memref<80x16xf32, #tpu.memory_space<vmem_shared>>
      %dma_start3A_64 = arith.constant 0 : i32
      %dma_start3A_65 = arith.constant 0 : i32
      %dma_start3A_66 = tpu.memref_slice %arg7[%dma_start3A_64, %dma_start3A_65] : memref<112x16xf32, #tpu.memory_space<vmem>> -> memref<80x16xf32, #tpu.memory_space<vmem>>
      tpu.enqueue_dma source(%dma_start3A_66 : memref<80x16xf32, #tpu.memory_space<vmem>>) target(%dma_start3A_63 : memref<80x16xf32, #tpu.memory_space<vmem_shared>>) target_semaphore(%run_scoped3A : memref<!tpu.dma_semaphore, #tpu.memory_space<semaphore_mem>>)
      %dma_wait3A = arith.constant 0 : i32
      %dma_wait3A_67 = arith.constant 0 : i32
      %dma_wait3A_68 = tpu.memref_slice %arg7[%dma_wait3A, %dma_wait3A_67] : memref<112x16xf32, #tpu.memory_space<vmem>> -> memref<80x16xf32, #tpu.memory_space<vmem>>
      %dma_wait3A_69 = arith.constant 0 : i32
      %dma_wait3A_70 = tpu.memref_slice %arg4[%add3A_41, %dma_wait3A_69] : memref<10240x16xf32, #tpu.memory_space<vmem_shared>> -> memref<80x16xf32, #tpu.memory_space<vmem_shared>>
      %dma_wait3A_71 = arith.constant 0 : i32
      %dma_wait3A_72 = tpu.memref_slice %arg4[%add3A_41, %dma_wait3A_71] : memref<10240x16xf32, #tpu.memory_space<vmem_shared>> -> memref<80x16xf32, #tpu.memory_space<vmem_shared>>
      %dma_wait3A_73 = arith.constant 0 : i32
      %dma_wait3A_74 = arith.constant 0 : i32
      %dma_wait3A_75 = tpu.memref_slice %arg7[%dma_wait3A_73, %dma_wait3A_74] : memref<112x16xf32, #tpu.memory_space<vmem>> -> memref<80x16xf32, #tpu.memory_space<vmem>>
      tpu.wait_dma2 semaphore(%run_scoped3A : memref<!tpu.dma_semaphore, #tpu.memory_space<semaphore_mem>>) src(%dma_wait3A_75 : memref<80x16xf32, #tpu.memory_space<vmem>>) dst(%dma_wait3A_72 : memref<80x16xf32, #tpu.memory_space<vmem_shared>>)
      tpu.yield
    }) : () -> ()
    %mul3A_42 = arith.constant 640 : i32
    %mul3A_43 = arith.muli %arg1, %mul3A_42 : i32
    %add3A_44 = arith.constant 560 : i32
    %add3A_45 = arith.addi %mul3A_43, %add3A_44 : i32
    "tpu.region"() ({
      %run_scoped3A = tpu.sem_alloc : memref<!tpu.dma_semaphore, #tpu.memory_space<semaphore_mem>>
      %dma_start3A = arith.constant 0 : i32
      %dma_start3A_58 = arith.constant 0 : i32
      %dma_start3A_59 = tpu.memref_slice %arg7[%dma_start3A, %dma_start3A_58] : memref<112x16xf32, #tpu.memory_space<vmem>> -> memref<80x16xf32, #tpu.memory_space<vmem>>
      %dma_start3A_60 = arith.constant 0 : i32
      %dma_start3A_61 = tpu.memref_slice %arg4[%add3A_45, %dma_start3A_60] : memref<10240x16xf32, #tpu.memory_space<vmem_shared>> -> memref<80x16xf32, #tpu.memory_space<vmem_shared>>
      %dma_start3A_62 = arith.constant 0 : i32
      %dma_start3A_63 = tpu.memref_slice %arg4[%add3A_45, %dma_start3A_62] : memref<10240x16xf32, #tpu.memory_space<vmem_shared>> -> memref<80x16xf32, #tpu.memory_space<vmem_shared>>
      %dma_start3A_64 = arith.constant 0 : i32
      %dma_start3A_65 = arith.constant 0 : i32
      %dma_start3A_66 = tpu.memref_slice %arg7[%dma_start3A_64, %dma_start3A_65] : memref<112x16xf32, #tpu.memory_space<vmem>> -> memref<80x16xf32, #tpu.memory_space<vmem>>
      tpu.enqueue_dma source(%dma_start3A_66 : memref<80x16xf32, #tpu.memory_space<vmem>>) target(%dma_start3A_63 : memref<80x16xf32, #tpu.memory_space<vmem_shared>>) target_semaphore(%run_scoped3A : memref<!tpu.dma_semaphore, #tpu.memory_space<semaphore_mem>>)
      %dma_wait3A = arith.constant 0 : i32
      %dma_wait3A_67 = arith.constant 0 : i32
      %dma_wait3A_68 = tpu.memref_slice %arg7[%dma_wait3A, %dma_wait3A_67] : memref<112x16xf32, #tpu.memory_space<vmem>> -> memref<80x16xf32, #tpu.memory_space<vmem>>
      %dma_wait3A_69 = arith.constant 0 : i32
      %dma_wait3A_70 = tpu.memref_slice %arg4[%add3A_45, %dma_wait3A_69] : memref<10240x16xf32, #tpu.memory_space<vmem_shared>> -> memref<80x16xf32, #tpu.memory_space<vmem_shared>>
      %dma_wait3A_71 = arith.constant 0 : i32
      %dma_wait3A_72 = tpu.memref_slice %arg4[%add3A_45, %dma_wait3A_71] : memref<10240x16xf32, #tpu.memory_space<vmem_shared>> -> memref<80x16xf32, #tpu.memory_space<vmem_shared>>
      %dma_wait3A_73 = arith.constant 0 : i32
      %dma_wait3A_74 = arith.constant 0 : i32
      %dma_wait3A_75 = tpu.memref_slice %arg7[%dma_wait3A_73, %dma_wait3A_74] : memref<112x16xf32, #tpu.memory_space<vmem>> -> memref<80x16xf32, #tpu.memory_space<vmem>>
      tpu.wait_dma2 semaphore(%run_scoped3A : memref<!tpu.dma_semaphore, #tpu.memory_space<semaphore_mem>>) src(%dma_wait3A_75 : memref<80x16xf32, #tpu.memory_space<vmem>>) dst(%dma_wait3A_72 : memref<80x16xf32, #tpu.memory_space<vmem_shared>>)
      tpu.yield
    }) : () -> ()
    "tpu.region"() ({
      %run_scoped3A = tpu.sem_alloc : memref<!tpu.dma_semaphore, #tpu.memory_space<semaphore_mem>>
      %dma_start3A = arith.constant 0 : i32
      %dma_start3A_58 = arith.constant 0 : i32
      %dma_start3A_59 = tpu.memref_slice %arg2[%add3A, %dma_start3A, %dma_start3A_58] : memref<32x90x112xi32, #tpu.memory_space<hbm>> -> memref<1x90x112xi32, #tpu.memory_space<hbm>>
      %dma_start3A_60 = tpu.memref_squeeze %dma_start3A_59 : memref<1x90x112xi32, #tpu.memory_space<hbm>> -> memref<90x112xi32, #tpu.memory_space<hbm>>
      %dma_start3A_61 = arith.constant 0 : i32
      %dma_start3A_62 = arith.constant 0 : i32
      %dma_start3A_63 = tpu.memref_slice %arg2[%add3A, %dma_start3A_61, %dma_start3A_62] : memref<32x90x112xi32, #tpu.memory_space<hbm>> -> memref<1x90x112xi32, #tpu.memory_space<hbm>>
      %dma_start3A_64 = tpu.memref_squeeze %dma_start3A_63 : memref<1x90x112xi32, #tpu.memory_space<hbm>> -> memref<90x112xi32, #tpu.memory_space<hbm>>
      tpu.enqueue_dma source(%dma_start3A_64 : memref<90x112xi32, #tpu.memory_space<hbm>>) target(%arg5 : memref<90x112xi32, #tpu.memory_space<vmem>>) target_semaphore(%run_scoped3A : memref<!tpu.dma_semaphore, #tpu.memory_space<semaphore_mem>>)
      %dma_wait3A = arith.constant 0 : i32
      %dma_wait3A_65 = arith.constant 0 : i32
      %dma_wait3A_66 = tpu.memref_slice %arg2[%add3A, %dma_wait3A, %dma_wait3A_65] : memref<32x90x112xi32, #tpu.memory_space<hbm>> -> memref<1x90x112xi32, #tpu.memory_space<hbm>>
      %dma_wait3A_67 = tpu.memref_squeeze %dma_wait3A_66 : memref<1x90x112xi32, #tpu.memory_space<hbm>> -> memref<90x112xi32, #tpu.memory_space<hbm>>
      %dma_wait3A_68 = arith.constant 0 : i32
      %dma_wait3A_69 = arith.constant 0 : i32
      %dma_wait3A_70 = tpu.memref_slice %arg2[%add3A, %dma_wait3A_68, %dma_wait3A_69] : memref<32x90x112xi32, #tpu.memory_space<hbm>> -> memref<1x90x112xi32, #tpu.memory_space<hbm>>
      %dma_wait3A_71 = tpu.memref_squeeze %dma_wait3A_70 : memref<1x90x112xi32, #tpu.memory_space<hbm>> -> memref<90x112xi32, #tpu.memory_space<hbm>>
      tpu.wait_dma2 semaphore(%run_scoped3A : memref<!tpu.dma_semaphore, #tpu.memory_space<semaphore_mem>>) src(%dma_wait3A_71 : memref<90x112xi32, #tpu.memory_space<hbm>>) dst(%arg5 : memref<90x112xi32, #tpu.memory_space<vmem>>)
      tpu.yield
    }) : () -> ()
    %barrier3A = arith.constant 0 : index
    tpu.barrier barrier_id(%barrier3A)
    %scan3A_46 = arith.constant 0 : i32
    %scan3A_47 = arith.constant 0 : i32
    %scan3A_48 = arith.constant 90 : i32
    %scan3A_49 = arith.addi %scan3A_47, %scan3A_48 : i32
    %scan3A_50 = arith.constant 1 : i32
    %scan3A_51 = scf.for %scan3A_58 = %scan3A_47 to %scan3A_49 step %scan3A_50 iter_args(%scan3A_59 = %scan3A_46) -> (i32)  : i32 {
      "tpu.region"() ({
        %run_scoped3A = tpu.sem_alloc : memref<!tpu.dma_semaphore, #tpu.memory_space<semaphore_mem>>
        %dma_start3A = arith.constant 0 : i32
        %dma_start3A_61 = tpu.memref_slice %arg5[%scan3A_58, %dma_start3A] : memref<90x112xi32, #tpu.memory_space<vmem>> -> memref<1x112xi32, #tpu.memory_space<vmem>>
        %dma_start3A_62 = tpu.memref_squeeze %dma_start3A_61 : memref<1x112xi32, #tpu.memory_space<vmem>> -> memref<112xi32, #tpu.memory_space<vmem>>
        %dma_start3A_63 = arith.constant 0 : i32
        %dma_start3A_64 = arith.constant 0 : i32
        %dma_start3A_65 = tpu.memref_slice %arg4[%dma_start3A_63, %dma_start3A_64] : memref<10240x16xf32, #tpu.memory_space<vmem_shared>> -> memref<10240x16xf32, #tpu.memory_space<vmem_shared>>
        tpu.enqueue_indirect_dma source(%arg6 : memref<112x16xf32, #tpu.memory_space<vmem>>) target(%dma_start3A_65 : memref<10240x16xf32, #tpu.memory_space<vmem_shared>>) offsets(%dma_start3A_62 : memref<112xi32, #tpu.memory_space<vmem>>) semaphore(%run_scoped3A : memref<!tpu.dma_semaphore, #tpu.memory_space<semaphore_mem>>) {add = true}
        %dma_wait3A = arith.constant 0 : i32
        %dma_wait3A_66 = tpu.memref_slice %arg5[%scan3A_58, %dma_wait3A] : memref<90x112xi32, #tpu.memory_space<vmem>> -> memref<1x112xi32, #tpu.memory_space<vmem>>
        %dma_wait3A_67 = tpu.memref_squeeze %dma_wait3A_66 : memref<1x112xi32, #tpu.memory_space<vmem>> -> memref<112xi32, #tpu.memory_space<vmem>>
        %dma_wait3A_68 = arith.constant 0 : i32
        %dma_wait3A_69 = arith.constant 0 : i32
        %dma_wait3A_70 = tpu.memref_slice %arg4[%dma_wait3A_68, %dma_wait3A_69] : memref<10240x16xf32, #tpu.memory_space<vmem_shared>> -> memref<10240x16xf32, #tpu.memory_space<vmem_shared>>
        tpu.wait_indirect_dma semaphore(%run_scoped3A : memref<!tpu.dma_semaphore, #tpu.memory_space<semaphore_mem>>) src(%arg6 : memref<112x16xf32, #tpu.memory_space<vmem>>) dst(%dma_wait3A_70 : memref<10240x16xf32, #tpu.memory_space<vmem_shared>>)
        tpu.yield
      }) : () -> ()
      %scan3A_60 = arith.constant 0 : i32
      scf.yield %scan3A_60 : i32
    }
    %scan3A_52 = arith.constant 90 : i32
    %barrier3A_53 = arith.constant 0 : index
    tpu.barrier barrier_id(%barrier3A_53)
    %mul3A_54 = arith.constant 640 : i32
    %mul3A_55 = arith.muli %arg1, %mul3A_54 : i32
    %mul3A_56 = arith.constant 640 : i32
    %mul3A_57 = arith.muli %arg1, %mul3A_56 : i32
    "tpu.region"() ({
      %run_scoped3A = tpu.sem_alloc : memref<!tpu.dma_semaphore, #tpu.memory_space<semaphore_mem>>
      %dma_start3A = arith.constant 0 : i32
      %dma_start3A_58 = tpu.memref_slice %arg3[%arg0, %mul3A_57, %dma_start3A] : memref<2x10240x16xf32, #tpu.memory_space<hbm>> -> memref<1x640x16xf32, #tpu.memory_space<hbm>>
      %dma_start3A_59 = tpu.memref_squeeze %dma_start3A_58 : memref<1x640x16xf32, #tpu.memory_space<hbm>> -> memref<640x16xf32, #tpu.memory_space<hbm>>
      %dma_start3A_60 = arith.constant 0 : i32
      %dma_start3A_61 = tpu.memref_slice %arg4[%mul3A_55, %dma_start3A_60] : memref<10240x16xf32, #tpu.memory_space<vmem_shared>> -> memref<640x16xf32, #tpu.memory_space<vmem_shared>>
      tpu.enqueue_dma source(%dma_start3A_61 : memref<640x16xf32, #tpu.memory_space<vmem_shared>>) target(%dma_start3A_59 : memref<640x16xf32, #tpu.memory_space<hbm>>) target_semaphore(%run_scoped3A : memref<!tpu.dma_semaphore, #tpu.memory_space<semaphore_mem>>)
      %dma_wait3A = arith.constant 0 : i32
      %dma_wait3A_62 = tpu.memref_slice %arg3[%arg0, %mul3A_57, %dma_wait3A] : memref<2x10240x16xf32, #tpu.memory_space<hbm>> -> memref<1x640x16xf32, #tpu.memory_space<hbm>>
      %dma_wait3A_63 = tpu.memref_squeeze %dma_wait3A_62 : memref<1x640x16xf32, #tpu.memory_space<hbm>> -> memref<640x16xf32, #tpu.memory_space<hbm>>
      %dma_wait3A_64 = arith.constant 0 : i32
      %dma_wait3A_65 = tpu.memref_slice %arg4[%mul3A_55, %dma_wait3A_64] : memref<10240x16xf32, #tpu.memory_space<vmem_shared>> -> memref<640x16xf32, #tpu.memory_space<vmem_shared>>
      tpu.wait_dma2 semaphore(%run_scoped3A : memref<!tpu.dma_semaphore, #tpu.memory_space<semaphore_mem>>) src(%dma_wait3A_65 : memref<640x16xf32, #tpu.memory_space<vmem_shared>>) dst(%dma_wait3A_63 : memref<640x16xf32, #tpu.memory_space<hbm>>)
      tpu.yield
    }) : () -> ()
    return
  }
}

#map = affine_map<(d0, d1) -> (0, 0)>
#map1 = affine_map<(d0, d1) -> (0, 0, 0)>
module attributes {stable_mosaic.version = 14 : i64} {
  func.func @_sc_scatter(%arg0: i32, %arg1: i32, %arg2: memref<10240x64xf32, #tpu.memory_space<hbm>>, %arg3: memref<32x90x112xi32, #tpu.memory_space<hbm>>, %arg4: memref<32x90x112xi32, #tpu.memory_space<hbm>>, %arg5: memref<2x10240x64xf32, #tpu.memory_space<hbm>>, %arg6: memref<10240x64xf32, #tpu.memory_space<vmem_shared>>, %arg7: memref<10240x64xf32, #tpu.memory_space<vmem_shared>>, %arg8: memref<90x112xi32, #tpu.memory_space<vmem>>, %arg9: memref<90x112xi32, #tpu.memory_space<vmem>>, %arg10: memref<112x64xf32, #tpu.memory_space<vmem>>, %arg11: memref<112x64xf32, #tpu.memory_space<vmem>>, %arg12: memref<112x64xf32, #tpu.memory_space<vmem>>, %arg13: memref<112x64xf32, #tpu.memory_space<vmem>>, %arg14: memref<!tpu.dma_semaphore, #tpu.memory_space<semaphore_mem>>, %arg15: memref<!tpu.dma_semaphore, #tpu.memory_space<semaphore_mem>>, %arg16: memref<!tpu.dma_semaphore, #tpu.memory_space<semaphore_mem>>, %arg17: memref<!tpu.dma_semaphore, #tpu.memory_space<semaphore_mem>>, %arg18: memref<!tpu.dma_semaphore, #tpu.memory_space<semaphore_mem>>, %arg19: memref<!tpu.dma_semaphore, #tpu.memory_space<semaphore_mem>>, %arg20: memref<!tpu.dma_semaphore, #tpu.memory_space<semaphore_mem>>, %arg21: memref<!tpu.dma_semaphore, #tpu.memory_space<semaphore_mem>>) attributes {dimension_semantics = [#tpu.dimension_semantics<core_parallel>, #tpu.dimension_semantics<subcore_parallel>], iteration_bounds = array<i64: 2, 16>, scalar_prefetch = 0 : i64, scratch_operands = 16 : i64, tpu.core_type = #tpu.core_type<sc_vector_subcore>, window_params = [{transform_indices = #map}, {transform_indices = #map1}, {transform_indices = #map1}, {transform_indices = #map1}]} {
    %mul3A = arith.constant 16 : i32
    %mul3A_0 = arith.muli %arg0, %mul3A : i32
    %add3A = arith.addi %mul3A_0, %arg1 : i32
    %scan3A = arith.constant 0 : i32
    %scan3A_1 = arith.constant 0 : i32
    %scan3A_2 = arith.constant 112 : i32
    %scan3A_3 = arith.addi %scan3A_1, %scan3A_2 : i32
    %scan3A_4 = arith.constant 4 : i32
    %scan3A_5 = scf.for %scan3A_137 = %scan3A_1 to %scan3A_3 step %scan3A_4 iter_args(%scan3A_138 = %scan3A) -> (i32)  : i32 {
      %broadcast_in_dim3A = arith.constant 0.000000e+00 : f32
      %broadcast_in_dim3A_139 = vector.broadcast %broadcast_in_dim3A : f32 to vector<16xf32>
      %swap3A = arith.index_cast %scan3A_137 : i32 to index
      %swap3A_140 = arith.constant 0 : index
      %swap3A_141 = tpu.vector_load %arg10[%swap3A, %swap3A_140] {strides = array<i32>} : memref<112x64xf32, #tpu.memory_space<vmem>>, vector<1x16xf32>,
      %swap3A_142 = vector.shape_cast %swap3A_141 : vector<1x16xf32> to vector<16xf32>
      %swap3A_143 = vector.shape_cast %broadcast_in_dim3A_139 : vector<16xf32> to vector<1x16xf32>
      tpu.vector_store %arg10[%swap3A, %swap3A_140], %swap3A_143 {strides = array<i32>} : memref<112x64xf32, #tpu.memory_space<vmem>>, vector<1x16xf32>,
      %broadcast_in_dim3A_144 = arith.constant 0.000000e+00 : f32
      %broadcast_in_dim3A_145 = vector.broadcast %broadcast_in_dim3A_144 : f32 to vector<16xf32>
      %swap3A_146 = arith.index_cast %scan3A_137 : i32 to index
      %swap3A_147 = arith.constant 16 : index
      %swap3A_148 = tpu.vector_load %arg10[%swap3A_146, %swap3A_147] {strides = array<i32>} : memref<112x64xf32, #tpu.memory_space<vmem>>, vector<1x16xf32>,
      %swap3A_149 = vector.shape_cast %swap3A_148 : vector<1x16xf32> to vector<16xf32>
      %swap3A_150 = vector.shape_cast %broadcast_in_dim3A_145 : vector<16xf32> to vector<1x16xf32>
      tpu.vector_store %arg10[%swap3A_146, %swap3A_147], %swap3A_150 {strides = array<i32>} : memref<112x64xf32, #tpu.memory_space<vmem>>, vector<1x16xf32>,
      %broadcast_in_dim3A_151 = arith.constant 0.000000e+00 : f32
      %broadcast_in_dim3A_152 = vector.broadcast %broadcast_in_dim3A_151 : f32 to vector<16xf32>
      %swap3A_153 = arith.index_cast %scan3A_137 : i32 to index
      %swap3A_154 = arith.constant 32 : index
      %swap3A_155 = tpu.vector_load %arg10[%swap3A_153, %swap3A_154] {strides = array<i32>} : memref<112x64xf32, #tpu.memory_space<vmem>>, vector<1x16xf32>,
      %swap3A_156 = vector.shape_cast %swap3A_155 : vector<1x16xf32> to vector<16xf32>
      %swap3A_157 = vector.shape_cast %broadcast_in_dim3A_152 : vector<16xf32> to vector<1x16xf32>
      tpu.vector_store %arg10[%swap3A_153, %swap3A_154], %swap3A_157 {strides = array<i32>} : memref<112x64xf32, #tpu.memory_space<vmem>>, vector<1x16xf32>,
      %broadcast_in_dim3A_158 = arith.constant 0.000000e+00 : f32
      %broadcast_in_dim3A_159 = vector.broadcast %broadcast_in_dim3A_158 : f32 to vector<16xf32>
      %swap3A_160 = arith.index_cast %scan3A_137 : i32 to index
      %swap3A_161 = arith.constant 48 : index
      %swap3A_162 = tpu.vector_load %arg10[%swap3A_160, %swap3A_161] {strides = array<i32>} : memref<112x64xf32, #tpu.memory_space<vmem>>, vector<1x16xf32>,
      %swap3A_163 = vector.shape_cast %swap3A_162 : vector<1x16xf32> to vector<16xf32>
      %swap3A_164 = vector.shape_cast %broadcast_in_dim3A_159 : vector<16xf32> to vector<1x16xf32>
      tpu.vector_store %arg10[%swap3A_160, %swap3A_161], %swap3A_164 {strides = array<i32>} : memref<112x64xf32, #tpu.memory_space<vmem>>, vector<1x16xf32>,
      %scan3A_165 = arith.constant 0 : i32
      %scan3A_166 = arith.constant 1 : i32
      %scan3A_167 = arith.addi %scan3A_137, %scan3A_166 : i32
      %broadcast_in_dim3A_168 = arith.constant 0.000000e+00 : f32
      %broadcast_in_dim3A_169 = vector.broadcast %broadcast_in_dim3A_168 : f32 to vector<16xf32>
      %swap3A_170 = arith.index_cast %scan3A_167 : i32 to index
      %swap3A_171 = arith.constant 0 : index
      %swap3A_172 = tpu.vector_load %arg10[%swap3A_170, %swap3A_171] {strides = array<i32>} : memref<112x64xf32, #tpu.memory_space<vmem>>, vector<1x16xf32>,
      %swap3A_173 = vector.shape_cast %swap3A_172 : vector<1x16xf32> to vector<16xf32>
      %swap3A_174 = vector.shape_cast %broadcast_in_dim3A_169 : vector<16xf32> to vector<1x16xf32>
      tpu.vector_store %arg10[%swap3A_170, %swap3A_171], %swap3A_174 {strides = array<i32>} : memref<112x64xf32, #tpu.memory_space<vmem>>, vector<1x16xf32>,
      %broadcast_in_dim3A_175 = arith.constant 0.000000e+00 : f32
      %broadcast_in_dim3A_176 = vector.broadcast %broadcast_in_dim3A_175 : f32 to vector<16xf32>
      %swap3A_177 = arith.index_cast %scan3A_167 : i32 to index
      %swap3A_178 = arith.constant 16 : index
      %swap3A_179 = tpu.vector_load %arg10[%swap3A_177, %swap3A_178] {strides = array<i32>} : memref<112x64xf32, #tpu.memory_space<vmem>>, vector<1x16xf32>,
      %swap3A_180 = vector.shape_cast %swap3A_179 : vector<1x16xf32> to vector<16xf32>
      %swap3A_181 = vector.shape_cast %broadcast_in_dim3A_176 : vector<16xf32> to vector<1x16xf32>
      tpu.vector_store %arg10[%swap3A_177, %swap3A_178], %swap3A_181 {strides = array<i32>} : memref<112x64xf32, #tpu.memory_space<vmem>>, vector<1x16xf32>,
      %broadcast_in_dim3A_182 = arith.constant 0.000000e+00 : f32
      %broadcast_in_dim3A_183 = vector.broadcast %broadcast_in_dim3A_182 : f32 to vector<16xf32>
      %swap3A_184 = arith.index_cast %scan3A_167 : i32 to index
      %swap3A_185 = arith.constant 32 : index
      %swap3A_186 = tpu.vector_load %arg10[%swap3A_184, %swap3A_185] {strides = array<i32>} : memref<112x64xf32, #tpu.memory_space<vmem>>, vector<1x16xf32>,
      %swap3A_187 = vector.shape_cast %swap3A_186 : vector<1x16xf32> to vector<16xf32>
      %swap3A_188 = vector.shape_cast %broadcast_in_dim3A_183 : vector<16xf32> to vector<1x16xf32>
      tpu.vector_store %arg10[%swap3A_184, %swap3A_185], %swap3A_188 {strides = array<i32>} : memref<112x64xf32, #tpu.memory_space<vmem>>, vector<1x16xf32>,
      %broadcast_in_dim3A_189 = arith.constant 0.000000e+00 : f32
      %broadcast_in_dim3A_190 = vector.broadcast %broadcast_in_dim3A_189 : f32 to vector<16xf32>
      %swap3A_191 = arith.index_cast %scan3A_167 : i32 to index
      %swap3A_192 = arith.constant 48 : index
      %swap3A_193 = tpu.vector_load %arg10[%swap3A_191, %swap3A_192] {strides = array<i32>} : memref<112x64xf32, #tpu.memory_space<vmem>>, vector<1x16xf32>,
      %swap3A_194 = vector.shape_cast %swap3A_193 : vector<1x16xf32> to vector<16xf32>
      %swap3A_195 = vector.shape_cast %broadcast_in_dim3A_190 : vector<16xf32> to vector<1x16xf32>
      tpu.vector_store %arg10[%swap3A_191, %swap3A_192], %swap3A_195 {strides = array<i32>} : memref<112x64xf32, #tpu.memory_space<vmem>>, vector<1x16xf32>,
      %scan3A_196 = arith.constant 0 : i32
      %scan3A_197 = arith.constant 2 : i32
      %scan3A_198 = arith.addi %scan3A_137, %scan3A_197 : i32
      %broadcast_in_dim3A_199 = arith.constant 0.000000e+00 : f32
      %broadcast_in_dim3A_200 = vector.broadcast %broadcast_in_dim3A_199 : f32 to vector<16xf32>
      %swap3A_201 = arith.index_cast %scan3A_198 : i32 to index
      %swap3A_202 = arith.constant 0 : index
      %swap3A_203 = tpu.vector_load %arg10[%swap3A_201, %swap3A_202] {strides = array<i32>} : memref<112x64xf32, #tpu.memory_space<vmem>>, vector<1x16xf32>,
      %swap3A_204 = vector.shape_cast %swap3A_203 : vector<1x16xf32> to vector<16xf32>
      %swap3A_205 = vector.shape_cast %broadcast_in_dim3A_200 : vector<16xf32> to vector<1x16xf32>
      tpu.vector_store %arg10[%swap3A_201, %swap3A_202], %swap3A_205 {strides = array<i32>} : memref<112x64xf32, #tpu.memory_space<vmem>>, vector<1x16xf32>,
      %broadcast_in_dim3A_206 = arith.constant 0.000000e+00 : f32
      %broadcast_in_dim3A_207 = vector.broadcast %broadcast_in_dim3A_206 : f32 to vector<16xf32>
      %swap3A_208 = arith.index_cast %scan3A_198 : i32 to index
      %swap3A_209 = arith.constant 16 : index
      %swap3A_210 = tpu.vector_load %arg10[%swap3A_208, %swap3A_209] {strides = array<i32>} : memref<112x64xf32, #tpu.memory_space<vmem>>, vector<1x16xf32>,
      %swap3A_211 = vector.shape_cast %swap3A_210 : vector<1x16xf32> to vector<16xf32>
      %swap3A_212 = vector.shape_cast %broadcast_in_dim3A_207 : vector<16xf32> to vector<1x16xf32>
      tpu.vector_store %arg10[%swap3A_208, %swap3A_209], %swap3A_212 {strides = array<i32>} : memref<112x64xf32, #tpu.memory_space<vmem>>, vector<1x16xf32>,
      %broadcast_in_dim3A_213 = arith.constant 0.000000e+00 : f32
      %broadcast_in_dim3A_214 = vector.broadcast %broadcast_in_dim3A_213 : f32 to vector<16xf32>
      %swap3A_215 = arith.index_cast %scan3A_198 : i32 to index
      %swap3A_216 = arith.constant 32 : index
      %swap3A_217 = tpu.vector_load %arg10[%swap3A_215, %swap3A_216] {strides = array<i32>} : memref<112x64xf32, #tpu.memory_space<vmem>>, vector<1x16xf32>,
      %swap3A_218 = vector.shape_cast %swap3A_217 : vector<1x16xf32> to vector<16xf32>
      %swap3A_219 = vector.shape_cast %broadcast_in_dim3A_214 : vector<16xf32> to vector<1x16xf32>
      tpu.vector_store %arg10[%swap3A_215, %swap3A_216], %swap3A_219 {strides = array<i32>} : memref<112x64xf32, #tpu.memory_space<vmem>>, vector<1x16xf32>,
      %broadcast_in_dim3A_220 = arith.constant 0.000000e+00 : f32
      %broadcast_in_dim3A_221 = vector.broadcast %broadcast_in_dim3A_220 : f32 to vector<16xf32>
      %swap3A_222 = arith.index_cast %scan3A_198 : i32 to index
      %swap3A_223 = arith.constant 48 : index
      %swap3A_224 = tpu.vector_load %arg10[%swap3A_222, %swap3A_223] {strides = array<i32>} : memref<112x64xf32, #tpu.memory_space<vmem>>, vector<1x16xf32>,
      %swap3A_225 = vector.shape_cast %swap3A_224 : vector<1x16xf32> to vector<16xf32>
      %swap3A_226 = vector.shape_cast %broadcast_in_dim3A_221 : vector<16xf32> to vector<1x16xf32>
      tpu.vector_store %arg10[%swap3A_222, %swap3A_223], %swap3A_226 {strides = array<i32>} : memref<112x64xf32, #tpu.memory_space<vmem>>, vector<1x16xf32>,
      %scan3A_227 = arith.constant 0 : i32
      %scan3A_228 = arith.constant 3 : i32
      %scan3A_229 = arith.addi %scan3A_137, %scan3A_228 : i32
      %broadcast_in_dim3A_230 = arith.constant 0.000000e+00 : f32
      %broadcast_in_dim3A_231 = vector.broadcast %broadcast_in_dim3A_230 : f32 to vector<16xf32>
      %swap3A_232 = arith.index_cast %scan3A_229 : i32 to index
      %swap3A_233 = arith.constant 0 : index
      %swap3A_234 = tpu.vector_load %arg10[%swap3A_232, %swap3A_233] {strides = array<i32>} : memref<112x64xf32, #tpu.memory_space<vmem>>, vector<1x16xf32>,
      %swap3A_235 = vector.shape_cast %swap3A_234 : vector<1x16xf32> to vector<16xf32>
      %swap3A_236 = vector.shape_cast %broadcast_in_dim3A_231 : vector<16xf32> to vector<1x16xf32>
      tpu.vector_store %arg10[%swap3A_232, %swap3A_233], %swap3A_236 {strides = array<i32>} : memref<112x64xf32, #tpu.memory_space<vmem>>, vector<1x16xf32>,
      %broadcast_in_dim3A_237 = arith.constant 0.000000e+00 : f32
      %broadcast_in_dim3A_238 = vector.broadcast %broadcast_in_dim3A_237 : f32 to vector<16xf32>
      %swap3A_239 = arith.index_cast %scan3A_229 : i32 to index
      %swap3A_240 = arith.constant 16 : index
      %swap3A_241 = tpu.vector_load %arg10[%swap3A_239, %swap3A_240] {strides = array<i32>} : memref<112x64xf32, #tpu.memory_space<vmem>>, vector<1x16xf32>,
      %swap3A_242 = vector.shape_cast %swap3A_241 : vector<1x16xf32> to vector<16xf32>
      %swap3A_243 = vector.shape_cast %broadcast_in_dim3A_238 : vector<16xf32> to vector<1x16xf32>
      tpu.vector_store %arg10[%swap3A_239, %swap3A_240], %swap3A_243 {strides = array<i32>} : memref<112x64xf32, #tpu.memory_space<vmem>>, vector<1x16xf32>,
      %broadcast_in_dim3A_244 = arith.constant 0.000000e+00 : f32
      %broadcast_in_dim3A_245 = vector.broadcast %broadcast_in_dim3A_244 : f32 to vector<16xf32>
      %swap3A_246 = arith.index_cast %scan3A_229 : i32 to index
      %swap3A_247 = arith.constant 32 : index
      %swap3A_248 = tpu.vector_load %arg10[%swap3A_246, %swap3A_247] {strides = array<i32>} : memref<112x64xf32, #tpu.memory_space<vmem>>, vector<1x16xf32>,
      %swap3A_249 = vector.shape_cast %swap3A_248 : vector<1x16xf32> to vector<16xf32>
      %swap3A_250 = vector.shape_cast %broadcast_in_dim3A_245 : vector<16xf32> to vector<1x16xf32>
      tpu.vector_store %arg10[%swap3A_246, %swap3A_247], %swap3A_250 {strides = array<i32>} : memref<112x64xf32, #tpu.memory_space<vmem>>, vector<1x16xf32>,
      %broadcast_in_dim3A_251 = arith.constant 0.000000e+00 : f32
      %broadcast_in_dim3A_252 = vector.broadcast %broadcast_in_dim3A_251 : f32 to vector<16xf32>
      %swap3A_253 = arith.index_cast %scan3A_229 : i32 to index
      %swap3A_254 = arith.constant 48 : index
      %swap3A_255 = tpu.vector_load %arg10[%swap3A_253, %swap3A_254] {strides = array<i32>} : memref<112x64xf32, #tpu.memory_space<vmem>>, vector<1x16xf32>,
      %swap3A_256 = vector.shape_cast %swap3A_255 : vector<1x16xf32> to vector<16xf32>
      %swap3A_257 = vector.shape_cast %broadcast_in_dim3A_252 : vector<16xf32> to vector<1x16xf32>
      tpu.vector_store %arg10[%swap3A_253, %swap3A_254], %swap3A_257 {strides = array<i32>} : memref<112x64xf32, #tpu.memory_space<vmem>>, vector<1x16xf32>,
      %scan3A_258 = arith.constant 0 : i32
      scf.yield %scan3A_258 : i32
    }
    %scan3A_6 = arith.constant 112 : i32
    %mul3A_7 = arith.constant 640 : i32
    %mul3A_8 = arith.muli %arg1, %mul3A_7 : i32
    %add3A_9 = arith.constant 0 : i32
    %add3A_10 = arith.addi %mul3A_8, %add3A_9 : i32
    "tpu.region"() ({
      %run_scoped3A = tpu.sem_alloc : memref<!tpu.dma_semaphore, #tpu.memory_space<semaphore_mem>>
      %dma_start3A_137 = arith.constant 0 : i32
      %dma_start3A_138 = arith.constant 0 : i32
      %dma_start3A_139 = tpu.memref_slice %arg10[%dma_start3A_137, %dma_start3A_138] : memref<112x64xf32, #tpu.memory_space<vmem>> -> memref<80x64xf32, #tpu.memory_space<vmem>>
      %dma_start3A_140 = arith.constant 0 : i32
      %dma_start3A_141 = tpu.memref_slice %arg7[%add3A_10, %dma_start3A_140] : memref<10240x64xf32, #tpu.memory_space<vmem_shared>> -> memref<80x64xf32, #tpu.memory_space<vmem_shared>>
      %dma_start3A_142 = arith.constant 0 : i32
      %dma_start3A_143 = tpu.memref_slice %arg7[%add3A_10, %dma_start3A_142] : memref<10240x64xf32, #tpu.memory_space<vmem_shared>> -> memref<80x64xf32, #tpu.memory_space<vmem_shared>>
      %dma_start3A_144 = arith.constant 0 : i32
      %dma_start3A_145 = arith.constant 0 : i32
      %dma_start3A_146 = tpu.memref_slice %arg10[%dma_start3A_144, %dma_start3A_145] : memref<112x64xf32, #tpu.memory_space<vmem>> -> memref<80x64xf32, #tpu.memory_space<vmem>>
      tpu.enqueue_dma source(%dma_start3A_146 : memref<80x64xf32, #tpu.memory_space<vmem>>) target(%dma_start3A_143 : memref<80x64xf32, #tpu.memory_space<vmem_shared>>) target_semaphore(%run_scoped3A : memref<!tpu.dma_semaphore, #tpu.memory_space<semaphore_mem>>)
      %dma_wait3A_147 = arith.constant 0 : i32
      %dma_wait3A_148 = arith.constant 0 : i32
      %dma_wait3A_149 = tpu.memref_slice %arg10[%dma_wait3A_147, %dma_wait3A_148] : memref<112x64xf32, #tpu.memory_space<vmem>> -> memref<80x64xf32, #tpu.memory_space<vmem>>
      %dma_wait3A_150 = arith.constant 0 : i32
      %dma_wait3A_151 = tpu.memref_slice %arg7[%add3A_10, %dma_wait3A_150] : memref<10240x64xf32, #tpu.memory_space<vmem_shared>> -> memref<80x64xf32, #tpu.memory_space<vmem_shared>>
      %dma_wait3A_152 = arith.constant 0 : i32
      %dma_wait3A_153 = tpu.memref_slice %arg7[%add3A_10, %dma_wait3A_152] : memref<10240x64xf32, #tpu.memory_space<vmem_shared>> -> memref<80x64xf32, #tpu.memory_space<vmem_shared>>
      %dma_wait3A_154 = arith.constant 0 : i32
      %dma_wait3A_155 = arith.constant 0 : i32
      %dma_wait3A_156 = tpu.memref_slice %arg10[%dma_wait3A_154, %dma_wait3A_155] : memref<112x64xf32, #tpu.memory_space<vmem>> -> memref<80x64xf32, #tpu.memory_space<vmem>>
      tpu.wait_dma2 semaphore(%run_scoped3A : memref<!tpu.dma_semaphore, #tpu.memory_space<semaphore_mem>>) src(%dma_wait3A_156 : memref<80x64xf32, #tpu.memory_space<vmem>>) dst(%dma_wait3A_153 : memref<80x64xf32, #tpu.memory_space<vmem_shared>>)
      tpu.yield
    }) : () -> ()
    %mul3A_11 = arith.constant 640 : i32
    %mul3A_12 = arith.muli %arg1, %mul3A_11 : i32
    %add3A_13 = arith.constant 80 : i32
    %add3A_14 = arith.addi %mul3A_12, %add3A_13 : i32
    "tpu.region"() ({
      %run_scoped3A = tpu.sem_alloc : memref<!tpu.dma_semaphore, #tpu.memory_space<semaphore_mem>>
      %dma_start3A_137 = arith.constant 0 : i32
      %dma_start3A_138 = arith.constant 0 : i32
      %dma_start3A_139 = tpu.memref_slice %arg10[%dma_start3A_137, %dma_start3A_138] : memref<112x64xf32, #tpu.memory_space<vmem>> -> memref<80x64xf32, #tpu.memory_space<vmem>>
      %dma_start3A_140 = arith.constant 0 : i32
      %dma_start3A_141 = tpu.memref_slice %arg7[%add3A_14, %dma_start3A_140] : memref<10240x64xf32, #tpu.memory_space<vmem_shared>> -> memref<80x64xf32, #tpu.memory_space<vmem_shared>>
      %dma_start3A_142 = arith.constant 0 : i32
      %dma_start3A_143 = tpu.memref_slice %arg7[%add3A_14, %dma_start3A_142] : memref<10240x64xf32, #tpu.memory_space<vmem_shared>> -> memref<80x64xf32, #tpu.memory_space<vmem_shared>>
      %dma_start3A_144 = arith.constant 0 : i32
      %dma_start3A_145 = arith.constant 0 : i32
      %dma_start3A_146 = tpu.memref_slice %arg10[%dma_start3A_144, %dma_start3A_145] : memref<112x64xf32, #tpu.memory_space<vmem>> -> memref<80x64xf32, #tpu.memory_space<vmem>>
      tpu.enqueue_dma source(%dma_start3A_146 : memref<80x64xf32, #tpu.memory_space<vmem>>) target(%dma_start3A_143 : memref<80x64xf32, #tpu.memory_space<vmem_shared>>) target_semaphore(%run_scoped3A : memref<!tpu.dma_semaphore, #tpu.memory_space<semaphore_mem>>)
      %dma_wait3A_147 = arith.constant 0 : i32
      %dma_wait3A_148 = arith.constant 0 : i32
      %dma_wait3A_149 = tpu.memref_slice %arg10[%dma_wait3A_147, %dma_wait3A_148] : memref<112x64xf32, #tpu.memory_space<vmem>> -> memref<80x64xf32, #tpu.memory_space<vmem>>
      %dma_wait3A_150 = arith.constant 0 : i32
      %dma_wait3A_151 = tpu.memref_slice %arg7[%add3A_14, %dma_wait3A_150] : memref<10240x64xf32, #tpu.memory_space<vmem_shared>> -> memref<80x64xf32, #tpu.memory_space<vmem_shared>>
      %dma_wait3A_152 = arith.constant 0 : i32
      %dma_wait3A_153 = tpu.memref_slice %arg7[%add3A_14, %dma_wait3A_152] : memref<10240x64xf32, #tpu.memory_space<vmem_shared>> -> memref<80x64xf32, #tpu.memory_space<vmem_shared>>
      %dma_wait3A_154 = arith.constant 0 : i32
      %dma_wait3A_155 = arith.constant 0 : i32
      %dma_wait3A_156 = tpu.memref_slice %arg10[%dma_wait3A_154, %dma_wait3A_155] : memref<112x64xf32, #tpu.memory_space<vmem>> -> memref<80x64xf32, #tpu.memory_space<vmem>>
      tpu.wait_dma2 semaphore(%run_scoped3A : memref<!tpu.dma_semaphore, #tpu.memory_space<semaphore_mem>>) src(%dma_wait3A_156 : memref<80x64xf32, #tpu.memory_space<vmem>>) dst(%dma_wait3A_153 : memref<80x64xf32, #tpu.memory_space<vmem_shared>>)
      tpu.yield
    }) : () -> ()
    %mul3A_15 = arith.constant 640 : i32
    %mul3A_16 = arith.muli %arg1, %mul3A_15 : i32
    %add3A_17 = arith.constant 160 : i32
    %add3A_18 = arith.addi %mul3A_16, %add3A_17 : i32
    "tpu.region"() ({
      %run_scoped3A = tpu.sem_alloc : memref<!tpu.dma_semaphore, #tpu.memory_space<semaphore_mem>>
      %dma_start3A_137 = arith.constant 0 : i32
      %dma_start3A_138 = arith.constant 0 : i32
      %dma_start3A_139 = tpu.memref_slice %arg10[%dma_start3A_137, %dma_start3A_138] : memref<112x64xf32, #tpu.memory_space<vmem>> -> memref<80x64xf32, #tpu.memory_space<vmem>>
      %dma_start3A_140 = arith.constant 0 : i32
      %dma_start3A_141 = tpu.memref_slice %arg7[%add3A_18, %dma_start3A_140] : memref<10240x64xf32, #tpu.memory_space<vmem_shared>> -> memref<80x64xf32, #tpu.memory_space<vmem_shared>>
      %dma_start3A_142 = arith.constant 0 : i32
      %dma_start3A_143 = tpu.memref_slice %arg7[%add3A_18, %dma_start3A_142] : memref<10240x64xf32, #tpu.memory_space<vmem_shared>> -> memref<80x64xf32, #tpu.memory_space<vmem_shared>>
      %dma_start3A_144 = arith.constant 0 : i32
      %dma_start3A_145 = arith.constant 0 : i32
      %dma_start3A_146 = tpu.memref_slice %arg10[%dma_start3A_144, %dma_start3A_145] : memref<112x64xf32, #tpu.memory_space<vmem>> -> memref<80x64xf32, #tpu.memory_space<vmem>>
      tpu.enqueue_dma source(%dma_start3A_146 : memref<80x64xf32, #tpu.memory_space<vmem>>) target(%dma_start3A_143 : memref<80x64xf32, #tpu.memory_space<vmem_shared>>) target_semaphore(%run_scoped3A : memref<!tpu.dma_semaphore, #tpu.memory_space<semaphore_mem>>)
      %dma_wait3A_147 = arith.constant 0 : i32
      %dma_wait3A_148 = arith.constant 0 : i32
      %dma_wait3A_149 = tpu.memref_slice %arg10[%dma_wait3A_147, %dma_wait3A_148] : memref<112x64xf32, #tpu.memory_space<vmem>> -> memref<80x64xf32, #tpu.memory_space<vmem>>
      %dma_wait3A_150 = arith.constant 0 : i32
      %dma_wait3A_151 = tpu.memref_slice %arg7[%add3A_18, %dma_wait3A_150] : memref<10240x64xf32, #tpu.memory_space<vmem_shared>> -> memref<80x64xf32, #tpu.memory_space<vmem_shared>>
      %dma_wait3A_152 = arith.constant 0 : i32
      %dma_wait3A_153 = tpu.memref_slice %arg7[%add3A_18, %dma_wait3A_152] : memref<10240x64xf32, #tpu.memory_space<vmem_shared>> -> memref<80x64xf32, #tpu.memory_space<vmem_shared>>
      %dma_wait3A_154 = arith.constant 0 : i32
      %dma_wait3A_155 = arith.constant 0 : i32
      %dma_wait3A_156 = tpu.memref_slice %arg10[%dma_wait3A_154, %dma_wait3A_155] : memref<112x64xf32, #tpu.memory_space<vmem>> -> memref<80x64xf32, #tpu.memory_space<vmem>>
      tpu.wait_dma2 semaphore(%run_scoped3A : memref<!tpu.dma_semaphore, #tpu.memory_space<semaphore_mem>>) src(%dma_wait3A_156 : memref<80x64xf32, #tpu.memory_space<vmem>>) dst(%dma_wait3A_153 : memref<80x64xf32, #tpu.memory_space<vmem_shared>>)
      tpu.yield
    }) : () -> ()
    %mul3A_19 = arith.constant 640 : i32
    %mul3A_20 = arith.muli %arg1, %mul3A_19 : i32
    %add3A_21 = arith.constant 240 : i32
    %add3A_22 = arith.addi %mul3A_20, %add3A_21 : i32
    "tpu.region"() ({
      %run_scoped3A = tpu.sem_alloc : memref<!tpu.dma_semaphore, #tpu.memory_space<semaphore_mem>>
      %dma_start3A_137 = arith.constant 0 : i32
      %dma_start3A_138 = arith.constant 0 : i32
      %dma_start3A_139 = tpu.memref_slice %arg10[%dma_start3A_137, %dma_start3A_138] : memref<112x64xf32, #tpu.memory_space<vmem>> -> memref<80x64xf32, #tpu.memory_space<vmem>>
      %dma_start3A_140 = arith.constant 0 : i32
      %dma_start3A_141 = tpu.memref_slice %arg7[%add3A_22, %dma_start3A_140] : memref<10240x64xf32, #tpu.memory_space<vmem_shared>> -> memref<80x64xf32, #tpu.memory_space<vmem_shared>>
      %dma_start3A_142 = arith.constant 0 : i32
      %dma_start3A_143 = tpu.memref_slice %arg7[%add3A_22, %dma_start3A_142] : memref<10240x64xf32, #tpu.memory_space<vmem_shared>> -> memref<80x64xf32, #tpu.memory_space<vmem_shared>>
      %dma_start3A_144 = arith.constant 0 : i32
      %dma_start3A_145 = arith.constant 0 : i32
      %dma_start3A_146 = tpu.memref_slice %arg10[%dma_start3A_144, %dma_start3A_145] : memref<112x64xf32, #tpu.memory_space<vmem>> -> memref<80x64xf32, #tpu.memory_space<vmem>>
      tpu.enqueue_dma source(%dma_start3A_146 : memref<80x64xf32, #tpu.memory_space<vmem>>) target(%dma_start3A_143 : memref<80x64xf32, #tpu.memory_space<vmem_shared>>) target_semaphore(%run_scoped3A : memref<!tpu.dma_semaphore, #tpu.memory_space<semaphore_mem>>)
      %dma_wait3A_147 = arith.constant 0 : i32
      %dma_wait3A_148 = arith.constant 0 : i32
      %dma_wait3A_149 = tpu.memref_slice %arg10[%dma_wait3A_147, %dma_wait3A_148] : memref<112x64xf32, #tpu.memory_space<vmem>> -> memref<80x64xf32, #tpu.memory_space<vmem>>
      %dma_wait3A_150 = arith.constant 0 : i32
      %dma_wait3A_151 = tpu.memref_slice %arg7[%add3A_22, %dma_wait3A_150] : memref<10240x64xf32, #tpu.memory_space<vmem_shared>> -> memref<80x64xf32, #tpu.memory_space<vmem_shared>>
      %dma_wait3A_152 = arith.constant 0 : i32
      %dma_wait3A_153 = tpu.memref_slice %arg7[%add3A_22, %dma_wait3A_152] : memref<10240x64xf32, #tpu.memory_space<vmem_shared>> -> memref<80x64xf32, #tpu.memory_space<vmem_shared>>
      %dma_wait3A_154 = arith.constant 0 : i32
      %dma_wait3A_155 = arith.constant 0 : i32
      %dma_wait3A_156 = tpu.memref_slice %arg10[%dma_wait3A_154, %dma_wait3A_155] : memref<112x64xf32, #tpu.memory_space<vmem>> -> memref<80x64xf32, #tpu.memory_space<vmem>>
      tpu.wait_dma2 semaphore(%run_scoped3A : memref<!tpu.dma_semaphore, #tpu.memory_space<semaphore_mem>>) src(%dma_wait3A_156 : memref<80x64xf32, #tpu.memory_space<vmem>>) dst(%dma_wait3A_153 : memref<80x64xf32, #tpu.memory_space<vmem_shared>>)
      tpu.yield
    }) : () -> ()
    %mul3A_23 = arith.constant 640 : i32
    %mul3A_24 = arith.muli %arg1, %mul3A_23 : i32
    %add3A_25 = arith.constant 320 : i32
    %add3A_26 = arith.addi %mul3A_24, %add3A_25 : i32
    "tpu.region"() ({
      %run_scoped3A = tpu.sem_alloc : memref<!tpu.dma_semaphore, #tpu.memory_space<semaphore_mem>>
      %dma_start3A_137 = arith.constant 0 : i32
      %dma_start3A_138 = arith.constant 0 : i32
      %dma_start3A_139 = tpu.memref_slice %arg10[%dma_start3A_137, %dma_start3A_138] : memref<112x64xf32, #tpu.memory_space<vmem>> -> memref<80x64xf32, #tpu.memory_space<vmem>>
      %dma_start3A_140 = arith.constant 0 : i32
      %dma_start3A_141 = tpu.memref_slice %arg7[%add3A_26, %dma_start3A_140] : memref<10240x64xf32, #tpu.memory_space<vmem_shared>> -> memref<80x64xf32, #tpu.memory_space<vmem_shared>>
      %dma_start3A_142 = arith.constant 0 : i32
      %dma_start3A_143 = tpu.memref_slice %arg7[%add3A_26, %dma_start3A_142] : memref<10240x64xf32, #tpu.memory_space<vmem_shared>> -> memref<80x64xf32, #tpu.memory_space<vmem_shared>>
      %dma_start3A_144 = arith.constant 0 : i32
      %dma_start3A_145 = arith.constant 0 : i32
      %dma_start3A_146 = tpu.memref_slice %arg10[%dma_start3A_144, %dma_start3A_145] : memref<112x64xf32, #tpu.memory_space<vmem>> -> memref<80x64xf32, #tpu.memory_space<vmem>>
      tpu.enqueue_dma source(%dma_start3A_146 : memref<80x64xf32, #tpu.memory_space<vmem>>) target(%dma_start3A_143 : memref<80x64xf32, #tpu.memory_space<vmem_shared>>) target_semaphore(%run_scoped3A : memref<!tpu.dma_semaphore, #tpu.memory_space<semaphore_mem>>)
      %dma_wait3A_147 = arith.constant 0 : i32
      %dma_wait3A_148 = arith.constant 0 : i32
      %dma_wait3A_149 = tpu.memref_slice %arg10[%dma_wait3A_147, %dma_wait3A_148] : memref<112x64xf32, #tpu.memory_space<vmem>> -> memref<80x64xf32, #tpu.memory_space<vmem>>
      %dma_wait3A_150 = arith.constant 0 : i32
      %dma_wait3A_151 = tpu.memref_slice %arg7[%add3A_26, %dma_wait3A_150] : memref<10240x64xf32, #tpu.memory_space<vmem_shared>> -> memref<80x64xf32, #tpu.memory_space<vmem_shared>>
      %dma_wait3A_152 = arith.constant 0 : i32
      %dma_wait3A_153 = tpu.memref_slice %arg7[%add3A_26, %dma_wait3A_152] : memref<10240x64xf32, #tpu.memory_space<vmem_shared>> -> memref<80x64xf32, #tpu.memory_space<vmem_shared>>
      %dma_wait3A_154 = arith.constant 0 : i32
      %dma_wait3A_155 = arith.constant 0 : i32
      %dma_wait3A_156 = tpu.memref_slice %arg10[%dma_wait3A_154, %dma_wait3A_155] : memref<112x64xf32, #tpu.memory_space<vmem>> -> memref<80x64xf32, #tpu.memory_space<vmem>>
      tpu.wait_dma2 semaphore(%run_scoped3A : memref<!tpu.dma_semaphore, #tpu.memory_space<semaphore_mem>>) src(%dma_wait3A_156 : memref<80x64xf32, #tpu.memory_space<vmem>>) dst(%dma_wait3A_153 : memref<80x64xf32, #tpu.memory_space<vmem_shared>>)
      tpu.yield
    }) : () -> ()
    %mul3A_27 = arith.constant 640 : i32
    %mul3A_28 = arith.muli %arg1, %mul3A_27 : i32
    %add3A_29 = arith.constant 400 : i32
    %add3A_30 = arith.addi %mul3A_28, %add3A_29 : i32
    "tpu.region"() ({
      %run_scoped3A = tpu.sem_alloc : memref<!tpu.dma_semaphore, #tpu.memory_space<semaphore_mem>>
      %dma_start3A_137 = arith.constant 0 : i32
      %dma_start3A_138 = arith.constant 0 : i32
      %dma_start3A_139 = tpu.memref_slice %arg10[%dma_start3A_137, %dma_start3A_138] : memref<112x64xf32, #tpu.memory_space<vmem>> -> memref<80x64xf32, #tpu.memory_space<vmem>>
      %dma_start3A_140 = arith.constant 0 : i32
      %dma_start3A_141 = tpu.memref_slice %arg7[%add3A_30, %dma_start3A_140] : memref<10240x64xf32, #tpu.memory_space<vmem_shared>> -> memref<80x64xf32, #tpu.memory_space<vmem_shared>>
      %dma_start3A_142 = arith.constant 0 : i32
      %dma_start3A_143 = tpu.memref_slice %arg7[%add3A_30, %dma_start3A_142] : memref<10240x64xf32, #tpu.memory_space<vmem_shared>> -> memref<80x64xf32, #tpu.memory_space<vmem_shared>>
      %dma_start3A_144 = arith.constant 0 : i32
      %dma_start3A_145 = arith.constant 0 : i32
      %dma_start3A_146 = tpu.memref_slice %arg10[%dma_start3A_144, %dma_start3A_145] : memref<112x64xf32, #tpu.memory_space<vmem>> -> memref<80x64xf32, #tpu.memory_space<vmem>>
      tpu.enqueue_dma source(%dma_start3A_146 : memref<80x64xf32, #tpu.memory_space<vmem>>) target(%dma_start3A_143 : memref<80x64xf32, #tpu.memory_space<vmem_shared>>) target_semaphore(%run_scoped3A : memref<!tpu.dma_semaphore, #tpu.memory_space<semaphore_mem>>)
      %dma_wait3A_147 = arith.constant 0 : i32
      %dma_wait3A_148 = arith.constant 0 : i32
      %dma_wait3A_149 = tpu.memref_slice %arg10[%dma_wait3A_147, %dma_wait3A_148] : memref<112x64xf32, #tpu.memory_space<vmem>> -> memref<80x64xf32, #tpu.memory_space<vmem>>
      %dma_wait3A_150 = arith.constant 0 : i32
      %dma_wait3A_151 = tpu.memref_slice %arg7[%add3A_30, %dma_wait3A_150] : memref<10240x64xf32, #tpu.memory_space<vmem_shared>> -> memref<80x64xf32, #tpu.memory_space<vmem_shared>>
      %dma_wait3A_152 = arith.constant 0 : i32
      %dma_wait3A_153 = tpu.memref_slice %arg7[%add3A_30, %dma_wait3A_152] : memref<10240x64xf32, #tpu.memory_space<vmem_shared>> -> memref<80x64xf32, #tpu.memory_space<vmem_shared>>
      %dma_wait3A_154 = arith.constant 0 : i32
      %dma_wait3A_155 = arith.constant 0 : i32
      %dma_wait3A_156 = tpu.memref_slice %arg10[%dma_wait3A_154, %dma_wait3A_155] : memref<112x64xf32, #tpu.memory_space<vmem>> -> memref<80x64xf32, #tpu.memory_space<vmem>>
      tpu.wait_dma2 semaphore(%run_scoped3A : memref<!tpu.dma_semaphore, #tpu.memory_space<semaphore_mem>>) src(%dma_wait3A_156 : memref<80x64xf32, #tpu.memory_space<vmem>>) dst(%dma_wait3A_153 : memref<80x64xf32, #tpu.memory_space<vmem_shared>>)
      tpu.yield
    }) : () -> ()
    %mul3A_31 = arith.constant 640 : i32
    %mul3A_32 = arith.muli %arg1, %mul3A_31 : i32
    %add3A_33 = arith.constant 480 : i32
    %add3A_34 = arith.addi %mul3A_32, %add3A_33 : i32
    "tpu.region"() ({
      %run_scoped3A = tpu.sem_alloc : memref<!tpu.dma_semaphore, #tpu.memory_space<semaphore_mem>>
      %dma_start3A_137 = arith.constant 0 : i32
      %dma_start3A_138 = arith.constant 0 : i32
      %dma_start3A_139 = tpu.memref_slice %arg10[%dma_start3A_137, %dma_start3A_138] : memref<112x64xf32, #tpu.memory_space<vmem>> -> memref<80x64xf32, #tpu.memory_space<vmem>>
      %dma_start3A_140 = arith.constant 0 : i32
      %dma_start3A_141 = tpu.memref_slice %arg7[%add3A_34, %dma_start3A_140] : memref<10240x64xf32, #tpu.memory_space<vmem_shared>> -> memref<80x64xf32, #tpu.memory_space<vmem_shared>>
      %dma_start3A_142 = arith.constant 0 : i32
      %dma_start3A_143 = tpu.memref_slice %arg7[%add3A_34, %dma_start3A_142] : memref<10240x64xf32, #tpu.memory_space<vmem_shared>> -> memref<80x64xf32, #tpu.memory_space<vmem_shared>>
      %dma_start3A_144 = arith.constant 0 : i32
      %dma_start3A_145 = arith.constant 0 : i32
      %dma_start3A_146 = tpu.memref_slice %arg10[%dma_start3A_144, %dma_start3A_145] : memref<112x64xf32, #tpu.memory_space<vmem>> -> memref<80x64xf32, #tpu.memory_space<vmem>>
      tpu.enqueue_dma source(%dma_start3A_146 : memref<80x64xf32, #tpu.memory_space<vmem>>) target(%dma_start3A_143 : memref<80x64xf32, #tpu.memory_space<vmem_shared>>) target_semaphore(%run_scoped3A : memref<!tpu.dma_semaphore, #tpu.memory_space<semaphore_mem>>)
      %dma_wait3A_147 = arith.constant 0 : i32
      %dma_wait3A_148 = arith.constant 0 : i32
      %dma_wait3A_149 = tpu.memref_slice %arg10[%dma_wait3A_147, %dma_wait3A_148] : memref<112x64xf32, #tpu.memory_space<vmem>> -> memref<80x64xf32, #tpu.memory_space<vmem>>
      %dma_wait3A_150 = arith.constant 0 : i32
      %dma_wait3A_151 = tpu.memref_slice %arg7[%add3A_34, %dma_wait3A_150] : memref<10240x64xf32, #tpu.memory_space<vmem_shared>> -> memref<80x64xf32, #tpu.memory_space<vmem_shared>>
      %dma_wait3A_152 = arith.constant 0 : i32
      %dma_wait3A_153 = tpu.memref_slice %arg7[%add3A_34, %dma_wait3A_152] : memref<10240x64xf32, #tpu.memory_space<vmem_shared>> -> memref<80x64xf32, #tpu.memory_space<vmem_shared>>
      %dma_wait3A_154 = arith.constant 0 : i32
      %dma_wait3A_155 = arith.constant 0 : i32
      %dma_wait3A_156 = tpu.memref_slice %arg10[%dma_wait3A_154, %dma_wait3A_155] : memref<112x64xf32, #tpu.memory_space<vmem>> -> memref<80x64xf32, #tpu.memory_space<vmem>>
      tpu.wait_dma2 semaphore(%run_scoped3A : memref<!tpu.dma_semaphore, #tpu.memory_space<semaphore_mem>>) src(%dma_wait3A_156 : memref<80x64xf32, #tpu.memory_space<vmem>>) dst(%dma_wait3A_153 : memref<80x64xf32, #tpu.memory_space<vmem_shared>>)
      tpu.yield
    }) : () -> ()
    %mul3A_35 = arith.constant 640 : i32
    %mul3A_36 = arith.muli %arg1, %mul3A_35 : i32
    %add3A_37 = arith.constant 560 : i32
    %add3A_38 = arith.addi %mul3A_36, %add3A_37 : i32
    "tpu.region"() ({
      %run_scoped3A = tpu.sem_alloc : memref<!tpu.dma_semaphore, #tpu.memory_space<semaphore_mem>>
      %dma_start3A_137 = arith.constant 0 : i32
      %dma_start3A_138 = arith.constant 0 : i32
      %dma_start3A_139 = tpu.memref_slice %arg10[%dma_start3A_137, %dma_start3A_138] : memref<112x64xf32, #tpu.memory_space<vmem>> -> memref<80x64xf32, #tpu.memory_space<vmem>>
      %dma_start3A_140 = arith.constant 0 : i32
      %dma_start3A_141 = tpu.memref_slice %arg7[%add3A_38, %dma_start3A_140] : memref<10240x64xf32, #tpu.memory_space<vmem_shared>> -> memref<80x64xf32, #tpu.memory_space<vmem_shared>>
      %dma_start3A_142 = arith.constant 0 : i32
      %dma_start3A_143 = tpu.memref_slice %arg7[%add3A_38, %dma_start3A_142] : memref<10240x64xf32, #tpu.memory_space<vmem_shared>> -> memref<80x64xf32, #tpu.memory_space<vmem_shared>>
      %dma_start3A_144 = arith.constant 0 : i32
      %dma_start3A_145 = arith.constant 0 : i32
      %dma_start3A_146 = tpu.memref_slice %arg10[%dma_start3A_144, %dma_start3A_145] : memref<112x64xf32, #tpu.memory_space<vmem>> -> memref<80x64xf32, #tpu.memory_space<vmem>>
      tpu.enqueue_dma source(%dma_start3A_146 : memref<80x64xf32, #tpu.memory_space<vmem>>) target(%dma_start3A_143 : memref<80x64xf32, #tpu.memory_space<vmem_shared>>) target_semaphore(%run_scoped3A : memref<!tpu.dma_semaphore, #tpu.memory_space<semaphore_mem>>)
      %dma_wait3A_147 = arith.constant 0 : i32
      %dma_wait3A_148 = arith.constant 0 : i32
      %dma_wait3A_149 = tpu.memref_slice %arg10[%dma_wait3A_147, %dma_wait3A_148] : memref<112x64xf32, #tpu.memory_space<vmem>> -> memref<80x64xf32, #tpu.memory_space<vmem>>
      %dma_wait3A_150 = arith.constant 0 : i32
      %dma_wait3A_151 = tpu.memref_slice %arg7[%add3A_38, %dma_wait3A_150] : memref<10240x64xf32, #tpu.memory_space<vmem_shared>> -> memref<80x64xf32, #tpu.memory_space<vmem_shared>>
      %dma_wait3A_152 = arith.constant 0 : i32
      %dma_wait3A_153 = tpu.memref_slice %arg7[%add3A_38, %dma_wait3A_152] : memref<10240x64xf32, #tpu.memory_space<vmem_shared>> -> memref<80x64xf32, #tpu.memory_space<vmem_shared>>
      %dma_wait3A_154 = arith.constant 0 : i32
      %dma_wait3A_155 = arith.constant 0 : i32
      %dma_wait3A_156 = tpu.memref_slice %arg10[%dma_wait3A_154, %dma_wait3A_155] : memref<112x64xf32, #tpu.memory_space<vmem>> -> memref<80x64xf32, #tpu.memory_space<vmem>>
      tpu.wait_dma2 semaphore(%run_scoped3A : memref<!tpu.dma_semaphore, #tpu.memory_space<semaphore_mem>>) src(%dma_wait3A_156 : memref<80x64xf32, #tpu.memory_space<vmem>>) dst(%dma_wait3A_153 : memref<80x64xf32, #tpu.memory_space<vmem_shared>>)
      tpu.yield
    }) : () -> ()
    %mul3A_39 = arith.constant 640 : i32
    %mul3A_40 = arith.muli %arg1, %mul3A_39 : i32
    %mul3A_41 = arith.constant 640 : i32
    %mul3A_42 = arith.muli %arg1, %mul3A_41 : i32
    "tpu.region"() ({
      %run_scoped3A = tpu.sem_alloc : memref<!tpu.dma_semaphore, #tpu.memory_space<semaphore_mem>>
      %dma_start3A_137 = arith.constant 0 : i32
      %dma_start3A_138 = tpu.memref_slice %arg6[%mul3A_42, %dma_start3A_137] : memref<10240x64xf32, #tpu.memory_space<vmem_shared>> -> memref<640x64xf32, #tpu.memory_space<vmem_shared>>
      %dma_start3A_139 = arith.constant 0 : i32
      %dma_start3A_140 = tpu.memref_slice %arg2[%mul3A_40, %dma_start3A_139] : memref<10240x64xf32, #tpu.memory_space<hbm>> -> memref<640x64xf32, #tpu.memory_space<hbm>>
      tpu.enqueue_dma source(%dma_start3A_140 : memref<640x64xf32, #tpu.memory_space<hbm>>) target(%dma_start3A_138 : memref<640x64xf32, #tpu.memory_space<vmem_shared>>) target_semaphore(%run_scoped3A : memref<!tpu.dma_semaphore, #tpu.memory_space<semaphore_mem>>)
      %dma_wait3A_141 = arith.constant 0 : i32
      %dma_wait3A_142 = tpu.memref_slice %arg6[%mul3A_42, %dma_wait3A_141] : memref<10240x64xf32, #tpu.memory_space<vmem_shared>> -> memref<640x64xf32, #tpu.memory_space<vmem_shared>>
      %dma_wait3A_143 = arith.constant 0 : i32
      %dma_wait3A_144 = tpu.memref_slice %arg2[%mul3A_40, %dma_wait3A_143] : memref<10240x64xf32, #tpu.memory_space<hbm>> -> memref<640x64xf32, #tpu.memory_space<hbm>>
      tpu.wait_dma2 semaphore(%run_scoped3A : memref<!tpu.dma_semaphore, #tpu.memory_space<semaphore_mem>>) src(%dma_wait3A_144 : memref<640x64xf32, #tpu.memory_space<hbm>>) dst(%dma_wait3A_142 : memref<640x64xf32, #tpu.memory_space<vmem_shared>>)
      tpu.yield
    }) : () -> ()
    "tpu.region"() ({
      %run_scoped3A = tpu.sem_alloc : memref<!tpu.dma_semaphore, #tpu.memory_space<semaphore_mem>>
      %dma_start3A_137 = arith.constant 0 : i32
      %dma_start3A_138 = arith.constant 0 : i32
      %dma_start3A_139 = tpu.memref_slice %arg3[%add3A, %dma_start3A_137, %dma_start3A_138] : memref<32x90x112xi32, #tpu.memory_space<hbm>> -> memref<1x90x112xi32, #tpu.memory_space<hbm>>
      %dma_start3A_140 = tpu.memref_squeeze %dma_start3A_139 : memref<1x90x112xi32, #tpu.memory_space<hbm>> -> memref<90x112xi32, #tpu.memory_space<hbm>>
      %dma_start3A_141 = arith.constant 0 : i32
      %dma_start3A_142 = arith.constant 0 : i32
      %dma_start3A_143 = tpu.memref_slice %arg3[%add3A, %dma_start3A_141, %dma_start3A_142] : memref<32x90x112xi32, #tpu.memory_space<hbm>> -> memref<1x90x112xi32, #tpu.memory_space<hbm>>
      %dma_start3A_144 = tpu.memref_squeeze %dma_start3A_143 : memref<1x90x112xi32, #tpu.memory_space<hbm>> -> memref<90x112xi32, #tpu.memory_space<hbm>>
      tpu.enqueue_dma source(%dma_start3A_144 : memref<90x112xi32, #tpu.memory_space<hbm>>) target(%arg8 : memref<90x112xi32, #tpu.memory_space<vmem>>) target_semaphore(%run_scoped3A : memref<!tpu.dma_semaphore, #tpu.memory_space<semaphore_mem>>)
      %dma_wait3A_145 = arith.constant 0 : i32
      %dma_wait3A_146 = arith.constant 0 : i32
      %dma_wait3A_147 = tpu.memref_slice %arg3[%add3A, %dma_wait3A_145, %dma_wait3A_146] : memref<32x90x112xi32, #tpu.memory_space<hbm>> -> memref<1x90x112xi32, #tpu.memory_space<hbm>>
      %dma_wait3A_148 = tpu.memref_squeeze %dma_wait3A_147 : memref<1x90x112xi32, #tpu.memory_space<hbm>> -> memref<90x112xi32, #tpu.memory_space<hbm>>
      %dma_wait3A_149 = arith.constant 0 : i32
      %dma_wait3A_150 = arith.constant 0 : i32
      %dma_wait3A_151 = tpu.memref_slice %arg3[%add3A, %dma_wait3A_149, %dma_wait3A_150] : memref<32x90x112xi32, #tpu.memory_space<hbm>> -> memref<1x90x112xi32, #tpu.memory_space<hbm>>
      %dma_wait3A_152 = tpu.memref_squeeze %dma_wait3A_151 : memref<1x90x112xi32, #tpu.memory_space<hbm>> -> memref<90x112xi32, #tpu.memory_space<hbm>>
      tpu.wait_dma2 semaphore(%run_scoped3A : memref<!tpu.dma_semaphore, #tpu.memory_space<semaphore_mem>>) src(%dma_wait3A_152 : memref<90x112xi32, #tpu.memory_space<hbm>>) dst(%arg8 : memref<90x112xi32, #tpu.memory_space<vmem>>)
      tpu.yield
    }) : () -> ()
    "tpu.region"() ({
      %run_scoped3A = tpu.sem_alloc : memref<!tpu.dma_semaphore, #tpu.memory_space<semaphore_mem>>
      %dma_start3A_137 = arith.constant 0 : i32
      %dma_start3A_138 = arith.constant 0 : i32
      %dma_start3A_139 = tpu.memref_slice %arg4[%add3A, %dma_start3A_137, %dma_start3A_138] : memref<32x90x112xi32, #tpu.memory_space<hbm>> -> memref<1x90x112xi32, #tpu.memory_space<hbm>>
      %dma_start3A_140 = tpu.memref_squeeze %dma_start3A_139 : memref<1x90x112xi32, #tpu.memory_space<hbm>> -> memref<90x112xi32, #tpu.memory_space<hbm>>
      %dma_start3A_141 = arith.constant 0 : i32
      %dma_start3A_142 = arith.constant 0 : i32
      %dma_start3A_143 = tpu.memref_slice %arg4[%add3A, %dma_start3A_141, %dma_start3A_142] : memref<32x90x112xi32, #tpu.memory_space<hbm>> -> memref<1x90x112xi32, #tpu.memory_space<hbm>>
      %dma_start3A_144 = tpu.memref_squeeze %dma_start3A_143 : memref<1x90x112xi32, #tpu.memory_space<hbm>> -> memref<90x112xi32, #tpu.memory_space<hbm>>
      tpu.enqueue_dma source(%dma_start3A_144 : memref<90x112xi32, #tpu.memory_space<hbm>>) target(%arg9 : memref<90x112xi32, #tpu.memory_space<vmem>>) target_semaphore(%run_scoped3A : memref<!tpu.dma_semaphore, #tpu.memory_space<semaphore_mem>>)
      %dma_wait3A_145 = arith.constant 0 : i32
      %dma_wait3A_146 = arith.constant 0 : i32
      %dma_wait3A_147 = tpu.memref_slice %arg4[%add3A, %dma_wait3A_145, %dma_wait3A_146] : memref<32x90x112xi32, #tpu.memory_space<hbm>> -> memref<1x90x112xi32, #tpu.memory_space<hbm>>
      %dma_wait3A_148 = tpu.memref_squeeze %dma_wait3A_147 : memref<1x90x112xi32, #tpu.memory_space<hbm>> -> memref<90x112xi32, #tpu.memory_space<hbm>>
      %dma_wait3A_149 = arith.constant 0 : i32
      %dma_wait3A_150 = arith.constant 0 : i32
      %dma_wait3A_151 = tpu.memref_slice %arg4[%add3A, %dma_wait3A_149, %dma_wait3A_150] : memref<32x90x112xi32, #tpu.memory_space<hbm>> -> memref<1x90x112xi32, #tpu.memory_space<hbm>>
      %dma_wait3A_152 = tpu.memref_squeeze %dma_wait3A_151 : memref<1x90x112xi32, #tpu.memory_space<hbm>> -> memref<90x112xi32, #tpu.memory_space<hbm>>
      tpu.wait_dma2 semaphore(%run_scoped3A : memref<!tpu.dma_semaphore, #tpu.memory_space<semaphore_mem>>) src(%dma_wait3A_152 : memref<90x112xi32, #tpu.memory_space<hbm>>) dst(%arg9 : memref<90x112xi32, #tpu.memory_space<vmem>>)
      tpu.yield
    }) : () -> ()
    %barrier3A = arith.constant 0 : index
    tpu.barrier barrier_id(%barrier3A)
    %dma_start3A = arith.constant 0 : i32
    %dma_start3A_43 = arith.constant 0 : i32
    %dma_start3A_44 = tpu.memref_slice %arg8[%dma_start3A, %dma_start3A_43] : memref<90x112xi32, #tpu.memory_space<vmem>> -> memref<1x112xi32, #tpu.memory_space<vmem>>
    %dma_start3A_45 = tpu.memref_squeeze %dma_start3A_44 : memref<1x112xi32, #tpu.memory_space<vmem>> -> memref<112xi32, #tpu.memory_space<vmem>>
    %dma_start3A_46 = arith.constant 0 : i32
    %dma_start3A_47 = arith.constant 0 : i32
    %dma_start3A_48 = tpu.memref_slice %arg6[%dma_start3A_46, %dma_start3A_47] : memref<10240x64xf32, #tpu.memory_space<vmem_shared>> -> memref<10240x64xf32, #tpu.memory_space<vmem_shared>>
    tpu.enqueue_indirect_dma source(%dma_start3A_48 : memref<10240x64xf32, #tpu.memory_space<vmem_shared>>) target(%arg10 : memref<112x64xf32, #tpu.memory_space<vmem>>) offsets(%dma_start3A_45 : memref<112xi32, #tpu.memory_space<vmem>>) semaphore(%arg14 : memref<!tpu.dma_semaphore, #tpu.memory_space<semaphore_mem>>)
    %dma_start3A_49 = arith.constant 1 : i32
    %dma_start3A_50 = arith.constant 0 : i32
    %dma_start3A_51 = tpu.memref_slice %arg8[%dma_start3A_49, %dma_start3A_50] : memref<90x112xi32, #tpu.memory_space<vmem>> -> memref<1x112xi32, #tpu.memory_space<vmem>>
    %dma_start3A_52 = tpu.memref_squeeze %dma_start3A_51 : memref<1x112xi32, #tpu.memory_space<vmem>> -> memref<112xi32, #tpu.memory_space<vmem>>
    %dma_start3A_53 = arith.constant 0 : i32
    %dma_start3A_54 = arith.constant 0 : i32
    %dma_start3A_55 = tpu.memref_slice %arg6[%dma_start3A_53, %dma_start3A_54] : memref<10240x64xf32, #tpu.memory_space<vmem_shared>> -> memref<10240x64xf32, #tpu.memory_space<vmem_shared>>
    tpu.enqueue_indirect_dma source(%dma_start3A_55 : memref<10240x64xf32, #tpu.memory_space<vmem_shared>>) target(%arg11 : memref<112x64xf32, #tpu.memory_space<vmem>>) offsets(%dma_start3A_52 : memref<112xi32, #tpu.memory_space<vmem>>) semaphore(%arg15 : memref<!tpu.dma_semaphore, #tpu.memory_space<semaphore_mem>>)
    %dma_wait3A = arith.constant 0 : i32
    %dma_wait3A_56 = arith.constant 0 : i32
    %dma_wait3A_57 = tpu.memref_slice %arg8[%dma_wait3A, %dma_wait3A_56] : memref<90x112xi32, #tpu.memory_space<vmem>> -> memref<1x112xi32, #tpu.memory_space<vmem>>
    %dma_wait3A_58 = tpu.memref_squeeze %dma_wait3A_57 : memref<1x112xi32, #tpu.memory_space<vmem>> -> memref<112xi32, #tpu.memory_space<vmem>>
    %dma_wait3A_59 = arith.constant 0 : i32
    %dma_wait3A_60 = arith.constant 0 : i32
    %dma_wait3A_61 = tpu.memref_slice %arg6[%dma_wait3A_59, %dma_wait3A_60] : memref<10240x64xf32, #tpu.memory_space<vmem_shared>> -> memref<10240x64xf32, #tpu.memory_space<vmem_shared>>
    tpu.wait_indirect_dma semaphore(%arg14 : memref<!tpu.dma_semaphore, #tpu.memory_space<semaphore_mem>>) src(%dma_wait3A_61 : memref<10240x64xf32, #tpu.memory_space<vmem_shared>>) dst(%arg10 : memref<112x64xf32, #tpu.memory_space<vmem>>)
    %dma_start3A_62 = arith.constant 0 : i32
    %dma_start3A_63 = arith.constant 0 : i32
    %dma_start3A_64 = tpu.memref_slice %arg9[%dma_start3A_62, %dma_start3A_63] : memref<90x112xi32, #tpu.memory_space<vmem>> -> memref<1x112xi32, #tpu.memory_space<vmem>>
    %dma_start3A_65 = tpu.memref_squeeze %dma_start3A_64 : memref<1x112xi32, #tpu.memory_space<vmem>> -> memref<112xi32, #tpu.memory_space<vmem>>
    %dma_start3A_66 = arith.constant 0 : i32
    %dma_start3A_67 = arith.constant 0 : i32
    %dma_start3A_68 = tpu.memref_slice %arg7[%dma_start3A_66, %dma_start3A_67] : memref<10240x64xf32, #tpu.memory_space<vmem_shared>> -> memref<10240x64xf32, #tpu.memory_space<vmem_shared>>
    tpu.enqueue_indirect_dma source(%arg10 : memref<112x64xf32, #tpu.memory_space<vmem>>) target(%dma_start3A_68 : memref<10240x64xf32, #tpu.memory_space<vmem_shared>>) offsets(%dma_start3A_65 : memref<112xi32, #tpu.memory_space<vmem>>) semaphore(%arg18 : memref<!tpu.dma_semaphore, #tpu.memory_space<semaphore_mem>>) {add = true}
    %dma_start3A_69 = arith.constant 2 : i32
    %dma_start3A_70 = arith.constant 0 : i32
    %dma_start3A_71 = tpu.memref_slice %arg8[%dma_start3A_69, %dma_start3A_70] : memref<90x112xi32, #tpu.memory_space<vmem>> -> memref<1x112xi32, #tpu.memory_space<vmem>>
    %dma_start3A_72 = tpu.memref_squeeze %dma_start3A_71 : memref<1x112xi32, #tpu.memory_space<vmem>> -> memref<112xi32, #tpu.memory_space<vmem>>
    %dma_start3A_73 = arith.constant 0 : i32
    %dma_start3A_74 = arith.constant 0 : i32
    %dma_start3A_75 = tpu.memref_slice %arg6[%dma_start3A_73, %dma_start3A_74] : memref<10240x64xf32, #tpu.memory_space<vmem_shared>> -> memref<10240x64xf32, #tpu.memory_space<vmem_shared>>
    tpu.enqueue_indirect_dma source(%dma_start3A_75 : memref<10240x64xf32, #tpu.memory_space<vmem_shared>>) target(%arg12 : memref<112x64xf32, #tpu.memory_space<vmem>>) offsets(%dma_start3A_72 : memref<112xi32, #tpu.memory_space<vmem>>) semaphore(%arg16 : memref<!tpu.dma_semaphore, #tpu.memory_space<semaphore_mem>>)
    %dma_wait3A_76 = arith.constant 1 : i32
    %dma_wait3A_77 = arith.constant 0 : i32
    %dma_wait3A_78 = tpu.memref_slice %arg8[%dma_wait3A_76, %dma_wait3A_77] : memref<90x112xi32, #tpu.memory_space<vmem>> -> memref<1x112xi32, #tpu.memory_space<vmem>>
    %dma_wait3A_79 = tpu.memref_squeeze %dma_wait3A_78 : memref<1x112xi32, #tpu.memory_space<vmem>> -> memref<112xi32, #tpu.memory_space<vmem>>
    %dma_wait3A_80 = arith.constant 0 : i32
    %dma_wait3A_81 = arith.constant 0 : i32
    %dma_wait3A_82 = tpu.memref_slice %arg6[%dma_wait3A_80, %dma_wait3A_81] : memref<10240x64xf32, #tpu.memory_space<vmem_shared>> -> memref<10240x64xf32, #tpu.memory_space<vmem_shared>>
    tpu.wait_indirect_dma semaphore(%arg15 : memref<!tpu.dma_semaphore, #tpu.memory_space<semaphore_mem>>) src(%dma_wait3A_82 : memref<10240x64xf32, #tpu.memory_space<vmem_shared>>) dst(%arg11 : memref<112x64xf32, #tpu.memory_space<vmem>>)
    %dma_start3A_83 = arith.constant 1 : i32
    %dma_start3A_84 = arith.constant 0 : i32
    %dma_start3A_85 = tpu.memref_slice %arg9[%dma_start3A_83, %dma_start3A_84] : memref<90x112xi32, #tpu.memory_space<vmem>> -> memref<1x112xi32, #tpu.memory_space<vmem>>
    %dma_start3A_86 = tpu.memref_squeeze %dma_start3A_85 : memref<1x112xi32, #tpu.memory_space<vmem>> -> memref<112xi32, #tpu.memory_space<vmem>>
    %dma_start3A_87 = arith.constant 0 : i32
    %dma_start3A_88 = arith.constant 0 : i32
    %dma_start3A_89 = tpu.memref_slice %arg7[%dma_start3A_87, %dma_start3A_88] : memref<10240x64xf32, #tpu.memory_space<vmem_shared>> -> memref<10240x64xf32, #tpu.memory_space<vmem_shared>>
    tpu.enqueue_indirect_dma source(%arg11 : memref<112x64xf32, #tpu.memory_space<vmem>>) target(%dma_start3A_89 : memref<10240x64xf32, #tpu.memory_space<vmem_shared>>) offsets(%dma_start3A_86 : memref<112xi32, #tpu.memory_space<vmem>>) semaphore(%arg19 : memref<!tpu.dma_semaphore, #tpu.memory_space<semaphore_mem>>) {add = true}
    %dma_start3A_90 = arith.constant 3 : i32
    %dma_start3A_91 = arith.constant 0 : i32
    %dma_start3A_92 = tpu.memref_slice %arg8[%dma_start3A_90, %dma_start3A_91] : memref<90x112xi32, #tpu.memory_space<vmem>> -> memref<1x112xi32, #tpu.memory_space<vmem>>
    %dma_start3A_93 = tpu.memref_squeeze %dma_start3A_92 : memref<1x112xi32, #tpu.memory_space<vmem>> -> memref<112xi32, #tpu.memory_space<vmem>>
    %dma_start3A_94 = arith.constant 0 : i32
    %dma_start3A_95 = arith.constant 0 : i32
    %dma_start3A_96 = tpu.memref_slice %arg6[%dma_start3A_94, %dma_start3A_95] : memref<10240x64xf32, #tpu.memory_space<vmem_shared>> -> memref<10240x64xf32, #tpu.memory_space<vmem_shared>>
    tpu.enqueue_indirect_dma source(%dma_start3A_96 : memref<10240x64xf32, #tpu.memory_space<vmem_shared>>) target(%arg13 : memref<112x64xf32, #tpu.memory_space<vmem>>) offsets(%dma_start3A_93 : memref<112xi32, #tpu.memory_space<vmem>>) semaphore(%arg17 : memref<!tpu.dma_semaphore, #tpu.memory_space<semaphore_mem>>)
    %scan3A_97 = arith.constant 0 : i32
    %scan3A_98 = arith.constant 0 : i32
    %scan3A_99 = arith.constant 22 : i32
    %scan3A_100 = arith.addi %scan3A_98, %scan3A_99 : i32
    %scan3A_101 = arith.constant 1 : i32
    %scan3A_102 = scf.for %scan3A_137 = %scan3A_98 to %scan3A_100 step %scan3A_101 iter_args(%scan3A_138 = %scan3A_97) -> (i32)  : i32 {
      %mul3A_139 = arith.constant 4 : i32
      %mul3A_140 = arith.muli %mul3A_139, %scan3A_137 : i32
      %add3A_141 = arith.constant 2 : i32
      %add3A_142 = arith.addi %mul3A_140, %add3A_141 : i32
      %add3A_143 = arith.constant 0 : i32
      %add3A_144 = arith.addi %add3A_142, %add3A_143 : i32
      %dma_wait3A_145 = arith.constant 0 : i32
      %dma_wait3A_146 = tpu.memref_slice %arg8[%add3A_144, %dma_wait3A_145] : memref<90x112xi32, #tpu.memory_space<vmem>> -> memref<1x112xi32, #tpu.memory_space<vmem>>
      %dma_wait3A_147 = tpu.memref_squeeze %dma_wait3A_146 : memref<1x112xi32, #tpu.memory_space<vmem>> -> memref<112xi32, #tpu.memory_space<vmem>>
      %dma_wait3A_148 = arith.constant 0 : i32
      %dma_wait3A_149 = arith.constant 0 : i32
      %dma_wait3A_150 = tpu.memref_slice %arg6[%dma_wait3A_148, %dma_wait3A_149] : memref<10240x64xf32, #tpu.memory_space<vmem_shared>> -> memref<10240x64xf32, #tpu.memory_space<vmem_shared>>
      tpu.wait_indirect_dma semaphore(%arg16 : memref<!tpu.dma_semaphore, #tpu.memory_space<semaphore_mem>>) src(%dma_wait3A_150 : memref<10240x64xf32, #tpu.memory_space<vmem_shared>>) dst(%arg12 : memref<112x64xf32, #tpu.memory_space<vmem>>)
      %dma_start3A_151 = arith.constant 0 : i32
      %dma_start3A_152 = tpu.memref_slice %arg9[%add3A_144, %dma_start3A_151] : memref<90x112xi32, #tpu.memory_space<vmem>> -> memref<1x112xi32, #tpu.memory_space<vmem>>
      %dma_start3A_153 = tpu.memref_squeeze %dma_start3A_152 : memref<1x112xi32, #tpu.memory_space<vmem>> -> memref<112xi32, #tpu.memory_space<vmem>>
      %dma_start3A_154 = arith.constant 0 : i32
      %dma_start3A_155 = arith.constant 0 : i32
      %dma_start3A_156 = tpu.memref_slice %arg7[%dma_start3A_154, %dma_start3A_155] : memref<10240x64xf32, #tpu.memory_space<vmem_shared>> -> memref<10240x64xf32, #tpu.memory_space<vmem_shared>>
      tpu.enqueue_indirect_dma source(%arg12 : memref<112x64xf32, #tpu.memory_space<vmem>>) target(%dma_start3A_156 : memref<10240x64xf32, #tpu.memory_space<vmem_shared>>) offsets(%dma_start3A_153 : memref<112xi32, #tpu.memory_space<vmem>>) semaphore(%arg20 : memref<!tpu.dma_semaphore, #tpu.memory_space<semaphore_mem>>) {add = true}
      %sub3A = arith.constant 2 : i32
      %sub3A_157 = arith.subi %add3A_144, %sub3A : i32
      %dma_wait3A_158 = arith.constant 0 : i32
      %dma_wait3A_159 = tpu.memref_slice %arg9[%sub3A_157, %dma_wait3A_158] : memref<90x112xi32, #tpu.memory_space<vmem>> -> memref<1x112xi32, #tpu.memory_space<vmem>>
      %dma_wait3A_160 = tpu.memref_squeeze %dma_wait3A_159 : memref<1x112xi32, #tpu.memory_space<vmem>> -> memref<112xi32, #tpu.memory_space<vmem>>
      %dma_wait3A_161 = arith.constant 0 : i32
      %dma_wait3A_162 = arith.constant 0 : i32
      %dma_wait3A_163 = tpu.memref_slice %arg7[%dma_wait3A_161, %dma_wait3A_162] : memref<10240x64xf32, #tpu.memory_space<vmem_shared>> -> memref<10240x64xf32, #tpu.memory_space<vmem_shared>>
      tpu.wait_indirect_dma semaphore(%arg18 : memref<!tpu.dma_semaphore, #tpu.memory_space<semaphore_mem>>) src(%arg10 : memref<112x64xf32, #tpu.memory_space<vmem>>) dst(%dma_wait3A_163 : memref<10240x64xf32, #tpu.memory_space<vmem_shared>>)
      %add3A_164 = arith.constant 2 : i32
      %add3A_165 = arith.addi %add3A_144, %add3A_164 : i32
      %rem3A = arith.constant 90 : i32
      %rem3A_166 = arith.remsi %add3A_165, %rem3A : i32
      %dma_start3A_167 = arith.constant 0 : i32
      %dma_start3A_168 = tpu.memref_slice %arg8[%rem3A_166, %dma_start3A_167] : memref<90x112xi32, #tpu.memory_space<vmem>> -> memref<1x112xi32, #tpu.memory_space<vmem>>
      %dma_start3A_169 = tpu.memref_squeeze %dma_start3A_168 : memref<1x112xi32, #tpu.memory_space<vmem>> -> memref<112xi32, #tpu.memory_space<vmem>>
      %dma_start3A_170 = arith.constant 0 : i32
      %dma_start3A_171 = arith.constant 0 : i32
      %dma_start3A_172 = tpu.memref_slice %arg6[%dma_start3A_170, %dma_start3A_171] : memref<10240x64xf32, #tpu.memory_space<vmem_shared>> -> memref<10240x64xf32, #tpu.memory_space<vmem_shared>>
      tpu.enqueue_indirect_dma source(%dma_start3A_172 : memref<10240x64xf32, #tpu.memory_space<vmem_shared>>) target(%arg10 : memref<112x64xf32, #tpu.memory_space<vmem>>) offsets(%dma_start3A_169 : memref<112xi32, #tpu.memory_space<vmem>>) semaphore(%arg14 : memref<!tpu.dma_semaphore, #tpu.memory_space<semaphore_mem>>)
      %mul3A_173 = arith.constant 4 : i32
      %mul3A_174 = arith.muli %mul3A_173, %scan3A_137 : i32
      %add3A_175 = arith.constant 2 : i32
      %add3A_176 = arith.addi %mul3A_174, %add3A_175 : i32
      %add3A_177 = arith.constant 1 : i32
      %add3A_178 = arith.addi %add3A_176, %add3A_177 : i32
      %dma_wait3A_179 = arith.constant 0 : i32
      %dma_wait3A_180 = tpu.memref_slice %arg8[%add3A_178, %dma_wait3A_179] : memref<90x112xi32, #tpu.memory_space<vmem>> -> memref<1x112xi32, #tpu.memory_space<vmem>>
      %dma_wait3A_181 = tpu.memref_squeeze %dma_wait3A_180 : memref<1x112xi32, #tpu.memory_space<vmem>> -> memref<112xi32, #tpu.memory_space<vmem>>
      %dma_wait3A_182 = arith.constant 0 : i32
      %dma_wait3A_183 = arith.constant 0 : i32
      %dma_wait3A_184 = tpu.memref_slice %arg6[%dma_wait3A_182, %dma_wait3A_183] : memref<10240x64xf32, #tpu.memory_space<vmem_shared>> -> memref<10240x64xf32, #tpu.memory_space<vmem_shared>>
      tpu.wait_indirect_dma semaphore(%arg17 : memref<!tpu.dma_semaphore, #tpu.memory_space<semaphore_mem>>) src(%dma_wait3A_184 : memref<10240x64xf32, #tpu.memory_space<vmem_shared>>) dst(%arg13 : memref<112x64xf32, #tpu.memory_space<vmem>>)
      %dma_start3A_185 = arith.constant 0 : i32
      %dma_start3A_186 = tpu.memref_slice %arg9[%add3A_178, %dma_start3A_185] : memref<90x112xi32, #tpu.memory_space<vmem>> -> memref<1x112xi32, #tpu.memory_space<vmem>>
      %dma_start3A_187 = tpu.memref_squeeze %dma_start3A_186 : memref<1x112xi32, #tpu.memory_space<vmem>> -> memref<112xi32, #tpu.memory_space<vmem>>
      %dma_start3A_188 = arith.constant 0 : i32
      %dma_start3A_189 = arith.constant 0 : i32
      %dma_start3A_190 = tpu.memref_slice %arg7[%dma_start3A_188, %dma_start3A_189] : memref<10240x64xf32, #tpu.memory_space<vmem_shared>> -> memref<10240x64xf32, #tpu.memory_space<vmem_shared>>
      tpu.enqueue_indirect_dma source(%arg13 : memref<112x64xf32, #tpu.memory_space<vmem>>) target(%dma_start3A_190 : memref<10240x64xf32, #tpu.memory_space<vmem_shared>>) offsets(%dma_start3A_187 : memref<112xi32, #tpu.memory_space<vmem>>) semaphore(%arg21 : memref<!tpu.dma_semaphore, #tpu.memory_space<semaphore_mem>>) {add = true}
      %sub3A_191 = arith.constant 2 : i32
      %sub3A_192 = arith.subi %add3A_178, %sub3A_191 : i32
      %dma_wait3A_193 = arith.constant 0 : i32
      %dma_wait3A_194 = tpu.memref_slice %arg9[%sub3A_192, %dma_wait3A_193] : memref<90x112xi32, #tpu.memory_space<vmem>> -> memref<1x112xi32, #tpu.memory_space<vmem>>
      %dma_wait3A_195 = tpu.memref_squeeze %dma_wait3A_194 : memref<1x112xi32, #tpu.memory_space<vmem>> -> memref<112xi32, #tpu.memory_space<vmem>>
      %dma_wait3A_196 = arith.constant 0 : i32
      %dma_wait3A_197 = arith.constant 0 : i32
      %dma_wait3A_198 = tpu.memref_slice %arg7[%dma_wait3A_196, %dma_wait3A_197] : memref<10240x64xf32, #tpu.memory_space<vmem_shared>> -> memref<10240x64xf32, #tpu.memory_space<vmem_shared>>
      tpu.wait_indirect_dma semaphore(%arg19 : memref<!tpu.dma_semaphore, #tpu.memory_space<semaphore_mem>>) src(%arg11 : memref<112x64xf32, #tpu.memory_space<vmem>>) dst(%dma_wait3A_198 : memref<10240x64xf32, #tpu.memory_space<vmem_shared>>)
      %add3A_199 = arith.constant 2 : i32
      %add3A_200 = arith.addi %add3A_178, %add3A_199 : i32
      %rem3A_201 = arith.constant 90 : i32
      %rem3A_202 = arith.remsi %add3A_200, %rem3A_201 : i32
      %dma_start3A_203 = arith.constant 0 : i32
      %dma_start3A_204 = tpu.memref_slice %arg8[%rem3A_202, %dma_start3A_203] : memref<90x112xi32, #tpu.memory_space<vmem>> -> memref<1x112xi32, #tpu.memory_space<vmem>>
      %dma_start3A_205 = tpu.memref_squeeze %dma_start3A_204 : memref<1x112xi32, #tpu.memory_space<vmem>> -> memref<112xi32, #tpu.memory_space<vmem>>
      %dma_start3A_206 = arith.constant 0 : i32
      %dma_start3A_207 = arith.constant 0 : i32
      %dma_start3A_208 = tpu.memref_slice %arg6[%dma_start3A_206, %dma_start3A_207] : memref<10240x64xf32, #tpu.memory_space<vmem_shared>> -> memref<10240x64xf32, #tpu.memory_space<vmem_shared>>
      tpu.enqueue_indirect_dma source(%dma_start3A_208 : memref<10240x64xf32, #tpu.memory_space<vmem_shared>>) target(%arg11 : memref<112x64xf32, #tpu.memory_space<vmem>>) offsets(%dma_start3A_205 : memref<112xi32, #tpu.memory_space<vmem>>) semaphore(%arg15 : memref<!tpu.dma_semaphore, #tpu.memory_space<semaphore_mem>>)
      %mul3A_209 = arith.constant 4 : i32
      %mul3A_210 = arith.muli %mul3A_209, %scan3A_137 : i32
      %add3A_211 = arith.constant 2 : i32
      %add3A_212 = arith.addi %mul3A_210, %add3A_211 : i32
      %add3A_213 = arith.constant 2 : i32
      %add3A_214 = arith.addi %add3A_212, %add3A_213 : i32
      %dma_wait3A_215 = arith.constant 0 : i32
      %dma_wait3A_216 = tpu.memref_slice %arg8[%add3A_214, %dma_wait3A_215] : memref<90x112xi32, #tpu.memory_space<vmem>> -> memref<1x112xi32, #tpu.memory_space<vmem>>
      %dma_wait3A_217 = tpu.memref_squeeze %dma_wait3A_216 : memref<1x112xi32, #tpu.memory_space<vmem>> -> memref<112xi32, #tpu.memory_space<vmem>>
      %dma_wait3A_218 = arith.constant 0 : i32
      %dma_wait3A_219 = arith.constant 0 : i32
      %dma_wait3A_220 = tpu.memref_slice %arg6[%dma_wait3A_218, %dma_wait3A_219] : memref<10240x64xf32, #tpu.memory_space<vmem_shared>> -> memref<10240x64xf32, #tpu.memory_space<vmem_shared>>
      tpu.wait_indirect_dma semaphore(%arg14 : memref<!tpu.dma_semaphore, #tpu.memory_space<semaphore_mem>>) src(%dma_wait3A_220 : memref<10240x64xf32, #tpu.memory_space<vmem_shared>>) dst(%arg10 : memref<112x64xf32, #tpu.memory_space<vmem>>)
      %dma_start3A_221 = arith.constant 0 : i32
      %dma_start3A_222 = tpu.memref_slice %arg9[%add3A_214, %dma_start3A_221] : memref<90x112xi32, #tpu.memory_space<vmem>> -> memref<1x112xi32, #tpu.memory_space<vmem>>
      %dma_start3A_223 = tpu.memref_squeeze %dma_start3A_222 : memref<1x112xi32, #tpu.memory_space<vmem>> -> memref<112xi32, #tpu.memory_space<vmem>>
      %dma_start3A_224 = arith.constant 0 : i32
      %dma_start3A_225 = arith.constant 0 : i32
      %dma_start3A_226 = tpu.memref_slice %arg7[%dma_start3A_224, %dma_start3A_225] : memref<10240x64xf32, #tpu.memory_space<vmem_shared>> -> memref<10240x64xf32, #tpu.memory_space<vmem_shared>>
      tpu.enqueue_indirect_dma source(%arg10 : memref<112x64xf32, #tpu.memory_space<vmem>>) target(%dma_start3A_226 : memref<10240x64xf32, #tpu.memory_space<vmem_shared>>) offsets(%dma_start3A_223 : memref<112xi32, #tpu.memory_space<vmem>>) semaphore(%arg18 : memref<!tpu.dma_semaphore, #tpu.memory_space<semaphore_mem>>) {add = true}
      %sub3A_227 = arith.constant 2 : i32
      %sub3A_228 = arith.subi %add3A_214, %sub3A_227 : i32
      %dma_wait3A_229 = arith.constant 0 : i32
      %dma_wait3A_230 = tpu.memref_slice %arg9[%sub3A_228, %dma_wait3A_229] : memref<90x112xi32, #tpu.memory_space<vmem>> -> memref<1x112xi32, #tpu.memory_space<vmem>>
      %dma_wait3A_231 = tpu.memref_squeeze %dma_wait3A_230 : memref<1x112xi32, #tpu.memory_space<vmem>> -> memref<112xi32, #tpu.memory_space<vmem>>
      %dma_wait3A_232 = arith.constant 0 : i32
      %dma_wait3A_233 = arith.constant 0 : i32
      %dma_wait3A_234 = tpu.memref_slice %arg7[%dma_wait3A_232, %dma_wait3A_233] : memref<10240x64xf32, #tpu.memory_space<vmem_shared>> -> memref<10240x64xf32, #tpu.memory_space<vmem_shared>>
      tpu.wait_indirect_dma semaphore(%arg20 : memref<!tpu.dma_semaphore, #tpu.memory_space<semaphore_mem>>) src(%arg12 : memref<112x64xf32, #tpu.memory_space<vmem>>) dst(%dma_wait3A_234 : memref<10240x64xf32, #tpu.memory_space<vmem_shared>>)
      %add3A_235 = arith.constant 2 : i32
      %add3A_236 = arith.addi %add3A_214, %add3A_235 : i32
      %rem3A_237 = arith.constant 90 : i32
      %rem3A_238 = arith.remsi %add3A_236, %rem3A_237 : i32
      %dma_start3A_239 = arith.constant 0 : i32
      %dma_start3A_240 = tpu.memref_slice %arg8[%rem3A_238, %dma_start3A_239] : memref<90x112xi32, #tpu.memory_space<vmem>> -> memref<1x112xi32, #tpu.memory_space<vmem>>
      %dma_start3A_241 = tpu.memref_squeeze %dma_start3A_240 : memref<1x112xi32, #tpu.memory_space<vmem>> -> memref<112xi32, #tpu.memory_space<vmem>>
      %dma_start3A_242 = arith.constant 0 : i32
      %dma_start3A_243 = arith.constant 0 : i32
      %dma_start3A_244 = tpu.memref_slice %arg6[%dma_start3A_242, %dma_start3A_243] : memref<10240x64xf32, #tpu.memory_space<vmem_shared>> -> memref<10240x64xf32, #tpu.memory_space<vmem_shared>>
      tpu.enqueue_indirect_dma source(%dma_start3A_244 : memref<10240x64xf32, #tpu.memory_space<vmem_shared>>) target(%arg12 : memref<112x64xf32, #tpu.memory_space<vmem>>) offsets(%dma_start3A_241 : memref<112xi32, #tpu.memory_space<vmem>>) semaphore(%arg16 : memref<!tpu.dma_semaphore, #tpu.memory_space<semaphore_mem>>)
      %mul3A_245 = arith.constant 4 : i32
      %mul3A_246 = arith.muli %mul3A_245, %scan3A_137 : i32
      %add3A_247 = arith.constant 2 : i32
      %add3A_248 = arith.addi %mul3A_246, %add3A_247 : i32
      %add3A_249 = arith.constant 3 : i32
      %add3A_250 = arith.addi %add3A_248, %add3A_249 : i32
      %dma_wait3A_251 = arith.constant 0 : i32
      %dma_wait3A_252 = tpu.memref_slice %arg8[%add3A_250, %dma_wait3A_251] : memref<90x112xi32, #tpu.memory_space<vmem>> -> memref<1x112xi32, #tpu.memory_space<vmem>>
      %dma_wait3A_253 = tpu.memref_squeeze %dma_wait3A_252 : memref<1x112xi32, #tpu.memory_space<vmem>> -> memref<112xi32, #tpu.memory_space<vmem>>
      %dma_wait3A_254 = arith.constant 0 : i32
      %dma_wait3A_255 = arith.constant 0 : i32
      %dma_wait3A_256 = tpu.memref_slice %arg6[%dma_wait3A_254, %dma_wait3A_255] : memref<10240x64xf32, #tpu.memory_space<vmem_shared>> -> memref<10240x64xf32, #tpu.memory_space<vmem_shared>>
      tpu.wait_indirect_dma semaphore(%arg15 : memref<!tpu.dma_semaphore, #tpu.memory_space<semaphore_mem>>) src(%dma_wait3A_256 : memref<10240x64xf32, #tpu.memory_space<vmem_shared>>) dst(%arg11 : memref<112x64xf32, #tpu.memory_space<vmem>>)
      %dma_start3A_257 = arith.constant 0 : i32
      %dma_start3A_258 = tpu.memref_slice %arg9[%add3A_250, %dma_start3A_257] : memref<90x112xi32, #tpu.memory_space<vmem>> -> memref<1x112xi32, #tpu.memory_space<vmem>>
      %dma_start3A_259 = tpu.memref_squeeze %dma_start3A_258 : memref<1x112xi32, #tpu.memory_space<vmem>> -> memref<112xi32, #tpu.memory_space<vmem>>
      %dma_start3A_260 = arith.constant 0 : i32
      %dma_start3A_261 = arith.constant 0 : i32
      %dma_start3A_262 = tpu.memref_slice %arg7[%dma_start3A_260, %dma_start3A_261] : memref<10240x64xf32, #tpu.memory_space<vmem_shared>> -> memref<10240x64xf32, #tpu.memory_space<vmem_shared>>
      tpu.enqueue_indirect_dma source(%arg11 : memref<112x64xf32, #tpu.memory_space<vmem>>) target(%dma_start3A_262 : memref<10240x64xf32, #tpu.memory_space<vmem_shared>>) offsets(%dma_start3A_259 : memref<112xi32, #tpu.memory_space<vmem>>) semaphore(%arg19 : memref<!tpu.dma_semaphore, #tpu.memory_space<semaphore_mem>>) {add = true}
      %sub3A_263 = arith.constant 2 : i32
      %sub3A_264 = arith.subi %add3A_250, %sub3A_263 : i32
      %dma_wait3A_265 = arith.constant 0 : i32
      %dma_wait3A_266 = tpu.memref_slice %arg9[%sub3A_264, %dma_wait3A_265] : memref<90x112xi32, #tpu.memory_space<vmem>> -> memref<1x112xi32, #tpu.memory_space<vmem>>
      %dma_wait3A_267 = tpu.memref_squeeze %dma_wait3A_266 : memref<1x112xi32, #tpu.memory_space<vmem>> -> memref<112xi32, #tpu.memory_space<vmem>>
      %dma_wait3A_268 = arith.constant 0 : i32
      %dma_wait3A_269 = arith.constant 0 : i32
      %dma_wait3A_270 = tpu.memref_slice %arg7[%dma_wait3A_268, %dma_wait3A_269] : memref<10240x64xf32, #tpu.memory_space<vmem_shared>> -> memref<10240x64xf32, #tpu.memory_space<vmem_shared>>
      tpu.wait_indirect_dma semaphore(%arg21 : memref<!tpu.dma_semaphore, #tpu.memory_space<semaphore_mem>>) src(%arg13 : memref<112x64xf32, #tpu.memory_space<vmem>>) dst(%dma_wait3A_270 : memref<10240x64xf32, #tpu.memory_space<vmem_shared>>)
      %add3A_271 = arith.constant 2 : i32
      %add3A_272 = arith.addi %add3A_250, %add3A_271 : i32
      %rem3A_273 = arith.constant 90 : i32
      %rem3A_274 = arith.remsi %add3A_272, %rem3A_273 : i32
      %dma_start3A_275 = arith.constant 0 : i32
      %dma_start3A_276 = tpu.memref_slice %arg8[%rem3A_274, %dma_start3A_275] : memref<90x112xi32, #tpu.memory_space<vmem>> -> memref<1x112xi32, #tpu.memory_space<vmem>>
      %dma_start3A_277 = tpu.memref_squeeze %dma_start3A_276 : memref<1x112xi32, #tpu.memory_space<vmem>> -> memref<112xi32, #tpu.memory_space<vmem>>
      %dma_start3A_278 = arith.constant 0 : i32
      %dma_start3A_279 = arith.constant 0 : i32
      %dma_start3A_280 = tpu.memref_slice %arg6[%dma_start3A_278, %dma_start3A_279] : memref<10240x64xf32, #tpu.memory_space<vmem_shared>> -> memref<10240x64xf32, #tpu.memory_space<vmem_shared>>
      tpu.enqueue_indirect_dma source(%dma_start3A_280 : memref<10240x64xf32, #tpu.memory_space<vmem_shared>>) target(%arg13 : memref<112x64xf32, #tpu.memory_space<vmem>>) offsets(%dma_start3A_277 : memref<112xi32, #tpu.memory_space<vmem>>) semaphore(%arg17 : memref<!tpu.dma_semaphore, #tpu.memory_space<semaphore_mem>>)
      %scan3A_281 = arith.constant 0 : i32
      scf.yield %scan3A_281 : i32
    }
    %scan3A_103 = arith.constant 22 : i32
    %dma_wait3A_104 = arith.constant 88 : i32
    %dma_wait3A_105 = arith.constant 0 : i32
    %dma_wait3A_106 = tpu.memref_slice %arg9[%dma_wait3A_104, %dma_wait3A_105] : memref<90x112xi32, #tpu.memory_space<vmem>> -> memref<1x112xi32, #tpu.memory_space<vmem>>
    %dma_wait3A_107 = tpu.memref_squeeze %dma_wait3A_106 : memref<1x112xi32, #tpu.memory_space<vmem>> -> memref<112xi32, #tpu.memory_space<vmem>>
    %dma_wait3A_108 = arith.constant 0 : i32
    %dma_wait3A_109 = arith.constant 0 : i32
    %dma_wait3A_110 = tpu.memref_slice %arg7[%dma_wait3A_108, %dma_wait3A_109] : memref<10240x64xf32, #tpu.memory_space<vmem_shared>> -> memref<10240x64xf32, #tpu.memory_space<vmem_shared>>
    tpu.wait_indirect_dma semaphore(%arg18 : memref<!tpu.dma_semaphore, #tpu.memory_space<semaphore_mem>>) src(%arg10 : memref<112x64xf32, #tpu.memory_space<vmem>>) dst(%dma_wait3A_110 : memref<10240x64xf32, #tpu.memory_space<vmem_shared>>)
    %dma_wait3A_111 = arith.constant 89 : i32
    %dma_wait3A_112 = arith.constant 0 : i32
    %dma_wait3A_113 = tpu.memref_slice %arg9[%dma_wait3A_111, %dma_wait3A_112] : memref<90x112xi32, #tpu.memory_space<vmem>> -> memref<1x112xi32, #tpu.memory_space<vmem>>
    %dma_wait3A_114 = tpu.memref_squeeze %dma_wait3A_113 : memref<1x112xi32, #tpu.memory_space<vmem>> -> memref<112xi32, #tpu.memory_space<vmem>>
    %dma_wait3A_115 = arith.constant 0 : i32
    %dma_wait3A_116 = arith.constant 0 : i32
    %dma_wait3A_117 = tpu.memref_slice %arg7[%dma_wait3A_115, %dma_wait3A_116] : memref<10240x64xf32, #tpu.memory_space<vmem_shared>> -> memref<10240x64xf32, #tpu.memory_space<vmem_shared>>
    tpu.wait_indirect_dma semaphore(%arg19 : memref<!tpu.dma_semaphore, #tpu.memory_space<semaphore_mem>>) src(%arg11 : memref<112x64xf32, #tpu.memory_space<vmem>>) dst(%dma_wait3A_117 : memref<10240x64xf32, #tpu.memory_space<vmem_shared>>)
    %dma_wait3A_118 = arith.constant 0 : i32
    %dma_wait3A_119 = arith.constant 0 : i32
    %dma_wait3A_120 = tpu.memref_slice %arg8[%dma_wait3A_118, %dma_wait3A_119] : memref<90x112xi32, #tpu.memory_space<vmem>> -> memref<1x112xi32, #tpu.memory_space<vmem>>
    %dma_wait3A_121 = tpu.memref_squeeze %dma_wait3A_120 : memref<1x112xi32, #tpu.memory_space<vmem>> -> memref<112xi32, #tpu.memory_space<vmem>>
    %dma_wait3A_122 = arith.constant 0 : i32
    %dma_wait3A_123 = arith.constant 0 : i32
    %dma_wait3A_124 = tpu.memref_slice %arg6[%dma_wait3A_122, %dma_wait3A_123] : memref<10240x64xf32, #tpu.memory_space<vmem_shared>> -> memref<10240x64xf32, #tpu.memory_space<vmem_shared>>
    tpu.wait_indirect_dma semaphore(%arg16 : memref<!tpu.dma_semaphore, #tpu.memory_space<semaphore_mem>>) src(%dma_wait3A_124 : memref<10240x64xf32, #tpu.memory_space<vmem_shared>>) dst(%arg12 : memref<112x64xf32, #tpu.memory_space<vmem>>)
    %dma_wait3A_125 = arith.constant 1 : i32
    %dma_wait3A_126 = arith.constant 0 : i32
    %dma_wait3A_127 = tpu.memref_slice %arg8[%dma_wait3A_125, %dma_wait3A_126] : memref<90x112xi32, #tpu.memory_space<vmem>> -> memref<1x112xi32, #tpu.memory_space<vmem>>
    %dma_wait3A_128 = tpu.memref_squeeze %dma_wait3A_127 : memref<1x112xi32, #tpu.memory_space<vmem>> -> memref<112xi32, #tpu.memory_space<vmem>>
    %dma_wait3A_129 = arith.constant 0 : i32
    %dma_wait3A_130 = arith.constant 0 : i32
    %dma_wait3A_131 = tpu.memref_slice %arg6[%dma_wait3A_129, %dma_wait3A_130] : memref<10240x64xf32, #tpu.memory_space<vmem_shared>> -> memref<10240x64xf32, #tpu.memory_space<vmem_shared>>
    tpu.wait_indirect_dma semaphore(%arg17 : memref<!tpu.dma_semaphore, #tpu.memory_space<semaphore_mem>>) src(%dma_wait3A_131 : memref<10240x64xf32, #tpu.memory_space<vmem_shared>>) dst(%arg13 : memref<112x64xf32, #tpu.memory_space<vmem>>)
    %barrier3A_132 = arith.constant 0 : index
    tpu.barrier barrier_id(%barrier3A_132)
    %mul3A_133 = arith.constant 640 : i32
    %mul3A_134 = arith.muli %arg1, %mul3A_133 : i32
    %mul3A_135 = arith.constant 640 : i32
    %mul3A_136 = arith.muli %arg1, %mul3A_135 : i32
    "tpu.region"() ({
      %run_scoped3A = tpu.sem_alloc : memref<!tpu.dma_semaphore, #tpu.memory_space<semaphore_mem>>
      %dma_start3A_137 = arith.constant 0 : i32
      %dma_start3A_138 = tpu.memref_slice %arg5[%arg0, %mul3A_136, %dma_start3A_137] : memref<2x10240x64xf32, #tpu.memory_space<hbm>> -> memref<1x640x64xf32, #tpu.memory_space<hbm>>
      %dma_start3A_139 = tpu.memref_squeeze %dma_start3A_138 : memref<1x640x64xf32, #tpu.memory_space<hbm>> -> memref<640x64xf32, #tpu.memory_space<hbm>>
      %dma_start3A_140 = arith.constant 0 : i32
      %dma_start3A_141 = tpu.memref_slice %arg7[%mul3A_134, %dma_start3A_140] : memref<10240x64xf32, #tpu.memory_space<vmem_shared>> -> memref<640x64xf32, #tpu.memory_space<vmem_shared>>
      tpu.enqueue_dma source(%dma_start3A_141 : memref<640x64xf32, #tpu.memory_space<vmem_shared>>) target(%dma_start3A_139 : memref<640x64xf32, #tpu.memory_space<hbm>>) target_semaphore(%run_scoped3A : memref<!tpu.dma_semaphore, #tpu.memory_space<semaphore_mem>>)
      %dma_wait3A_142 = arith.constant 0 : i32
      %dma_wait3A_143 = tpu.memref_slice %arg5[%arg0, %mul3A_136, %dma_wait3A_142] : memref<2x10240x64xf32, #tpu.memory_space<hbm>> -> memref<1x640x64xf32, #tpu.memory_space<hbm>>
      %dma_wait3A_144 = tpu.memref_squeeze %dma_wait3A_143 : memref<1x640x64xf32, #tpu.memory_space<hbm>> -> memref<640x64xf32, #tpu.memory_space<hbm>>
      %dma_wait3A_145 = arith.constant 0 : i32
      %dma_wait3A_146 = tpu.memref_slice %arg7[%mul3A_134, %dma_wait3A_145] : memref<10240x64xf32, #tpu.memory_space<vmem_shared>> -> memref<640x64xf32, #tpu.memory_space<vmem_shared>>
      tpu.wait_dma2 semaphore(%run_scoped3A : memref<!tpu.dma_semaphore, #tpu.memory_space<semaphore_mem>>) src(%dma_wait3A_146 : memref<640x64xf32, #tpu.memory_space<vmem_shared>>) dst(%dma_wait3A_144 : memref<640x64xf32, #tpu.memory_space<hbm>>)
      tpu.yield
    }) : () -> ()
    return
  }
}

#map = affine_map<(d0, d1) -> (0, 0)>
#map1 = affine_map<(d0, d1) -> (0, 0, 0)>
module attributes {stable_mosaic.version = 14 : i64} {
  func.func @_sc_scatter(%arg0: i32, %arg1: i32, %arg2: memref<10240x64xf32, #tpu.memory_space<hbm>>, %arg3: memref<32x90x112xi32, #tpu.memory_space<hbm>>, %arg4: memref<32x90x112xi32, #tpu.memory_space<hbm>>, %arg5: memref<2x10240x64xf32, #tpu.memory_space<hbm>>, %arg6: memref<10240x64xf32, #tpu.memory_space<vmem_shared>>, %arg7: memref<10240x64xf32, #tpu.memory_space<vmem_shared>>, %arg8: memref<90x112xi32, #tpu.memory_space<vmem>>, %arg9: memref<90x112xi32, #tpu.memory_space<vmem>>, %arg10: memref<112x64xf32, #tpu.memory_space<vmem>>, %arg11: memref<112x64xf32, #tpu.memory_space<vmem>>, %arg12: memref<112x64xf32, #tpu.memory_space<vmem>>, %arg13: memref<112x64xf32, #tpu.memory_space<vmem>>, %arg14: memref<!tpu.dma_semaphore, #tpu.memory_space<semaphore_mem>>, %arg15: memref<!tpu.dma_semaphore, #tpu.memory_space<semaphore_mem>>, %arg16: memref<!tpu.dma_semaphore, #tpu.memory_space<semaphore_mem>>, %arg17: memref<!tpu.dma_semaphore, #tpu.memory_space<semaphore_mem>>, %arg18: memref<!tpu.dma_semaphore, #tpu.memory_space<semaphore_mem>>, %arg19: memref<!tpu.dma_semaphore, #tpu.memory_space<semaphore_mem>>, %arg20: memref<!tpu.dma_semaphore, #tpu.memory_space<semaphore_mem>>, %arg21: memref<!tpu.dma_semaphore, #tpu.memory_space<semaphore_mem>>) attributes {dimension_semantics = [#tpu.dimension_semantics<core_parallel>, #tpu.dimension_semantics<subcore_parallel>], iteration_bounds = array<i64: 2, 16>, scalar_prefetch = 0 : i64, scratch_operands = 16 : i64, tpu.core_type = #tpu.core_type<sc_vector_subcore>, window_params = [{transform_indices = #map}, {transform_indices = #map1}, {transform_indices = #map1}, {transform_indices = #map1}]} {
    %mul3A = arith.constant 16 : i32
    %mul3A_0 = arith.muli %arg0, %mul3A : i32
    %add3A = arith.addi %mul3A_0, %arg1 : i32
    %scan3A = arith.constant 0 : i32
    %scan3A_1 = arith.constant 0 : i32
    %scan3A_2 = arith.constant 112 : i32
    %scan3A_3 = arith.addi %scan3A_1, %scan3A_2 : i32
    %scan3A_4 = arith.constant 4 : i32
    %scan3A_5 = scf.for %scan3A_137 = %scan3A_1 to %scan3A_3 step %scan3A_4 iter_args(%scan3A_138 = %scan3A) -> (i32)  : i32 {
      %broadcast_in_dim3A = arith.constant 0.000000e+00 : f32
      %broadcast_in_dim3A_139 = vector.broadcast %broadcast_in_dim3A : f32 to vector<16xf32>
      %swap3A = arith.index_cast %scan3A_137 : i32 to index
      %swap3A_140 = arith.constant 0 : index
      %swap3A_141 = tpu.vector_load %arg10[%swap3A, %swap3A_140] {strides = array<i32>} : memref<112x64xf32, #tpu.memory_space<vmem>>, vector<1x16xf32>,
      %swap3A_142 = vector.shape_cast %swap3A_141 : vector<1x16xf32> to vector<16xf32>
      %swap3A_143 = vector.shape_cast %broadcast_in_dim3A_139 : vector<16xf32> to vector<1x16xf32>
      tpu.vector_store %arg10[%swap3A, %swap3A_140], %swap3A_143 {strides = array<i32>} : memref<112x64xf32, #tpu.memory_space<vmem>>, vector<1x16xf32>,
      %broadcast_in_dim3A_144 = arith.constant 0.000000e+00 : f32
      %broadcast_in_dim3A_145 = vector.broadcast %broadcast_in_dim3A_144 : f32 to vector<16xf32>
      %swap3A_146 = arith.index_cast %scan3A_137 : i32 to index
      %swap3A_147 = arith.constant 16 : index
      %swap3A_148 = tpu.vector_load %arg10[%swap3A_146, %swap3A_147] {strides = array<i32>} : memref<112x64xf32, #tpu.memory_space<vmem>>, vector<1x16xf32>,
      %swap3A_149 = vector.shape_cast %swap3A_148 : vector<1x16xf32> to vector<16xf32>
      %swap3A_150 = vector.shape_cast %broadcast_in_dim3A_145 : vector<16xf32> to vector<1x16xf32>
      tpu.vector_store %arg10[%swap3A_146, %swap3A_147], %swap3A_150 {strides = array<i32>} : memref<112x64xf32, #tpu.memory_space<vmem>>, vector<1x16xf32>,
      %broadcast_in_dim3A_151 = arith.constant 0.000000e+00 : f32
      %broadcast_in_dim3A_152 = vector.broadcast %broadcast_in_dim3A_151 : f32 to vector<16xf32>
      %swap3A_153 = arith.index_cast %scan3A_137 : i32 to index
      %swap3A_154 = arith.constant 32 : index
      %swap3A_155 = tpu.vector_load %arg10[%swap3A_153, %swap3A_154] {strides = array<i32>} : memref<112x64xf32, #tpu.memory_space<vmem>>, vector<1x16xf32>,
      %swap3A_156 = vector.shape_cast %swap3A_155 : vector<1x16xf32> to vector<16xf32>
      %swap3A_157 = vector.shape_cast %broadcast_in_dim3A_152 : vector<16xf32> to vector<1x16xf32>
      tpu.vector_store %arg10[%swap3A_153, %swap3A_154], %swap3A_157 {strides = array<i32>} : memref<112x64xf32, #tpu.memory_space<vmem>>, vector<1x16xf32>,
      %broadcast_in_dim3A_158 = arith.constant 0.000000e+00 : f32
      %broadcast_in_dim3A_159 = vector.broadcast %broadcast_in_dim3A_158 : f32 to vector<16xf32>
      %swap3A_160 = arith.index_cast %scan3A_137 : i32 to index
      %swap3A_161 = arith.constant 48 : index
      %swap3A_162 = tpu.vector_load %arg10[%swap3A_160, %swap3A_161] {strides = array<i32>} : memref<112x64xf32, #tpu.memory_space<vmem>>, vector<1x16xf32>,
      %swap3A_163 = vector.shape_cast %swap3A_162 : vector<1x16xf32> to vector<16xf32>
      %swap3A_164 = vector.shape_cast %broadcast_in_dim3A_159 : vector<16xf32> to vector<1x16xf32>
      tpu.vector_store %arg10[%swap3A_160, %swap3A_161], %swap3A_164 {strides = array<i32>} : memref<112x64xf32, #tpu.memory_space<vmem>>, vector<1x16xf32>,
      %scan3A_165 = arith.constant 0 : i32
      %scan3A_166 = arith.constant 1 : i32
      %scan3A_167 = arith.addi %scan3A_137, %scan3A_166 : i32
      %broadcast_in_dim3A_168 = arith.constant 0.000000e+00 : f32
      %broadcast_in_dim3A_169 = vector.broadcast %broadcast_in_dim3A_168 : f32 to vector<16xf32>
      %swap3A_170 = arith.index_cast %scan3A_167 : i32 to index
      %swap3A_171 = arith.constant 0 : index
      %swap3A_172 = tpu.vector_load %arg10[%swap3A_170, %swap3A_171] {strides = array<i32>} : memref<112x64xf32, #tpu.memory_space<vmem>>, vector<1x16xf32>,
      %swap3A_173 = vector.shape_cast %swap3A_172 : vector<1x16xf32> to vector<16xf32>
      %swap3A_174 = vector.shape_cast %broadcast_in_dim3A_169 : vector<16xf32> to vector<1x16xf32>
      tpu.vector_store %arg10[%swap3A_170, %swap3A_171], %swap3A_174 {strides = array<i32>} : memref<112x64xf32, #tpu.memory_space<vmem>>, vector<1x16xf32>,
      %broadcast_in_dim3A_175 = arith.constant 0.000000e+00 : f32
      %broadcast_in_dim3A_176 = vector.broadcast %broadcast_in_dim3A_175 : f32 to vector<16xf32>
      %swap3A_177 = arith.index_cast %scan3A_167 : i32 to index
      %swap3A_178 = arith.constant 16 : index
      %swap3A_179 = tpu.vector_load %arg10[%swap3A_177, %swap3A_178] {strides = array<i32>} : memref<112x64xf32, #tpu.memory_space<vmem>>, vector<1x16xf32>,
      %swap3A_180 = vector.shape_cast %swap3A_179 : vector<1x16xf32> to vector<16xf32>
      %swap3A_181 = vector.shape_cast %broadcast_in_dim3A_176 : vector<16xf32> to vector<1x16xf32>
      tpu.vector_store %arg10[%swap3A_177, %swap3A_178], %swap3A_181 {strides = array<i32>} : memref<112x64xf32, #tpu.memory_space<vmem>>, vector<1x16xf32>,
      %broadcast_in_dim3A_182 = arith.constant 0.000000e+00 : f32
      %broadcast_in_dim3A_183 = vector.broadcast %broadcast_in_dim3A_182 : f32 to vector<16xf32>
      %swap3A_184 = arith.index_cast %scan3A_167 : i32 to index
      %swap3A_185 = arith.constant 32 : index
      %swap3A_186 = tpu.vector_load %arg10[%swap3A_184, %swap3A_185] {strides = array<i32>} : memref<112x64xf32, #tpu.memory_space<vmem>>, vector<1x16xf32>,
      %swap3A_187 = vector.shape_cast %swap3A_186 : vector<1x16xf32> to vector<16xf32>
      %swap3A_188 = vector.shape_cast %broadcast_in_dim3A_183 : vector<16xf32> to vector<1x16xf32>
      tpu.vector_store %arg10[%swap3A_184, %swap3A_185], %swap3A_188 {strides = array<i32>} : memref<112x64xf32, #tpu.memory_space<vmem>>, vector<1x16xf32>,
      %broadcast_in_dim3A_189 = arith.constant 0.000000e+00 : f32
      %broadcast_in_dim3A_190 = vector.broadcast %broadcast_in_dim3A_189 : f32 to vector<16xf32>
      %swap3A_191 = arith.index_cast %scan3A_167 : i32 to index
      %swap3A_192 = arith.constant 48 : index
      %swap3A_193 = tpu.vector_load %arg10[%swap3A_191, %swap3A_192] {strides = array<i32>} : memref<112x64xf32, #tpu.memory_space<vmem>>, vector<1x16xf32>,
      %swap3A_194 = vector.shape_cast %swap3A_193 : vector<1x16xf32> to vector<16xf32>
      %swap3A_195 = vector.shape_cast %broadcast_in_dim3A_190 : vector<16xf32> to vector<1x16xf32>
      tpu.vector_store %arg10[%swap3A_191, %swap3A_192], %swap3A_195 {strides = array<i32>} : memref<112x64xf32, #tpu.memory_space<vmem>>, vector<1x16xf32>,
      %scan3A_196 = arith.constant 0 : i32
      %scan3A_197 = arith.constant 2 : i32
      %scan3A_198 = arith.addi %scan3A_137, %scan3A_197 : i32
      %broadcast_in_dim3A_199 = arith.constant 0.000000e+00 : f32
      %broadcast_in_dim3A_200 = vector.broadcast %broadcast_in_dim3A_199 : f32 to vector<16xf32>
      %swap3A_201 = arith.index_cast %scan3A_198 : i32 to index
      %swap3A_202 = arith.constant 0 : index
      %swap3A_203 = tpu.vector_load %arg10[%swap3A_201, %swap3A_202] {strides = array<i32>} : memref<112x64xf32, #tpu.memory_space<vmem>>, vector<1x16xf32>,
      %swap3A_204 = vector.shape_cast %swap3A_203 : vector<1x16xf32> to vector<16xf32>
      %swap3A_205 = vector.shape_cast %broadcast_in_dim3A_200 : vector<16xf32> to vector<1x16xf32>
      tpu.vector_store %arg10[%swap3A_201, %swap3A_202], %swap3A_205 {strides = array<i32>} : memref<112x64xf32, #tpu.memory_space<vmem>>, vector<1x16xf32>,
      %broadcast_in_dim3A_206 = arith.constant 0.000000e+00 : f32
      %broadcast_in_dim3A_207 = vector.broadcast %broadcast_in_dim3A_206 : f32 to vector<16xf32>
      %swap3A_208 = arith.index_cast %scan3A_198 : i32 to index
      %swap3A_209 = arith.constant 16 : index
      %swap3A_210 = tpu.vector_load %arg10[%swap3A_208, %swap3A_209] {strides = array<i32>} : memref<112x64xf32, #tpu.memory_space<vmem>>, vector<1x16xf32>,
      %swap3A_211 = vector.shape_cast %swap3A_210 : vector<1x16xf32> to vector<16xf32>
      %swap3A_212 = vector.shape_cast %broadcast_in_dim3A_207 : vector<16xf32> to vector<1x16xf32>
      tpu.vector_store %arg10[%swap3A_208, %swap3A_209], %swap3A_212 {strides = array<i32>} : memref<112x64xf32, #tpu.memory_space<vmem>>, vector<1x16xf32>,
      %broadcast_in_dim3A_213 = arith.constant 0.000000e+00 : f32
      %broadcast_in_dim3A_214 = vector.broadcast %broadcast_in_dim3A_213 : f32 to vector<16xf32>
      %swap3A_215 = arith.index_cast %scan3A_198 : i32 to index
      %swap3A_216 = arith.constant 32 : index
      %swap3A_217 = tpu.vector_load %arg10[%swap3A_215, %swap3A_216] {strides = array<i32>} : memref<112x64xf32, #tpu.memory_space<vmem>>, vector<1x16xf32>,
      %swap3A_218 = vector.shape_cast %swap3A_217 : vector<1x16xf32> to vector<16xf32>
      %swap3A_219 = vector.shape_cast %broadcast_in_dim3A_214 : vector<16xf32> to vector<1x16xf32>
      tpu.vector_store %arg10[%swap3A_215, %swap3A_216], %swap3A_219 {strides = array<i32>} : memref<112x64xf32, #tpu.memory_space<vmem>>, vector<1x16xf32>,
      %broadcast_in_dim3A_220 = arith.constant 0.000000e+00 : f32
      %broadcast_in_dim3A_221 = vector.broadcast %broadcast_in_dim3A_220 : f32 to vector<16xf32>
      %swap3A_222 = arith.index_cast %scan3A_198 : i32 to index
      %swap3A_223 = arith.constant 48 : index
      %swap3A_224 = tpu.vector_load %arg10[%swap3A_222, %swap3A_223] {strides = array<i32>} : memref<112x64xf32, #tpu.memory_space<vmem>>, vector<1x16xf32>,
      %swap3A_225 = vector.shape_cast %swap3A_224 : vector<1x16xf32> to vector<16xf32>
      %swap3A_226 = vector.shape_cast %broadcast_in_dim3A_221 : vector<16xf32> to vector<1x16xf32>
      tpu.vector_store %arg10[%swap3A_222, %swap3A_223], %swap3A_226 {strides = array<i32>} : memref<112x64xf32, #tpu.memory_space<vmem>>, vector<1x16xf32>,
      %scan3A_227 = arith.constant 0 : i32
      %scan3A_228 = arith.constant 3 : i32
      %scan3A_229 = arith.addi %scan3A_137, %scan3A_228 : i32
      %broadcast_in_dim3A_230 = arith.constant 0.000000e+00 : f32
      %broadcast_in_dim3A_231 = vector.broadcast %broadcast_in_dim3A_230 : f32 to vector<16xf32>
      %swap3A_232 = arith.index_cast %scan3A_229 : i32 to index
      %swap3A_233 = arith.constant 0 : index
      %swap3A_234 = tpu.vector_load %arg10[%swap3A_232, %swap3A_233] {strides = array<i32>} : memref<112x64xf32, #tpu.memory_space<vmem>>, vector<1x16xf32>,
      %swap3A_235 = vector.shape_cast %swap3A_234 : vector<1x16xf32> to vector<16xf32>
      %swap3A_236 = vector.shape_cast %broadcast_in_dim3A_231 : vector<16xf32> to vector<1x16xf32>
      tpu.vector_store %arg10[%swap3A_232, %swap3A_233], %swap3A_236 {strides = array<i32>} : memref<112x64xf32, #tpu.memory_space<vmem>>, vector<1x16xf32>,
      %broadcast_in_dim3A_237 = arith.constant 0.000000e+00 : f32
      %broadcast_in_dim3A_238 = vector.broadcast %broadcast_in_dim3A_237 : f32 to vector<16xf32>
      %swap3A_239 = arith.index_cast %scan3A_229 : i32 to index
      %swap3A_240 = arith.constant 16 : index
      %swap3A_241 = tpu.vector_load %arg10[%swap3A_239, %swap3A_240] {strides = array<i32>} : memref<112x64xf32, #tpu.memory_space<vmem>>, vector<1x16xf32>,
      %swap3A_242 = vector.shape_cast %swap3A_241 : vector<1x16xf32> to vector<16xf32>
      %swap3A_243 = vector.shape_cast %broadcast_in_dim3A_238 : vector<16xf32> to vector<1x16xf32>
      tpu.vector_store %arg10[%swap3A_239, %swap3A_240], %swap3A_243 {strides = array<i32>} : memref<112x64xf32, #tpu.memory_space<vmem>>, vector<1x16xf32>,
      %broadcast_in_dim3A_244 = arith.constant 0.000000e+00 : f32
      %broadcast_in_dim3A_245 = vector.broadcast %broadcast_in_dim3A_244 : f32 to vector<16xf32>
      %swap3A_246 = arith.index_cast %scan3A_229 : i32 to index
      %swap3A_247 = arith.constant 32 : index
      %swap3A_248 = tpu.vector_load %arg10[%swap3A_246, %swap3A_247] {strides = array<i32>} : memref<112x64xf32, #tpu.memory_space<vmem>>, vector<1x16xf32>,
      %swap3A_249 = vector.shape_cast %swap3A_248 : vector<1x16xf32> to vector<16xf32>
      %swap3A_250 = vector.shape_cast %broadcast_in_dim3A_245 : vector<16xf32> to vector<1x16xf32>
      tpu.vector_store %arg10[%swap3A_246, %swap3A_247], %swap3A_250 {strides = array<i32>} : memref<112x64xf32, #tpu.memory_space<vmem>>, vector<1x16xf32>,
      %broadcast_in_dim3A_251 = arith.constant 0.000000e+00 : f32
      %broadcast_in_dim3A_252 = vector.broadcast %broadcast_in_dim3A_251 : f32 to vector<16xf32>
      %swap3A_253 = arith.index_cast %scan3A_229 : i32 to index
      %swap3A_254 = arith.constant 48 : index
      %swap3A_255 = tpu.vector_load %arg10[%swap3A_253, %swap3A_254] {strides = array<i32>} : memref<112x64xf32, #tpu.memory_space<vmem>>, vector<1x16xf32>,
      %swap3A_256 = vector.shape_cast %swap3A_255 : vector<1x16xf32> to vector<16xf32>
      %swap3A_257 = vector.shape_cast %broadcast_in_dim3A_252 : vector<16xf32> to vector<1x16xf32>
      tpu.vector_store %arg10[%swap3A_253, %swap3A_254], %swap3A_257 {strides = array<i32>} : memref<112x64xf32, #tpu.memory_space<vmem>>, vector<1x16xf32>,
      %scan3A_258 = arith.constant 0 : i32
      scf.yield %scan3A_258 : i32
    }
    %scan3A_6 = arith.constant 112 : i32
    %mul3A_7 = arith.constant 640 : i32
    %mul3A_8 = arith.muli %arg1, %mul3A_7 : i32
    %add3A_9 = arith.constant 0 : i32
    %add3A_10 = arith.addi %mul3A_8, %add3A_9 : i32
    "tpu.region"() ({
      %run_scoped3A = tpu.sem_alloc : memref<!tpu.dma_semaphore, #tpu.memory_space<semaphore_mem>>
      %dma_start3A_137 = arith.constant 0 : i32
      %dma_start3A_138 = arith.constant 0 : i32
      %dma_start3A_139 = tpu.memref_slice %arg10[%dma_start3A_137, %dma_start3A_138] : memref<112x64xf32, #tpu.memory_space<vmem>> -> memref<80x64xf32, #tpu.memory_space<vmem>>
      %dma_start3A_140 = arith.constant 0 : i32
      %dma_start3A_141 = tpu.memref_slice %arg7[%add3A_10, %dma_start3A_140] : memref<10240x64xf32, #tpu.memory_space<vmem_shared>> -> memref<80x64xf32, #tpu.memory_space<vmem_shared>>
      %dma_start3A_142 = arith.constant 0 : i32
      %dma_start3A_143 = tpu.memref_slice %arg7[%add3A_10, %dma_start3A_142] : memref<10240x64xf32, #tpu.memory_space<vmem_shared>> -> memref<80x64xf32, #tpu.memory_space<vmem_shared>>
      %dma_start3A_144 = arith.constant 0 : i32
      %dma_start3A_145 = arith.constant 0 : i32
      %dma_start3A_146 = tpu.memref_slice %arg10[%dma_start3A_144, %dma_start3A_145] : memref<112x64xf32, #tpu.memory_space<vmem>> -> memref<80x64xf32, #tpu.memory_space<vmem>>
      tpu.enqueue_dma source(%dma_start3A_146 : memref<80x64xf32, #tpu.memory_space<vmem>>) target(%dma_start3A_143 : memref<80x64xf32, #tpu.memory_space<vmem_shared>>) target_semaphore(%run_scoped3A : memref<!tpu.dma_semaphore, #tpu.memory_space<semaphore_mem>>)
      %dma_wait3A_147 = arith.constant 0 : i32
      %dma_wait3A_148 = arith.constant 0 : i32
      %dma_wait3A_149 = tpu.memref_slice %arg10[%dma_wait3A_147, %dma_wait3A_148] : memref<112x64xf32, #tpu.memory_space<vmem>> -> memref<80x64xf32, #tpu.memory_space<vmem>>
      %dma_wait3A_150 = arith.constant 0 : i32
      %dma_wait3A_151 = tpu.memref_slice %arg7[%add3A_10, %dma_wait3A_150] : memref<10240x64xf32, #tpu.memory_space<vmem_shared>> -> memref<80x64xf32, #tpu.memory_space<vmem_shared>>
      %dma_wait3A_152 = arith.constant 0 : i32
      %dma_wait3A_153 = tpu.memref_slice %arg7[%add3A_10, %dma_wait3A_152] : memref<10240x64xf32, #tpu.memory_space<vmem_shared>> -> memref<80x64xf32, #tpu.memory_space<vmem_shared>>
      %dma_wait3A_154 = arith.constant 0 : i32
      %dma_wait3A_155 = arith.constant 0 : i32
      %dma_wait3A_156 = tpu.memref_slice %arg10[%dma_wait3A_154, %dma_wait3A_155] : memref<112x64xf32, #tpu.memory_space<vmem>> -> memref<80x64xf32, #tpu.memory_space<vmem>>
      tpu.wait_dma2 semaphore(%run_scoped3A : memref<!tpu.dma_semaphore, #tpu.memory_space<semaphore_mem>>) src(%dma_wait3A_156 : memref<80x64xf32, #tpu.memory_space<vmem>>) dst(%dma_wait3A_153 : memref<80x64xf32, #tpu.memory_space<vmem_shared>>)
      tpu.yield
    }) : () -> ()
    %mul3A_11 = arith.constant 640 : i32
    %mul3A_12 = arith.muli %arg1, %mul3A_11 : i32
    %add3A_13 = arith.constant 80 : i32
    %add3A_14 = arith.addi %mul3A_12, %add3A_13 : i32
    "tpu.region"() ({
      %run_scoped3A = tpu.sem_alloc : memref<!tpu.dma_semaphore, #tpu.memory_space<semaphore_mem>>
      %dma_start3A_137 = arith.constant 0 : i32
      %dma_start3A_138 = arith.constant 0 : i32
      %dma_start3A_139 = tpu.memref_slice %arg10[%dma_start3A_137, %dma_start3A_138] : memref<112x64xf32, #tpu.memory_space<vmem>> -> memref<80x64xf32, #tpu.memory_space<vmem>>
      %dma_start3A_140 = arith.constant 0 : i32
      %dma_start3A_141 = tpu.memref_slice %arg7[%add3A_14, %dma_start3A_140] : memref<10240x64xf32, #tpu.memory_space<vmem_shared>> -> memref<80x64xf32, #tpu.memory_space<vmem_shared>>
      %dma_start3A_142 = arith.constant 0 : i32
      %dma_start3A_143 = tpu.memref_slice %arg7[%add3A_14, %dma_start3A_142] : memref<10240x64xf32, #tpu.memory_space<vmem_shared>> -> memref<80x64xf32, #tpu.memory_space<vmem_shared>>
      %dma_start3A_144 = arith.constant 0 : i32
      %dma_start3A_145 = arith.constant 0 : i32
      %dma_start3A_146 = tpu.memref_slice %arg10[%dma_start3A_144, %dma_start3A_145] : memref<112x64xf32, #tpu.memory_space<vmem>> -> memref<80x64xf32, #tpu.memory_space<vmem>>
      tpu.enqueue_dma source(%dma_start3A_146 : memref<80x64xf32, #tpu.memory_space<vmem>>) target(%dma_start3A_143 : memref<80x64xf32, #tpu.memory_space<vmem_shared>>) target_semaphore(%run_scoped3A : memref<!tpu.dma_semaphore, #tpu.memory_space<semaphore_mem>>)
      %dma_wait3A_147 = arith.constant 0 : i32
      %dma_wait3A_148 = arith.constant 0 : i32
      %dma_wait3A_149 = tpu.memref_slice %arg10[%dma_wait3A_147, %dma_wait3A_148] : memref<112x64xf32, #tpu.memory_space<vmem>> -> memref<80x64xf32, #tpu.memory_space<vmem>>
      %dma_wait3A_150 = arith.constant 0 : i32
      %dma_wait3A_151 = tpu.memref_slice %arg7[%add3A_14, %dma_wait3A_150] : memref<10240x64xf32, #tpu.memory_space<vmem_shared>> -> memref<80x64xf32, #tpu.memory_space<vmem_shared>>
      %dma_wait3A_152 = arith.constant 0 : i32
      %dma_wait3A_153 = tpu.memref_slice %arg7[%add3A_14, %dma_wait3A_152] : memref<10240x64xf32, #tpu.memory_space<vmem_shared>> -> memref<80x64xf32, #tpu.memory_space<vmem_shared>>
      %dma_wait3A_154 = arith.constant 0 : i32
      %dma_wait3A_155 = arith.constant 0 : i32
      %dma_wait3A_156 = tpu.memref_slice %arg10[%dma_wait3A_154, %dma_wait3A_155] : memref<112x64xf32, #tpu.memory_space<vmem>> -> memref<80x64xf32, #tpu.memory_space<vmem>>
      tpu.wait_dma2 semaphore(%run_scoped3A : memref<!tpu.dma_semaphore, #tpu.memory_space<semaphore_mem>>) src(%dma_wait3A_156 : memref<80x64xf32, #tpu.memory_space<vmem>>) dst(%dma_wait3A_153 : memref<80x64xf32, #tpu.memory_space<vmem_shared>>)
      tpu.yield
    }) : () -> ()
    %mul3A_15 = arith.constant 640 : i32
    %mul3A_16 = arith.muli %arg1, %mul3A_15 : i32
    %add3A_17 = arith.constant 160 : i32
    %add3A_18 = arith.addi %mul3A_16, %add3A_17 : i32
    "tpu.region"() ({
      %run_scoped3A = tpu.sem_alloc : memref<!tpu.dma_semaphore, #tpu.memory_space<semaphore_mem>>
      %dma_start3A_137 = arith.constant 0 : i32
      %dma_start3A_138 = arith.constant 0 : i32
      %dma_start3A_139 = tpu.memref_slice %arg10[%dma_start3A_137, %dma_start3A_138] : memref<112x64xf32, #tpu.memory_space<vmem>> -> memref<80x64xf32, #tpu.memory_space<vmem>>
      %dma_start3A_140 = arith.constant 0 : i32
      %dma_start3A_141 = tpu.memref_slice %arg7[%add3A_18, %dma_start3A_140] : memref<10240x64xf32, #tpu.memory_space<vmem_shared>> -> memref<80x64xf32, #tpu.memory_space<vmem_shared>>
      %dma_start3A_142 = arith.constant 0 : i32
      %dma_start3A_143 = tpu.memref_slice %arg7[%add3A_18, %dma_start3A_142] : memref<10240x64xf32, #tpu.memory_space<vmem_shared>> -> memref<80x64xf32, #tpu.memory_space<vmem_shared>>
      %dma_start3A_144 = arith.constant 0 : i32
      %dma_start3A_145 = arith.constant 0 : i32
      %dma_start3A_146 = tpu.memref_slice %arg10[%dma_start3A_144, %dma_start3A_145] : memref<112x64xf32, #tpu.memory_space<vmem>> -> memref<80x64xf32, #tpu.memory_space<vmem>>
      tpu.enqueue_dma source(%dma_start3A_146 : memref<80x64xf32, #tpu.memory_space<vmem>>) target(%dma_start3A_143 : memref<80x64xf32, #tpu.memory_space<vmem_shared>>) target_semaphore(%run_scoped3A : memref<!tpu.dma_semaphore, #tpu.memory_space<semaphore_mem>>)
      %dma_wait3A_147 = arith.constant 0 : i32
      %dma_wait3A_148 = arith.constant 0 : i32
      %dma_wait3A_149 = tpu.memref_slice %arg10[%dma_wait3A_147, %dma_wait3A_148] : memref<112x64xf32, #tpu.memory_space<vmem>> -> memref<80x64xf32, #tpu.memory_space<vmem>>
      %dma_wait3A_150 = arith.constant 0 : i32
      %dma_wait3A_151 = tpu.memref_slice %arg7[%add3A_18, %dma_wait3A_150] : memref<10240x64xf32, #tpu.memory_space<vmem_shared>> -> memref<80x64xf32, #tpu.memory_space<vmem_shared>>
      %dma_wait3A_152 = arith.constant 0 : i32
      %dma_wait3A_153 = tpu.memref_slice %arg7[%add3A_18, %dma_wait3A_152] : memref<10240x64xf32, #tpu.memory_space<vmem_shared>> -> memref<80x64xf32, #tpu.memory_space<vmem_shared>>
      %dma_wait3A_154 = arith.constant 0 : i32
      %dma_wait3A_155 = arith.constant 0 : i32
      %dma_wait3A_156 = tpu.memref_slice %arg10[%dma_wait3A_154, %dma_wait3A_155] : memref<112x64xf32, #tpu.memory_space<vmem>> -> memref<80x64xf32, #tpu.memory_space<vmem>>
      tpu.wait_dma2 semaphore(%run_scoped3A : memref<!tpu.dma_semaphore, #tpu.memory_space<semaphore_mem>>) src(%dma_wait3A_156 : memref<80x64xf32, #tpu.memory_space<vmem>>) dst(%dma_wait3A_153 : memref<80x64xf32, #tpu.memory_space<vmem_shared>>)
      tpu.yield
    }) : () -> ()
    %mul3A_19 = arith.constant 640 : i32
    %mul3A_20 = arith.muli %arg1, %mul3A_19 : i32
    %add3A_21 = arith.constant 240 : i32
    %add3A_22 = arith.addi %mul3A_20, %add3A_21 : i32
    "tpu.region"() ({
      %run_scoped3A = tpu.sem_alloc : memref<!tpu.dma_semaphore, #tpu.memory_space<semaphore_mem>>
      %dma_start3A_137 = arith.constant 0 : i32
      %dma_start3A_138 = arith.constant 0 : i32
      %dma_start3A_139 = tpu.memref_slice %arg10[%dma_start3A_137, %dma_start3A_138] : memref<112x64xf32, #tpu.memory_space<vmem>> -> memref<80x64xf32, #tpu.memory_space<vmem>>
      %dma_start3A_140 = arith.constant 0 : i32
      %dma_start3A_141 = tpu.memref_slice %arg7[%add3A_22, %dma_start3A_140] : memref<10240x64xf32, #tpu.memory_space<vmem_shared>> -> memref<80x64xf32, #tpu.memory_space<vmem_shared>>
      %dma_start3A_142 = arith.constant 0 : i32
      %dma_start3A_143 = tpu.memref_slice %arg7[%add3A_22, %dma_start3A_142] : memref<10240x64xf32, #tpu.memory_space<vmem_shared>> -> memref<80x64xf32, #tpu.memory_space<vmem_shared>>
      %dma_start3A_144 = arith.constant 0 : i32
      %dma_start3A_145 = arith.constant 0 : i32
      %dma_start3A_146 = tpu.memref_slice %arg10[%dma_start3A_144, %dma_start3A_145] : memref<112x64xf32, #tpu.memory_space<vmem>> -> memref<80x64xf32, #tpu.memory_space<vmem>>
      tpu.enqueue_dma source(%dma_start3A_146 : memref<80x64xf32, #tpu.memory_space<vmem>>) target(%dma_start3A_143 : memref<80x64xf32, #tpu.memory_space<vmem_shared>>) target_semaphore(%run_scoped3A : memref<!tpu.dma_semaphore, #tpu.memory_space<semaphore_mem>>)
      %dma_wait3A_147 = arith.constant 0 : i32
      %dma_wait3A_148 = arith.constant 0 : i32
      %dma_wait3A_149 = tpu.memref_slice %arg10[%dma_wait3A_147, %dma_wait3A_148] : memref<112x64xf32, #tpu.memory_space<vmem>> -> memref<80x64xf32, #tpu.memory_space<vmem>>
      %dma_wait3A_150 = arith.constant 0 : i32
      %dma_wait3A_151 = tpu.memref_slice %arg7[%add3A_22, %dma_wait3A_150] : memref<10240x64xf32, #tpu.memory_space<vmem_shared>> -> memref<80x64xf32, #tpu.memory_space<vmem_shared>>
      %dma_wait3A_152 = arith.constant 0 : i32
      %dma_wait3A_153 = tpu.memref_slice %arg7[%add3A_22, %dma_wait3A_152] : memref<10240x64xf32, #tpu.memory_space<vmem_shared>> -> memref<80x64xf32, #tpu.memory_space<vmem_shared>>
      %dma_wait3A_154 = arith.constant 0 : i32
      %dma_wait3A_155 = arith.constant 0 : i32
      %dma_wait3A_156 = tpu.memref_slice %arg10[%dma_wait3A_154, %dma_wait3A_155] : memref<112x64xf32, #tpu.memory_space<vmem>> -> memref<80x64xf32, #tpu.memory_space<vmem>>
      tpu.wait_dma2 semaphore(%run_scoped3A : memref<!tpu.dma_semaphore, #tpu.memory_space<semaphore_mem>>) src(%dma_wait3A_156 : memref<80x64xf32, #tpu.memory_space<vmem>>) dst(%dma_wait3A_153 : memref<80x64xf32, #tpu.memory_space<vmem_shared>>)
      tpu.yield
    }) : () -> ()
    %mul3A_23 = arith.constant 640 : i32
    %mul3A_24 = arith.muli %arg1, %mul3A_23 : i32
    %add3A_25 = arith.constant 320 : i32
    %add3A_26 = arith.addi %mul3A_24, %add3A_25 : i32
    "tpu.region"() ({
      %run_scoped3A = tpu.sem_alloc : memref<!tpu.dma_semaphore, #tpu.memory_space<semaphore_mem>>
      %dma_start3A_137 = arith.constant 0 : i32
      %dma_start3A_138 = arith.constant 0 : i32
      %dma_start3A_139 = tpu.memref_slice %arg10[%dma_start3A_137, %dma_start3A_138] : memref<112x64xf32, #tpu.memory_space<vmem>> -> memref<80x64xf32, #tpu.memory_space<vmem>>
      %dma_start3A_140 = arith.constant 0 : i32
      %dma_start3A_141 = tpu.memref_slice %arg7[%add3A_26, %dma_start3A_140] : memref<10240x64xf32, #tpu.memory_space<vmem_shared>> -> memref<80x64xf32, #tpu.memory_space<vmem_shared>>
      %dma_start3A_142 = arith.constant 0 : i32
      %dma_start3A_143 = tpu.memref_slice %arg7[%add3A_26, %dma_start3A_142] : memref<10240x64xf32, #tpu.memory_space<vmem_shared>> -> memref<80x64xf32, #tpu.memory_space<vmem_shared>>
      %dma_start3A_144 = arith.constant 0 : i32
      %dma_start3A_145 = arith.constant 0 : i32
      %dma_start3A_146 = tpu.memref_slice %arg10[%dma_start3A_144, %dma_start3A_145] : memref<112x64xf32, #tpu.memory_space<vmem>> -> memref<80x64xf32, #tpu.memory_space<vmem>>
      tpu.enqueue_dma source(%dma_start3A_146 : memref<80x64xf32, #tpu.memory_space<vmem>>) target(%dma_start3A_143 : memref<80x64xf32, #tpu.memory_space<vmem_shared>>) target_semaphore(%run_scoped3A : memref<!tpu.dma_semaphore, #tpu.memory_space<semaphore_mem>>)
      %dma_wait3A_147 = arith.constant 0 : i32
      %dma_wait3A_148 = arith.constant 0 : i32
      %dma_wait3A_149 = tpu.memref_slice %arg10[%dma_wait3A_147, %dma_wait3A_148] : memref<112x64xf32, #tpu.memory_space<vmem>> -> memref<80x64xf32, #tpu.memory_space<vmem>>
      %dma_wait3A_150 = arith.constant 0 : i32
      %dma_wait3A_151 = tpu.memref_slice %arg7[%add3A_26, %dma_wait3A_150] : memref<10240x64xf32, #tpu.memory_space<vmem_shared>> -> memref<80x64xf32, #tpu.memory_space<vmem_shared>>
      %dma_wait3A_152 = arith.constant 0 : i32
      %dma_wait3A_153 = tpu.memref_slice %arg7[%add3A_26, %dma_wait3A_152] : memref<10240x64xf32, #tpu.memory_space<vmem_shared>> -> memref<80x64xf32, #tpu.memory_space<vmem_shared>>
      %dma_wait3A_154 = arith.constant 0 : i32
      %dma_wait3A_155 = arith.constant 0 : i32
      %dma_wait3A_156 = tpu.memref_slice %arg10[%dma_wait3A_154, %dma_wait3A_155] : memref<112x64xf32, #tpu.memory_space<vmem>> -> memref<80x64xf32, #tpu.memory_space<vmem>>
      tpu.wait_dma2 semaphore(%run_scoped3A : memref<!tpu.dma_semaphore, #tpu.memory_space<semaphore_mem>>) src(%dma_wait3A_156 : memref<80x64xf32, #tpu.memory_space<vmem>>) dst(%dma_wait3A_153 : memref<80x64xf32, #tpu.memory_space<vmem_shared>>)
      tpu.yield
    }) : () -> ()
    %mul3A_27 = arith.constant 640 : i32
    %mul3A_28 = arith.muli %arg1, %mul3A_27 : i32
    %add3A_29 = arith.constant 400 : i32
    %add3A_30 = arith.addi %mul3A_28, %add3A_29 : i32
    "tpu.region"() ({
      %run_scoped3A = tpu.sem_alloc : memref<!tpu.dma_semaphore, #tpu.memory_space<semaphore_mem>>
      %dma_start3A_137 = arith.constant 0 : i32
      %dma_start3A_138 = arith.constant 0 : i32
      %dma_start3A_139 = tpu.memref_slice %arg10[%dma_start3A_137, %dma_start3A_138] : memref<112x64xf32, #tpu.memory_space<vmem>> -> memref<80x64xf32, #tpu.memory_space<vmem>>
      %dma_start3A_140 = arith.constant 0 : i32
      %dma_start3A_141 = tpu.memref_slice %arg7[%add3A_30, %dma_start3A_140] : memref<10240x64xf32, #tpu.memory_space<vmem_shared>> -> memref<80x64xf32, #tpu.memory_space<vmem_shared>>
      %dma_start3A_142 = arith.constant 0 : i32
      %dma_start3A_143 = tpu.memref_slice %arg7[%add3A_30, %dma_start3A_142] : memref<10240x64xf32, #tpu.memory_space<vmem_shared>> -> memref<80x64xf32, #tpu.memory_space<vmem_shared>>
      %dma_start3A_144 = arith.constant 0 : i32
      %dma_start3A_145 = arith.constant 0 : i32
      %dma_start3A_146 = tpu.memref_slice %arg10[%dma_start3A_144, %dma_start3A_145] : memref<112x64xf32, #tpu.memory_space<vmem>> -> memref<80x64xf32, #tpu.memory_space<vmem>>
      tpu.enqueue_dma source(%dma_start3A_146 : memref<80x64xf32, #tpu.memory_space<vmem>>) target(%dma_start3A_143 : memref<80x64xf32, #tpu.memory_space<vmem_shared>>) target_semaphore(%run_scoped3A : memref<!tpu.dma_semaphore, #tpu.memory_space<semaphore_mem>>)
      %dma_wait3A_147 = arith.constant 0 : i32
      %dma_wait3A_148 = arith.constant 0 : i32
      %dma_wait3A_149 = tpu.memref_slice %arg10[%dma_wait3A_147, %dma_wait3A_148] : memref<112x64xf32, #tpu.memory_space<vmem>> -> memref<80x64xf32, #tpu.memory_space<vmem>>
      %dma_wait3A_150 = arith.constant 0 : i32
      %dma_wait3A_151 = tpu.memref_slice %arg7[%add3A_30, %dma_wait3A_150] : memref<10240x64xf32, #tpu.memory_space<vmem_shared>> -> memref<80x64xf32, #tpu.memory_space<vmem_shared>>
      %dma_wait3A_152 = arith.constant 0 : i32
      %dma_wait3A_153 = tpu.memref_slice %arg7[%add3A_30, %dma_wait3A_152] : memref<10240x64xf32, #tpu.memory_space<vmem_shared>> -> memref<80x64xf32, #tpu.memory_space<vmem_shared>>
      %dma_wait3A_154 = arith.constant 0 : i32
      %dma_wait3A_155 = arith.constant 0 : i32
      %dma_wait3A_156 = tpu.memref_slice %arg10[%dma_wait3A_154, %dma_wait3A_155] : memref<112x64xf32, #tpu.memory_space<vmem>> -> memref<80x64xf32, #tpu.memory_space<vmem>>
      tpu.wait_dma2 semaphore(%run_scoped3A : memref<!tpu.dma_semaphore, #tpu.memory_space<semaphore_mem>>) src(%dma_wait3A_156 : memref<80x64xf32, #tpu.memory_space<vmem>>) dst(%dma_wait3A_153 : memref<80x64xf32, #tpu.memory_space<vmem_shared>>)
      tpu.yield
    }) : () -> ()
    %mul3A_31 = arith.constant 640 : i32
    %mul3A_32 = arith.muli %arg1, %mul3A_31 : i32
    %add3A_33 = arith.constant 480 : i32
    %add3A_34 = arith.addi %mul3A_32, %add3A_33 : i32
    "tpu.region"() ({
      %run_scoped3A = tpu.sem_alloc : memref<!tpu.dma_semaphore, #tpu.memory_space<semaphore_mem>>
      %dma_start3A_137 = arith.constant 0 : i32
      %dma_start3A_138 = arith.constant 0 : i32
      %dma_start3A_139 = tpu.memref_slice %arg10[%dma_start3A_137, %dma_start3A_138] : memref<112x64xf32, #tpu.memory_space<vmem>> -> memref<80x64xf32, #tpu.memory_space<vmem>>
      %dma_start3A_140 = arith.constant 0 : i32
      %dma_start3A_141 = tpu.memref_slice %arg7[%add3A_34, %dma_start3A_140] : memref<10240x64xf32, #tpu.memory_space<vmem_shared>> -> memref<80x64xf32, #tpu.memory_space<vmem_shared>>
      %dma_start3A_142 = arith.constant 0 : i32
      %dma_start3A_143 = tpu.memref_slice %arg7[%add3A_34, %dma_start3A_142] : memref<10240x64xf32, #tpu.memory_space<vmem_shared>> -> memref<80x64xf32, #tpu.memory_space<vmem_shared>>
      %dma_start3A_144 = arith.constant 0 : i32
      %dma_start3A_145 = arith.constant 0 : i32
      %dma_start3A_146 = tpu.memref_slice %arg10[%dma_start3A_144, %dma_start3A_145] : memref<112x64xf32, #tpu.memory_space<vmem>> -> memref<80x64xf32, #tpu.memory_space<vmem>>
      tpu.enqueue_dma source(%dma_start3A_146 : memref<80x64xf32, #tpu.memory_space<vmem>>) target(%dma_start3A_143 : memref<80x64xf32, #tpu.memory_space<vmem_shared>>) target_semaphore(%run_scoped3A : memref<!tpu.dma_semaphore, #tpu.memory_space<semaphore_mem>>)
      %dma_wait3A_147 = arith.constant 0 : i32
      %dma_wait3A_148 = arith.constant 0 : i32
      %dma_wait3A_149 = tpu.memref_slice %arg10[%dma_wait3A_147, %dma_wait3A_148] : memref<112x64xf32, #tpu.memory_space<vmem>> -> memref<80x64xf32, #tpu.memory_space<vmem>>
      %dma_wait3A_150 = arith.constant 0 : i32
      %dma_wait3A_151 = tpu.memref_slice %arg7[%add3A_34, %dma_wait3A_150] : memref<10240x64xf32, #tpu.memory_space<vmem_shared>> -> memref<80x64xf32, #tpu.memory_space<vmem_shared>>
      %dma_wait3A_152 = arith.constant 0 : i32
      %dma_wait3A_153 = tpu.memref_slice %arg7[%add3A_34, %dma_wait3A_152] : memref<10240x64xf32, #tpu.memory_space<vmem_shared>> -> memref<80x64xf32, #tpu.memory_space<vmem_shared>>
      %dma_wait3A_154 = arith.constant 0 : i32
      %dma_wait3A_155 = arith.constant 0 : i32
      %dma_wait3A_156 = tpu.memref_slice %arg10[%dma_wait3A_154, %dma_wait3A_155] : memref<112x64xf32, #tpu.memory_space<vmem>> -> memref<80x64xf32, #tpu.memory_space<vmem>>
      tpu.wait_dma2 semaphore(%run_scoped3A : memref<!tpu.dma_semaphore, #tpu.memory_space<semaphore_mem>>) src(%dma_wait3A_156 : memref<80x64xf32, #tpu.memory_space<vmem>>) dst(%dma_wait3A_153 : memref<80x64xf32, #tpu.memory_space<vmem_shared>>)
      tpu.yield
    }) : () -> ()
    %mul3A_35 = arith.constant 640 : i32
    %mul3A_36 = arith.muli %arg1, %mul3A_35 : i32
    %add3A_37 = arith.constant 560 : i32
    %add3A_38 = arith.addi %mul3A_36, %add3A_37 : i32
    "tpu.region"() ({
      %run_scoped3A = tpu.sem_alloc : memref<!tpu.dma_semaphore, #tpu.memory_space<semaphore_mem>>
      %dma_start3A_137 = arith.constant 0 : i32
      %dma_start3A_138 = arith.constant 0 : i32
      %dma_start3A_139 = tpu.memref_slice %arg10[%dma_start3A_137, %dma_start3A_138] : memref<112x64xf32, #tpu.memory_space<vmem>> -> memref<80x64xf32, #tpu.memory_space<vmem>>
      %dma_start3A_140 = arith.constant 0 : i32
      %dma_start3A_141 = tpu.memref_slice %arg7[%add3A_38, %dma_start3A_140] : memref<10240x64xf32, #tpu.memory_space<vmem_shared>> -> memref<80x64xf32, #tpu.memory_space<vmem_shared>>
      %dma_start3A_142 = arith.constant 0 : i32
      %dma_start3A_143 = tpu.memref_slice %arg7[%add3A_38, %dma_start3A_142] : memref<10240x64xf32, #tpu.memory_space<vmem_shared>> -> memref<80x64xf32, #tpu.memory_space<vmem_shared>>
      %dma_start3A_144 = arith.constant 0 : i32
      %dma_start3A_145 = arith.constant 0 : i32
      %dma_start3A_146 = tpu.memref_slice %arg10[%dma_start3A_144, %dma_start3A_145] : memref<112x64xf32, #tpu.memory_space<vmem>> -> memref<80x64xf32, #tpu.memory_space<vmem>>
      tpu.enqueue_dma source(%dma_start3A_146 : memref<80x64xf32, #tpu.memory_space<vmem>>) target(%dma_start3A_143 : memref<80x64xf32, #tpu.memory_space<vmem_shared>>) target_semaphore(%run_scoped3A : memref<!tpu.dma_semaphore, #tpu.memory_space<semaphore_mem>>)
      %dma_wait3A_147 = arith.constant 0 : i32
      %dma_wait3A_148 = arith.constant 0 : i32
      %dma_wait3A_149 = tpu.memref_slice %arg10[%dma_wait3A_147, %dma_wait3A_148] : memref<112x64xf32, #tpu.memory_space<vmem>> -> memref<80x64xf32, #tpu.memory_space<vmem>>
      %dma_wait3A_150 = arith.constant 0 : i32
      %dma_wait3A_151 = tpu.memref_slice %arg7[%add3A_38, %dma_wait3A_150] : memref<10240x64xf32, #tpu.memory_space<vmem_shared>> -> memref<80x64xf32, #tpu.memory_space<vmem_shared>>
      %dma_wait3A_152 = arith.constant 0 : i32
      %dma_wait3A_153 = tpu.memref_slice %arg7[%add3A_38, %dma_wait3A_152] : memref<10240x64xf32, #tpu.memory_space<vmem_shared>> -> memref<80x64xf32, #tpu.memory_space<vmem_shared>>
      %dma_wait3A_154 = arith.constant 0 : i32
      %dma_wait3A_155 = arith.constant 0 : i32
      %dma_wait3A_156 = tpu.memref_slice %arg10[%dma_wait3A_154, %dma_wait3A_155] : memref<112x64xf32, #tpu.memory_space<vmem>> -> memref<80x64xf32, #tpu.memory_space<vmem>>
      tpu.wait_dma2 semaphore(%run_scoped3A : memref<!tpu.dma_semaphore, #tpu.memory_space<semaphore_mem>>) src(%dma_wait3A_156 : memref<80x64xf32, #tpu.memory_space<vmem>>) dst(%dma_wait3A_153 : memref<80x64xf32, #tpu.memory_space<vmem_shared>>)
      tpu.yield
    }) : () -> ()
    %mul3A_39 = arith.constant 640 : i32
    %mul3A_40 = arith.muli %arg1, %mul3A_39 : i32
    %mul3A_41 = arith.constant 640 : i32
    %mul3A_42 = arith.muli %arg1, %mul3A_41 : i32
    "tpu.region"() ({
      %run_scoped3A = tpu.sem_alloc : memref<!tpu.dma_semaphore, #tpu.memory_space<semaphore_mem>>
      %dma_start3A_137 = arith.constant 0 : i32
      %dma_start3A_138 = tpu.memref_slice %arg6[%mul3A_42, %dma_start3A_137] : memref<10240x64xf32, #tpu.memory_space<vmem_shared>> -> memref<640x64xf32, #tpu.memory_space<vmem_shared>>
      %dma_start3A_139 = arith.constant 0 : i32
      %dma_start3A_140 = tpu.memref_slice %arg2[%mul3A_40, %dma_start3A_139] : memref<10240x64xf32, #tpu.memory_space<hbm>> -> memref<640x64xf32, #tpu.memory_space<hbm>>
      tpu.enqueue_dma source(%dma_start3A_140 : memref<640x64xf32, #tpu.memory_space<hbm>>) target(%dma_start3A_138 : memref<640x64xf32, #tpu.memory_space<vmem_shared>>) target_semaphore(%run_scoped3A : memref<!tpu.dma_semaphore, #tpu.memory_space<semaphore_mem>>)
      %dma_wait3A_141 = arith.constant 0 : i32
      %dma_wait3A_142 = tpu.memref_slice %arg6[%mul3A_42, %dma_wait3A_141] : memref<10240x64xf32, #tpu.memory_space<vmem_shared>> -> memref<640x64xf32, #tpu.memory_space<vmem_shared>>
      %dma_wait3A_143 = arith.constant 0 : i32
      %dma_wait3A_144 = tpu.memref_slice %arg2[%mul3A_40, %dma_wait3A_143] : memref<10240x64xf32, #tpu.memory_space<hbm>> -> memref<640x64xf32, #tpu.memory_space<hbm>>
      tpu.wait_dma2 semaphore(%run_scoped3A : memref<!tpu.dma_semaphore, #tpu.memory_space<semaphore_mem>>) src(%dma_wait3A_144 : memref<640x64xf32, #tpu.memory_space<hbm>>) dst(%dma_wait3A_142 : memref<640x64xf32, #tpu.memory_space<vmem_shared>>)
      tpu.yield
    }) : () -> ()
    "tpu.region"() ({
      %run_scoped3A = tpu.sem_alloc : memref<!tpu.dma_semaphore, #tpu.memory_space<semaphore_mem>>
      %dma_start3A_137 = arith.constant 0 : i32
      %dma_start3A_138 = arith.constant 0 : i32
      %dma_start3A_139 = tpu.memref_slice %arg3[%add3A, %dma_start3A_137, %dma_start3A_138] : memref<32x90x112xi32, #tpu.memory_space<hbm>> -> memref<1x90x112xi32, #tpu.memory_space<hbm>>
      %dma_start3A_140 = tpu.memref_squeeze %dma_start3A_139 : memref<1x90x112xi32, #tpu.memory_space<hbm>> -> memref<90x112xi32, #tpu.memory_space<hbm>>
      %dma_start3A_141 = arith.constant 0 : i32
      %dma_start3A_142 = arith.constant 0 : i32
      %dma_start3A_143 = tpu.memref_slice %arg3[%add3A, %dma_start3A_141, %dma_start3A_142] : memref<32x90x112xi32, #tpu.memory_space<hbm>> -> memref<1x90x112xi32, #tpu.memory_space<hbm>>
      %dma_start3A_144 = tpu.memref_squeeze %dma_start3A_143 : memref<1x90x112xi32, #tpu.memory_space<hbm>> -> memref<90x112xi32, #tpu.memory_space<hbm>>
      tpu.enqueue_dma source(%dma_start3A_144 : memref<90x112xi32, #tpu.memory_space<hbm>>) target(%arg8 : memref<90x112xi32, #tpu.memory_space<vmem>>) target_semaphore(%run_scoped3A : memref<!tpu.dma_semaphore, #tpu.memory_space<semaphore_mem>>)
      %dma_wait3A_145 = arith.constant 0 : i32
      %dma_wait3A_146 = arith.constant 0 : i32
      %dma_wait3A_147 = tpu.memref_slice %arg3[%add3A, %dma_wait3A_145, %dma_wait3A_146] : memref<32x90x112xi32, #tpu.memory_space<hbm>> -> memref<1x90x112xi32, #tpu.memory_space<hbm>>
      %dma_wait3A_148 = tpu.memref_squeeze %dma_wait3A_147 : memref<1x90x112xi32, #tpu.memory_space<hbm>> -> memref<90x112xi32, #tpu.memory_space<hbm>>
      %dma_wait3A_149 = arith.constant 0 : i32
      %dma_wait3A_150 = arith.constant 0 : i32
      %dma_wait3A_151 = tpu.memref_slice %arg3[%add3A, %dma_wait3A_149, %dma_wait3A_150] : memref<32x90x112xi32, #tpu.memory_space<hbm>> -> memref<1x90x112xi32, #tpu.memory_space<hbm>>
      %dma_wait3A_152 = tpu.memref_squeeze %dma_wait3A_151 : memref<1x90x112xi32, #tpu.memory_space<hbm>> -> memref<90x112xi32, #tpu.memory_space<hbm>>
      tpu.wait_dma2 semaphore(%run_scoped3A : memref<!tpu.dma_semaphore, #tpu.memory_space<semaphore_mem>>) src(%dma_wait3A_152 : memref<90x112xi32, #tpu.memory_space<hbm>>) dst(%arg8 : memref<90x112xi32, #tpu.memory_space<vmem>>)
      tpu.yield
    }) : () -> ()
    "tpu.region"() ({
      %run_scoped3A = tpu.sem_alloc : memref<!tpu.dma_semaphore, #tpu.memory_space<semaphore_mem>>
      %dma_start3A_137 = arith.constant 0 : i32
      %dma_start3A_138 = arith.constant 0 : i32
      %dma_start3A_139 = tpu.memref_slice %arg4[%add3A, %dma_start3A_137, %dma_start3A_138] : memref<32x90x112xi32, #tpu.memory_space<hbm>> -> memref<1x90x112xi32, #tpu.memory_space<hbm>>
      %dma_start3A_140 = tpu.memref_squeeze %dma_start3A_139 : memref<1x90x112xi32, #tpu.memory_space<hbm>> -> memref<90x112xi32, #tpu.memory_space<hbm>>
      %dma_start3A_141 = arith.constant 0 : i32
      %dma_start3A_142 = arith.constant 0 : i32
      %dma_start3A_143 = tpu.memref_slice %arg4[%add3A, %dma_start3A_141, %dma_start3A_142] : memref<32x90x112xi32, #tpu.memory_space<hbm>> -> memref<1x90x112xi32, #tpu.memory_space<hbm>>
      %dma_start3A_144 = tpu.memref_squeeze %dma_start3A_143 : memref<1x90x112xi32, #tpu.memory_space<hbm>> -> memref<90x112xi32, #tpu.memory_space<hbm>>
      tpu.enqueue_dma source(%dma_start3A_144 : memref<90x112xi32, #tpu.memory_space<hbm>>) target(%arg9 : memref<90x112xi32, #tpu.memory_space<vmem>>) target_semaphore(%run_scoped3A : memref<!tpu.dma_semaphore, #tpu.memory_space<semaphore_mem>>)
      %dma_wait3A_145 = arith.constant 0 : i32
      %dma_wait3A_146 = arith.constant 0 : i32
      %dma_wait3A_147 = tpu.memref_slice %arg4[%add3A, %dma_wait3A_145, %dma_wait3A_146] : memref<32x90x112xi32, #tpu.memory_space<hbm>> -> memref<1x90x112xi32, #tpu.memory_space<hbm>>
      %dma_wait3A_148 = tpu.memref_squeeze %dma_wait3A_147 : memref<1x90x112xi32, #tpu.memory_space<hbm>> -> memref<90x112xi32, #tpu.memory_space<hbm>>
      %dma_wait3A_149 = arith.constant 0 : i32
      %dma_wait3A_150 = arith.constant 0 : i32
      %dma_wait3A_151 = tpu.memref_slice %arg4[%add3A, %dma_wait3A_149, %dma_wait3A_150] : memref<32x90x112xi32, #tpu.memory_space<hbm>> -> memref<1x90x112xi32, #tpu.memory_space<hbm>>
      %dma_wait3A_152 = tpu.memref_squeeze %dma_wait3A_151 : memref<1x90x112xi32, #tpu.memory_space<hbm>> -> memref<90x112xi32, #tpu.memory_space<hbm>>
      tpu.wait_dma2 semaphore(%run_scoped3A : memref<!tpu.dma_semaphore, #tpu.memory_space<semaphore_mem>>) src(%dma_wait3A_152 : memref<90x112xi32, #tpu.memory_space<hbm>>) dst(%arg9 : memref<90x112xi32, #tpu.memory_space<vmem>>)
      tpu.yield
    }) : () -> ()
    %barrier3A = arith.constant 0 : index
    tpu.barrier barrier_id(%barrier3A)
    %dma_start3A = arith.constant 0 : i32
    %dma_start3A_43 = arith.constant 0 : i32
    %dma_start3A_44 = tpu.memref_slice %arg8[%dma_start3A, %dma_start3A_43] : memref<90x112xi32, #tpu.memory_space<vmem>> -> memref<1x112xi32, #tpu.memory_space<vmem>>
    %dma_start3A_45 = tpu.memref_squeeze %dma_start3A_44 : memref<1x112xi32, #tpu.memory_space<vmem>> -> memref<112xi32, #tpu.memory_space<vmem>>
    %dma_start3A_46 = arith.constant 0 : i32
    %dma_start3A_47 = arith.constant 0 : i32
    %dma_start3A_48 = tpu.memref_slice %arg6[%dma_start3A_46, %dma_start3A_47] : memref<10240x64xf32, #tpu.memory_space<vmem_shared>> -> memref<10240x64xf32, #tpu.memory_space<vmem_shared>>
    tpu.enqueue_indirect_dma source(%dma_start3A_48 : memref<10240x64xf32, #tpu.memory_space<vmem_shared>>) target(%arg10 : memref<112x64xf32, #tpu.memory_space<vmem>>) offsets(%dma_start3A_45 : memref<112xi32, #tpu.memory_space<vmem>>) semaphore(%arg14 : memref<!tpu.dma_semaphore, #tpu.memory_space<semaphore_mem>>)
    %dma_start3A_49 = arith.constant 1 : i32
    %dma_start3A_50 = arith.constant 0 : i32
    %dma_start3A_51 = tpu.memref_slice %arg8[%dma_start3A_49, %dma_start3A_50] : memref<90x112xi32, #tpu.memory_space<vmem>> -> memref<1x112xi32, #tpu.memory_space<vmem>>
    %dma_start3A_52 = tpu.memref_squeeze %dma_start3A_51 : memref<1x112xi32, #tpu.memory_space<vmem>> -> memref<112xi32, #tpu.memory_space<vmem>>
    %dma_start3A_53 = arith.constant 0 : i32
    %dma_start3A_54 = arith.constant 0 : i32
    %dma_start3A_55 = tpu.memref_slice %arg6[%dma_start3A_53, %dma_start3A_54] : memref<10240x64xf32, #tpu.memory_space<vmem_shared>> -> memref<10240x64xf32, #tpu.memory_space<vmem_shared>>
    tpu.enqueue_indirect_dma source(%dma_start3A_55 : memref<10240x64xf32, #tpu.memory_space<vmem_shared>>) target(%arg11 : memref<112x64xf32, #tpu.memory_space<vmem>>) offsets(%dma_start3A_52 : memref<112xi32, #tpu.memory_space<vmem>>) semaphore(%arg15 : memref<!tpu.dma_semaphore, #tpu.memory_space<semaphore_mem>>)
    %dma_wait3A = arith.constant 0 : i32
    %dma_wait3A_56 = arith.constant 0 : i32
    %dma_wait3A_57 = tpu.memref_slice %arg8[%dma_wait3A, %dma_wait3A_56] : memref<90x112xi32, #tpu.memory_space<vmem>> -> memref<1x112xi32, #tpu.memory_space<vmem>>
    %dma_wait3A_58 = tpu.memref_squeeze %dma_wait3A_57 : memref<1x112xi32, #tpu.memory_space<vmem>> -> memref<112xi32, #tpu.memory_space<vmem>>
    %dma_wait3A_59 = arith.constant 0 : i32
    %dma_wait3A_60 = arith.constant 0 : i32
    %dma_wait3A_61 = tpu.memref_slice %arg6[%dma_wait3A_59, %dma_wait3A_60] : memref<10240x64xf32, #tpu.memory_space<vmem_shared>> -> memref<10240x64xf32, #tpu.memory_space<vmem_shared>>
    tpu.wait_indirect_dma semaphore(%arg14 : memref<!tpu.dma_semaphore, #tpu.memory_space<semaphore_mem>>) src(%dma_wait3A_61 : memref<10240x64xf32, #tpu.memory_space<vmem_shared>>) dst(%arg10 : memref<112x64xf32, #tpu.memory_space<vmem>>)
    %dma_start3A_62 = arith.constant 0 : i32
    %dma_start3A_63 = arith.constant 0 : i32
    %dma_start3A_64 = tpu.memref_slice %arg9[%dma_start3A_62, %dma_start3A_63] : memref<90x112xi32, #tpu.memory_space<vmem>> -> memref<1x112xi32, #tpu.memory_space<vmem>>
    %dma_start3A_65 = tpu.memref_squeeze %dma_start3A_64 : memref<1x112xi32, #tpu.memory_space<vmem>> -> memref<112xi32, #tpu.memory_space<vmem>>
    %dma_start3A_66 = arith.constant 0 : i32
    %dma_start3A_67 = arith.constant 0 : i32
    %dma_start3A_68 = tpu.memref_slice %arg7[%dma_start3A_66, %dma_start3A_67] : memref<10240x64xf32, #tpu.memory_space<vmem_shared>> -> memref<10240x64xf32, #tpu.memory_space<vmem_shared>>
    tpu.enqueue_indirect_dma source(%arg10 : memref<112x64xf32, #tpu.memory_space<vmem>>) target(%dma_start3A_68 : memref<10240x64xf32, #tpu.memory_space<vmem_shared>>) offsets(%dma_start3A_65 : memref<112xi32, #tpu.memory_space<vmem>>) semaphore(%arg18 : memref<!tpu.dma_semaphore, #tpu.memory_space<semaphore_mem>>) {add = true}
    %dma_start3A_69 = arith.constant 2 : i32
    %dma_start3A_70 = arith.constant 0 : i32
    %dma_start3A_71 = tpu.memref_slice %arg8[%dma_start3A_69, %dma_start3A_70] : memref<90x112xi32, #tpu.memory_space<vmem>> -> memref<1x112xi32, #tpu.memory_space<vmem>>
    %dma_start3A_72 = tpu.memref_squeeze %dma_start3A_71 : memref<1x112xi32, #tpu.memory_space<vmem>> -> memref<112xi32, #tpu.memory_space<vmem>>
    %dma_start3A_73 = arith.constant 0 : i32
    %dma_start3A_74 = arith.constant 0 : i32
    %dma_start3A_75 = tpu.memref_slice %arg6[%dma_start3A_73, %dma_start3A_74] : memref<10240x64xf32, #tpu.memory_space<vmem_shared>> -> memref<10240x64xf32, #tpu.memory_space<vmem_shared>>
    tpu.enqueue_indirect_dma source(%dma_start3A_75 : memref<10240x64xf32, #tpu.memory_space<vmem_shared>>) target(%arg12 : memref<112x64xf32, #tpu.memory_space<vmem>>) offsets(%dma_start3A_72 : memref<112xi32, #tpu.memory_space<vmem>>) semaphore(%arg16 : memref<!tpu.dma_semaphore, #tpu.memory_space<semaphore_mem>>)
    %dma_wait3A_76 = arith.constant 1 : i32
    %dma_wait3A_77 = arith.constant 0 : i32
    %dma_wait3A_78 = tpu.memref_slice %arg8[%dma_wait3A_76, %dma_wait3A_77] : memref<90x112xi32, #tpu.memory_space<vmem>> -> memref<1x112xi32, #tpu.memory_space<vmem>>
    %dma_wait3A_79 = tpu.memref_squeeze %dma_wait3A_78 : memref<1x112xi32, #tpu.memory_space<vmem>> -> memref<112xi32, #tpu.memory_space<vmem>>
    %dma_wait3A_80 = arith.constant 0 : i32
    %dma_wait3A_81 = arith.constant 0 : i32
    %dma_wait3A_82 = tpu.memref_slice %arg6[%dma_wait3A_80, %dma_wait3A_81] : memref<10240x64xf32, #tpu.memory_space<vmem_shared>> -> memref<10240x64xf32, #tpu.memory_space<vmem_shared>>
    tpu.wait_indirect_dma semaphore(%arg15 : memref<!tpu.dma_semaphore, #tpu.memory_space<semaphore_mem>>) src(%dma_wait3A_82 : memref<10240x64xf32, #tpu.memory_space<vmem_shared>>) dst(%arg11 : memref<112x64xf32, #tpu.memory_space<vmem>>)
    %dma_start3A_83 = arith.constant 1 : i32
    %dma_start3A_84 = arith.constant 0 : i32
    %dma_start3A_85 = tpu.memref_slice %arg9[%dma_start3A_83, %dma_start3A_84] : memref<90x112xi32, #tpu.memory_space<vmem>> -> memref<1x112xi32, #tpu.memory_space<vmem>>
    %dma_start3A_86 = tpu.memref_squeeze %dma_start3A_85 : memref<1x112xi32, #tpu.memory_space<vmem>> -> memref<112xi32, #tpu.memory_space<vmem>>
    %dma_start3A_87 = arith.constant 0 : i32
    %dma_start3A_88 = arith.constant 0 : i32
    %dma_start3A_89 = tpu.memref_slice %arg7[%dma_start3A_87, %dma_start3A_88] : memref<10240x64xf32, #tpu.memory_space<vmem_shared>> -> memref<10240x64xf32, #tpu.memory_space<vmem_shared>>
    tpu.enqueue_indirect_dma source(%arg11 : memref<112x64xf32, #tpu.memory_space<vmem>>) target(%dma_start3A_89 : memref<10240x64xf32, #tpu.memory_space<vmem_shared>>) offsets(%dma_start3A_86 : memref<112xi32, #tpu.memory_space<vmem>>) semaphore(%arg19 : memref<!tpu.dma_semaphore, #tpu.memory_space<semaphore_mem>>) {add = true}
    %dma_start3A_90 = arith.constant 3 : i32
    %dma_start3A_91 = arith.constant 0 : i32
    %dma_start3A_92 = tpu.memref_slice %arg8[%dma_start3A_90, %dma_start3A_91] : memref<90x112xi32, #tpu.memory_space<vmem>> -> memref<1x112xi32, #tpu.memory_space<vmem>>
    %dma_start3A_93 = tpu.memref_squeeze %dma_start3A_92 : memref<1x112xi32, #tpu.memory_space<vmem>> -> memref<112xi32, #tpu.memory_space<vmem>>
    %dma_start3A_94 = arith.constant 0 : i32
    %dma_start3A_95 = arith.constant 0 : i32
    %dma_start3A_96 = tpu.memref_slice %arg6[%dma_start3A_94, %dma_start3A_95] : memref<10240x64xf32, #tpu.memory_space<vmem_shared>> -> memref<10240x64xf32, #tpu.memory_space<vmem_shared>>
    tpu.enqueue_indirect_dma source(%dma_start3A_96 : memref<10240x64xf32, #tpu.memory_space<vmem_shared>>) target(%arg13 : memref<112x64xf32, #tpu.memory_space<vmem>>) offsets(%dma_start3A_93 : memref<112xi32, #tpu.memory_space<vmem>>) semaphore(%arg17 : memref<!tpu.dma_semaphore, #tpu.memory_space<semaphore_mem>>)
    %scan3A_97 = arith.constant 0 : i32
    %scan3A_98 = arith.constant 0 : i32
    %scan3A_99 = arith.constant 22 : i32
    %scan3A_100 = arith.addi %scan3A_98, %scan3A_99 : i32
    %scan3A_101 = arith.constant 1 : i32
    %scan3A_102 = scf.for %scan3A_137 = %scan3A_98 to %scan3A_100 step %scan3A_101 iter_args(%scan3A_138 = %scan3A_97) -> (i32)  : i32 {
      %mul3A_139 = arith.constant 4 : i32
      %mul3A_140 = arith.muli %mul3A_139, %scan3A_137 : i32
      %add3A_141 = arith.constant 2 : i32
      %add3A_142 = arith.addi %mul3A_140, %add3A_141 : i32
      %add3A_143 = arith.constant 0 : i32
      %add3A_144 = arith.addi %add3A_142, %add3A_143 : i32
      %dma_wait3A_145 = arith.constant 0 : i32
      %dma_wait3A_146 = tpu.memref_slice %arg8[%add3A_144, %dma_wait3A_145] : memref<90x112xi32, #tpu.memory_space<vmem>> -> memref<1x112xi32, #tpu.memory_space<vmem>>
      %dma_wait3A_147 = tpu.memref_squeeze %dma_wait3A_146 : memref<1x112xi32, #tpu.memory_space<vmem>> -> memref<112xi32, #tpu.memory_space<vmem>>
      %dma_wait3A_148 = arith.constant 0 : i32
      %dma_wait3A_149 = arith.constant 0 : i32
      %dma_wait3A_150 = tpu.memref_slice %arg6[%dma_wait3A_148, %dma_wait3A_149] : memref<10240x64xf32, #tpu.memory_space<vmem_shared>> -> memref<10240x64xf32, #tpu.memory_space<vmem_shared>>
      tpu.wait_indirect_dma semaphore(%arg16 : memref<!tpu.dma_semaphore, #tpu.memory_space<semaphore_mem>>) src(%dma_wait3A_150 : memref<10240x64xf32, #tpu.memory_space<vmem_shared>>) dst(%arg12 : memref<112x64xf32, #tpu.memory_space<vmem>>)
      %dma_start3A_151 = arith.constant 0 : i32
      %dma_start3A_152 = tpu.memref_slice %arg9[%add3A_144, %dma_start3A_151] : memref<90x112xi32, #tpu.memory_space<vmem>> -> memref<1x112xi32, #tpu.memory_space<vmem>>
      %dma_start3A_153 = tpu.memref_squeeze %dma_start3A_152 : memref<1x112xi32, #tpu.memory_space<vmem>> -> memref<112xi32, #tpu.memory_space<vmem>>
      %dma_start3A_154 = arith.constant 0 : i32
      %dma_start3A_155 = arith.constant 0 : i32
      %dma_start3A_156 = tpu.memref_slice %arg7[%dma_start3A_154, %dma_start3A_155] : memref<10240x64xf32, #tpu.memory_space<vmem_shared>> -> memref<10240x64xf32, #tpu.memory_space<vmem_shared>>
      tpu.enqueue_indirect_dma source(%arg12 : memref<112x64xf32, #tpu.memory_space<vmem>>) target(%dma_start3A_156 : memref<10240x64xf32, #tpu.memory_space<vmem_shared>>) offsets(%dma_start3A_153 : memref<112xi32, #tpu.memory_space<vmem>>) semaphore(%arg20 : memref<!tpu.dma_semaphore, #tpu.memory_space<semaphore_mem>>) {add = true}
      %sub3A = arith.constant 2 : i32
      %sub3A_157 = arith.subi %add3A_144, %sub3A : i32
      %dma_wait3A_158 = arith.constant 0 : i32
      %dma_wait3A_159 = tpu.memref_slice %arg9[%sub3A_157, %dma_wait3A_158] : memref<90x112xi32, #tpu.memory_space<vmem>> -> memref<1x112xi32, #tpu.memory_space<vmem>>
      %dma_wait3A_160 = tpu.memref_squeeze %dma_wait3A_159 : memref<1x112xi32, #tpu.memory_space<vmem>> -> memref<112xi32, #tpu.memory_space<vmem>>
      %dma_wait3A_161 = arith.constant 0 : i32
      %dma_wait3A_162 = arith.constant 0 : i32
      %dma_wait3A_163 = tpu.memref_slice %arg7[%dma_wait3A_161, %dma_wait3A_162] : memref<10240x64xf32, #tpu.memory_space<vmem_shared>> -> memref<10240x64xf32, #tpu.memory_space<vmem_shared>>
      tpu.wait_indirect_dma semaphore(%arg18 : memref<!tpu.dma_semaphore, #tpu.memory_space<semaphore_mem>>) src(%arg10 : memref<112x64xf32, #tpu.memory_space<vmem>>) dst(%dma_wait3A_163 : memref<10240x64xf32, #tpu.memory_space<vmem_shared>>)
      %add3A_164 = arith.constant 2 : i32
      %add3A_165 = arith.addi %add3A_144, %add3A_164 : i32
      %rem3A = arith.constant 90 : i32
      %rem3A_166 = arith.remsi %add3A_165, %rem3A : i32
      %dma_start3A_167 = arith.constant 0 : i32
      %dma_start3A_168 = tpu.memref_slice %arg8[%rem3A_166, %dma_start3A_167] : memref<90x112xi32, #tpu.memory_space<vmem>> -> memref<1x112xi32, #tpu.memory_space<vmem>>
      %dma_start3A_169 = tpu.memref_squeeze %dma_start3A_168 : memref<1x112xi32, #tpu.memory_space<vmem>> -> memref<112xi32, #tpu.memory_space<vmem>>
      %dma_start3A_170 = arith.constant 0 : i32
      %dma_start3A_171 = arith.constant 0 : i32
      %dma_start3A_172 = tpu.memref_slice %arg6[%dma_start3A_170, %dma_start3A_171] : memref<10240x64xf32, #tpu.memory_space<vmem_shared>> -> memref<10240x64xf32, #tpu.memory_space<vmem_shared>>
      tpu.enqueue_indirect_dma source(%dma_start3A_172 : memref<10240x64xf32, #tpu.memory_space<vmem_shared>>) target(%arg10 : memref<112x64xf32, #tpu.memory_space<vmem>>) offsets(%dma_start3A_169 : memref<112xi32, #tpu.memory_space<vmem>>) semaphore(%arg14 : memref<!tpu.dma_semaphore, #tpu.memory_space<semaphore_mem>>)
      %mul3A_173 = arith.constant 4 : i32
      %mul3A_174 = arith.muli %mul3A_173, %scan3A_137 : i32
      %add3A_175 = arith.constant 2 : i32
      %add3A_176 = arith.addi %mul3A_174, %add3A_175 : i32
      %add3A_177 = arith.constant 1 : i32
      %add3A_178 = arith.addi %add3A_176, %add3A_177 : i32
      %dma_wait3A_179 = arith.constant 0 : i32
      %dma_wait3A_180 = tpu.memref_slice %arg8[%add3A_178, %dma_wait3A_179] : memref<90x112xi32, #tpu.memory_space<vmem>> -> memref<1x112xi32, #tpu.memory_space<vmem>>
      %dma_wait3A_181 = tpu.memref_squeeze %dma_wait3A_180 : memref<1x112xi32, #tpu.memory_space<vmem>> -> memref<112xi32, #tpu.memory_space<vmem>>
      %dma_wait3A_182 = arith.constant 0 : i32
      %dma_wait3A_183 = arith.constant 0 : i32
      %dma_wait3A_184 = tpu.memref_slice %arg6[%dma_wait3A_182, %dma_wait3A_183] : memref<10240x64xf32, #tpu.memory_space<vmem_shared>> -> memref<10240x64xf32, #tpu.memory_space<vmem_shared>>
      tpu.wait_indirect_dma semaphore(%arg17 : memref<!tpu.dma_semaphore, #tpu.memory_space<semaphore_mem>>) src(%dma_wait3A_184 : memref<10240x64xf32, #tpu.memory_space<vmem_shared>>) dst(%arg13 : memref<112x64xf32, #tpu.memory_space<vmem>>)
      %dma_start3A_185 = arith.constant 0 : i32
      %dma_start3A_186 = tpu.memref_slice %arg9[%add3A_178, %dma_start3A_185] : memref<90x112xi32, #tpu.memory_space<vmem>> -> memref<1x112xi32, #tpu.memory_space<vmem>>
      %dma_start3A_187 = tpu.memref_squeeze %dma_start3A_186 : memref<1x112xi32, #tpu.memory_space<vmem>> -> memref<112xi32, #tpu.memory_space<vmem>>
      %dma_start3A_188 = arith.constant 0 : i32
      %dma_start3A_189 = arith.constant 0 : i32
      %dma_start3A_190 = tpu.memref_slice %arg7[%dma_start3A_188, %dma_start3A_189] : memref<10240x64xf32, #tpu.memory_space<vmem_shared>> -> memref<10240x64xf32, #tpu.memory_space<vmem_shared>>
      tpu.enqueue_indirect_dma source(%arg13 : memref<112x64xf32, #tpu.memory_space<vmem>>) target(%dma_start3A_190 : memref<10240x64xf32, #tpu.memory_space<vmem_shared>>) offsets(%dma_start3A_187 : memref<112xi32, #tpu.memory_space<vmem>>) semaphore(%arg21 : memref<!tpu.dma_semaphore, #tpu.memory_space<semaphore_mem>>) {add = true}
      %sub3A_191 = arith.constant 2 : i32
      %sub3A_192 = arith.subi %add3A_178, %sub3A_191 : i32
      %dma_wait3A_193 = arith.constant 0 : i32
      %dma_wait3A_194 = tpu.memref_slice %arg9[%sub3A_192, %dma_wait3A_193] : memref<90x112xi32, #tpu.memory_space<vmem>> -> memref<1x112xi32, #tpu.memory_space<vmem>>
      %dma_wait3A_195 = tpu.memref_squeeze %dma_wait3A_194 : memref<1x112xi32, #tpu.memory_space<vmem>> -> memref<112xi32, #tpu.memory_space<vmem>>
      %dma_wait3A_196 = arith.constant 0 : i32
      %dma_wait3A_197 = arith.constant 0 : i32
      %dma_wait3A_198 = tpu.memref_slice %arg7[%dma_wait3A_196, %dma_wait3A_197] : memref<10240x64xf32, #tpu.memory_space<vmem_shared>> -> memref<10240x64xf32, #tpu.memory_space<vmem_shared>>
      tpu.wait_indirect_dma semaphore(%arg19 : memref<!tpu.dma_semaphore, #tpu.memory_space<semaphore_mem>>) src(%arg11 : memref<112x64xf32, #tpu.memory_space<vmem>>) dst(%dma_wait3A_198 : memref<10240x64xf32, #tpu.memory_space<vmem_shared>>)
      %add3A_199 = arith.constant 2 : i32
      %add3A_200 = arith.addi %add3A_178, %add3A_199 : i32
      %rem3A_201 = arith.constant 90 : i32
      %rem3A_202 = arith.remsi %add3A_200, %rem3A_201 : i32
      %dma_start3A_203 = arith.constant 0 : i32
      %dma_start3A_204 = tpu.memref_slice %arg8[%rem3A_202, %dma_start3A_203] : memref<90x112xi32, #tpu.memory_space<vmem>> -> memref<1x112xi32, #tpu.memory_space<vmem>>
      %dma_start3A_205 = tpu.memref_squeeze %dma_start3A_204 : memref<1x112xi32, #tpu.memory_space<vmem>> -> memref<112xi32, #tpu.memory_space<vmem>>
      %dma_start3A_206 = arith.constant 0 : i32
      %dma_start3A_207 = arith.constant 0 : i32
      %dma_start3A_208 = tpu.memref_slice %arg6[%dma_start3A_206, %dma_start3A_207] : memref<10240x64xf32, #tpu.memory_space<vmem_shared>> -> memref<10240x64xf32, #tpu.memory_space<vmem_shared>>
      tpu.enqueue_indirect_dma source(%dma_start3A_208 : memref<10240x64xf32, #tpu.memory_space<vmem_shared>>) target(%arg11 : memref<112x64xf32, #tpu.memory_space<vmem>>) offsets(%dma_start3A_205 : memref<112xi32, #tpu.memory_space<vmem>>) semaphore(%arg15 : memref<!tpu.dma_semaphore, #tpu.memory_space<semaphore_mem>>)
      %mul3A_209 = arith.constant 4 : i32
      %mul3A_210 = arith.muli %mul3A_209, %scan3A_137 : i32
      %add3A_211 = arith.constant 2 : i32
      %add3A_212 = arith.addi %mul3A_210, %add3A_211 : i32
      %add3A_213 = arith.constant 2 : i32
      %add3A_214 = arith.addi %add3A_212, %add3A_213 : i32
      %dma_wait3A_215 = arith.constant 0 : i32
      %dma_wait3A_216 = tpu.memref_slice %arg8[%add3A_214, %dma_wait3A_215] : memref<90x112xi32, #tpu.memory_space<vmem>> -> memref<1x112xi32, #tpu.memory_space<vmem>>
      %dma_wait3A_217 = tpu.memref_squeeze %dma_wait3A_216 : memref<1x112xi32, #tpu.memory_space<vmem>> -> memref<112xi32, #tpu.memory_space<vmem>>
      %dma_wait3A_218 = arith.constant 0 : i32
      %dma_wait3A_219 = arith.constant 0 : i32
      %dma_wait3A_220 = tpu.memref_slice %arg6[%dma_wait3A_218, %dma_wait3A_219] : memref<10240x64xf32, #tpu.memory_space<vmem_shared>> -> memref<10240x64xf32, #tpu.memory_space<vmem_shared>>
      tpu.wait_indirect_dma semaphore(%arg14 : memref<!tpu.dma_semaphore, #tpu.memory_space<semaphore_mem>>) src(%dma_wait3A_220 : memref<10240x64xf32, #tpu.memory_space<vmem_shared>>) dst(%arg10 : memref<112x64xf32, #tpu.memory_space<vmem>>)
      %dma_start3A_221 = arith.constant 0 : i32
      %dma_start3A_222 = tpu.memref_slice %arg9[%add3A_214, %dma_start3A_221] : memref<90x112xi32, #tpu.memory_space<vmem>> -> memref<1x112xi32, #tpu.memory_space<vmem>>
      %dma_start3A_223 = tpu.memref_squeeze %dma_start3A_222 : memref<1x112xi32, #tpu.memory_space<vmem>> -> memref<112xi32, #tpu.memory_space<vmem>>
      %dma_start3A_224 = arith.constant 0 : i32
      %dma_start3A_225 = arith.constant 0 : i32
      %dma_start3A_226 = tpu.memref_slice %arg7[%dma_start3A_224, %dma_start3A_225] : memref<10240x64xf32, #tpu.memory_space<vmem_shared>> -> memref<10240x64xf32, #tpu.memory_space<vmem_shared>>
      tpu.enqueue_indirect_dma source(%arg10 : memref<112x64xf32, #tpu.memory_space<vmem>>) target(%dma_start3A_226 : memref<10240x64xf32, #tpu.memory_space<vmem_shared>>) offsets(%dma_start3A_223 : memref<112xi32, #tpu.memory_space<vmem>>) semaphore(%arg18 : memref<!tpu.dma_semaphore, #tpu.memory_space<semaphore_mem>>) {add = true}
      %sub3A_227 = arith.constant 2 : i32
      %sub3A_228 = arith.subi %add3A_214, %sub3A_227 : i32
      %dma_wait3A_229 = arith.constant 0 : i32
      %dma_wait3A_230 = tpu.memref_slice %arg9[%sub3A_228, %dma_wait3A_229] : memref<90x112xi32, #tpu.memory_space<vmem>> -> memref<1x112xi32, #tpu.memory_space<vmem>>
      %dma_wait3A_231 = tpu.memref_squeeze %dma_wait3A_230 : memref<1x112xi32, #tpu.memory_space<vmem>> -> memref<112xi32, #tpu.memory_space<vmem>>
      %dma_wait3A_232 = arith.constant 0 : i32
      %dma_wait3A_233 = arith.constant 0 : i32
      %dma_wait3A_234 = tpu.memref_slice %arg7[%dma_wait3A_232, %dma_wait3A_233] : memref<10240x64xf32, #tpu.memory_space<vmem_shared>> -> memref<10240x64xf32, #tpu.memory_space<vmem_shared>>
      tpu.wait_indirect_dma semaphore(%arg20 : memref<!tpu.dma_semaphore, #tpu.memory_space<semaphore_mem>>) src(%arg12 : memref<112x64xf32, #tpu.memory_space<vmem>>) dst(%dma_wait3A_234 : memref<10240x64xf32, #tpu.memory_space<vmem_shared>>)
      %add3A_235 = arith.constant 2 : i32
      %add3A_236 = arith.addi %add3A_214, %add3A_235 : i32
      %rem3A_237 = arith.constant 90 : i32
      %rem3A_238 = arith.remsi %add3A_236, %rem3A_237 : i32
      %dma_start3A_239 = arith.constant 0 : i32
      %dma_start3A_240 = tpu.memref_slice %arg8[%rem3A_238, %dma_start3A_239] : memref<90x112xi32, #tpu.memory_space<vmem>> -> memref<1x112xi32, #tpu.memory_space<vmem>>
      %dma_start3A_241 = tpu.memref_squeeze %dma_start3A_240 : memref<1x112xi32, #tpu.memory_space<vmem>> -> memref<112xi32, #tpu.memory_space<vmem>>
      %dma_start3A_242 = arith.constant 0 : i32
      %dma_start3A_243 = arith.constant 0 : i32
      %dma_start3A_244 = tpu.memref_slice %arg6[%dma_start3A_242, %dma_start3A_243] : memref<10240x64xf32, #tpu.memory_space<vmem_shared>> -> memref<10240x64xf32, #tpu.memory_space<vmem_shared>>
      tpu.enqueue_indirect_dma source(%dma_start3A_244 : memref<10240x64xf32, #tpu.memory_space<vmem_shared>>) target(%arg12 : memref<112x64xf32, #tpu.memory_space<vmem>>) offsets(%dma_start3A_241 : memref<112xi32, #tpu.memory_space<vmem>>) semaphore(%arg16 : memref<!tpu.dma_semaphore, #tpu.memory_space<semaphore_mem>>)
      %mul3A_245 = arith.constant 4 : i32
      %mul3A_246 = arith.muli %mul3A_245, %scan3A_137 : i32
      %add3A_247 = arith.constant 2 : i32
      %add3A_248 = arith.addi %mul3A_246, %add3A_247 : i32
      %add3A_249 = arith.constant 3 : i32
      %add3A_250 = arith.addi %add3A_248, %add3A_249 : i32
      %dma_wait3A_251 = arith.constant 0 : i32
      %dma_wait3A_252 = tpu.memref_slice %arg8[%add3A_250, %dma_wait3A_251] : memref<90x112xi32, #tpu.memory_space<vmem>> -> memref<1x112xi32, #tpu.memory_space<vmem>>
      %dma_wait3A_253 = tpu.memref_squeeze %dma_wait3A_252 : memref<1x112xi32, #tpu.memory_space<vmem>> -> memref<112xi32, #tpu.memory_space<vmem>>
      %dma_wait3A_254 = arith.constant 0 : i32
      %dma_wait3A_255 = arith.constant 0 : i32
      %dma_wait3A_256 = tpu.memref_slice %arg6[%dma_wait3A_254, %dma_wait3A_255] : memref<10240x64xf32, #tpu.memory_space<vmem_shared>> -> memref<10240x64xf32, #tpu.memory_space<vmem_shared>>
      tpu.wait_indirect_dma semaphore(%arg15 : memref<!tpu.dma_semaphore, #tpu.memory_space<semaphore_mem>>) src(%dma_wait3A_256 : memref<10240x64xf32, #tpu.memory_space<vmem_shared>>) dst(%arg11 : memref<112x64xf32, #tpu.memory_space<vmem>>)
      %dma_start3A_257 = arith.constant 0 : i32
      %dma_start3A_258 = tpu.memref_slice %arg9[%add3A_250, %dma_start3A_257] : memref<90x112xi32, #tpu.memory_space<vmem>> -> memref<1x112xi32, #tpu.memory_space<vmem>>
      %dma_start3A_259 = tpu.memref_squeeze %dma_start3A_258 : memref<1x112xi32, #tpu.memory_space<vmem>> -> memref<112xi32, #tpu.memory_space<vmem>>
      %dma_start3A_260 = arith.constant 0 : i32
      %dma_start3A_261 = arith.constant 0 : i32
      %dma_start3A_262 = tpu.memref_slice %arg7[%dma_start3A_260, %dma_start3A_261] : memref<10240x64xf32, #tpu.memory_space<vmem_shared>> -> memref<10240x64xf32, #tpu.memory_space<vmem_shared>>
      tpu.enqueue_indirect_dma source(%arg11 : memref<112x64xf32, #tpu.memory_space<vmem>>) target(%dma_start3A_262 : memref<10240x64xf32, #tpu.memory_space<vmem_shared>>) offsets(%dma_start3A_259 : memref<112xi32, #tpu.memory_space<vmem>>) semaphore(%arg19 : memref<!tpu.dma_semaphore, #tpu.memory_space<semaphore_mem>>) {add = true}
      %sub3A_263 = arith.constant 2 : i32
      %sub3A_264 = arith.subi %add3A_250, %sub3A_263 : i32
      %dma_wait3A_265 = arith.constant 0 : i32
      %dma_wait3A_266 = tpu.memref_slice %arg9[%sub3A_264, %dma_wait3A_265] : memref<90x112xi32, #tpu.memory_space<vmem>> -> memref<1x112xi32, #tpu.memory_space<vmem>>
      %dma_wait3A_267 = tpu.memref_squeeze %dma_wait3A_266 : memref<1x112xi32, #tpu.memory_space<vmem>> -> memref<112xi32, #tpu.memory_space<vmem>>
      %dma_wait3A_268 = arith.constant 0 : i32
      %dma_wait3A_269 = arith.constant 0 : i32
      %dma_wait3A_270 = tpu.memref_slice %arg7[%dma_wait3A_268, %dma_wait3A_269] : memref<10240x64xf32, #tpu.memory_space<vmem_shared>> -> memref<10240x64xf32, #tpu.memory_space<vmem_shared>>
      tpu.wait_indirect_dma semaphore(%arg21 : memref<!tpu.dma_semaphore, #tpu.memory_space<semaphore_mem>>) src(%arg13 : memref<112x64xf32, #tpu.memory_space<vmem>>) dst(%dma_wait3A_270 : memref<10240x64xf32, #tpu.memory_space<vmem_shared>>)
      %add3A_271 = arith.constant 2 : i32
      %add3A_272 = arith.addi %add3A_250, %add3A_271 : i32
      %rem3A_273 = arith.constant 90 : i32
      %rem3A_274 = arith.remsi %add3A_272, %rem3A_273 : i32
      %dma_start3A_275 = arith.constant 0 : i32
      %dma_start3A_276 = tpu.memref_slice %arg8[%rem3A_274, %dma_start3A_275] : memref<90x112xi32, #tpu.memory_space<vmem>> -> memref<1x112xi32, #tpu.memory_space<vmem>>
      %dma_start3A_277 = tpu.memref_squeeze %dma_start3A_276 : memref<1x112xi32, #tpu.memory_space<vmem>> -> memref<112xi32, #tpu.memory_space<vmem>>
      %dma_start3A_278 = arith.constant 0 : i32
      %dma_start3A_279 = arith.constant 0 : i32
      %dma_start3A_280 = tpu.memref_slice %arg6[%dma_start3A_278, %dma_start3A_279] : memref<10240x64xf32, #tpu.memory_space<vmem_shared>> -> memref<10240x64xf32, #tpu.memory_space<vmem_shared>>
      tpu.enqueue_indirect_dma source(%dma_start3A_280 : memref<10240x64xf32, #tpu.memory_space<vmem_shared>>) target(%arg13 : memref<112x64xf32, #tpu.memory_space<vmem>>) offsets(%dma_start3A_277 : memref<112xi32, #tpu.memory_space<vmem>>) semaphore(%arg17 : memref<!tpu.dma_semaphore, #tpu.memory_space<semaphore_mem>>)
      %scan3A_281 = arith.constant 0 : i32
      scf.yield %scan3A_281 : i32
    }
    %scan3A_103 = arith.constant 22 : i32
    %dma_wait3A_104 = arith.constant 88 : i32
    %dma_wait3A_105 = arith.constant 0 : i32
    %dma_wait3A_106 = tpu.memref_slice %arg9[%dma_wait3A_104, %dma_wait3A_105] : memref<90x112xi32, #tpu.memory_space<vmem>> -> memref<1x112xi32, #tpu.memory_space<vmem>>
    %dma_wait3A_107 = tpu.memref_squeeze %dma_wait3A_106 : memref<1x112xi32, #tpu.memory_space<vmem>> -> memref<112xi32, #tpu.memory_space<vmem>>
    %dma_wait3A_108 = arith.constant 0 : i32
    %dma_wait3A_109 = arith.constant 0 : i32
    %dma_wait3A_110 = tpu.memref_slice %arg7[%dma_wait3A_108, %dma_wait3A_109] : memref<10240x64xf32, #tpu.memory_space<vmem_shared>> -> memref<10240x64xf32, #tpu.memory_space<vmem_shared>>
    tpu.wait_indirect_dma semaphore(%arg18 : memref<!tpu.dma_semaphore, #tpu.memory_space<semaphore_mem>>) src(%arg10 : memref<112x64xf32, #tpu.memory_space<vmem>>) dst(%dma_wait3A_110 : memref<10240x64xf32, #tpu.memory_space<vmem_shared>>)
    %dma_wait3A_111 = arith.constant 89 : i32
    %dma_wait3A_112 = arith.constant 0 : i32
    %dma_wait3A_113 = tpu.memref_slice %arg9[%dma_wait3A_111, %dma_wait3A_112] : memref<90x112xi32, #tpu.memory_space<vmem>> -> memref<1x112xi32, #tpu.memory_space<vmem>>
    %dma_wait3A_114 = tpu.memref_squeeze %dma_wait3A_113 : memref<1x112xi32, #tpu.memory_space<vmem>> -> memref<112xi32, #tpu.memory_space<vmem>>
    %dma_wait3A_115 = arith.constant 0 : i32
    %dma_wait3A_116 = arith.constant 0 : i32
    %dma_wait3A_117 = tpu.memref_slice %arg7[%dma_wait3A_115, %dma_wait3A_116] : memref<10240x64xf32, #tpu.memory_space<vmem_shared>> -> memref<10240x64xf32, #tpu.memory_space<vmem_shared>>
    tpu.wait_indirect_dma semaphore(%arg19 : memref<!tpu.dma_semaphore, #tpu.memory_space<semaphore_mem>>) src(%arg11 : memref<112x64xf32, #tpu.memory_space<vmem>>) dst(%dma_wait3A_117 : memref<10240x64xf32, #tpu.memory_space<vmem_shared>>)
    %dma_wait3A_118 = arith.constant 0 : i32
    %dma_wait3A_119 = arith.constant 0 : i32
    %dma_wait3A_120 = tpu.memref_slice %arg8[%dma_wait3A_118, %dma_wait3A_119] : memref<90x112xi32, #tpu.memory_space<vmem>> -> memref<1x112xi32, #tpu.memory_space<vmem>>
    %dma_wait3A_121 = tpu.memref_squeeze %dma_wait3A_120 : memref<1x112xi32, #tpu.memory_space<vmem>> -> memref<112xi32, #tpu.memory_space<vmem>>
    %dma_wait3A_122 = arith.constant 0 : i32
    %dma_wait3A_123 = arith.constant 0 : i32
    %dma_wait3A_124 = tpu.memref_slice %arg6[%dma_wait3A_122, %dma_wait3A_123] : memref<10240x64xf32, #tpu.memory_space<vmem_shared>> -> memref<10240x64xf32, #tpu.memory_space<vmem_shared>>
    tpu.wait_indirect_dma semaphore(%arg16 : memref<!tpu.dma_semaphore, #tpu.memory_space<semaphore_mem>>) src(%dma_wait3A_124 : memref<10240x64xf32, #tpu.memory_space<vmem_shared>>) dst(%arg12 : memref<112x64xf32, #tpu.memory_space<vmem>>)
    %dma_wait3A_125 = arith.constant 1 : i32
    %dma_wait3A_126 = arith.constant 0 : i32
    %dma_wait3A_127 = tpu.memref_slice %arg8[%dma_wait3A_125, %dma_wait3A_126] : memref<90x112xi32, #tpu.memory_space<vmem>> -> memref<1x112xi32, #tpu.memory_space<vmem>>
    %dma_wait3A_128 = tpu.memref_squeeze %dma_wait3A_127 : memref<1x112xi32, #tpu.memory_space<vmem>> -> memref<112xi32, #tpu.memory_space<vmem>>
    %dma_wait3A_129 = arith.constant 0 : i32
    %dma_wait3A_130 = arith.constant 0 : i32
    %dma_wait3A_131 = tpu.memref_slice %arg6[%dma_wait3A_129, %dma_wait3A_130] : memref<10240x64xf32, #tpu.memory_space<vmem_shared>> -> memref<10240x64xf32, #tpu.memory_space<vmem_shared>>
    tpu.wait_indirect_dma semaphore(%arg17 : memref<!tpu.dma_semaphore, #tpu.memory_space<semaphore_mem>>) src(%dma_wait3A_131 : memref<10240x64xf32, #tpu.memory_space<vmem_shared>>) dst(%arg13 : memref<112x64xf32, #tpu.memory_space<vmem>>)
    %barrier3A_132 = arith.constant 0 : index
    tpu.barrier barrier_id(%barrier3A_132)
    %mul3A_133 = arith.constant 640 : i32
    %mul3A_134 = arith.muli %arg1, %mul3A_133 : i32
    %mul3A_135 = arith.constant 640 : i32
    %mul3A_136 = arith.muli %arg1, %mul3A_135 : i32
    "tpu.region"() ({
      %run_scoped3A = tpu.sem_alloc : memref<!tpu.dma_semaphore, #tpu.memory_space<semaphore_mem>>
      %dma_start3A_137 = arith.constant 0 : i32
      %dma_start3A_138 = tpu.memref_slice %arg5[%arg0, %mul3A_136, %dma_start3A_137] : memref<2x10240x64xf32, #tpu.memory_space<hbm>> -> memref<1x640x64xf32, #tpu.memory_space<hbm>>
      %dma_start3A_139 = tpu.memref_squeeze %dma_start3A_138 : memref<1x640x64xf32, #tpu.memory_space<hbm>> -> memref<640x64xf32, #tpu.memory_space<hbm>>
      %dma_start3A_140 = arith.constant 0 : i32
      %dma_start3A_141 = tpu.memref_slice %arg7[%mul3A_134, %dma_start3A_140] : memref<10240x64xf32, #tpu.memory_space<vmem_shared>> -> memref<640x64xf32, #tpu.memory_space<vmem_shared>>
      tpu.enqueue_dma source(%dma_start3A_141 : memref<640x64xf32, #tpu.memory_space<vmem_shared>>) target(%dma_start3A_139 : memref<640x64xf32, #tpu.memory_space<hbm>>) target_semaphore(%run_scoped3A : memref<!tpu.dma_semaphore, #tpu.memory_space<semaphore_mem>>)
      %dma_wait3A_142 = arith.constant 0 : i32
      %dma_wait3A_143 = tpu.memref_slice %arg5[%arg0, %mul3A_136, %dma_wait3A_142] : memref<2x10240x64xf32, #tpu.memory_space<hbm>> -> memref<1x640x64xf32, #tpu.memory_space<hbm>>
      %dma_wait3A_144 = tpu.memref_squeeze %dma_wait3A_143 : memref<1x640x64xf32, #tpu.memory_space<hbm>> -> memref<640x64xf32, #tpu.memory_space<hbm>>
      %dma_wait3A_145 = arith.constant 0 : i32
      %dma_wait3A_146 = tpu.memref_slice %arg7[%mul3A_134, %dma_wait3A_145] : memref<10240x64xf32, #tpu.memory_space<vmem_shared>> -> memref<640x64xf32, #tpu.memory_space<vmem_shared>>
      tpu.wait_dma2 semaphore(%run_scoped3A : memref<!tpu.dma_semaphore, #tpu.memory_space<semaphore_mem>>) src(%dma_wait3A_146 : memref<640x64xf32, #tpu.memory_space<vmem_shared>>) dst(%dma_wait3A_144 : memref<640x64xf32, #tpu.memory_space<hbm>>)
      tpu.yield
    }) : () -> ()
    return
  }
}

module attributes {stable_mosaic.version = 14 : i64} {
  func.func @_tc_first_body(%arg0: memref<2x10240x16xf32, #tpu.memory_space<vmem>>, %arg1: memref<10000x128xf32, #tpu.memory_space<vmem>>, %arg2: memref<128x64xf32, #tpu.memory_space<vmem>>, %arg3: memref<10000x1xf32, #tpu.memory_space<vmem>>, %arg4: memref<10240x64xf32, #tpu.memory_space<vmem>>) attributes {dimension_semantics = [], scalar_prefetch = 0 : i64, scratch_operands = 0 : i64, tpu.core_type = #tpu.core_type<tc>} {
    %get3A = arith.constant 0 : index
    %get3A_0 = arith.constant 0 : index
    %get3A_1 = arith.constant 0 : index
    %get3A_2 = vector.load %arg0[%get3A, %get3A_0, %get3A_1] : memref<2x10240x16xf32, #tpu.memory_space<vmem>>, vector<1x10000x1xf32>
    %get3A_3 = vector.shape_cast %get3A_2 : vector<1x10000x1xf32> to vector<10000x1xf32>
    %get3A_4 = arith.constant 1 : index
    %get3A_5 = arith.constant 0 : index
    %get3A_6 = arith.constant 0 : index
    %get3A_7 = vector.load %arg0[%get3A_4, %get3A_5, %get3A_6] : memref<2x10240x16xf32, #tpu.memory_space<vmem>>, vector<1x10000x1xf32>
    %get3A_8 = vector.shape_cast %get3A_7 : vector<1x10000x1xf32> to vector<10000x1xf32>
    %add3A = arith.addf %get3A_3, %get3A_8 : vector<10000x1xf32>
    %add3A_9 = arith.constant 1.000000e+00 : f32
    %add3A_10 = vector.broadcast %add3A_9 : f32 to vector<10000x1xf32>
    %add3A_11 = arith.addf %add3A, %add3A_10 : vector<10000x1xf32>
    %sqrt3A = math.sqrt %add3A_11 : vector<10000x1xf32>
    %div3A = arith.constant 1.000000e+00 : f32
    %div3A_12 = vector.broadcast %div3A : f32 to vector<10000x1xf32>
    %div3A_13 = arith.divf %div3A_12, %sqrt3A : vector<10000x1xf32>
    %swap3A = arith.constant 0 : index
    %swap3A_14 = arith.constant 0 : index
    %swap3A_15 = vector.load %arg3[%swap3A, %swap3A_14] : memref<10000x1xf32, #tpu.memory_space<vmem>>, vector<10000x1xf32>
    tpu.vector_store %arg3[%swap3A, %swap3A_14], %div3A_13 {strides = array<i32>} : memref<10000x1xf32, #tpu.memory_space<vmem>>, vector<10000x1xf32>,
    %get3A_16 = arith.constant 0 : index
    %get3A_17 = arith.constant 0 : index
    %get3A_18 = vector.load %arg1[%get3A_16, %get3A_17] : memref<10000x128xf32, #tpu.memory_space<vmem>>, vector<10000x128xf32>
    %get3A_19 = arith.constant 0 : index
    %get3A_20 = arith.constant 0 : index
    %get3A_21 = vector.load %arg2[%get3A_19, %get3A_20] : memref<128x64xf32, #tpu.memory_space<vmem>>, vector<128x64xf32>
    %dot_general3A = arith.constant dense<0.000000e+00> : vector<10000x64xf32>
    %dot_general3A_22 = tpu.matmul %get3A_18, %get3A_21, %dot_general3A {dimension_numbers = #tpu.dot_dimension_numbers<[1], [0], [0], [1], [0, 0, 1, 1], [], []>, transpose_lhs_hint = false} : vector<10000x128xf32>, vector<128x64xf32>, vector<10000x64xf32> -> vector<10000x64xf32>
    %mul3A = vector.broadcast %div3A_13 : vector<10000x1xf32> to vector<10000x64xf32>
    %mul3A_23 = arith.mulf %dot_general3A_22, %mul3A : vector<10000x64xf32>
    %swap3A_24 = arith.constant 0 : index
    %swap3A_25 = arith.constant 0 : index
    %swap3A_26 = vector.load %arg4[%swap3A_24, %swap3A_25] : memref<10240x64xf32, #tpu.memory_space<vmem>>, vector<10000x64xf32>
    tpu.vector_store %arg4[%swap3A_24, %swap3A_25], %mul3A_23 {strides = array<i32>} : memref<10240x64xf32, #tpu.memory_space<vmem>>, vector<10000x64xf32>,
    %broadcast_in_dim3A = arith.constant 0.000000e+00 : f32
    %broadcast_in_dim3A_27 = vector.broadcast %broadcast_in_dim3A : f32 to vector<240x64xf32>
    %swap3A_28 = arith.constant 10000 : index
    %swap3A_29 = arith.constant 0 : index
    %swap3A_30 = vector.load %arg4[%swap3A_28, %swap3A_29] : memref<10240x64xf32, #tpu.memory_space<vmem>>, vector<240x64xf32>
    tpu.vector_store %arg4[%swap3A_28, %swap3A_29], %broadcast_in_dim3A_27 {strides = array<i32>} : memref<10240x64xf32, #tpu.memory_space<vmem>>, vector<240x64xf32>,
    return
  }
}

module attributes {stable_mosaic.version = 14 : i64} {
  func.func @_tc_layer_body(%arg0: memref<2x10240x64xf32, #tpu.memory_space<vmem>>, %arg1: memref<10240x64xf32, #tpu.memory_space<vmem>>, %arg2: memref<10000x1xf32, #tpu.memory_space<vmem>>, %arg3: memref<1x64xf32, #tpu.memory_space<vmem>>, %arg4: memref<1x64xf32, #tpu.memory_space<vmem>>, %arg5: memref<1x64xf32, #tpu.memory_space<vmem>>, %arg6: memref<64x64xf32, #tpu.memory_space<vmem>>, %arg7: memref<10000x64xf32, #tpu.memory_space<vmem>>, %arg8: memref<10240x64xf32, #tpu.memory_space<vmem>>) attributes {dimension_semantics = [], scalar_prefetch = 0 : i64, scratch_operands = 0 : i64, tpu.core_type = #tpu.core_type<tc>} {
    %get3A = arith.constant 0 : index
    %get3A_0 = arith.constant 0 : index
    %get3A_1 = vector.load %arg2[%get3A, %get3A_0] : memref<10000x1xf32, #tpu.memory_space<vmem>>, vector<10000x1xf32>
    %get3A_2 = arith.constant 0 : index
    %get3A_3 = arith.constant 0 : index
    %get3A_4 = vector.load %arg1[%get3A_2, %get3A_3] : memref<10240x64xf32, #tpu.memory_space<vmem>>, vector<10000x64xf32>
    %get3A_5 = arith.constant 0 : index
    %get3A_6 = arith.constant 0 : index
    %get3A_7 = arith.constant 0 : index
    %get3A_8 = vector.load %arg0[%get3A_5, %get3A_6, %get3A_7] : memref<2x10240x64xf32, #tpu.memory_space<vmem>>, vector<1x10000x64xf32>
    %get3A_9 = vector.shape_cast %get3A_8 : vector<1x10000x64xf32> to vector<10000x64xf32>
    %add3A = arith.addf %get3A_4, %get3A_9 : vector<10000x64xf32>
    %get3A_10 = arith.constant 1 : index
    %get3A_11 = arith.constant 0 : index
    %get3A_12 = arith.constant 0 : index
    %get3A_13 = vector.load %arg0[%get3A_10, %get3A_11, %get3A_12] : memref<2x10240x64xf32, #tpu.memory_space<vmem>>, vector<1x10000x64xf32>
    %get3A_14 = vector.shape_cast %get3A_13 : vector<1x10000x64xf32> to vector<10000x64xf32>
    %add3A_15 = arith.addf %add3A, %get3A_14 : vector<10000x64xf32>
    %mul3A = vector.broadcast %get3A_1 : vector<10000x1xf32> to vector<10000x64xf32>
    %mul3A_16 = arith.mulf %mul3A, %add3A_15 : vector<10000x64xf32>
    %get3A_17 = arith.constant 0 : index
    %get3A_18 = arith.constant 0 : index
    %get3A_19 = vector.load %arg3[%get3A_17, %get3A_18] : memref<1x64xf32, #tpu.memory_space<vmem>>, vector<1x64xf32>
    %add3A_20 = vector.broadcast %get3A_19 : vector<1x64xf32> to vector<10000x64xf32>
    %add3A_21 = arith.addf %mul3A_16, %add3A_20 : vector<10000x64xf32>
    %reduce_sum3A = arith.constant dense<0.000000e+00> : vector<64xf32>
    %reduce_sum3A_22 = vector.multi_reduction <add>, %add3A_21, %reduce_sum3A [0] : vector<10000x64xf32> to vector<64xf32>
    %broadcast_in_dim3A = vector.shape_cast %reduce_sum3A_22 : vector<64xf32> to vector<1x64xf32>
    %div3A = arith.constant 1.000000e+04 : f32
    %div3A_23 = vector.broadcast %div3A : f32 to vector<1x64xf32>
    %div3A_24 = arith.divf %broadcast_in_dim3A, %div3A_23 : vector<1x64xf32>
    %sub3A = vector.broadcast %div3A_24 : vector<1x64xf32> to vector<10000x64xf32>
    %sub3A_25 = arith.subf %add3A_21, %sub3A : vector<10000x64xf32>
    %mul3A_26 = arith.mulf %sub3A_25, %sub3A_25 : vector<10000x64xf32>
    %reduce_sum3A_27 = arith.constant dense<0.000000e+00> : vector<64xf32>
    %reduce_sum3A_28 = vector.multi_reduction <add>, %mul3A_26, %reduce_sum3A_27 [0] : vector<10000x64xf32> to vector<64xf32>
    %broadcast_in_dim3A_29 = vector.shape_cast %reduce_sum3A_28 : vector<64xf32> to vector<1x64xf32>
    %div3A_30 = arith.constant 1.000000e+04 : f32
    %div3A_31 = vector.broadcast %div3A_30 : f32 to vector<1x64xf32>
    %div3A_32 = arith.divf %broadcast_in_dim3A_29, %div3A_31 : vector<1x64xf32>
    %get3A_33 = arith.constant 0 : index
    %get3A_34 = arith.constant 0 : index
    %get3A_35 = vector.load %arg4[%get3A_33, %get3A_34] : memref<1x64xf32, #tpu.memory_space<vmem>>, vector<1x64xf32>
    %mul3A_36 = vector.broadcast %get3A_35 : vector<1x64xf32> to vector<10000x64xf32>
    %mul3A_37 = arith.mulf %mul3A_36, %sub3A_25 : vector<10000x64xf32>
    %add3A_38 = arith.constant 9.99999974E-6 : f32
    %add3A_39 = vector.broadcast %add3A_38 : f32 to vector<1x64xf32>
    %add3A_40 = arith.addf %div3A_32, %add3A_39 : vector<1x64xf32>
    %sqrt3A = math.sqrt %add3A_40 : vector<1x64xf32>
    %div3A_41 = vector.broadcast %sqrt3A : vector<1x64xf32> to vector<10000x64xf32>
    %div3A_42 = arith.divf %mul3A_37, %div3A_41 : vector<10000x64xf32>
    %get3A_43 = arith.constant 0 : index
    %get3A_44 = arith.constant 0 : index
    %get3A_45 = vector.load %arg5[%get3A_43, %get3A_44] : memref<1x64xf32, #tpu.memory_space<vmem>>, vector<1x64xf32>
    %add3A_46 = vector.broadcast %get3A_45 : vector<1x64xf32> to vector<10000x64xf32>
    %add3A_47 = arith.addf %div3A_42, %add3A_46 : vector<10000x64xf32>
    %max3A = arith.constant 0.000000e+00 : f32
    %max3A_48 = vector.broadcast %max3A : f32 to vector<10000x64xf32>
    %max3A_49 = arith.maximumf %add3A_47, %max3A_48 : vector<10000x64xf32>
    %swap3A = arith.constant 0 : index
    %swap3A_50 = arith.constant 0 : index
    %swap3A_51 = vector.load %arg7[%swap3A, %swap3A_50] : memref<10000x64xf32, #tpu.memory_space<vmem>>, vector<10000x64xf32>
    tpu.vector_store %arg7[%swap3A, %swap3A_50], %max3A_49 {strides = array<i32>} : memref<10000x64xf32, #tpu.memory_space<vmem>>, vector<10000x64xf32>,
    %get3A_52 = arith.constant 0 : index
    %get3A_53 = arith.constant 0 : index
    %get3A_54 = vector.load %arg6[%get3A_52, %get3A_53] : memref<64x64xf32, #tpu.memory_space<vmem>>, vector<64x64xf32>
    %dot_general3A = arith.constant dense<0.000000e+00> : vector<10000x64xf32>
    %dot_general3A_55 = tpu.matmul %max3A_49, %get3A_54, %dot_general3A {dimension_numbers = #tpu.dot_dimension_numbers<[1], [0], [0], [1], [0, 0, 1, 1], [], []>, transpose_lhs_hint = false} : vector<10000x64xf32>, vector<64x64xf32>, vector<10000x64xf32> -> vector<10000x64xf32>
    %mul3A_56 = vector.broadcast %get3A_1 : vector<10000x1xf32> to vector<10000x64xf32>
    %mul3A_57 = arith.mulf %dot_general3A_55, %mul3A_56 : vector<10000x64xf32>
    %swap3A_58 = arith.constant 0 : index
    %swap3A_59 = arith.constant 0 : index
    %swap3A_60 = vector.load %arg8[%swap3A_58, %swap3A_59] : memref<10240x64xf32, #tpu.memory_space<vmem>>, vector<10000x64xf32>
    tpu.vector_store %arg8[%swap3A_58, %swap3A_59], %mul3A_57 {strides = array<i32>} : memref<10240x64xf32, #tpu.memory_space<vmem>>, vector<10000x64xf32>,
    %broadcast_in_dim3A_61 = arith.constant 0.000000e+00 : f32
    %broadcast_in_dim3A_62 = vector.broadcast %broadcast_in_dim3A_61 : f32 to vector<240x64xf32>
    %swap3A_63 = arith.constant 10000 : index
    %swap3A_64 = arith.constant 0 : index
    %swap3A_65 = vector.load %arg8[%swap3A_63, %swap3A_64] : memref<10240x64xf32, #tpu.memory_space<vmem>>, vector<240x64xf32>
    tpu.vector_store %arg8[%swap3A_63, %swap3A_64], %broadcast_in_dim3A_62 {strides = array<i32>} : memref<10240x64xf32, #tpu.memory_space<vmem>>, vector<240x64xf32>,
    return
  }
}

module attributes {stable_mosaic.version = 14 : i64} {
  func.func @_tc_layer_body(%arg0: memref<2x10240x64xf32, #tpu.memory_space<vmem>>, %arg1: memref<10240x64xf32, #tpu.memory_space<vmem>>, %arg2: memref<10000x1xf32, #tpu.memory_space<vmem>>, %arg3: memref<1x64xf32, #tpu.memory_space<vmem>>, %arg4: memref<1x64xf32, #tpu.memory_space<vmem>>, %arg5: memref<1x64xf32, #tpu.memory_space<vmem>>, %arg6: memref<10000x64xf32, #tpu.memory_space<vmem>>, %arg7: memref<64x64xf32, #tpu.memory_space<vmem>>, %arg8: memref<10000x64xf32, #tpu.memory_space<vmem>>, %arg9: memref<10240x64xf32, #tpu.memory_space<vmem>>) attributes {dimension_semantics = [], scalar_prefetch = 0 : i64, scratch_operands = 0 : i64, tpu.core_type = #tpu.core_type<tc>} {
    %get3A = arith.constant 0 : index
    %get3A_0 = arith.constant 0 : index
    %get3A_1 = vector.load %arg2[%get3A, %get3A_0] : memref<10000x1xf32, #tpu.memory_space<vmem>>, vector<10000x1xf32>
    %get3A_2 = arith.constant 0 : index
    %get3A_3 = arith.constant 0 : index
    %get3A_4 = vector.load %arg1[%get3A_2, %get3A_3] : memref<10240x64xf32, #tpu.memory_space<vmem>>, vector<10000x64xf32>
    %get3A_5 = arith.constant 0 : index
    %get3A_6 = arith.constant 0 : index
    %get3A_7 = arith.constant 0 : index
    %get3A_8 = vector.load %arg0[%get3A_5, %get3A_6, %get3A_7] : memref<2x10240x64xf32, #tpu.memory_space<vmem>>, vector<1x10000x64xf32>
    %get3A_9 = vector.shape_cast %get3A_8 : vector<1x10000x64xf32> to vector<10000x64xf32>
    %add3A = arith.addf %get3A_4, %get3A_9 : vector<10000x64xf32>
    %get3A_10 = arith.constant 1 : index
    %get3A_11 = arith.constant 0 : index
    %get3A_12 = arith.constant 0 : index
    %get3A_13 = vector.load %arg0[%get3A_10, %get3A_11, %get3A_12] : memref<2x10240x64xf32, #tpu.memory_space<vmem>>, vector<1x10000x64xf32>
    %get3A_14 = vector.shape_cast %get3A_13 : vector<1x10000x64xf32> to vector<10000x64xf32>
    %add3A_15 = arith.addf %add3A, %get3A_14 : vector<10000x64xf32>
    %mul3A = vector.broadcast %get3A_1 : vector<10000x1xf32> to vector<10000x64xf32>
    %mul3A_16 = arith.mulf %mul3A, %add3A_15 : vector<10000x64xf32>
    %get3A_17 = arith.constant 0 : index
    %get3A_18 = arith.constant 0 : index
    %get3A_19 = vector.load %arg3[%get3A_17, %get3A_18] : memref<1x64xf32, #tpu.memory_space<vmem>>, vector<1x64xf32>
    %add3A_20 = vector.broadcast %get3A_19 : vector<1x64xf32> to vector<10000x64xf32>
    %add3A_21 = arith.addf %mul3A_16, %add3A_20 : vector<10000x64xf32>
    %reduce_sum3A = arith.constant dense<0.000000e+00> : vector<64xf32>
    %reduce_sum3A_22 = vector.multi_reduction <add>, %add3A_21, %reduce_sum3A [0] : vector<10000x64xf32> to vector<64xf32>
    %broadcast_in_dim3A = vector.shape_cast %reduce_sum3A_22 : vector<64xf32> to vector<1x64xf32>
    %div3A = arith.constant 1.000000e+04 : f32
    %div3A_23 = vector.broadcast %div3A : f32 to vector<1x64xf32>
    %div3A_24 = arith.divf %broadcast_in_dim3A, %div3A_23 : vector<1x64xf32>
    %sub3A = vector.broadcast %div3A_24 : vector<1x64xf32> to vector<10000x64xf32>
    %sub3A_25 = arith.subf %add3A_21, %sub3A : vector<10000x64xf32>
    %mul3A_26 = arith.mulf %sub3A_25, %sub3A_25 : vector<10000x64xf32>
    %reduce_sum3A_27 = arith.constant dense<0.000000e+00> : vector<64xf32>
    %reduce_sum3A_28 = vector.multi_reduction <add>, %mul3A_26, %reduce_sum3A_27 [0] : vector<10000x64xf32> to vector<64xf32>
    %broadcast_in_dim3A_29 = vector.shape_cast %reduce_sum3A_28 : vector<64xf32> to vector<1x64xf32>
    %div3A_30 = arith.constant 1.000000e+04 : f32
    %div3A_31 = vector.broadcast %div3A_30 : f32 to vector<1x64xf32>
    %div3A_32 = arith.divf %broadcast_in_dim3A_29, %div3A_31 : vector<1x64xf32>
    %get3A_33 = arith.constant 0 : index
    %get3A_34 = arith.constant 0 : index
    %get3A_35 = vector.load %arg4[%get3A_33, %get3A_34] : memref<1x64xf32, #tpu.memory_space<vmem>>, vector<1x64xf32>
    %mul3A_36 = vector.broadcast %get3A_35 : vector<1x64xf32> to vector<10000x64xf32>
    %mul3A_37 = arith.mulf %mul3A_36, %sub3A_25 : vector<10000x64xf32>
    %add3A_38 = arith.constant 9.99999974E-6 : f32
    %add3A_39 = vector.broadcast %add3A_38 : f32 to vector<1x64xf32>
    %add3A_40 = arith.addf %div3A_32, %add3A_39 : vector<1x64xf32>
    %sqrt3A = math.sqrt %add3A_40 : vector<1x64xf32>
    %div3A_41 = vector.broadcast %sqrt3A : vector<1x64xf32> to vector<10000x64xf32>
    %div3A_42 = arith.divf %mul3A_37, %div3A_41 : vector<10000x64xf32>
    %get3A_43 = arith.constant 0 : index
    %get3A_44 = arith.constant 0 : index
    %get3A_45 = vector.load %arg5[%get3A_43, %get3A_44] : memref<1x64xf32, #tpu.memory_space<vmem>>, vector<1x64xf32>
    %add3A_46 = vector.broadcast %get3A_45 : vector<1x64xf32> to vector<10000x64xf32>
    %add3A_47 = arith.addf %div3A_42, %add3A_46 : vector<10000x64xf32>
    %max3A = arith.constant 0.000000e+00 : f32
    %max3A_48 = vector.broadcast %max3A : f32 to vector<10000x64xf32>
    %max3A_49 = arith.maximumf %add3A_47, %max3A_48 : vector<10000x64xf32>
    %get3A_50 = arith.constant 0 : index
    %get3A_51 = arith.constant 0 : index
    %get3A_52 = vector.load %arg6[%get3A_50, %get3A_51] : memref<10000x64xf32, #tpu.memory_space<vmem>>, vector<10000x64xf32>
    %add3A_53 = arith.addf %max3A_49, %get3A_52 : vector<10000x64xf32>
    %swap3A = arith.constant 0 : index
    %swap3A_54 = arith.constant 0 : index
    %swap3A_55 = vector.load %arg8[%swap3A, %swap3A_54] : memref<10000x64xf32, #tpu.memory_space<vmem>>, vector<10000x64xf32>
    tpu.vector_store %arg8[%swap3A, %swap3A_54], %add3A_53 {strides = array<i32>} : memref<10000x64xf32, #tpu.memory_space<vmem>>, vector<10000x64xf32>,
    %get3A_56 = arith.constant 0 : index
    %get3A_57 = arith.constant 0 : index
    %get3A_58 = vector.load %arg7[%get3A_56, %get3A_57] : memref<64x64xf32, #tpu.memory_space<vmem>>, vector<64x64xf32>
    %dot_general3A = arith.constant dense<0.000000e+00> : vector<10000x64xf32>
    %dot_general3A_59 = tpu.matmul %add3A_53, %get3A_58, %dot_general3A {dimension_numbers = #tpu.dot_dimension_numbers<[1], [0], [0], [1], [0, 0, 1, 1], [], []>, transpose_lhs_hint = false} : vector<10000x64xf32>, vector<64x64xf32>, vector<10000x64xf32> -> vector<10000x64xf32>
    %mul3A_60 = vector.broadcast %get3A_1 : vector<10000x1xf32> to vector<10000x64xf32>
    %mul3A_61 = arith.mulf %dot_general3A_59, %mul3A_60 : vector<10000x64xf32>
    %swap3A_62 = arith.constant 0 : index
    %swap3A_63 = arith.constant 0 : index
    %swap3A_64 = vector.load %arg9[%swap3A_62, %swap3A_63] : memref<10240x64xf32, #tpu.memory_space<vmem>>, vector<10000x64xf32>
    tpu.vector_store %arg9[%swap3A_62, %swap3A_63], %mul3A_61 {strides = array<i32>} : memref<10240x64xf32, #tpu.memory_space<vmem>>, vector<10000x64xf32>,
    %broadcast_in_dim3A_65 = arith.constant 0.000000e+00 : f32
    %broadcast_in_dim3A_66 = vector.broadcast %broadcast_in_dim3A_65 : f32 to vector<240x64xf32>
    %swap3A_67 = arith.constant 10000 : index
    %swap3A_68 = arith.constant 0 : index
    %swap3A_69 = vector.load %arg9[%swap3A_67, %swap3A_68] : memref<10240x64xf32, #tpu.memory_space<vmem>>, vector<240x64xf32>
    tpu.vector_store %arg9[%swap3A_67, %swap3A_68], %broadcast_in_dim3A_66 {strides = array<i32>} : memref<10240x64xf32, #tpu.memory_space<vmem>>, vector<240x64xf32>,
    return
  }
}

module attributes {stable_mosaic.version = 14 : i64} {
  func.func @_tc_head_body(%arg0: memref<2x10240x64xf32, #tpu.memory_space<vmem>>, %arg1: memref<10240x64xf32, #tpu.memory_space<vmem>>, %arg2: memref<10000x1xf32, #tpu.memory_space<vmem>>, %arg3: memref<1x64xf32, #tpu.memory_space<vmem>>, %arg4: memref<1x64xf32, #tpu.memory_space<vmem>>, %arg5: memref<1x64xf32, #tpu.memory_space<vmem>>, %arg6: memref<10000x64xf32, #tpu.memory_space<vmem>>, %arg7: memref<10000x1xi32, #tpu.memory_space<vmem>>, %arg8: memref<64x32xf32, #tpu.memory_space<vmem>>, %arg9: memref<1x32xf32, #tpu.memory_space<vmem>>, %arg10: memref<32x1xf32, #tpu.memory_space<vmem>>, %arg11: memref<1x1xf32, #tpu.memory_space<vmem>>, %arg12: memref<64x1xf32, #tpu.memory_space<vmem>>) attributes {dimension_semantics = [], scalar_prefetch = 0 : i64, scratch_operands = 0 : i64, tpu.core_type = #tpu.core_type<tc>} {
    %get3A = arith.constant 0 : index
    %get3A_0 = arith.constant 0 : index
    %get3A_1 = vector.load %arg2[%get3A, %get3A_0] : memref<10000x1xf32, #tpu.memory_space<vmem>>, vector<10000x1xf32>
    %get3A_2 = arith.constant 0 : index
    %get3A_3 = arith.constant 0 : index
    %get3A_4 = vector.load %arg1[%get3A_2, %get3A_3] : memref<10240x64xf32, #tpu.memory_space<vmem>>, vector<10000x64xf32>
    %get3A_5 = arith.constant 0 : index
    %get3A_6 = arith.constant 0 : index
    %get3A_7 = arith.constant 0 : index
    %get3A_8 = vector.load %arg0[%get3A_5, %get3A_6, %get3A_7] : memref<2x10240x64xf32, #tpu.memory_space<vmem>>, vector<1x10000x64xf32>
    %get3A_9 = vector.shape_cast %get3A_8 : vector<1x10000x64xf32> to vector<10000x64xf32>
    %add3A = arith.addf %get3A_4, %get3A_9 : vector<10000x64xf32>
    %get3A_10 = arith.constant 1 : index
    %get3A_11 = arith.constant 0 : index
    %get3A_12 = arith.constant 0 : index
    %get3A_13 = vector.load %arg0[%get3A_10, %get3A_11, %get3A_12] : memref<2x10240x64xf32, #tpu.memory_space<vmem>>, vector<1x10000x64xf32>
    %get3A_14 = vector.shape_cast %get3A_13 : vector<1x10000x64xf32> to vector<10000x64xf32>
    %add3A_15 = arith.addf %add3A, %get3A_14 : vector<10000x64xf32>
    %mul3A = vector.broadcast %get3A_1 : vector<10000x1xf32> to vector<10000x64xf32>
    %mul3A_16 = arith.mulf %mul3A, %add3A_15 : vector<10000x64xf32>
    %get3A_17 = arith.constant 0 : index
    %get3A_18 = arith.constant 0 : index
    %get3A_19 = vector.load %arg3[%get3A_17, %get3A_18] : memref<1x64xf32, #tpu.memory_space<vmem>>, vector<1x64xf32>
    %add3A_20 = vector.broadcast %get3A_19 : vector<1x64xf32> to vector<10000x64xf32>
    %add3A_21 = arith.addf %mul3A_16, %add3A_20 : vector<10000x64xf32>
    %reduce_sum3A = arith.constant dense<0.000000e+00> : vector<64xf32>
    %reduce_sum3A_22 = vector.multi_reduction <add>, %add3A_21, %reduce_sum3A [0] : vector<10000x64xf32> to vector<64xf32>
    %broadcast_in_dim3A = vector.shape_cast %reduce_sum3A_22 : vector<64xf32> to vector<1x64xf32>
    %div3A = arith.constant 1.000000e+04 : f32
    %div3A_23 = vector.broadcast %div3A : f32 to vector<1x64xf32>
    %div3A_24 = arith.divf %broadcast_in_dim3A, %div3A_23 : vector<1x64xf32>
    %sub3A = vector.broadcast %div3A_24 : vector<1x64xf32> to vector<10000x64xf32>
    %sub3A_25 = arith.subf %add3A_21, %sub3A : vector<10000x64xf32>
    %mul3A_26 = arith.mulf %sub3A_25, %sub3A_25 : vector<10000x64xf32>
    %reduce_sum3A_27 = arith.constant dense<0.000000e+00> : vector<64xf32>
    %reduce_sum3A_28 = vector.multi_reduction <add>, %mul3A_26, %reduce_sum3A_27 [0] : vector<10000x64xf32> to vector<64xf32>
    %broadcast_in_dim3A_29 = vector.shape_cast %reduce_sum3A_28 : vector<64xf32> to vector<1x64xf32>
    %div3A_30 = arith.constant 1.000000e+04 : f32
    %div3A_31 = vector.broadcast %div3A_30 : f32 to vector<1x64xf32>
    %div3A_32 = arith.divf %broadcast_in_dim3A_29, %div3A_31 : vector<1x64xf32>
    %get3A_33 = arith.constant 0 : index
    %get3A_34 = arith.constant 0 : index
    %get3A_35 = vector.load %arg4[%get3A_33, %get3A_34] : memref<1x64xf32, #tpu.memory_space<vmem>>, vector<1x64xf32>
    %mul3A_36 = vector.broadcast %get3A_35 : vector<1x64xf32> to vector<10000x64xf32>
    %mul3A_37 = arith.mulf %mul3A_36, %sub3A_25 : vector<10000x64xf32>
    %add3A_38 = arith.constant 9.99999974E-6 : f32
    %add3A_39 = vector.broadcast %add3A_38 : f32 to vector<1x64xf32>
    %add3A_40 = arith.addf %div3A_32, %add3A_39 : vector<1x64xf32>
    %sqrt3A = math.sqrt %add3A_40 : vector<1x64xf32>
    %div3A_41 = vector.broadcast %sqrt3A : vector<1x64xf32> to vector<10000x64xf32>
    %div3A_42 = arith.divf %mul3A_37, %div3A_41 : vector<10000x64xf32>
    %get3A_43 = arith.constant 0 : index
    %get3A_44 = arith.constant 0 : index
    %get3A_45 = vector.load %arg5[%get3A_43, %get3A_44] : memref<1x64xf32, #tpu.memory_space<vmem>>, vector<1x64xf32>
    %add3A_46 = vector.broadcast %get3A_45 : vector<1x64xf32> to vector<10000x64xf32>
    %add3A_47 = arith.addf %div3A_42, %add3A_46 : vector<10000x64xf32>
    %max3A = arith.constant 0.000000e+00 : f32
    %max3A_48 = vector.broadcast %max3A : f32 to vector<10000x64xf32>
    %max3A_49 = arith.maximumf %add3A_47, %max3A_48 : vector<10000x64xf32>
    %get3A_50 = arith.constant 0 : index
    %get3A_51 = arith.constant 0 : index
    %get3A_52 = vector.load %arg6[%get3A_50, %get3A_51] : memref<10000x64xf32, #tpu.memory_space<vmem>>, vector<10000x64xf32>
    %add3A_53 = arith.addf %max3A_49, %get3A_52 : vector<10000x64xf32>
    %iota3A = tpu.iota {dimensions = array<i32: 1>} : vector<10000x64xi32>
    %get3A_54 = arith.constant 0 : index
    %get3A_55 = arith.constant 0 : index
    %get3A_56 = vector.load %arg7[%get3A_54, %get3A_55] : memref<10000x1xi32, #tpu.memory_space<vmem>>, vector<10000x1xi32>
    %eq3A = vector.broadcast %get3A_56 : vector<10000x1xi32> to vector<10000x64xi32>
    %eq3A_57 = arith.cmpi eq, %eq3A, %iota3A : vector<10000x64xi32>
    %convert_element_type3A = arith.extui %eq3A_57 : vector<10000x64xi1> to vector<10000x64xi32>
    %convert_element_type3A_58 = arith.sitofp %convert_element_type3A : vector<10000x64xi32> to vector<10000x64xf32>
    %dot_general3A = arith.constant dense<0.000000e+00> : vector<64x64xf32>
    %dot_general3A_59 = tpu.matmul %convert_element_type3A_58, %add3A_53, %dot_general3A {dimension_numbers = #tpu.dot_dimension_numbers<[0], [0], [1], [1], [0, 1, 1, 1], [], []>, precision = #tpu.contract_precision<fp32>, transpose_lhs_hint = false} : vector<10000x64xf32>, vector<10000x64xf32>, vector<64x64xf32> -> vector<64x64xf32>
    %broadcast_in_dim3A_60 = arith.constant 1.000000e+00 : f32
    %broadcast_in_dim3A_61 = vector.broadcast %broadcast_in_dim3A_60 : f32 to vector<10000x1xf32>
    %dot_general3A_62 = arith.constant dense<0.000000e+00> : vector<64x1xf32>
    %dot_general3A_63 = tpu.matmul %convert_element_type3A_58, %broadcast_in_dim3A_61, %dot_general3A_62 {dimension_numbers = #tpu.dot_dimension_numbers<[0], [0], [1], [1], [0, 1, 1, 1], [], []>, precision = #tpu.contract_precision<fp32>, transpose_lhs_hint = false} : vector<10000x64xf32>, vector<10000x1xf32>, vector<64x1xf32> -> vector<64x1xf32>
    %max3A_64 = arith.constant 1.000000e+00 : f32
    %max3A_65 = vector.broadcast %max3A_64 : f32 to vector<64x1xf32>
    %max3A_66 = arith.maximumf %dot_general3A_63, %max3A_65 : vector<64x1xf32>
    %div3A_67 = vector.broadcast %max3A_66 : vector<64x1xf32> to vector<64x64xf32>
    %div3A_68 = arith.divf %dot_general3A_59, %div3A_67 : vector<64x64xf32>
    %add3A_69 = arith.addf %div3A_68, %dot_general3A_59 : vector<64x64xf32>
    %get3A_70 = arith.constant 0 : index
    %get3A_71 = arith.constant 0 : index
    %get3A_72 = vector.load %arg8[%get3A_70, %get3A_71] : memref<64x32xf32, #tpu.memory_space<vmem>>, vector<64x32xf32>
    %dot_general3A_73 = arith.constant dense<0.000000e+00> : vector<64x32xf32>
    %dot_general3A_74 = tpu.matmul %add3A_69, %get3A_72, %dot_general3A_73 {dimension_numbers = #tpu.dot_dimension_numbers<[1], [0], [0], [1], [0, 0, 1, 1], [], []>, transpose_lhs_hint = false} : vector<64x64xf32>, vector<64x32xf32>, vector<64x32xf32> -> vector<64x32xf32>
    %get3A_75 = arith.constant 0 : index
    %get3A_76 = arith.constant 0 : index
    %get3A_77 = vector.load %arg9[%get3A_75, %get3A_76] : memref<1x32xf32, #tpu.memory_space<vmem>>, vector<1x32xf32>
    %add3A_78 = vector.broadcast %get3A_77 : vector<1x32xf32> to vector<64x32xf32>
    %add3A_79 = arith.addf %dot_general3A_74, %add3A_78 : vector<64x32xf32>
    %max3A_80 = arith.constant 0.000000e+00 : f32
    %max3A_81 = vector.broadcast %max3A_80 : f32 to vector<64x32xf32>
    %max3A_82 = arith.maximumf %add3A_79, %max3A_81 : vector<64x32xf32>
    %get3A_83 = arith.constant 0 : index
    %get3A_84 = arith.constant 0 : index
    %get3A_85 = vector.load %arg10[%get3A_83, %get3A_84] : memref<32x1xf32, #tpu.memory_space<vmem>>, vector<32x1xf32>
    %dot_general3A_86 = arith.constant dense<0.000000e+00> : vector<64x1xf32>
    %dot_general3A_87 = tpu.matmul %max3A_82, %get3A_85, %dot_general3A_86 {dimension_numbers = #tpu.dot_dimension_numbers<[1], [0], [0], [1], [0, 0, 1, 1], [], []>, transpose_lhs_hint = false} : vector<64x32xf32>, vector<32x1xf32>, vector<64x1xf32> -> vector<64x1xf32>
    %get3A_88 = arith.constant 0 : index
    %get3A_89 = arith.constant 0 : index
    %get3A_90 = vector.load %arg11[%get3A_88, %get3A_89] : memref<1x1xf32, #tpu.memory_space<vmem>>, vector<1x1xf32>
    %add3A_91 = vector.broadcast %get3A_90 : vector<1x1xf32> to vector<64x1xf32>
    %add3A_92 = arith.addf %dot_general3A_87, %add3A_91 : vector<64x1xf32>
    %swap3A = arith.constant 0 : index
    %swap3A_93 = arith.constant 0 : index
    %swap3A_94 = vector.load %arg12[%swap3A, %swap3A_93] : memref<64x1xf32, #tpu.memory_space<vmem>>, vector<64x1xf32>
    tpu.vector_store %arg12[%swap3A, %swap3A_93], %add3A_92 {strides = array<i32>} : memref<64x1xf32, #tpu.memory_space<vmem>>, vector<64x1xf32>,
    return
  }
}

</mosaic_0001>

<sc_bundles>
// kernel: kernel.10.cloned.1.call-start
scs
__scs_entry_jumppad:
0x0: {  	(pc) =	sbr.rel $0x88, $3  }
0x1: {  	(tag) =	ssettag $0x0;
	lr =	simm.s32 $0x1  }
0x2: {  	[smem:$0x3F8E] =	sst lr;
	_ =	strace $0xD0000000  }
0x3: {  	_ = 	snop  }
0x4: {  	_ = 	snop  }
0x5: {  	_ = 	snop  }
0x6: {  	_ = 	snop  }
0x7: {  	_ = 	snop  }
__scs_overlays_trampoline_lowered:
0x8: {  	[smem:$0x3F9D] =	sst s0  }
0x9: {  	[smem:$0x3F9E] =	sst s1  }
0xa: {  	[smem:$0x3F9F] =	sst s2  }
0xb: {  	[smem:$0x3FA0] =	sst s3  }
0xc: {  	[smem:$0x3FA1] =	sst s4  }
0xd: {  	[smem:$0x3FA2] =	sst s5  }
0xe: {  	[smem:$0x3FA3] =	sst s6  }
0xf: {  	[smem:$0x3FA4] =	sst s7  }
0x10: {  	[smem:$0x3FA5] =	sst s8  }
0x11: {  	[smem:$0x3FA6] =	sst s9;
	s0 =	simm.s32 @!p0 $0x0  }
0x12: {  	s1 =	sld [smem:$0x3F8C];
	s0 =	simm.s32 @p0 $0x1  }
0x13: {  	[smem:$0x3FA7] =	sst s0;
	s0 =	simm.s32 @!p1 $0x0  }
0x14: {  	s2 =	sld [smem:$0x3F8B];
	s0 =	simm.s32 @p1 $0x1  }
0x15: {  	[smem:$0x3FA8] =	sst s0;
	s0 =	simm.s32 @!p2 $0x0  }
0x16: {  	s3 =	sld [smem:$0x3FDB];
	s0 =	simm.s32 @p2 $0x1  }
0x17: {  	s4 =	simm.s32 $0x1BF5;
	[smem:$0x3FAA] =	sst s0  }
0x18: {  	s0 =	sld [smem:$0x3F8D];
	_ =	swait.ge [sflag:s4], $0x0  }
0x19: {  	s7 =	sld [smem:$0x3F8E]  }
0x1a: {  	s8 =	sadd.s32 $0xFFFFE003, lr  }
0x1b: {  	s9 =	sadd.s32 $0xFFFFFEF7, lr;
	s5 =	simm.s32 $0xFFFFFFFF;
	p2 =	slt.u32 s8, $0xFFFFF086  }
0x1c: {  	p1 =	slt.u32 s9, $0xF7A;
	s5 =	simm.s32 @!p2 $0x0  }
0x1d: {  	s5 =	simm.s32 @p1 $0x1;
	p0 =	seq.s32 s7, s2  }
0x1e: {  	s7 =	smul.u32 @!p0 $0xF7A, s2;
	p2 =	seq.s32 @!p0 s5, $0x0  }
0x1f: {  	s9 =	smul.u32 $0xF7A, s1;
	s8 =	simm.s32 @!p0 $0x1BF5;
	p2 =	por !p2, p0  }
0x20: {  	[sflag:s8] =	ssyncset.s32 @!p0 $0xFFFFF086;
	s6 =	sadd.s32 @!p0 s3, s7;
	s7 =	simm.s32 @!p0 $0x108  }
0x21: {  	s3 =	sadd.s32 s3, s9;
	s6 =	sadd.s32 @!p0 $0x88, s6;
	s7 =	simm.s32 @p2 $0x1082  }
0x22: {  	[simem:s7], [sflag:s8] =	dma.local @!p0 [hbm:s6], $0xF7A  }
0x23: {  	s9 =	sor.u32 $0xD0000000, s2;
	s6 =	simm.s32 $0x108;
	_ =	swait.ge @!p0 [sflag:s8], $0x0  }
0x24: {  	s3 =	sadd.s32 $0x88, s3;
	s6 =	simm.s32 @!p1 $0x1082;
	[sflag:s4] =	ssyncset.s32 $0xFFFFF086  }
0x25: {  	[simem:s6], [sflag:s4] =	dma.local [hbm:s3], $0xF7A  }
0x26: {  	[smem:$0x3F8E] =	sst s1;
	(tag) =	ssettag s2;
	_ =	strace s9  }
0x27: {  	s1 =	sld [smem:$0x3F9E]  }
0x28: {  	s2 =	sld [smem:$0x3F9F]  }
0x29: {  	s4 =	sld [smem:$0x3FA1]  }
0x2a: {  	p0 =	seq.s32 s5, $0x0;
	s5 =	sld [smem:$0x3FA2]  }
0x2b: {  	s6 =	sld [smem:$0x3FA3]  }
0x2c: {  	s7 =	sld [smem:$0x3FA4]  }
0x2d: {  	s3 =	simm.s32 $0x108;
	s8 =	sld [smem:$0x3FA5]  }
0x2e: {  	s3 =	simm.s32 @!p0 $0x1082;
	s9 =	sld [smem:$0x3FA6]  }
0x2f: {  	lr =	sadd.s32 s0, s3;
	s0 =	sld [smem:$0x3F9D]  }
0x30: {  	s3 =	sld [smem:$0x3FA0]  }
0x31: {  	[smem:$0x3FA9] =	sst s10  }
0x32: {  	s10 =	sld [smem:$0x3FA7];
	_ =	sdelay $0x3  }
0x33: {  	p0 =	seq.s32 s10, $0x1;
	s10 =	sld [smem:$0x3FA9];
	_ =	sdelay $0x3  }
0x34: {  	[smem:$0x3FA9] =	sst s10  }
0x35: {  	s10 =	sld [smem:$0x3FA8];
	_ =	sdelay $0x3  }
0x36: {  	p1 =	seq.s32 s10, $0x1;
	s10 =	sld [smem:$0x3FA9];
	_ =	sdelay $0x3  }
0x37: {  	[smem:$0x3FA9] =	sst s10  }
0x38: {  	s10 =	sld [smem:$0x3FAA]  }
0x39: {  	_ = 	snop;
	(pc) =	sbr.ind lr, $3  }
0x3a: {  	_ = 	snop  }
0x3b: {  	_ = 	snop  }
0x3c: {  	p2 =	seq.s32 s10, $0x1;
	s10 =	sld [smem:$0x3FA9]  }
0x3d: {  	_ =	shalt  }
0x3e: {  	_ =	shalt  }
0x3f: {  	_ =	shalt  }
0x40: {  	_ =	shalt  }
0x41: {  	_ =	shalt  }
0x42: {  	_ =	shalt  }
0x43: {  	_ =	shalt  }
0x44: {  	_ =	shalt  }
0x45: {  	_ =	shalt  }
0x46: {  	_ =	shalt  }
0x47: {  	_ =	shalt  }
0x48: {  	_ =	shalt  }
0x49: {  	_ =	shalt  }
0x4a: {  	_ =	shalt  }
0x4b: {  	_ =	shalt  }
0x4c: {  	_ =	shalt  }
0x4d: {  	_ =	shalt  }
0x4e: {  	_ =	shalt  }
0x4f: {  	_ =	shalt  }
0x50: {  	_ =	shalt  }
0x51: {  	_ =	shalt  }
0x52: {  	_ =	shalt  }
0x53: {  	_ =	shalt  }
0x54: {  	_ =	shalt  }
0x55: {  	_ =	shalt  }
0x56: {  	_ =	shalt  }
0x57: {  	_ =	shalt  }
0x58: {  	_ =	shalt  }
0x59: {  	_ =	shalt  }
0x5a: {  	_ =	shalt  }
0x5b: {  	_ =	shalt  }
0x5c: {  	_ =	shalt  }
0x5d: {  	_ =	shalt  }
0x5e: {  	_ =	shalt  }
0x5f: {  	_ =	shalt  }
0x60: {  	_ =	shalt  }
0x61: {  	_ =	shalt  }
0x62: {  	_ =	shalt  }
0x63: {  	_ =	shalt  }
0x64: {  	_ =	shalt  }
0x65: {  	_ =	shalt  }
0x66: {  	_ =	shalt  }
0x67: {  	_ =	shalt  }
0x68: {  	_ =	shalt  }
0x69: {  	_ =	shalt  }
0x6a: {  	_ =	shalt  }
0x6b: {  	_ =	shalt  }
0x6c: {  	_ =	shalt  }
0x6d: {  	_ =	shalt  }
0x6e: {  	_ =	shalt  }
0x6f: {  	_ =	shalt  }
0x70: {  	_ =	shalt  }
0x71: {  	_ =	shalt  }
0x72: {  	_ =	shalt  }
0x73: {  	_ =	shalt  }
0x74: {  	_ =	shalt  }
0x75: {  	_ =	shalt  }
0x76: {  	_ =	shalt  }
0x77: {  	_ =	shalt  }
0x78: {  	_ =	shalt  }
0x79: {  	_ =	shalt  }
0x7a: {  	_ =	shalt  }
0x7b: {  	_ =	shalt  }
0x7c: {  	_ =	shalt  }
0x7d: {  	_ =	shalt  }
0x7e: {  	_ =	shalt  }
0x7f: {  	_ =	shalt  }
0x80: {  	_ =	shalt  }
0x81: {  	_ =	shalt  }
0x82: {  	_ =	shalt  }
0x83: {  	_ =	shalt  }
0x84: {  	_ =	shalt  }
0x85: {  	_ =	shalt  }
0x86: {  	_ =	shalt  }
0x87: {  	_ =	shalt  }
.Lfunc_end0:
.L_simem_size_0:
called_computation_lowered:
.L_overlay_start_0:
0x88: {  	s2 =	sld [smem:$0x3FD9]  }
0x89: {  	s3 =	sld [smem:$0x3FFE];
	_ =	sdelay $0x1  }
0x8a: {  	s1 =	srdreg.scid  }
0x8b: {  	s0 =	sand.u32 $0x1, s1  }
0x8c: {  	s16 =	sshll.u32 s0, $0xA;
	s2 =	sadd.s32 s3, s2  }
0x8d: {  	s2 =	sadd.s32 s2, s16  }
0x8e: {  	[smem:$0x3FB5] =	sst s2  }
0x8f: {  	_ = 	snop  }
0x90: {  	(tm) =	ssettm $0x1  }
0x91: {  	s17 =	sld [smem:$0x3FFB];
	_ =	sdelay $0x3  }
0x92: {  	_ =	strace s17  }
0x93: {  	s2 =	sld [smem:$0x3FFC];
	_ =	sdelay $0x3  }
0x94: {  	_ =	strace s2  }
0x95: {  	s2 =	sld [smem:$0x3FFD];
	_ =	sdelay $0x3  }
0x96: {  	_ =	strace s2  }
0x97: {  	_ =	strace $0x8FFFFFFF  }
0x98: {  	s18 =	sld [smem:$0x3FDB];
	_ =	sdelay $0x1  }
0x99: {  	s19 =	simm.s32 $_scs_section_size  }
0x9a: {  	s4 =	simm.s32 $_size__tile_overlayer_lowered;
	s5 =	simm.s32 $_tile_overlayer_lowered  }
0x9b: {  	s22 =	simm.s32 $0x1BFF;
	s21 =	sshll.u32 s5, $0x1;
	s2 =	sadd.s32 s19, s18  }
0x9c: {  	s6 =	simm.s32 $0x0;
	s20 =	sshll.u32 s4, $0x1;
	s4 =	sadd.s32 s21, s2  }
0x9d: {  	[timem:s6], [sflag:s22] =	dma.local [hbm:s4], s20  }
0x9e: {  	_ =	swait.ge [sflag:s22], s20  }
0x9f: {  	s3 =	ssub.s32 $0x0, s20;
	[sflag:s22] =	ssyncset.done $0x0  }
0xa0: {  	[sflag:s22] =	ssyncadd.s32 s3;
	_ =	sdelay $0x1  }
0xa1: {  	s23 =	simm.s32 $0x1B8B  }
0xa2: {  	_ =	swait.ge [sflag:s23], $0x1  }
0xa3: {  	[sflag:s23] =	ssyncset.done $0x0  }
0xa4: {  	s25 =	simm.s32 $0x1B8E;
	s24 =	sld [smem:$0x3FFE];
	[sflag:s23] =	ssyncadd.s32 $0xFFFFFFFF  }
0xa5: {  	s26 =	simm.s32 $execute0_lowered;
	[smem:$0x3FD2] =	sst s25  }
0xa6: {  	s4 =	sshll.u32 s26, $0x1;
	_ =	strace $0x80000046;
	[dreg:$0x1] =	wrdreg $0xFFFFFFFF  }
0xa7: {  	s28 =	simm.s32 $_size_execute0_lowered;
	s2 =	sadd.s32 s2, s4;
	[dreg:$0x0] =	wrdreg $0x0  }
0xa8: {  	s4 =	sshll.u32 s28, $0x1;
	[dreg:$0x2] =	wrdreg s2  }
0xa9: {  	[dreg:$0x3] =	wrdreg s4  }
0xaa: {  	[dreg:$0x4] =	wrdreg $0xC0  }
0xab: {  	_ =	task [dreg:s6], $0x5FFFF  }
0xac: {  	[dreg:$0x1] =	wrdreg $0xFFFFFFFF  }
0xad: {  	[dreg:$0x0] =	wrdreg $0x60  }
0xae: {  	[dreg:$0x2] =	wrdreg s24  }
0xaf: {  	[dreg:$0x3] =	wrdreg $0x0  }
0xb0: {  	[dreg:$0x4] =	wrdreg $0x9  }
0xb1: {  	_ =	task.clear_ibuf [dreg:s6], $0x5FFFF;
	_ =	strace $0x90000046  }
0xb2: {  	s29 =	simm.s32 $0x9;
	_ =	strace $0x80000048  }
0xb3: {  	_ =	swait.ge [sflag:s29], $0x1  }
0xb4: {  	[sflag:s29] =	ssyncadd.s32 $0xFFFFFFFF  }
0xb5: {  	_ =	strace $0x90000048  }
0xb6: {  	_ =	sfence  }
0xb7: {  	s30 =	sld [smem:$0x0];
	_ =	sdelay $0x2  }
0xb8: {  	s31 =	sshll.u32 s1, $0xD;
	s1 =	sshrl.u32 s1, $0x2  }
0xb9: {  	s3 =	sand.u32 $0x4000, s31;
	s1 =	sadd.s32 s1, s30  }
0xba: {  	s0 =	sor.u32 s3, s0;
	s1 =	sshll.u32 s1, $0x11  }
0xbb: {  	s0 =	sor.u32 s1, s0  }
0xbc: {  	s0 =	sadd.s32 $0x8F2B, s0  }
0xbd: {  	[sflag:s0] =	ssyncadd.remote.s32 $0x1  }
0xbe: {  	_ =	sfence.sel $0xFFFF  }
0xbf: {  	[dreg:$0x0] =	wrdreg $0xFFFFFFFF;
	(pc) =	sbr.abs _section_cstart, $3  }
0xc0: {  	[dreg:$0x1] =	wrdreg $0xFFFFFFFF  }
0xc1: {  	_ =	task.clear_ibuf [dreg:s6], $0x2FFFF;
	_ =	strace $0x9FFFFFFF  }
0xc2: {  	(tm) =	ssettm $0x7FFFFFFF  }
0xc3: {  	_ =	shalt  }
tec
execute0_lowered:
.L_overlay_start_1:
0x0: {  	(tag) =	ssettag $0x1  }
0x1: {  	s4 =	rddreg [dreg:$0x0];
	s0 =	srdreg.scid  }
0x2: {  	s2 =	rddreg [dreg:$0x1];
	s1 =	stileid.u32  }
0x3: {  	s3 =	simm.s32 $0x0;
	s15 =	simm.s32 $0x5660;
	s16 =	simm.s32 $0x1  }
0x4: {  	s17 =	simm.s32 $0x2800;
	s18 =	simm.s32 $0x70;
	s19 =	simm.s32 $0x4F60  }
0x5: {  	s5 =	sand.u32 $0x1, s0;
	s0 =	rddreg [dreg:$0x2];
	s7 =	smul.u32 $0x2800, s1  }
0x6: {  	[smem:$0x7FF] =	sst s3;
	s9 =	smul.u32 $0xA000, s1;
	s6 =	sshll.u32 s5, $0x4  }
0x7: {  	s8 =	smul.u32 $0x28000, s5;
	_ =	strace $0x80000047;
	s5 =	ssub.s32 $0x2, s5  }
0x8: {  	s6 =	sor.u32 s1, s6;
	s30 =	sshrl.u32 s5, $0x1;
	s31 =	sshrl.u32 s9, $0x2  }
0x9: {  	s6 =	smul.u32 $0x4EC, s6;
	s8 =	sadd.s32 s7, s8;
	s11 =	sadd.s32 s31, s2  }
0xa: {  	s14 =	ssub.s32 s5, s30;
	s29 =	sshrl.u32 s8, $0x3;
	s5 =	sadd.s32 $0x500, s11  }
0xb: {  	s8 =	sadd.s32 $0x1400, s11;
	s9 =	sadd.s32 $0x1900, s11;
	s10 =	sadd.s32 $0x1E00, s11  }
0xc: {  	s14 =	smax.u32 s14, $0x1;
	s12 =	sadd.s32 s6, s4;
	s13 =	sadd.s32 s29, s4  }
0xd: {  	s4 =	sadd.s32 s7, s2;
	s6 =	sadd.s32 $0xA00, s11;
	s7 =	sadd.s32 $0xF00, s11  }
0xe: {  	v0 =	vimm.f32 $0.0e+00;
	v1 =	vimm.f32 $1.000000000e+00;
	s11 =	sadd.s32 $0x2300, s11;
	s12 =	sadd.s32 $0x3800, s12;
	s13 =	sadd.s32 $0xD600, s13  }
.LBB2_1:
0xf: {  	s21 =	simm.s32 $0x5680  }
0x10: {  	[tilespmem:s21+$0xFFFFFFE0] =	vst v0  }
0x11: {  	[tilespmem:s21+$0x10] =	vst v0  }
0x12: {  	s22 =	simm.s32 $0x0;
	[tilespmem:s21+$0x0] =	vst v0  }
.LBB2_2:
0x13: {  	s22 =	sadd.s32 $0x4, s22  }
0x14: {  	[tilespmem:s21+$0xFFFFFFF0] =	vst v0;
	s21 =	sadd.s32 $0x40, s21;
	s20 =	simm.s32 $0x4F80;
	p0 =	slt.u32 s22, $0x6C  }
.Ltmp0:
0x15: {  	[tilespmem:s21+$0xFFFFFFE0] =	vst v0;
	(pc) =	sbr.rel @p0 .LBB2_2-.Ltmp0, $3  }
0x16: {  	_ =	sdelay $0x1  }
0x17: {  	[tilespmem:s21+$0x10] =	vst v0  }
0x18: {  	[tilespmem:s21+$0x0] =	vst v0  }
0x19: {  	[tilespmem:s21+$0xFFFFFFF0] =	vst v0  }
0x1a: {  	[tilespmem:s20+$0xFFFFFFE0] =	vst v1  }
0x1b: {  	[tilespmem:s20+$0x10] =	vst v1  }
0x1c: {  	s21 =	simm.s32 $0x0;
	[tilespmem:s20+$0x0] =	vst v1  }
.LBB2_4:
0x1d: {  	s21 =	sadd.s32 $0x4, s21  }
0x1e: {  	[tilespmem:s20+$0xFFFFFFF0] =	vst v1;
	s20 =	sadd.s32 $0x40, s20;
	p0 =	slt.u32 s21, $0x6C  }
.Ltmp1:
0x1f: {  	[tilespmem:s20+$0xFFFFFFE0] =	vst v1;
	(pc) =	sbr.rel @p0 .LBB2_4-.Ltmp1, $3  }
0x20: {  	_ =	sdelay $0x1  }
0x21: {  	[tilespmem:s20+$0x10] =	vst v1  }
0x22: {  	[tilespmem:s20+$0x0] =	vst v1  }
0x23: {  	[tilespmem:s20+$0xFFFFFFF0] =	vst v1  }
0x24: {  	[spmem:s4] =	stream.linear.scatter [tilespmem:s15], [sflag:$0x1], $0x500, $0x38;
	[tilespmem:$0x5D60] =	vst v63  }
0x25: {  	_ =	swait.ge [sflag:s16], $0x500  }
0x26: {  	[sflag:s16] =	ssyncset.done $0x0  }
0x27: {  	[sflag:s16] =	ssyncadd.s32 $0xFFFFFB00  }
0x28: {  	[spmem:s5] =	stream.linear.scatter [tilespmem:s15], [sflag:$0x1], $0x500, $0x38;
	[tilespmem:$0x5D60] =	vst v63  }
0x29: {  	_ =	swait.ge [sflag:s16], $0x500  }
0x2a: {  	[sflag:s16] =	ssyncset.done $0x0  }
0x2b: {  	[sflag:s16] =	ssyncadd.s32 $0xFFFFFB00  }
0x2c: {  	[spmem:s6] =	stream.linear.scatter [tilespmem:s15], [sflag:$0x1], $0x500, $0x38;
	[tilespmem:$0x5D60] =	vst v63  }
0x2d: {  	_ =	swait.ge [sflag:s16], $0x500  }
0x2e: {  	[sflag:s16] =	ssyncset.done $0x0  }
0x2f: {  	[sflag:s16] =	ssyncadd.s32 $0xFFFFFB00  }
0x30: {  	[spmem:s7] =	stream.linear.scatter [tilespmem:s15], [sflag:$0x1], $0x500, $0x38;
	[tilespmem:$0x5D60] =	vst v63  }
0x31: {  	_ =	swait.ge [sflag:s16], $0x500  }
0x32: {  	[sflag:s16] =	ssyncset.done $0x0  }
0x33: {  	[sflag:s16] =	ssyncadd.s32 $0xFFFFFB00  }
0x34: {  	[spmem:s8] =	stream.linear.scatter [tilespmem:s15], [sflag:$0x1], $0x500, $0x38;
	[tilespmem:$0x5D60] =	vst v63  }
0x35: {  	_ =	swait.ge [sflag:s16], $0x500  }
0x36: {  	[sflag:s16] =	ssyncset.done $0x0  }
0x37: {  	[sflag:s16] =	ssyncadd.s32 $0xFFFFFB00  }
0x38: {  	[spmem:s9] =	stream.linear.scatter [tilespmem:s15], [sflag:$0x1], $0x500, $0x38;
	[tilespmem:$0x5D60] =	vst v63  }
0x39: {  	_ =	swait.ge [sflag:s16], $0x500  }
0x3a: {  	[sflag:s16] =	ssyncset.done $0x0  }
0x3b: {  	[sflag:s16] =	ssyncadd.s32 $0xFFFFFB00  }
0x3c: {  	[spmem:s10] =	stream.linear.scatter [tilespmem:s15], [sflag:$0x1], $0x500, $0x38;
	[tilespmem:$0x5D60] =	vst v63  }
0x3d: {  	_ =	swait.ge [sflag:s16], $0x500  }
0x3e: {  	[sflag:s16] =	ssyncset.done $0x0  }
0x3f: {  	[sflag:s16] =	ssyncadd.s32 $0xFFFFFB00  }
0x40: {  	[spmem:s11] =	stream.linear.scatter [tilespmem:s15], [sflag:$0x1], $0x500, $0x38;
	[tilespmem:$0x5D60] =	vst v63  }
0x41: {  	_ =	swait.ge [sflag:s16], $0x500  }
0x42: {  	[sflag:s16] =	ssyncset.done $0x0  }
0x43: {  	s30 =	simm.s32 $0x0;
	[sflag:s16] =	ssyncadd.s32 $0xFFFFFB00  }
0x44: {  	[tilespmem:s17], [sflag:$0x1] =	stream.linear.gather [hbm4b:s12+s30], $0x2760, $0x38;
	[tilespmem:$0x5D60] =	vst v63  }
0x45: {  	_ =	swait.ge [sflag:s16], $0x2760  }
0x46: {  	[sflag:s16] =	ssyncset.done $0x0  }
0x47: {  	[sflag:s16] =	ssyncadd.s32 $0xFFFFD8A0  }
0x48: {  	s31 =	simm.s32 $0x2800;
	[bflag:$0x0] =	sbarrier.arrive $0xFFFF  }
0x49: {  	[spmem:s2] =	stream.indirect.scatter.add.f32 [tilespmem:s19], [sflag:$0x1], $0x10, s31, s18, $0xb8;
	[tilespmem:$0x5D60] =	vst v63  }
0x4a: {  	s20 =	simm.s32 $0x1C0;
	_ =	swait.ge [sflag:s16], $0x700  }
.LBB2_6:
0x4b: {  	s21 =	sshra.s32 s20, $0x2;
	[sflag:s16] =	ssyncset.done $0x0;
	p0 =	sne.s32 s20, $0x9BC0  }
.Ltmp2:
0x4c: {  	s21 =	sadd.s32 $0x2800, s21;
	[sflag:s16] =	ssyncadd.s32 $0xFFFFF900;
	(pc) =	sbr.rel @p0 .LBB2_6-.Ltmp2, $3  }
0x4d: {  	[spmem:s2] =	stream.indirect.scatter.add.f32 [tilespmem:s19], [sflag:$0x1], $0x10, s21, s18, $0xb8;
	[tilespmem:$0x5D60] =	vst v63  }
0x4e: {  	s20 =	sadd.s32 $0x1C0, s20;
	_ =	sdelay $0x1  }
0x4f: {  	_ =	swait.ge [sflag:s16], $0x700  }
0x50: {  	[sflag:s16] =	ssyncset.done $0x0;
	s20 =	sshll.u32 s1, $0x6;
	s3 =	sadd.s32 $0x1, s3  }
0x51: {  	s21 =	sshrl.u32 s4, $0x3;
	[sflag:s16] =	ssyncadd.s32 $0xFFFFF900;
	p0 =	sne.s32 s3, s14  }
.Ltmp3:
0x52: {  	s20 =	sor.u32 $0x1C01, s20;
	[bflag:$0x0] =	sbarrier.arrive $0xFFFF;
	(pc) =	sbr.rel @p0 .LBB2_1-.Ltmp3, $4  }
0x53: {  	[hbm:s13], [sflag:s20] =	dma.local [spmem:s21], $0x500  }
0x54: {  	_ =	swait.ge [sflag:s16], $0x500  }
0x55: {  	[sflag:s16] =	ssyncset.done $0x0  }
0x56: {  	[sflag:s16] =	ssyncadd.s32 $0xFFFFFB00  }
0x57: {  	_ =	sfence.sel $0x180000  }
0x58: {  	[bflag:$0x0] =	sbarrier.arrive $0xFFFF  }
0x59: {  	p0 =	sne.s32 s1, $0x0;
	_ =	strace $0x90000047  }
0x5a: {  	s0 =	sadd.s32 @!p0 $0x100000, s0;
	[bflag:$0x2] =	sbarrier.arrive $0xFFFF  }
0x5b: {  	[sflag:s0] =	ssyncadd.tile.s32 @!p0 $0x1;
	_ =	shalt  }
.Lfunc_end2:
_tile_overlayer_lowered:
.L_overlay_start_2:
0x5c: {  	(tag) =	ssettag $0x2  }
0x5d: {  	s0 =	rddreg [dreg:$0x0];
	s2 =	stileid.u32  }
0x5e: {  	s1 =	rddreg [dreg:$0x1];
	p0 =	sne.s32 s2, $0x0  }
0x5f: {  	s3 =	rddreg [dreg:$0x2];
	[bflag:$0x3] =	sbarrier.arrive $0xFFFF;
	s2 =	simm.s32 @!p0 $0x1C01  }
0x60: {  	[timem:s3], [sflag:s2] =	dma.local @!p0 [hbm:s0], s1  }
0x61: {  	s0 =	simm.s32 @!p0 $0x1  }
0x62: {  	_ =	swait.ge @!p0 [sflag:s0], s1  }
0x63: {  	s1 =	ssub.s32 @!p0 $0x0, s1;
	[sflag:s0] =	ssyncset.done @!p0 $0x0  }
0x64: {  	[sflag:s0] =	ssyncadd.s32 @!p0 s1  }
0x65: {  	[bflag:$0x3] =	sbarrier.arrive $0xFFFF  }
0x66: {  	_ =	shalt  }

// kernel: kernel.13.cloned.1.call-start
scs
__scs_entry_jumppad:
0x0: {  	(pc) =	sbr.rel $0x88, $3  }
0x1: {  	(tag) =	ssettag $0x0;
	lr =	simm.s32 $0x1  }
0x2: {  	[smem:$0x3F8E] =	sst lr;
	_ =	strace $0xD0000000  }
0x3: {  	_ = 	snop  }
0x4: {  	_ = 	snop  }
0x5: {  	_ = 	snop  }
0x6: {  	_ = 	snop  }
0x7: {  	_ = 	snop  }
__scs_overlays_trampoline_lowered:
0x8: {  	[smem:$0x3F9D] =	sst s0  }
0x9: {  	[smem:$0x3F9E] =	sst s1  }
0xa: {  	[smem:$0x3F9F] =	sst s2  }
0xb: {  	[smem:$0x3FA0] =	sst s3  }
0xc: {  	[smem:$0x3FA1] =	sst s4  }
0xd: {  	[smem:$0x3FA2] =	sst s5  }
0xe: {  	[smem:$0x3FA3] =	sst s6  }
0xf: {  	[smem:$0x3FA4] =	sst s7  }
0x10: {  	[smem:$0x3FA5] =	sst s8  }
0x11: {  	[smem:$0x3FA6] =	sst s9;
	s0 =	simm.s32 @!p0 $0x0  }
0x12: {  	s1 =	sld [smem:$0x3F8C];
	s0 =	simm.s32 @p0 $0x1  }
0x13: {  	[smem:$0x3FA7] =	sst s0;
	s0 =	simm.s32 @!p1 $0x0  }
0x14: {  	s2 =	sld [smem:$0x3F8B];
	s0 =	simm.s32 @p1 $0x1  }
0x15: {  	[smem:$0x3FA8] =	sst s0;
	s0 =	simm.s32 @!p2 $0x0  }
0x16: {  	s3 =	sld [smem:$0x3FDB];
	s0 =	simm.s32 @p2 $0x1  }
0x17: {  	s4 =	simm.s32 $0x1BF5;
	[smem:$0x3FAA] =	sst s0  }
0x18: {  	s0 =	sld [smem:$0x3F8D];
	_ =	swait.ge [sflag:s4], $0x0  }
0x19: {  	s7 =	sld [smem:$0x3F8E]  }
0x1a: {  	s8 =	sadd.s32 $0xFFFFE003, lr  }
0x1b: {  	s9 =	sadd.s32 $0xFFFFFEF7, lr;
	s5 =	simm.s32 $0xFFFFFFFF;
	p2 =	slt.u32 s8, $0xFFFFF086  }
0x1c: {  	p1 =	slt.u32 s9, $0xF7A;
	s5 =	simm.s32 @!p2 $0x0  }
0x1d: {  	s5 =	simm.s32 @p1 $0x1;
	p0 =	seq.s32 s7, s2  }
0x1e: {  	s7 =	smul.u32 @!p0 $0xF7A, s2;
	p2 =	seq.s32 @!p0 s5, $0x0  }
0x1f: {  	s9 =	smul.u32 $0xF7A, s1;
	s8 =	simm.s32 @!p0 $0x1BF5;
	p2 =	por !p2, p0  }
0x20: {  	[sflag:s8] =	ssyncset.s32 @!p0 $0xFFFFF086;
	s6 =	sadd.s32 @!p0 s3, s7;
	s7 =	simm.s32 @!p0 $0x108  }
0x21: {  	s3 =	sadd.s32 s3, s9;
	s6 =	sadd.s32 @!p0 $0x88, s6;
	s7 =	simm.s32 @p2 $0x1082  }
0x22: {  	[simem:s7], [sflag:s8] =	dma.local @!p0 [hbm:s6], $0xF7A  }
0x23: {  	s9 =	sor.u32 $0xD0000000, s2;
	s6 =	simm.s32 $0x108;
	_ =	swait.ge @!p0 [sflag:s8], $0x0  }
0x24: {  	s3 =	sadd.s32 $0x88, s3;
	s6 =	simm.s32 @!p1 $0x1082;
	[sflag:s4] =	ssyncset.s32 $0xFFFFF086  }
0x25: {  	[simem:s6], [sflag:s4] =	dma.local [hbm:s3], $0xF7A  }
0x26: {  	[smem:$0x3F8E] =	sst s1;
	(tag) =	ssettag s2;
	_ =	strace s9  }
0x27: {  	s1 =	sld [smem:$0x3F9E]  }
0x28: {  	s2 =	sld [smem:$0x3F9F]  }
0x29: {  	s4 =	sld [smem:$0x3FA1]  }
0x2a: {  	p0 =	seq.s32 s5, $0x0;
	s5 =	sld [smem:$0x3FA2]  }
0x2b: {  	s6 =	sld [smem:$0x3FA3]  }
0x2c: {  	s7 =	sld [smem:$0x3FA4]  }
0x2d: {  	s3 =	simm.s32 $0x108;
	s8 =	sld [smem:$0x3FA5]  }
0x2e: {  	s3 =	simm.s32 @!p0 $0x1082;
	s9 =	sld [smem:$0x3FA6]  }
0x2f: {  	lr =	sadd.s32 s0, s3;
	s0 =	sld [smem:$0x3F9D]  }
0x30: {  	s3 =	sld [smem:$0x3FA0]  }
0x31: {  	[smem:$0x3FA9] =	sst s10  }
0x32: {  	s10 =	sld [smem:$0x3FA7];
	_ =	sdelay $0x3  }
0x33: {  	p0 =	seq.s32 s10, $0x1;
	s10 =	sld [smem:$0x3FA9];
	_ =	sdelay $0x3  }
0x34: {  	[smem:$0x3FA9] =	sst s10  }
0x35: {  	s10 =	sld [smem:$0x3FA8];
	_ =	sdelay $0x3  }
0x36: {  	p1 =	seq.s32 s10, $0x1;
	s10 =	sld [smem:$0x3FA9];
	_ =	sdelay $0x3  }
0x37: {  	[smem:$0x3FA9] =	sst s10  }
0x38: {  	s10 =	sld [smem:$0x3FAA]  }
0x39: {  	_ = 	snop;
	(pc) =	sbr.ind lr, $3  }
0x3a: {  	_ = 	snop  }
0x3b: {  	_ = 	snop  }
0x3c: {  	p2 =	seq.s32 s10, $0x1;
	s10 =	sld [smem:$0x3FA9]  }
0x3d: {  	_ =	shalt  }
0x3e: {  	_ =	shalt  }
0x3f: {  	_ =	shalt  }
0x40: {  	_ =	shalt  }
0x41: {  	_ =	shalt  }
0x42: {  	_ =	shalt  }
0x43: {  	_ =	shalt  }
0x44: {  	_ =	shalt  }
0x45: {  	_ =	shalt  }
0x46: {  	_ =	shalt  }
0x47: {  	_ =	shalt  }
0x48: {  	_ =	shalt  }
0x49: {  	_ =	shalt  }
0x4a: {  	_ =	shalt  }
0x4b: {  	_ =	shalt  }
0x4c: {  	_ =	shalt  }
0x4d: {  	_ =	shalt  }
0x4e: {  	_ =	shalt  }
0x4f: {  	_ =	shalt  }
0x50: {  	_ =	shalt  }
0x51: {  	_ =	shalt  }
0x52: {  	_ =	shalt  }
0x53: {  	_ =	shalt  }
0x54: {  	_ =	shalt  }
0x55: {  	_ =	shalt  }
0x56: {  	_ =	shalt  }
0x57: {  	_ =	shalt  }
0x58: {  	_ =	shalt  }
0x59: {  	_ =	shalt  }
0x5a: {  	_ =	shalt  }
0x5b: {  	_ =	shalt  }
0x5c: {  	_ =	shalt  }
0x5d: {  	_ =	shalt  }
0x5e: {  	_ =	shalt  }
0x5f: {  	_ =	shalt  }
0x60: {  	_ =	shalt  }
0x61: {  	_ =	shalt  }
0x62: {  	_ =	shalt  }
0x63: {  	_ =	shalt  }
0x64: {  	_ =	shalt  }
0x65: {  	_ =	shalt  }
0x66: {  	_ =	shalt  }
0x67: {  	_ =	shalt  }
0x68: {  	_ =	shalt  }
0x69: {  	_ =	shalt  }
0x6a: {  	_ =	shalt  }
0x6b: {  	_ =	shalt  }
0x6c: {  	_ =	shalt  }
0x6d: {  	_ =	shalt  }
0x6e: {  	_ =	shalt  }
0x6f: {  	_ =	shalt  }
0x70: {  	_ =	shalt  }
0x71: {  	_ =	shalt  }
0x72: {  	_ =	shalt  }
0x73: {  	_ =	shalt  }
0x74: {  	_ =	shalt  }
0x75: {  	_ =	shalt  }
0x76: {  	_ =	shalt  }
0x77: {  	_ =	shalt  }
0x78: {  	_ =	shalt  }
0x79: {  	_ =	shalt  }
0x7a: {  	_ =	shalt  }
0x7b: {  	_ =	shalt  }
0x7c: {  	_ =	shalt  }
0x7d: {  	_ =	shalt  }
0x7e: {  	_ =	shalt  }
0x7f: {  	_ =	shalt  }
0x80: {  	_ =	shalt  }
0x81: {  	_ =	shalt  }
0x82: {  	_ =	shalt  }
0x83: {  	_ =	shalt  }
0x84: {  	_ =	shalt  }
0x85: {  	_ =	shalt  }
0x86: {  	_ =	shalt  }
0x87: {  	_ =	shalt  }
.Lfunc_end0:
.L_simem_size_0:
called_computation.1_lowered:
.L_overlay_start_0:
0x88: {  	s2 =	sld [smem:$0x3FD9]  }
0x89: {  	s3 =	sld [smem:$0x3FFE];
	_ =	sdelay $0x1  }
0x8a: {  	s1 =	srdreg.scid  }
0x8b: {  	s0 =	sand.u32 $0x1, s1  }
0x8c: {  	s16 =	sshll.u32 s0, $0xA;
	s2 =	sadd.s32 s3, s2  }
0x8d: {  	s2 =	sadd.s32 s2, s16  }
0x8e: {  	[smem:$0x3FB5] =	sst s2  }
0x8f: {  	_ = 	snop  }
0x90: {  	(tm) =	ssettm $0x1  }
0x91: {  	s17 =	sld [smem:$0x3FFB];
	_ =	sdelay $0x3  }
0x92: {  	_ =	strace s17  }
0x93: {  	s2 =	sld [smem:$0x3FFC];
	_ =	sdelay $0x3  }
0x94: {  	_ =	strace s2  }
0x95: {  	s2 =	sld [smem:$0x3FFD];
	_ =	sdelay $0x3  }
0x96: {  	_ =	strace s2  }
0x97: {  	_ =	strace $0x8FFFFFFF  }
0x98: {  	s18 =	sld [smem:$0x3FDB];
	_ =	sdelay $0x1  }
0x99: {  	s19 =	simm.s32 $_scs_section_size  }
0x9a: {  	s4 =	simm.s32 $_size__tile_overlayer_lowered;
	s5 =	simm.s32 $_tile_overlayer_lowered  }
0x9b: {  	s22 =	simm.s32 $0x1BFF;
	s21 =	sshll.u32 s5, $0x1;
	s2 =	sadd.s32 s19, s18  }
0x9c: {  	s6 =	simm.s32 $0x0;
	s20 =	sshll.u32 s4, $0x1;
	s4 =	sadd.s32 s21, s2  }
0x9d: {  	[timem:s6], [sflag:s22] =	dma.local [hbm:s4], s20  }
0x9e: {  	_ =	swait.ge [sflag:s22], s20  }
0x9f: {  	s3 =	ssub.s32 $0x0, s20;
	[sflag:s22] =	ssyncset.done $0x0  }
0xa0: {  	[sflag:s22] =	ssyncadd.s32 s3;
	_ =	sdelay $0x1  }
0xa1: {  	s23 =	simm.s32 $0x1B8B  }
0xa2: {  	_ =	swait.ge [sflag:s23], $0x1  }
0xa3: {  	[sflag:s23] =	ssyncset.done $0x0  }
0xa4: {  	s25 =	simm.s32 $0x1B8E;
	s24 =	sld [smem:$0x3FFE];
	[sflag:s23] =	ssyncadd.s32 $0xFFFFFFFF  }
0xa5: {  	s26 =	simm.s32 $execute0_lowered;
	[smem:$0x3FD2] =	sst s25  }
0xa6: {  	s4 =	sshll.u32 s26, $0x1;
	_ =	strace $0x80000049;
	[dreg:$0x1] =	wrdreg $0xFFFFFFFF  }
0xa7: {  	s28 =	simm.s32 $_size_execute0_lowered;
	s2 =	sadd.s32 s2, s4;
	[dreg:$0x0] =	wrdreg $0x0  }
0xa8: {  	s4 =	sshll.u32 s28, $0x1;
	[dreg:$0x2] =	wrdreg s2  }
0xa9: {  	[dreg:$0x3] =	wrdreg s4  }
0xaa: {  	[dreg:$0x4] =	wrdreg $0xC0  }
0xab: {  	_ =	task [dreg:s6], $0x5FFFF  }
0xac: {  	[dreg:$0x1] =	wrdreg $0xFFFFFFFF  }
0xad: {  	[dreg:$0x0] =	wrdreg $0x60  }
0xae: {  	[dreg:$0x2] =	wrdreg s24  }
0xaf: {  	[dreg:$0x3] =	wrdreg $0xA0000  }
0xb0: {  	[dreg:$0x4] =	wrdreg $0x0  }
0xb1: {  	[dreg:$0x5] =	wrdreg $0x9  }
0xb2: {  	_ =	task.clear_ibuf [dreg:s6], $0x6FFFF;
	_ =	strace $0x90000049  }
0xb3: {  	s29 =	simm.s32 $0x9;
	_ =	strace $0x8000004B  }
0xb4: {  	_ =	swait.ge [sflag:s29], $0x1  }
0xb5: {  	[sflag:s29] =	ssyncadd.s32 $0xFFFFFFFF  }
0xb6: {  	_ =	strace $0x9000004B  }
0xb7: {  	_ =	sfence  }
0xb8: {  	s30 =	sld [smem:$0x0];
	_ =	sdelay $0x2  }
0xb9: {  	s31 =	sshll.u32 s1, $0xD;
	s1 =	sshrl.u32 s1, $0x2  }
0xba: {  	s3 =	sand.u32 $0x4000, s31;
	s1 =	sadd.s32 s1, s30  }
0xbb: {  	s0 =	sor.u32 s3, s0;
	s1 =	sshll.u32 s1, $0x11  }
0xbc: {  	s0 =	sor.u32 s1, s0  }
0xbd: {  	s0 =	sadd.s32 $0x8F2B, s0  }
0xbe: {  	[sflag:s0] =	ssyncadd.remote.s32 $0x1  }
0xbf: {  	_ =	sfence.sel $0xFFFF  }
0xc0: {  	[dreg:$0x0] =	wrdreg $0xFFFFFFFF;
	(pc) =	sbr.abs _section_cstart, $3  }
0xc1: {  	[dreg:$0x1] =	wrdreg $0xFFFFFFFF  }
0xc2: {  	_ =	task.clear_ibuf [dreg:s6], $0x2FFFF;
	_ =	strace $0x9FFFFFFF  }
0xc3: {  	(tm) =	ssettm $0x7FFFFFFF  }
tec
execute0_lowered:
.L_overlay_start_1:
0x0: {  	(tag) =	ssettag $0x1  }
0x1: {  	s1 =	rddreg [dreg:$0x0]  }
0x2: {  	s0 =	srdreg.scid;
	s2 =	rddreg [dreg:$0x1]  }
0x3: {  	s9 =	stileid.u32;
	s3 =	rddreg [dreg:$0x2]  }
0x4: {  	s29 =	simm.s32 $0x1C6C0;
	s30 =	simm.s32 $0x2;
	s28 =	simm.s32 $0x3  }
0x5: {  	s31 =	simm.s32 $0x5;
	s0 =	sand.u32 $0x1, s0;
	s6 =	smul.u32 $0xA000, s9  }
0x6: {  	s4 =	sshll.u32 s0, $0x4;
	s7 =	smul.u32 $0xA0000, s0;
	s0 =	ssub.s32 $0x2, s0  }
0x7: {  	s5 =	sor.u32 s9, s4;
	s4 =	simm.s32 $0x0;
	s9 =	smul.u32 $0x28000, s9  }
0x8: {  	s8 =	sshrl.u32 s6, $0x3;
	s20 =	sshrl.u32 s0, $0x1;
	s5 =	smul.u32 $0x4EC, s5  }
0x9: {  	[smem:$0x7FF] =	sst s4;
	s8 =	sadd.s32 s8, s1;
	s18 =	sadd.s32 s6, s7  }
0xa: {  	s0 =	ssub.s32 s0, s20;
	_ =	strace $0x8000004A;
	s19 =	sshrl.u32 s9, $0x2  }
0xb: {  	s13 =	sadd.s32 $0x21400, s8;
	s17 =	smax.u32 s0, $0x1;
	s0 =	simm.s32 $0x1E2C0  }
0xc: {  	s8 =	simm.s32 $0x8;
	s10 =	sadd.s32 s5, s1;
	s7 =	sadd.s32 s19, s2  }
0xd: {  	s5 =	sshrl.u32 s18, $0x3;
	s18 =	simm.s32 $0x18EC0;
	s21 =	sadd.s32 $0x1400, s7  }
0xe: {  	s19 =	simm.s32 $0x9;
	s22 =	sadd.s32 $0x2800, s7;
	[dreg:$0x4] =	wrdreg s21  }
0xf: {  	s1 =	sadd.s32 s5, s1;
	s23 =	sadd.s32 $0x3C00, s7;
	[dreg:$0x5] =	wrdreg s22  }
0x10: {  	s5 =	sadd.s32 s6, s2;
	s24 =	sadd.s32 $0x5000, s7;
	[dreg:$0x6] =	wrdreg s23  }
0x11: {  	s25 =	sadd.s32 $0x6400, s7;
	s26 =	sadd.s32 $0x7800, s7;
	[dreg:$0x7] =	wrdreg s24  }
0x12: {  	s7 =	sadd.s32 $0x8C00, s7;
	s6 =	sadd.s32 s6, s3;
	[dreg:$0x8] =	wrdreg s25  }
0x13: {  	s14 =	sadd.s32 $0x17600, s10;
	s15 =	sadd.s32 $0x3800, s10;
	[dreg:$0x9] =	wrdreg s26  }
0x14: {  	[dreg:$0xa] =	wrdreg s7;
	s16 =	sadd.s32 $0x35400, s1;
	s20 =	sshrl.u32 s6, $0x3  }
0x15: {  	s21 =	simm.s32 $0x14000;
	s22 =	simm.s32 $0x16760;
	s23 =	simm.s32 $0x70  }
0x16: {  	s24 =	simm.s32 $0x14070;
	s25 =	simm.s32 $0x1AAC0;
	s26 =	simm.s32 $0x1  }
0x17: {  	v0 =	vimm.f32 $0.0e+00;
	s1 =	simm.s32 $0x4;
	s6 =	simm.s32 $0x6;
	s7 =	simm.s32 $0x7  }
.LBB2_1:
0x18: {  	s9 =	simm.s32 $0x18F40  }
0x19: {  	[tilespmem:s9+$0xFFFFFF80] =	vst v0  }
0x1a: {  	[tilespmem:s9+$0x70] =	vst v0  }
0x1b: {  	[tilespmem:s9+$0x60] =	vst v0  }
0x1c: {  	[tilespmem:s9+$0x50] =	vst v0  }
0x1d: {  	[tilespmem:s9+$0x40] =	vst v0  }
0x1e: {  	[tilespmem:s9+$0x30] =	vst v0  }
0x1f: {  	[tilespmem:s9+$0x20] =	vst v0  }
0x20: {  	[tilespmem:s9+$0x10] =	vst v0  }
0x21: {  	[tilespmem:s9+$0x0] =	vst v0  }
0x22: {  	[tilespmem:s9+$0xFFFFFFF0] =	vst v0  }
0x23: {  	[tilespmem:s9+$0xFFFFFFE0] =	vst v0  }
0x24: {  	[tilespmem:s9+$0xFFFFFFD0] =	vst v0  }
0x25: {  	[tilespmem:s9+$0xFFFFFFC0] =	vst v0  }
0x26: {  	[tilespmem:s9+$0xFFFFFFB0] =	vst v0  }
0x27: {  	s10 =	simm.s32 $0x0;
	[tilespmem:s9+$0xFFFFFFA0] =	vst v0  }
.LBB2_2:
0x28: {  	s10 =	sadd.s32 $0x4, s10;
	[tilespmem:s9+$0xFFFFFF90] =	vst v0;
	s9 =	sadd.s32 $0x100, s9  }
0x29: {  	[tilespmem:s9+$0xFFFFFF80] =	vst v0;
	p0 =	slt.u32 s10, $0x6C  }
0x2a: {  	[tilespmem:s9+$0x70] =	vst v0  }
0x2b: {  	[tilespmem:s9+$0x60] =	vst v0  }
0x2c: {  	[tilespmem:s9+$0x50] =	vst v0  }
0x2d: {  	[tilespmem:s9+$0x40] =	vst v0  }
0x2e: {  	[tilespmem:s9+$0x30] =	vst v0  }
0x2f: {  	[tilespmem:s9+$0x20] =	vst v0  }
0x30: {  	[tilespmem:s9+$0x10] =	vst v0  }
0x31: {  	[tilespmem:s9+$0x0] =	vst v0  }
0x32: {  	[tilespmem:s9+$0xFFFFFFF0] =	vst v0  }
.Ltmp0:
0x33: {  	[tilespmem:s9+$0xFFFFFFE0] =	vst v0;
	(pc) =	sbr.rel @p0 .LBB2_2-.Ltmp0, $4  }
0x34: {  	[tilespmem:s9+$0xFFFFFFD0] =	vst v0  }
0x35: {  	[tilespmem:s9+$0xFFFFFFC0] =	vst v0  }
0x36: {  	[tilespmem:s9+$0xFFFFFFB0] =	vst v0  }
0x37: {  	[tilespmem:s9+$0xFFFFFFA0] =	vst v0  }
0x38: {  	[tilespmem:s9+$0xFFFFFF90] =	vst v0  }
0x39: {  	[spmem:s5] =	stream.linear.scatter [tilespmem:s18], [sflag:$0x9], $0x1400, $0x38;
	[tilespmem:$0x1FEC0] =	vst v63  }
0x3a: {  	_ =	swait.ge [sflag:s19], $0x1400  }
0x3b: {  	[sflag:s19] =	ssyncset.done $0x0  }
0x3c: {  	s12 =	rddreg [dreg:$0x4];
	[sflag:s19] =	ssyncadd.s32 $0xFFFFEC00  }
0x3d: {  	[spmem:s12] =	stream.linear.scatter [tilespmem:s18], [sflag:$0x9], $0x1400, $0x38;
	[tilespmem:$0x1FEC0] =	vst v63  }
0x3e: {  	_ =	swait.ge [sflag:s19], $0x1400  }
0x3f: {  	[sflag:s19] =	ssyncset.done $0x0  }
0x40: {  	s10 =	rddreg [dreg:$0x5];
	[sflag:s19] =	ssyncadd.s32 $0xFFFFEC00  }
0x41: {  	[spmem:s10] =	stream.linear.scatter [tilespmem:s18], [sflag:$0x9], $0x1400, $0x38;
	[tilespmem:$0x1FEC0] =	vst v63  }
0x42: {  	_ =	swait.ge [sflag:s19], $0x1400  }
0x43: {  	[sflag:s19] =	ssyncset.done $0x0  }
0x44: {  	s11 =	rddreg [dreg:$0x6];
	[sflag:s19] =	ssyncadd.s32 $0xFFFFEC00  }
0x45: {  	[spmem:s11] =	stream.linear.scatter [tilespmem:s18], [sflag:$0x9], $0x1400, $0x38;
	[tilespmem:$0x1FEC0] =	vst v63  }
0x46: {  	_ =	swait.ge [sflag:s19], $0x1400  }
0x47: {  	[sflag:s19] =	ssyncset.done $0x0  }
0x48: {  	s12 =	rddreg [dreg:$0x7];
	[sflag:s19] =	ssyncadd.s32 $0xFFFFEC00  }
0x49: {  	[spmem:s12] =	stream.linear.scatter [tilespmem:s18], [sflag:$0x9], $0x1400, $0x38;
	[tilespmem:$0x1FEC0] =	vst v63  }
0x4a: {  	_ =	swait.ge [sflag:s19], $0x1400  }
0x4b: {  	[sflag:s19] =	ssyncset.done $0x0  }
0x4c: {  	s10 =	rddreg [dreg:$0x8];
	[sflag:s19] =	ssyncadd.s32 $0xFFFFEC00  }
0x4d: {  	[spmem:s10] =	stream.linear.scatter [tilespmem:s18], [sflag:$0x9], $0x1400, $0x38;
	[tilespmem:$0x1FEC0] =	vst v63  }
0x4e: {  	_ =	swait.ge [sflag:s19], $0x1400  }
0x4f: {  	[sflag:s19] =	ssyncset.done $0x0  }
0x50: {  	s11 =	rddreg [dreg:$0x9];
	[sflag:s19] =	ssyncadd.s32 $0xFFFFEC00  }
0x51: {  	[spmem:s11] =	stream.linear.scatter [tilespmem:s18], [sflag:$0x9], $0x1400, $0x38;
	[tilespmem:$0x1FEC0] =	vst v63  }
0x52: {  	_ =	swait.ge [sflag:s19], $0x1400  }
0x53: {  	[sflag:s19] =	ssyncset.done $0x0  }
0x54: {  	s12 =	rddreg [dreg:$0xa];
	[sflag:s19] =	ssyncadd.s32 $0xFFFFEC00  }
0x55: {  	[spmem:s12] =	stream.linear.scatter [tilespmem:s18], [sflag:$0x9], $0x1400, $0x38;
	[tilespmem:$0x1FEC0] =	vst v63  }
0x56: {  	s10 =	stileid.u32;
	_ =	swait.ge [sflag:s19], $0x1400  }
0x57: {  	s9 =	sshll.u32 s10, $0x6;
	[sflag:s19] =	ssyncset.done $0x0  }
0x58: {  	s9 =	sor.u32 $0x1C09, s9;
	[sflag:s19] =	ssyncadd.s32 $0xFFFFEC00  }
0x59: {  	[spmem:s20], [sflag:s9] =	dma.local [hbm:s13], $0x1400  }
0x5a: {  	_ =	swait.ge [sflag:s19], $0x1400  }
0x5b: {  	[sflag:s19] =	ssyncset.done $0x0  }
0x5c: {  	s10 =	simm.s32 $0x0;
	[sflag:s19] =	ssyncadd.s32 $0xFFFFEC00  }
0x5d: {  	[tilespmem:s21], [sflag:$0x9] =	stream.linear.gather [hbm4b:s14+s10], $0x2760, $0x38;
	[tilespmem:$0x1FEC0] =	vst v63  }
0x5e: {  	_ =	swait.ge [sflag:s19], $0x2760  }
0x5f: {  	[sflag:s19] =	ssyncset.done $0x0  }
0x60: {  	[sflag:s19] =	ssyncadd.s32 $0xFFFFD8A0  }
0x61: {  	[tilespmem:s22], [sflag:$0x9] =	stream.linear.gather [hbm4b:s15+s10], $0x2760, $0x38;
	[tilespmem:$0x1FEC0] =	vst v63  }
0x62: {  	_ =	swait.ge [sflag:s19], $0x2760  }
0x63: {  	[sflag:s19] =	ssyncset.done $0x0  }
0x64: {  	[sflag:s19] =	ssyncadd.s32 $0xFFFFD8A0  }
0x65: {  	[bflag:$0x0] =	sbarrier.arrive $0xFFFF  }
0x66: {  	[tilespmem:s18], [sflag:$0x1] =	stream.indirect.gather [spmem:s3], $0x40, s21, s23, $0xb8;
	[tilespmem:$0x1FEC0] =	vst v63  }
0x67: {  	_ = 	snop  }
0x68: {  	[tilespmem:s25], [sflag:$0x2] =	stream.indirect.gather [spmem:s3], $0x40, s24, s23, $0xb8;
	[tilespmem:$0x1FEC0] =	vst v63  }
0x69: {  	_ =	swait.ge [sflag:s26], $0x1C00  }
0x6a: {  	[sflag:s26] =	ssyncset.done $0x0  }
0x6b: {  	[sflag:s26] =	ssyncadd.s32 $0xFFFFE400  }
0x6c: {  	[spmem:s2] =	stream.indirect.scatter.add.f32 [tilespmem:s18], [sflag:$0x5], $0x40, s22, s23, $0xb8;
	[tilespmem:$0x1FEC0] =	vst v63  }
0x6d: {  	s11 =	simm.s32 $0x140E0  }
0x6e: {  	[tilespmem:s29], [sflag:$0x3] =	stream.indirect.gather [spmem:s3], $0x40, s11, s23, $0xb8;
	[tilespmem:$0x1FEC0] =	vst v63  }
0x6f: {  	_ =	swait.ge [sflag:s30], $0x1C00  }
0x70: {  	[sflag:s30] =	ssyncset.done $0x0  }
0x71: {  	s12 =	simm.s32 $0x167D0;
	[sflag:s30] =	ssyncadd.s32 $0xFFFFE400  }
0x72: {  	[spmem:s2] =	stream.indirect.scatter.add.f32 [tilespmem:s25], [sflag:$0x6], $0x40, s12, s23, $0xb8;
	[tilespmem:$0x1FEC0] =	vst v63  }
0x73: {  	s11 =	simm.s32 $0x14150  }
0x74: {  	[tilespmem:s0], [sflag:$0x4] =	stream.indirect.gather [spmem:s3], $0x40, s11, s23, $0xb8;
	[tilespmem:$0x1FEC0] =	vst v63  }
0x75: {  	_ =	swait.ge [sflag:s28], $0x1C00  }
0x76: {  	[sflag:s28] =	ssyncset.done $0x0  }
0x77: {  	s12 =	simm.s32 $0x16840;
	[sflag:s28] =	ssyncadd.s32 $0xFFFFE400  }
0x78: {  	[spmem:s2] =	stream.indirect.scatter.add.f32 [tilespmem:s29], [sflag:$0x7], $0x40, s12, s23, $0xb8;
	[tilespmem:$0x1FEC0] =	vst v63  }
0x79: {  	_ =	swait.ge [sflag:s31], $0x1C00  }
0x7a: {  	[sflag:s31] =	ssyncset.done $0x0  }
0x7b: {  	s11 =	simm.s32 $0x141C0;
	[sflag:s31] =	ssyncadd.s32 $0xFFFFE400  }
0x7c: {  	[tilespmem:s18], [sflag:$0x1] =	stream.indirect.gather [spmem:s3], $0x40, s11, s23, $0xb8;
	[tilespmem:$0x1FEC0] =	vst v63  }
0x7d: {  	_ =	swait.ge [sflag:s1], $0x1C00  }
0x7e: {  	[sflag:s1] =	ssyncset.done $0x0  }
0x7f: {  	s12 =	simm.s32 $0x168B0;
	[sflag:s1] =	ssyncadd.s32 $0xFFFFE400  }
0x80: {  	[spmem:s2] =	stream.indirect.scatter.add.f32 [tilespmem:s0], [sflag:$0x8], $0x40, s12, s23, $0xb8;
	[tilespmem:$0x1FEC0] =	vst v63  }
0x81: {  	_ =	swait.ge [sflag:s6], $0x1C00  }
0x82: {  	[sflag:s6] =	ssyncset.done $0x0  }
0x83: {  	s11 =	simm.s32 $0x14230;
	[sflag:s6] =	ssyncadd.s32 $0xFFFFE400  }
0x84: {  	[tilespmem:s25], [sflag:$0x2] =	stream.indirect.gather [spmem:s3], $0x40, s11, s23, $0xb8;
	[tilespmem:$0x1FEC0] =	vst v63  }
0x85: {  	_ =	swait.ge [sflag:s26], $0x1C00  }
0x86: {  	[sflag:s26] =	ssyncset.done $0x0  }
0x87: {  	s12 =	simm.s32 $0x16920;
	[sflag:s26] =	ssyncadd.s32 $0xFFFFE400  }
0x88: {  	[spmem:s2] =	stream.indirect.scatter.add.f32 [tilespmem:s18], [sflag:$0x5], $0x40, s12, s23, $0xb8;
	[tilespmem:$0x1FEC0] =	vst v63  }
0x89: {  	_ =	swait.ge [sflag:s7], $0x1C00  }
0x8a: {  	[sflag:s7] =	ssyncset.done $0x0  }
0x8b: {  	s11 =	simm.s32 $0x142A0;
	[sflag:s7] =	ssyncadd.s32 $0xFFFFE400  }
0x8c: {  	[tilespmem:s29], [sflag:$0x3] =	stream.indirect.gather [spmem:s3], $0x40, s11, s23, $0xb8;
	[tilespmem:$0x1FEC0] =	vst v63  }
0x8d: {  	_ =	swait.ge [sflag:s30], $0x1C00  }
0x8e: {  	[sflag:s30] =	ssyncset.done $0x0  }
0x8f: {  	s12 =	simm.s32 $0x16990;
	[sflag:s30] =	ssyncadd.s32 $0xFFFFE400  }
0x90: {  	[spmem:s2] =	stream.indirect.scatter.add.f32 [tilespmem:s25], [sflag:$0x6], $0x40, s12, s23, $0xb8;
	[tilespmem:$0x1FEC0] =	vst v63  }
0x91: {  	_ =	swait.ge [sflag:s8], $0x1C00  }
0x92: {  	[sflag:s8] =	ssyncset.done $0x0  }
0x93: {  	s10 =	simm.s32 $0x700;
	s11 =	simm.s32 $0x14310;
	[sflag:s8] =	ssyncadd.s32 $0xFFFFE400  }
.LBB2_4:
0x94: {  	[tilespmem:s0], [sflag:$0x4] =	stream.indirect.gather [spmem:s3], $0x40, s11, s23, $0xb8;
	[tilespmem:$0x1FEC0] =	vst v63  }
0x95: {  	s11 =	smov.u32 s10  }
0x96: {  	p0 =	sne.s32 s10, $0x8C00;
	s10 =	sadd.s32 $0x700, s10;
	_ =	swait.ge [sflag:s28], $0x1C00  }
0x97: {  	s11 =	sshra.s32 s11, $0x2;
	[sflag:s28] =	ssyncset.done $0x0  }
0x98: {  	s12 =	sadd.s32 $0x16840, s11;
	[sflag:s28] =	ssyncadd.s32 $0xFFFFE400  }
0x99: {  	[spmem:s2] =	stream.indirect.scatter.add.f32 [tilespmem:s29], [sflag:$0x7], $0x40, s12, s23, $0xb8;
	[tilespmem:$0x1FEC0] =	vst v63  }
0x9a: {  	_ =	swait.ge [sflag:s31], $0x1C00  }
0x9b: {  	[sflag:s31] =	ssyncset.done $0x0  }
0x9c: {  	s12 =	sadd.s32 $0x141C0, s11;
	[sflag:s31] =	ssyncadd.s32 $0xFFFFE400  }
0x9d: {  	[tilespmem:s18], [sflag:$0x1] =	stream.indirect.gather [spmem:s3], $0x40, s12, s23, $0xb8;
	[tilespmem:$0x1FEC0] =	vst v63  }
0x9e: {  	_ =	swait.ge [sflag:s1], $0x1C00  }
0x9f: {  	[sflag:s1] =	ssyncset.done $0x0  }
0xa0: {  	s12 =	sadd.s32 $0x168B0, s11;
	[sflag:s1] =	ssyncadd.s32 $0xFFFFE400  }
0xa1: {  	[spmem:s2] =	stream.indirect.scatter.add.f32 [tilespmem:s0], [sflag:$0x8], $0x40, s12, s23, $0xb8;
	[tilespmem:$0x1FEC0] =	vst v63  }
0xa2: {  	_ =	swait.ge [sflag:s6], $0x1C00  }
0xa3: {  	[sflag:s6] =	ssyncset.done $0x0  }
0xa4: {  	s12 =	sadd.s32 $0x14230, s11;
	[sflag:s6] =	ssyncadd.s32 $0xFFFFE400  }
0xa5: {  	[tilespmem:s25], [sflag:$0x2] =	stream.indirect.gather [spmem:s3], $0x40, s12, s23, $0xb8;
	[tilespmem:$0x1FEC0] =	vst v63  }
0xa6: {  	_ =	swait.ge [sflag:s26], $0x1C00  }
0xa7: {  	[sflag:s26] =	ssyncset.done $0x0  }
0xa8: {  	s12 =	sadd.s32 $0x16920, s11;
	[sflag:s26] =	ssyncadd.s32 $0xFFFFE400  }
0xa9: {  	[spmem:s2] =	stream.indirect.scatter.add.f32 [tilespmem:s18], [sflag:$0x5], $0x40, s12, s23, $0xb8;
	[tilespmem:$0x1FEC0] =	vst v63  }
0xaa: {  	_ =	swait.ge [sflag:s7], $0x1C00  }
0xab: {  	[sflag:s7] =	ssyncset.done $0x0  }
0xac: {  	s12 =	sadd.s32 $0x142A0, s11;
	[sflag:s7] =	ssyncadd.s32 $0xFFFFE400  }
0xad: {  	[tilespmem:s29], [sflag:$0x3] =	stream.indirect.gather [spmem:s3], $0x40, s12, s23, $0xb8;
	[tilespmem:$0x1FEC0] =	vst v63  }
0xae: {  	_ =	swait.ge [sflag:s30], $0x1C00  }
0xaf: {  	[sflag:s30] =	ssyncset.done $0x0  }
.Ltmp1:
0xb0: {  	s12 =	sadd.s32 $0x16990, s11;
	[sflag:s30] =	ssyncadd.s32 $0xFFFFE400;
	(pc) =	sbr.rel @p0 .LBB2_4-.Ltmp1, $4  }
0xb1: {  	[spmem:s2] =	stream.indirect.scatter.add.f32 [tilespmem:s25], [sflag:$0x6], $0x40, s12, s23, $0xb8;
	[tilespmem:$0x1FEC0] =	vst v63  }
0xb2: {  	_ =	swait.ge [sflag:s8], $0x1C00  }
0xb3: {  	[sflag:s8] =	ssyncset.done $0x0  }
0xb4: {  	s11 =	sadd.s32 $0x14310, s11;
	[sflag:s8] =	ssyncadd.s32 $0xFFFFE400  }
0xb5: {  	[tilespmem:s0], [sflag:$0x4] =	stream.indirect.gather [spmem:s3], $0x40, s11, s23, $0xb8;
	[tilespmem:$0x1FEC0] =	vst v63  }
0xb6: {  	_ =	swait.ge [sflag:s28], $0x1C00  }
0xb7: {  	[sflag:s28] =	ssyncset.done $0x0  }
0xb8: {  	s10 =	simm.s32 $0x18D00;
	[sflag:s28] =	ssyncadd.s32 $0xFFFFE400  }
0xb9: {  	[spmem:s2] =	stream.indirect.scatter.add.f32 [tilespmem:s29], [sflag:$0x7], $0x40, s10, s23, $0xb8;
	[tilespmem:$0x1FEC0] =	vst v63  }
0xba: {  	_ =	swait.ge [sflag:s31], $0x1C00  }
0xbb: {  	[sflag:s31] =	ssyncset.done $0x0  }
0xbc: {  	s11 =	simm.s32 $0x16680;
	[sflag:s31] =	ssyncadd.s32 $0xFFFFE400  }
0xbd: {  	[tilespmem:s18], [sflag:$0x1] =	stream.indirect.gather [spmem:s3], $0x40, s11, s23, $0xb8;
	[tilespmem:$0x1FEC0] =	vst v63  }
0xbe: {  	_ =	swait.ge [sflag:s1], $0x1C00  }
0xbf: {  	[sflag:s1] =	ssyncset.done $0x0  }
0xc0: {  	s12 =	simm.s32 $0x18D70;
	[sflag:s1] =	ssyncadd.s32 $0xFFFFE400  }
0xc1: {  	[spmem:s2] =	stream.indirect.scatter.add.f32 [tilespmem:s0], [sflag:$0x8], $0x40, s12, s23, $0xb8;
	[tilespmem:$0x1FEC0] =	vst v63  }
0xc2: {  	_ =	swait.ge [sflag:s6], $0x1C00  }
0xc3: {  	[sflag:s6] =	ssyncset.done $0x0  }
0xc4: {  	s11 =	simm.s32 $0x166F0;
	[sflag:s6] =	ssyncadd.s32 $0xFFFFE400  }
0xc5: {  	[tilespmem:s25], [sflag:$0x2] =	stream.indirect.gather [spmem:s3], $0x40, s11, s23, $0xb8;
	[tilespmem:$0x1FEC0] =	vst v63  }
0xc6: {  	_ =	swait.ge [sflag:s26], $0x1C00  }
0xc7: {  	[sflag:s26] =	ssyncset.done $0x0  }
0xc8: {  	s12 =	simm.s32 $0x18DE0;
	[sflag:s26] =	ssyncadd.s32 $0xFFFFE400  }
0xc9: {  	[spmem:s2] =	stream.indirect.scatter.add.f32 [tilespmem:s18], [sflag:$0x5], $0x40, s12, s23, $0xb8;
	[tilespmem:$0x1FEC0] =	vst v63  }
0xca: {  	_ =	swait.ge [sflag:s7], $0x1C00  }
0xcb: {  	[sflag:s7] =	ssyncset.done $0x0  }
0xcc: {  	[sflag:s7] =	ssyncadd.s32 $0xFFFFE400  }
0xcd: {  	[tilespmem:s29], [sflag:$0x3] =	stream.indirect.gather [spmem:s3], $0x40, s21, s23, $0xb8;
	[tilespmem:$0x1FEC0] =	vst v63  }
0xce: {  	_ =	swait.ge [sflag:s30], $0x1C00  }
0xcf: {  	[sflag:s30] =	ssyncset.done $0x0  }
0xd0: {  	s11 =	simm.s32 $0x18E50;
	[sflag:s30] =	ssyncadd.s32 $0xFFFFE400  }
0xd1: {  	[spmem:s2] =	stream.indirect.scatter.add.f32 [tilespmem:s25], [sflag:$0x6], $0x40, s11, s23, $0xb8;
	[tilespmem:$0x1FEC0] =	vst v63  }
0xd2: {  	_ =	swait.ge [sflag:s8], $0x1C00  }
0xd3: {  	[sflag:s8] =	ssyncset.done $0x0  }
0xd4: {  	[sflag:s8] =	ssyncadd.s32 $0xFFFFE400  }
0xd5: {  	[tilespmem:s0], [sflag:$0x4] =	stream.indirect.gather [spmem:s3], $0x40, s24, s23, $0xb8;
	[tilespmem:$0x1FEC0] =	vst v63  }
0xd6: {  	_ =	swait.ge [sflag:s31], $0x1C00  }
0xd7: {  	[sflag:s31] =	ssyncset.done $0x0  }
0xd8: {  	[sflag:s31] =	ssyncadd.s32 $0xFFFFE400  }
0xd9: {  	_ =	swait.ge [sflag:s6], $0x1C00  }
0xda: {  	[sflag:s6] =	ssyncset.done $0x0  }
0xdb: {  	[sflag:s6] =	ssyncadd.s32 $0xFFFFE400  }
0xdc: {  	_ =	swait.ge [sflag:s28], $0x1C00  }
0xdd: {  	[sflag:s28] =	ssyncset.done $0x0  }
0xde: {  	[sflag:s28] =	ssyncadd.s32 $0xFFFFE400  }
0xdf: {  	_ =	swait.ge [sflag:s1], $0x1C00  }
0xe0: {  	s4 =	sadd.s32 $0x1, s4;
	[sflag:s1] =	ssyncset.done $0x0  }
0xe1: {  	p0 =	sne.s32 s4, s17;
	[sflag:s1] =	ssyncadd.s32 $0xFFFFE400  }
.Ltmp2:
0xe2: {  	s12 =	sshrl.u32 s5, $0x3;
	[bflag:$0x0] =	sbarrier.arrive $0xFFFF;
	(pc) =	sbr.rel @p0 .LBB2_1-.Ltmp2, $4  }
0xe3: {  	[hbm:s16], [sflag:s9] =	dma.local [spmem:s12], $0x1400  }
0xe4: {  	_ =	swait.ge [sflag:s19], $0x1400  }
0xe5: {  	[sflag:s19] =	ssyncset.done $0x0  }
0xe6: {  	[sflag:s19] =	ssyncadd.s32 $0xFFFFEC00  }
0xe7: {  	_ =	sfence.sel $0x180000  }
0xe8: {  	[bflag:$0x0] =	sbarrier.arrive $0xFFFF  }
0xe9: {  	_ =	strace $0x9000004A  }
0xea: {  	s0 =	stileid.u32;
	[bflag:$0x2] =	sbarrier.arrive $0xFFFF  }
0xeb: {  	p0 =	sne.s32 s0, $0x0;
	s0 =	rddreg [dreg:$0x3]  }
0xec: {  	s0 =	sadd.s32 @!p0 $0x100000, s0  }
0xed: {  	[sflag:s0] =	ssyncadd.tile.s32 @!p0 $0x1;
	_ =	shalt  }
.Lfunc_end2:
_tile_overlayer_lowered:
.L_overlay_start_2:
0xee: {  	(tag) =	ssettag $0x2  }
0xef: {  	s0 =	rddreg [dreg:$0x0];
	s2 =	stileid.u32  }
0xf0: {  	s1 =	rddreg [dreg:$0x1];
	p0 =	sne.s32 s2, $0x0  }
0xf1: {  	s3 =	rddreg [dreg:$0x2];
	[bflag:$0x3] =	sbarrier.arrive $0xFFFF;
	s2 =	simm.s32 @!p0 $0x1C09  }
0xf2: {  	[timem:s3], [sflag:s2] =	dma.local @!p0 [hbm:s0], s1  }
0xf3: {  	s0 =	simm.s32 @!p0 $0x9  }
0xf4: {  	_ =	swait.ge @!p0 [sflag:s0], s1  }
0xf5: {  	s1 =	ssub.s32 @!p0 $0x0, s1;
	[sflag:s0] =	ssyncset.done @!p0 $0x0  }
0xf6: {  	[sflag:s0] =	ssyncadd.s32 @!p0 s1  }
0xf7: {  	[bflag:$0x3] =	sbarrier.arrive $0xFFFF  }
0xf8: {  	_ =	shalt  }

// kernel: kernel.16.cloned.1.call-start
scs
__scs_entry_jumppad:
0x0: {  	(pc) =	sbr.rel $0x88, $3  }
0x1: {  	(tag) =	ssettag $0x0;
	lr =	simm.s32 $0x1  }
0x2: {  	[smem:$0x3F8E] =	sst lr;
	_ =	strace $0xD0000000  }
0x3: {  	_ = 	snop  }
0x4: {  	_ = 	snop  }
0x5: {  	_ = 	snop  }
0x6: {  	_ = 	snop  }
0x7: {  	_ = 	snop  }
__scs_overlays_trampoline_lowered:
0x8: {  	[smem:$0x3F9D] =	sst s0  }
0x9: {  	[smem:$0x3F9E] =	sst s1  }
0xa: {  	[smem:$0x3F9F] =	sst s2  }
0xb: {  	[smem:$0x3FA0] =	sst s3  }
0xc: {  	[smem:$0x3FA1] =	sst s4  }
0xd: {  	[smem:$0x3FA2] =	sst s5  }
0xe: {  	[smem:$0x3FA3] =	sst s6  }
0xf: {  	[smem:$0x3FA4] =	sst s7  }
0x10: {  	[smem:$0x3FA5] =	sst s8  }
0x11: {  	[smem:$0x3FA6] =	sst s9;
	s0 =	simm.s32 @!p0 $0x0  }
0x12: {  	s1 =	sld [smem:$0x3F8C];
	s0 =	simm.s32 @p0 $0x1  }
0x13: {  	[smem:$0x3FA7] =	sst s0;
	s0 =	simm.s32 @!p1 $0x0  }
0x14: {  	s2 =	sld [smem:$0x3F8B];
	s0 =	simm.s32 @p1 $0x1  }
0x15: {  	[smem:$0x3FA8] =	sst s0;
	s0 =	simm.s32 @!p2 $0x0  }
0x16: {  	s3 =	sld [smem:$0x3FDB];
	s0 =	simm.s32 @p2 $0x1  }
0x17: {  	s4 =	simm.s32 $0x1BF5;
	[smem:$0x3FAA] =	sst s0  }
0x18: {  	s0 =	sld [smem:$0x3F8D];
	_ =	swait.ge [sflag:s4], $0x0  }
0x19: {  	s7 =	sld [smem:$0x3F8E]  }
0x1a: {  	s8 =	sadd.s32 $0xFFFFE003, lr  }
0x1b: {  	s9 =	sadd.s32 $0xFFFFFEF7, lr;
	s5 =	simm.s32 $0xFFFFFFFF;
	p2 =	slt.u32 s8, $0xFFFFF086  }
0x1c: {  	p1 =	slt.u32 s9, $0xF7A;
	s5 =	simm.s32 @!p2 $0x0  }
0x1d: {  	s5 =	simm.s32 @p1 $0x1;
	p0 =	seq.s32 s7, s2  }
0x1e: {  	s7 =	smul.u32 @!p0 $0xF7A, s2;
	p2 =	seq.s32 @!p0 s5, $0x0  }
0x1f: {  	s9 =	smul.u32 $0xF7A, s1;
	s8 =	simm.s32 @!p0 $0x1BF5;
	p2 =	por !p2, p0  }
0x20: {  	[sflag:s8] =	ssyncset.s32 @!p0 $0xFFFFF086;
	s6 =	sadd.s32 @!p0 s3, s7;
	s7 =	simm.s32 @!p0 $0x108  }
0x21: {  	s3 =	sadd.s32 s3, s9;
	s6 =	sadd.s32 @!p0 $0x88, s6;
	s7 =	simm.s32 @p2 $0x1082  }
0x22: {  	[simem:s7], [sflag:s8] =	dma.local @!p0 [hbm:s6], $0xF7A  }
0x23: {  	s9 =	sor.u32 $0xD0000000, s2;
	s6 =	simm.s32 $0x108;
	_ =	swait.ge @!p0 [sflag:s8], $0x0  }
0x24: {  	s3 =	sadd.s32 $0x88, s3;
	s6 =	simm.s32 @!p1 $0x1082;
	[sflag:s4] =	ssyncset.s32 $0xFFFFF086  }
0x25: {  	[simem:s6], [sflag:s4] =	dma.local [hbm:s3], $0xF7A  }
0x26: {  	[smem:$0x3F8E] =	sst s1;
	(tag) =	ssettag s2;
	_ =	strace s9  }
0x27: {  	s1 =	sld [smem:$0x3F9E]  }
0x28: {  	s2 =	sld [smem:$0x3F9F]  }
0x29: {  	s4 =	sld [smem:$0x3FA1]  }
0x2a: {  	p0 =	seq.s32 s5, $0x0;
	s5 =	sld [smem:$0x3FA2]  }
0x2b: {  	s6 =	sld [smem:$0x3FA3]  }
0x2c: {  	s7 =	sld [smem:$0x3FA4]  }
0x2d: {  	s3 =	simm.s32 $0x108;
	s8 =	sld [smem:$0x3FA5]  }
0x2e: {  	s3 =	simm.s32 @!p0 $0x1082;
	s9 =	sld [smem:$0x3FA6]  }
0x2f: {  	lr =	sadd.s32 s0, s3;
	s0 =	sld [smem:$0x3F9D]  }
0x30: {  	s3 =	sld [smem:$0x3FA0]  }
0x31: {  	[smem:$0x3FA9] =	sst s10  }
0x32: {  	s10 =	sld [smem:$0x3FA7];
	_ =	sdelay $0x3  }
0x33: {  	p0 =	seq.s32 s10, $0x1;
	s10 =	sld [smem:$0x3FA9];
	_ =	sdelay $0x3  }
0x34: {  	[smem:$0x3FA9] =	sst s10  }
0x35: {  	s10 =	sld [smem:$0x3FA8];
	_ =	sdelay $0x3  }
0x36: {  	p1 =	seq.s32 s10, $0x1;
	s10 =	sld [smem:$0x3FA9];
	_ =	sdelay $0x3  }
0x37: {  	[smem:$0x3FA9] =	sst s10  }
0x38: {  	s10 =	sld [smem:$0x3FAA]  }
0x39: {  	_ = 	snop;
	(pc) =	sbr.ind lr, $3  }
0x3a: {  	_ = 	snop  }
0x3b: {  	_ = 	snop  }
0x3c: {  	p2 =	seq.s32 s10, $0x1;
	s10 =	sld [smem:$0x3FA9]  }
0x3d: {  	_ =	shalt  }
0x3e: {  	_ =	shalt  }
0x3f: {  	_ =	shalt  }
0x40: {  	_ =	shalt  }
0x41: {  	_ =	shalt  }
0x42: {  	_ =	shalt  }
0x43: {  	_ =	shalt  }
0x44: {  	_ =	shalt  }
0x45: {  	_ =	shalt  }
0x46: {  	_ =	shalt  }
0x47: {  	_ =	shalt  }
0x48: {  	_ =	shalt  }
0x49: {  	_ =	shalt  }
0x4a: {  	_ =	shalt  }
0x4b: {  	_ =	shalt  }
0x4c: {  	_ =	shalt  }
0x4d: {  	_ =	shalt  }
0x4e: {  	_ =	shalt  }
0x4f: {  	_ =	shalt  }
0x50: {  	_ =	shalt  }
0x51: {  	_ =	shalt  }
0x52: {  	_ =	shalt  }
0x53: {  	_ =	shalt  }
0x54: {  	_ =	shalt  }
0x55: {  	_ =	shalt  }
0x56: {  	_ =	shalt  }
0x57: {  	_ =	shalt  }
0x58: {  	_ =	shalt  }
0x59: {  	_ =	shalt  }
0x5a: {  	_ =	shalt  }
0x5b: {  	_ =	shalt  }
0x5c: {  	_ =	shalt  }
0x5d: {  	_ =	shalt  }
0x5e: {  	_ =	shalt  }
0x5f: {  	_ =	shalt  }
0x60: {  	_ =	shalt  }
0x61: {  	_ =	shalt  }
0x62: {  	_ =	shalt  }
0x63: {  	_ =	shalt  }
0x64: {  	_ =	shalt  }
0x65: {  	_ =	shalt  }
0x66: {  	_ =	shalt  }
0x67: {  	_ =	shalt  }
0x68: {  	_ =	shalt  }
0x69: {  	_ =	shalt  }
0x6a: {  	_ =	shalt  }
0x6b: {  	_ =	shalt  }
0x6c: {  	_ =	shalt  }
0x6d: {  	_ =	shalt  }
0x6e: {  	_ =	shalt  }
0x6f: {  	_ =	shalt  }
0x70: {  	_ =	shalt  }
0x71: {  	_ =	shalt  }
0x72: {  	_ =	shalt  }
0x73: {  	_ =	shalt  }
0x74: {  	_ =	shalt  }
0x75: {  	_ =	shalt  }
0x76: {  	_ =	shalt  }
0x77: {  	_ =	shalt  }
0x78: {  	_ =	shalt  }
0x79: {  	_ =	shalt  }
0x7a: {  	_ =	shalt  }
0x7b: {  	_ =	shalt  }
0x7c: {  	_ =	shalt  }
0x7d: {  	_ =	shalt  }
0x7e: {  	_ =	shalt  }
0x7f: {  	_ =	shalt  }
0x80: {  	_ =	shalt  }
0x81: {  	_ =	shalt  }
0x82: {  	_ =	shalt  }
0x83: {  	_ =	shalt  }
0x84: {  	_ =	shalt  }
0x85: {  	_ =	shalt  }
0x86: {  	_ =	shalt  }
0x87: {  	_ =	shalt  }
.Lfunc_end0:
.L_simem_size_0:
called_computation.2_lowered:
.L_overlay_start_0:
0x88: {  	s2 =	sld [smem:$0x3FD9]  }
0x89: {  	s3 =	sld [smem:$0x3FFE];
	_ =	sdelay $0x1  }
0x8a: {  	s1 =	srdreg.scid  }
0x8b: {  	s0 =	sand.u32 $0x1, s1  }
0x8c: {  	s16 =	sshll.u32 s0, $0xA;
	s2 =	sadd.s32 s3, s2  }
0x8d: {  	s2 =	sadd.s32 s2, s16  }
0x8e: {  	[smem:$0x3FB5] =	sst s2  }
0x8f: {  	_ = 	snop  }
0x90: {  	(tm) =	ssettm $0x1  }
0x91: {  	s17 =	sld [smem:$0x3FFB];
	_ =	sdelay $0x3  }
0x92: {  	_ =	strace s17  }
0x93: {  	s2 =	sld [smem:$0x3FFC];
	_ =	sdelay $0x3  }
0x94: {  	_ =	strace s2  }
0x95: {  	s2 =	sld [smem:$0x3FFD];
	_ =	sdelay $0x3  }
0x96: {  	_ =	strace s2  }
0x97: {  	_ =	strace $0x8FFFFFFF  }
0x98: {  	s18 =	sld [smem:$0x3FDB];
	_ =	sdelay $0x1  }
0x99: {  	s19 =	simm.s32 $_scs_section_size  }
0x9a: {  	s4 =	simm.s32 $_size__tile_overlayer_lowered;
	s5 =	simm.s32 $_tile_overlayer_lowered  }
0x9b: {  	s22 =	simm.s32 $0x1BFF;
	s21 =	sshll.u32 s5, $0x1;
	s2 =	sadd.s32 s19, s18  }
0x9c: {  	s6 =	simm.s32 $0x0;
	s20 =	sshll.u32 s4, $0x1;
	s4 =	sadd.s32 s21, s2  }
0x9d: {  	[timem:s6], [sflag:s22] =	dma.local [hbm:s4], s20  }
0x9e: {  	_ =	swait.ge [sflag:s22], s20  }
0x9f: {  	s3 =	ssub.s32 $0x0, s20;
	[sflag:s22] =	ssyncset.done $0x0  }
0xa0: {  	[sflag:s22] =	ssyncadd.s32 s3;
	_ =	sdelay $0x1  }
0xa1: {  	s23 =	simm.s32 $0x1B8B  }
0xa2: {  	_ =	swait.ge [sflag:s23], $0x1  }
0xa3: {  	[sflag:s23] =	ssyncset.done $0x0  }
0xa4: {  	s25 =	simm.s32 $0x1B8E;
	s24 =	sld [smem:$0x3FFE];
	[sflag:s23] =	ssyncadd.s32 $0xFFFFFFFF  }
0xa5: {  	s26 =	simm.s32 $execute0_lowered;
	[smem:$0x3FD2] =	sst s25  }
0xa6: {  	s4 =	sshll.u32 s26, $0x1;
	_ =	strace $0x8000004C;
	[dreg:$0x1] =	wrdreg $0xFFFFFFFF  }
0xa7: {  	s28 =	simm.s32 $_size_execute0_lowered;
	s2 =	sadd.s32 s2, s4;
	[dreg:$0x0] =	wrdreg $0x0  }
0xa8: {  	s4 =	sshll.u32 s28, $0x1;
	[dreg:$0x2] =	wrdreg s2  }
0xa9: {  	[dreg:$0x3] =	wrdreg s4  }
0xaa: {  	[dreg:$0x4] =	wrdreg $0xC0  }
0xab: {  	_ =	task [dreg:s6], $0x5FFFF  }
0xac: {  	[dreg:$0x1] =	wrdreg $0xFFFFFFFF  }
0xad: {  	[dreg:$0x0] =	wrdreg $0x60  }
0xae: {  	[dreg:$0x2] =	wrdreg s24  }
0xaf: {  	[dreg:$0x3] =	wrdreg $0xA0000  }
0xb0: {  	[dreg:$0x4] =	wrdreg $0x0  }
0xb1: {  	[dreg:$0x5] =	wrdreg $0x9  }
0xb2: {  	_ =	task.clear_ibuf [dreg:s6], $0x6FFFF;
	_ =	strace $0x9000004C  }
0xb3: {  	s29 =	simm.s32 $0x9;
	_ =	strace $0x8000004E  }
0xb4: {  	_ =	swait.ge [sflag:s29], $0x1  }
0xb5: {  	[sflag:s29] =	ssyncadd.s32 $0xFFFFFFFF  }
0xb6: {  	_ =	strace $0x9000004E  }
0xb7: {  	_ =	sfence  }
0xb8: {  	s30 =	sld [smem:$0x0];
	_ =	sdelay $0x2  }
0xb9: {  	s31 =	sshll.u32 s1, $0xD;
	s1 =	sshrl.u32 s1, $0x2  }
0xba: {  	s3 =	sand.u32 $0x4000, s31;
	s1 =	sadd.s32 s1, s30  }
0xbb: {  	s0 =	sor.u32 s3, s0;
	s1 =	sshll.u32 s1, $0x11  }
0xbc: {  	s0 =	sor.u32 s1, s0  }
0xbd: {  	s0 =	sadd.s32 $0x8F2B, s0  }
0xbe: {  	[sflag:s0] =	ssyncadd.remote.s32 $0x1  }
0xbf: {  	_ =	sfence.sel $0xFFFF  }
0xc0: {  	[dreg:$0x0] =	wrdreg $0xFFFFFFFF;
	(pc) =	sbr.abs _section_cstart, $3  }
0xc1: {  	[dreg:$0x1] =	wrdreg $0xFFFFFFFF  }
0xc2: {  	_ =	task.clear_ibuf [dreg:s6], $0x2FFFF;
	_ =	strace $0x9FFFFFFF  }
0xc3: {  	(tm) =	ssettm $0x7FFFFFFF  }
tec
execute0_lowered:
.L_overlay_start_1:
0x0: {  	(tag) =	ssettag $0x1  }
0x1: {  	s1 =	rddreg [dreg:$0x0]  }
0x2: {  	s0 =	srdreg.scid;
	s2 =	rddreg [dreg:$0x1]  }
0x3: {  	s9 =	stileid.u32;
	s3 =	rddreg [dreg:$0x2]  }
0x4: {  	s29 =	simm.s32 $0x1C6C0;
	s30 =	simm.s32 $0x2;
	s28 =	simm.s32 $0x3  }
0x5: {  	s31 =	simm.s32 $0x5;
	s0 =	sand.u32 $0x1, s0;
	s6 =	smul.u32 $0xA000, s9  }
0x6: {  	s4 =	sshll.u32 s0, $0x4;
	s7 =	smul.u32 $0xA0000, s0;
	s0 =	ssub.s32 $0x2, s0  }
0x7: {  	s5 =	sor.u32 s9, s4;
	s4 =	simm.s32 $0x0;
	s9 =	smul.u32 $0x28000, s9  }
0x8: {  	s8 =	sshrl.u32 s6, $0x3;
	s20 =	sshrl.u32 s0, $0x1;
	s5 =	smul.u32 $0x4EC, s5  }
0x9: {  	[smem:$0x7FF] =	sst s4;
	s8 =	sadd.s32 s8, s1;
	s18 =	sadd.s32 s6, s7  }
0xa: {  	s0 =	ssub.s32 s0, s20;
	_ =	strace $0x8000004D;
	s19 =	sshrl.u32 s9, $0x2  }
0xb: {  	s13 =	sadd.s32 $0x49400, s8;
	s17 =	smax.u32 s0, $0x1;
	s0 =	simm.s32 $0x1E2C0  }
0xc: {  	s8 =	simm.s32 $0x8;
	s10 =	sadd.s32 s5, s1;
	s7 =	sadd.s32 s19, s2  }
0xd: {  	s5 =	sshrl.u32 s18, $0x3;
	s18 =	simm.s32 $0x18EC0;
	s21 =	sadd.s32 $0x1400, s7  }
0xe: {  	s19 =	simm.s32 $0x9;
	s22 =	sadd.s32 $0x2800, s7;
	[dreg:$0x4] =	wrdreg s21  }
0xf: {  	s1 =	sadd.s32 s5, s1;
	s23 =	sadd.s32 $0x3C00, s7;
	[dreg:$0x5] =	wrdreg s22  }
0x10: {  	s5 =	sadd.s32 s6, s2;
	s24 =	sadd.s32 $0x5000, s7;
	[dreg:$0x6] =	wrdreg s23  }
0x11: {  	s25 =	sadd.s32 $0x6400, s7;
	s26 =	sadd.s32 $0x7800, s7;
	[dreg:$0x7] =	wrdreg s24  }
0x12: {  	s7 =	sadd.s32 $0x8C00, s7;
	s6 =	sadd.s32 s6, s3;
	[dreg:$0x8] =	wrdreg s25  }
0x13: {  	s14 =	sadd.s32 $0x17600, s10;
	s15 =	sadd.s32 $0x3800, s10;
	[dreg:$0x9] =	wrdreg s26  }
0x14: {  	[dreg:$0xa] =	wrdreg s7;
	s16 =	sadd.s32 $0x5D400, s1;
	s20 =	sshrl.u32 s6, $0x3  }
0x15: {  	s21 =	simm.s32 $0x14000;
	s22 =	simm.s32 $0x16760;
	s23 =	simm.s32 $0x70  }
0x16: {  	s24 =	simm.s32 $0x14070;
	s25 =	simm.s32 $0x1AAC0;
	s26 =	simm.s32 $0x1  }
0x17: {  	v0 =	vimm.f32 $0.0e+00;
	s1 =	simm.s32 $0x4;
	s6 =	simm.s32 $0x6;
	s7 =	simm.s32 $0x7  }
.LBB2_1:
0x18: {  	s9 =	simm.s32 $0x18F40  }
0x19: {  	[tilespmem:s9+$0xFFFFFF80] =	vst v0  }
0x1a: {  	[tilespmem:s9+$0x70] =	vst v0  }
0x1b: {  	[tilespmem:s9+$0x60] =	vst v0  }
0x1c: {  	[tilespmem:s9+$0x50] =	vst v0  }
0x1d: {  	[tilespmem:s9+$0x40] =	vst v0  }
0x1e: {  	[tilespmem:s9+$0x30] =	vst v0  }
0x1f: {  	[tilespmem:s9+$0x20] =	vst v0  }
0x20: {  	[tilespmem:s9+$0x10] =	vst v0  }
0x21: {  	[tilespmem:s9+$0x0] =	vst v0  }
0x22: {  	[tilespmem:s9+$0xFFFFFFF0] =	vst v0  }
0x23: {  	[tilespmem:s9+$0xFFFFFFE0] =	vst v0  }
0x24: {  	[tilespmem:s9+$0xFFFFFFD0] =	vst v0  }
0x25: {  	[tilespmem:s9+$0xFFFFFFC0] =	vst v0  }
0x26: {  	[tilespmem:s9+$0xFFFFFFB0] =	vst v0  }
0x27: {  	s10 =	simm.s32 $0x0;
	[tilespmem:s9+$0xFFFFFFA0] =	vst v0  }
.LBB2_2:
0x28: {  	s10 =	sadd.s32 $0x4, s10;
	[tilespmem:s9+$0xFFFFFF90] =	vst v0;
	s9 =	sadd.s32 $0x100, s9  }
0x29: {  	[tilespmem:s9+$0xFFFFFF80] =	vst v0;
	p0 =	slt.u32 s10, $0x6C  }
0x2a: {  	[tilespmem:s9+$0x70] =	vst v0  }
0x2b: {  	[tilespmem:s9+$0x60] =	vst v0  }
0x2c: {  	[tilespmem:s9+$0x50] =	vst v0  }
0x2d: {  	[tilespmem:s9+$0x40] =	vst v0  }
0x2e: {  	[tilespmem:s9+$0x30] =	vst v0  }
0x2f: {  	[tilespmem:s9+$0x20] =	vst v0  }
0x30: {  	[tilespmem:s9+$0x10] =	vst v0  }
0x31: {  	[tilespmem:s9+$0x0] =	vst v0  }
0x32: {  	[tilespmem:s9+$0xFFFFFFF0] =	vst v0  }
.Ltmp0:
0x33: {  	[tilespmem:s9+$0xFFFFFFE0] =	vst v0;
	(pc) =	sbr.rel @p0 .LBB2_2-.Ltmp0, $4  }
0x34: {  	[tilespmem:s9+$0xFFFFFFD0] =	vst v0  }
0x35: {  	[tilespmem:s9+$0xFFFFFFC0] =	vst v0  }
0x36: {  	[tilespmem:s9+$0xFFFFFFB0] =	vst v0  }
0x37: {  	[tilespmem:s9+$0xFFFFFFA0] =	vst v0  }
0x38: {  	[tilespmem:s9+$0xFFFFFF90] =	vst v0  }
0x39: {  	[spmem:s5] =	stream.linear.scatter [tilespmem:s18], [sflag:$0x9], $0x1400, $0x38;
	[tilespmem:$0x1FEC0] =	vst v63  }
0x3a: {  	_ =	swait.ge [sflag:s19], $0x1400  }
0x3b: {  	[sflag:s19] =	ssyncset.done $0x0  }
0x3c: {  	s12 =	rddreg [dreg:$0x4];
	[sflag:s19] =	ssyncadd.s32 $0xFFFFEC00  }
0x3d: {  	[spmem:s12] =	stream.linear.scatter [tilespmem:s18], [sflag:$0x9], $0x1400, $0x38;
	[tilespmem:$0x1FEC0] =	vst v63  }
0x3e: {  	_ =	swait.ge [sflag:s19], $0x1400  }
0x3f: {  	[sflag:s19] =	ssyncset.done $0x0  }
0x40: {  	s10 =	rddreg [dreg:$0x5];
	[sflag:s19] =	ssyncadd.s32 $0xFFFFEC00  }
0x41: {  	[spmem:s10] =	stream.linear.scatter [tilespmem:s18], [sflag:$0x9], $0x1400, $0x38;
	[tilespmem:$0x1FEC0] =	vst v63  }
0x42: {  	_ =	swait.ge [sflag:s19], $0x1400  }
0x43: {  	[sflag:s19] =	ssyncset.done $0x0  }
0x44: {  	s11 =	rddreg [dreg:$0x6];
	[sflag:s19] =	ssyncadd.s32 $0xFFFFEC00  }
0x45: {  	[spmem:s11] =	stream.linear.scatter [tilespmem:s18], [sflag:$0x9], $0x1400, $0x38;
	[tilespmem:$0x1FEC0] =	vst v63  }
0x46: {  	_ =	swait.ge [sflag:s19], $0x1400  }
0x47: {  	[sflag:s19] =	ssyncset.done $0x0  }
0x48: {  	s12 =	rddreg [dreg:$0x7];
	[sflag:s19] =	ssyncadd.s32 $0xFFFFEC00  }
0x49: {  	[spmem:s12] =	stream.linear.scatter [tilespmem:s18], [sflag:$0x9], $0x1400, $0x38;
	[tilespmem:$0x1FEC0] =	vst v63  }
0x4a: {  	_ =	swait.ge [sflag:s19], $0x1400  }
0x4b: {  	[sflag:s19] =	ssyncset.done $0x0  }
0x4c: {  	s10 =	rddreg [dreg:$0x8];
	[sflag:s19] =	ssyncadd.s32 $0xFFFFEC00  }
0x4d: {  	[spmem:s10] =	stream.linear.scatter [tilespmem:s18], [sflag:$0x9], $0x1400, $0x38;
	[tilespmem:$0x1FEC0] =	vst v63  }
0x4e: {  	_ =	swait.ge [sflag:s19], $0x1400  }
0x4f: {  	[sflag:s19] =	ssyncset.done $0x0  }
0x50: {  	s11 =	rddreg [dreg:$0x9];
	[sflag:s19] =	ssyncadd.s32 $0xFFFFEC00  }
0x51: {  	[spmem:s11] =	stream.linear.scatter [tilespmem:s18], [sflag:$0x9], $0x1400, $0x38;
	[tilespmem:$0x1FEC0] =	vst v63  }
0x52: {  	_ =	swait.ge [sflag:s19], $0x1400  }
0x53: {  	[sflag:s19] =	ssyncset.done $0x0  }
0x54: {  	s12 =	rddreg [dreg:$0xa];
	[sflag:s19] =	ssyncadd.s32 $0xFFFFEC00  }
0x55: {  	[spmem:s12] =	stream.linear.scatter [tilespmem:s18], [sflag:$0x9], $0x1400, $0x38;
	[tilespmem:$0x1FEC0] =	vst v63  }
0x56: {  	s10 =	stileid.u32;
	_ =	swait.ge [sflag:s19], $0x1400  }
0x57: {  	s9 =	sshll.u32 s10, $0x6;
	[sflag:s19] =	ssyncset.done $0x0  }
0x58: {  	s9 =	sor.u32 $0x1C09, s9;
	[sflag:s19] =	ssyncadd.s32 $0xFFFFEC00  }
0x59: {  	[spmem:s20], [sflag:s9] =	dma.local [hbm:s13], $0x1400  }
0x5a: {  	_ =	swait.ge [sflag:s19], $0x1400  }
0x5b: {  	[sflag:s19] =	ssyncset.done $0x0  }
0x5c: {  	s10 =	simm.s32 $0x0;
	[sflag:s19] =	ssyncadd.s32 $0xFFFFEC00  }
0x5d: {  	[tilespmem:s21], [sflag:$0x9] =	stream.linear.gather [hbm4b:s14+s10], $0x2760, $0x38;
	[tilespmem:$0x1FEC0] =	vst v63  }
0x5e: {  	_ =	swait.ge [sflag:s19], $0x2760  }
0x5f: {  	[sflag:s19] =	ssyncset.done $0x0  }
0x60: {  	[sflag:s19] =	ssyncadd.s32 $0xFFFFD8A0  }
0x61: {  	[tilespmem:s22], [sflag:$0x9] =	stream.linear.gather [hbm4b:s15+s10], $0x2760, $0x38;
	[tilespmem:$0x1FEC0] =	vst v63  }
0x62: {  	_ =	swait.ge [sflag:s19], $0x2760  }
0x63: {  	[sflag:s19] =	ssyncset.done $0x0  }
0x64: {  	[sflag:s19] =	ssyncadd.s32 $0xFFFFD8A0  }
0x65: {  	[bflag:$0x0] =	sbarrier.arrive $0xFFFF  }
0x66: {  	[tilespmem:s18], [sflag:$0x1] =	stream.indirect.gather [spmem:s3], $0x40, s21, s23, $0xb8;
	[tilespmem:$0x1FEC0] =	vst v63  }
0x67: {  	_ = 	snop  }
0x68: {  	[tilespmem:s25], [sflag:$0x2] =	stream.indirect.gather [spmem:s3], $0x40, s24, s23, $0xb8;
	[tilespmem:$0x1FEC0] =	vst v63  }
0x69: {  	_ =	swait.ge [sflag:s26], $0x1C00  }
0x6a: {  	[sflag:s26] =	ssyncset.done $0x0  }
0x6b: {  	[sflag:s26] =	ssyncadd.s32 $0xFFFFE400  }
0x6c: {  	[spmem:s2] =	stream.indirect.scatter.add.f32 [tilespmem:s18], [sflag:$0x5], $0x40, s22, s23, $0xb8;
	[tilespmem:$0x1FEC0] =	vst v63  }
0x6d: {  	s11 =	simm.s32 $0x140E0  }
0x6e: {  	[tilespmem:s29], [sflag:$0x3] =	stream.indirect.gather [spmem:s3], $0x40, s11, s23, $0xb8;
	[tilespmem:$0x1FEC0] =	vst v63  }
0x6f: {  	_ =	swait.ge [sflag:s30], $0x1C00  }
0x70: {  	[sflag:s30] =	ssyncset.done $0x0  }
0x71: {  	s12 =	simm.s32 $0x167D0;
	[sflag:s30] =	ssyncadd.s32 $0xFFFFE400  }
0x72: {  	[spmem:s2] =	stream.indirect.scatter.add.f32 [tilespmem:s25], [sflag:$0x6], $0x40, s12, s23, $0xb8;
	[tilespmem:$0x1FEC0] =	vst v63  }
0x73: {  	s11 =	simm.s32 $0x14150  }
0x74: {  	[tilespmem:s0], [sflag:$0x4] =	stream.indirect.gather [spmem:s3], $0x40, s11, s23, $0xb8;
	[tilespmem:$0x1FEC0] =	vst v63  }
0x75: {  	_ =	swait.ge [sflag:s28], $0x1C00  }
0x76: {  	[sflag:s28] =	ssyncset.done $0x0  }
0x77: {  	s12 =	simm.s32 $0x16840;
	[sflag:s28] =	ssyncadd.s32 $0xFFFFE400  }
0x78: {  	[spmem:s2] =	stream.indirect.scatter.add.f32 [tilespmem:s29], [sflag:$0x7], $0x40, s12, s23, $0xb8;
	[tilespmem:$0x1FEC0] =	vst v63  }
0x79: {  	_ =	swait.ge [sflag:s31], $0x1C00  }
0x7a: {  	[sflag:s31] =	ssyncset.done $0x0  }
0x7b: {  	s11 =	simm.s32 $0x141C0;
	[sflag:s31] =	ssyncadd.s32 $0xFFFFE400  }
0x7c: {  	[tilespmem:s18], [sflag:$0x1] =	stream.indirect.gather [spmem:s3], $0x40, s11, s23, $0xb8;
	[tilespmem:$0x1FEC0] =	vst v63  }
0x7d: {  	_ =	swait.ge [sflag:s1], $0x1C00  }
0x7e: {  	[sflag:s1] =	ssyncset.done $0x0  }
0x7f: {  	s12 =	simm.s32 $0x168B0;
	[sflag:s1] =	ssyncadd.s32 $0xFFFFE400  }
0x80: {  	[spmem:s2] =	stream.indirect.scatter.add.f32 [tilespmem:s0], [sflag:$0x8], $0x40, s12, s23, $0xb8;
	[tilespmem:$0x1FEC0] =	vst v63  }
0x81: {  	_ =	swait.ge [sflag:s6], $0x1C00  }
0x82: {  	[sflag:s6] =	ssyncset.done $0x0  }
0x83: {  	s11 =	simm.s32 $0x14230;
	[sflag:s6] =	ssyncadd.s32 $0xFFFFE400  }
0x84: {  	[tilespmem:s25], [sflag:$0x2] =	stream.indirect.gather [spmem:s3], $0x40, s11, s23, $0xb8;
	[tilespmem:$0x1FEC0] =	vst v63  }
0x85: {  	_ =	swait.ge [sflag:s26], $0x1C00  }
0x86: {  	[sflag:s26] =	ssyncset.done $0x0  }
0x87: {  	s12 =	simm.s32 $0x16920;
	[sflag:s26] =	ssyncadd.s32 $0xFFFFE400  }
0x88: {  	[spmem:s2] =	stream.indirect.scatter.add.f32 [tilespmem:s18], [sflag:$0x5], $0x40, s12, s23, $0xb8;
	[tilespmem:$0x1FEC0] =	vst v63  }
0x89: {  	_ =	swait.ge [sflag:s7], $0x1C00  }
0x8a: {  	[sflag:s7] =	ssyncset.done $0x0  }
0x8b: {  	s11 =	simm.s32 $0x142A0;
	[sflag:s7] =	ssyncadd.s32 $0xFFFFE400  }
0x8c: {  	[tilespmem:s29], [sflag:$0x3] =	stream.indirect.gather [spmem:s3], $0x40, s11, s23, $0xb8;
	[tilespmem:$0x1FEC0] =	vst v63  }
0x8d: {  	_ =	swait.ge [sflag:s30], $0x1C00  }
0x8e: {  	[sflag:s30] =	ssyncset.done $0x0  }
0x8f: {  	s12 =	simm.s32 $0x16990;
	[sflag:s30] =	ssyncadd.s32 $0xFFFFE400  }
0x90: {  	[spmem:s2] =	stream.indirect.scatter.add.f32 [tilespmem:s25], [sflag:$0x6], $0x40, s12, s23, $0xb8;
	[tilespmem:$0x1FEC0] =	vst v63  }
0x91: {  	_ =	swait.ge [sflag:s8], $0x1C00  }
0x92: {  	[sflag:s8] =	ssyncset.done $0x0  }
0x93: {  	s10 =	simm.s32 $0x700;
	s11 =	simm.s32 $0x14310;
	[sflag:s8] =	ssyncadd.s32 $0xFFFFE400  }
.LBB2_4:
0x94: {  	[tilespmem:s0], [sflag:$0x4] =	stream.indirect.gather [spmem:s3], $0x40, s11, s23, $0xb8;
	[tilespmem:$0x1FEC0] =	vst v63  }
0x95: {  	s11 =	smov.u32 s10  }
0x96: {  	p0 =	sne.s32 s10, $0x8C00;
	s10 =	sadd.s32 $0x700, s10;
	_ =	swait.ge [sflag:s28], $0x1C00  }
0x97: {  	s11 =	sshra.s32 s11, $0x2;
	[sflag:s28] =	ssyncset.done $0x0  }
0x98: {  	s12 =	sadd.s32 $0x16840, s11;
	[sflag:s28] =	ssyncadd.s32 $0xFFFFE400  }
0x99: {  	[spmem:s2] =	stream.indirect.scatter.add.f32 [tilespmem:s29], [sflag:$0x7], $0x40, s12, s23, $0xb8;
	[tilespmem:$0x1FEC0] =	vst v63  }
0x9a: {  	_ =	swait.ge [sflag:s31], $0x1C00  }
0x9b: {  	[sflag:s31] =	ssyncset.done $0x0  }
0x9c: {  	s12 =	sadd.s32 $0x141C0, s11;
	[sflag:s31] =	ssyncadd.s32 $0xFFFFE400  }
0x9d: {  	[tilespmem:s18], [sflag:$0x1] =	stream.indirect.gather [spmem:s3], $0x40, s12, s23, $0xb8;
	[tilespmem:$0x1FEC0] =	vst v63  }
0x9e: {  	_ =	swait.ge [sflag:s1], $0x1C00  }
0x9f: {  	[sflag:s1] =	ssyncset.done $0x0  }
0xa0: {  	s12 =	sadd.s32 $0x168B0, s11;
	[sflag:s1] =	ssyncadd.s32 $0xFFFFE400  }
0xa1: {  	[spmem:s2] =	stream.indirect.scatter.add.f32 [tilespmem:s0], [sflag:$0x8], $0x40, s12, s23, $0xb8;
	[tilespmem:$0x1FEC0] =	vst v63  }
0xa2: {  	_ =	swait.ge [sflag:s6], $0x1C00  }
0xa3: {  	[sflag:s6] =	ssyncset.done $0x0  }
0xa4: {  	s12 =	sadd.s32 $0x14230, s11;
	[sflag:s6] =	ssyncadd.s32 $0xFFFFE400  }
0xa5: {  	[tilespmem:s25], [sflag:$0x2] =	stream.indirect.gather [spmem:s3], $0x40, s12, s23, $0xb8;
	[tilespmem:$0x1FEC0] =	vst v63  }
0xa6: {  	_ =	swait.ge [sflag:s26], $0x1C00  }
0xa7: {  	[sflag:s26] =	ssyncset.done $0x0  }
0xa8: {  	s12 =	sadd.s32 $0x16920, s11;
	[sflag:s26] =	ssyncadd.s32 $0xFFFFE400  }
0xa9: {  	[spmem:s2] =	stream.indirect.scatter.add.f32 [tilespmem:s18], [sflag:$0x5], $0x40, s12, s23, $0xb8;
	[tilespmem:$0x1FEC0] =	vst v63  }
0xaa: {  	_ =	swait.ge [sflag:s7], $0x1C00  }
0xab: {  	[sflag:s7] =	ssyncset.done $0x0  }
0xac: {  	s12 =	sadd.s32 $0x142A0, s11;
	[sflag:s7] =	ssyncadd.s32 $0xFFFFE400  }
0xad: {  	[tilespmem:s29], [sflag:$0x3] =	stream.indirect.gather [spmem:s3], $0x40, s12, s23, $0xb8;
	[tilespmem:$0x1FEC0] =	vst v63  }
0xae: {  	_ =	swait.ge [sflag:s30], $0x1C00  }
0xaf: {  	[sflag:s30] =	ssyncset.done $0x0  }
.Ltmp1:
0xb0: {  	s12 =	sadd.s32 $0x16990, s11;
	[sflag:s30] =	ssyncadd.s32 $0xFFFFE400;
	(pc) =	sbr.rel @p0 .LBB2_4-.Ltmp1, $4  }
0xb1: {  	[spmem:s2] =	stream.indirect.scatter.add.f32 [tilespmem:s25], [sflag:$0x6], $0x40, s12, s23, $0xb8;
	[tilespmem:$0x1FEC0] =	vst v63  }
0xb2: {  	_ =	swait.ge [sflag:s8], $0x1C00  }
0xb3: {  	[sflag:s8] =	ssyncset.done $0x0  }
0xb4: {  	s11 =	sadd.s32 $0x14310, s11;
	[sflag:s8] =	ssyncadd.s32 $0xFFFFE400  }
0xb5: {  	[tilespmem:s0], [sflag:$0x4] =	stream.indirect.gather [spmem:s3], $0x40, s11, s23, $0xb8;
	[tilespmem:$0x1FEC0] =	vst v63  }
0xb6: {  	_ =	swait.ge [sflag:s28], $0x1C00  }
0xb7: {  	[sflag:s28] =	ssyncset.done $0x0  }
0xb8: {  	s10 =	simm.s32 $0x18D00;
	[sflag:s28] =	ssyncadd.s32 $0xFFFFE400  }
0xb9: {  	[spmem:s2] =	stream.indirect.scatter.add.f32 [tilespmem:s29], [sflag:$0x7], $0x40, s10, s23, $0xb8;
	[tilespmem:$0x1FEC0] =	vst v63  }
0xba: {  	_ =	swait.ge [sflag:s31], $0x1C00  }
0xbb: {  	[sflag:s31] =	ssyncset.done $0x0  }
0xbc: {  	s11 =	simm.s32 $0x16680;
	[sflag:s31] =	ssyncadd.s32 $0xFFFFE400  }
0xbd: {  	[tilespmem:s18], [sflag:$0x1] =	stream.indirect.gather [spmem:s3], $0x40, s11, s23, $0xb8;
	[tilespmem:$0x1FEC0] =	vst v63  }
0xbe: {  	_ =	swait.ge [sflag:s1], $0x1C00  }
0xbf: {  	[sflag:s1] =	ssyncset.done $0x0  }
0xc0: {  	s12 =	simm.s32 $0x18D70;
	[sflag:s1] =	ssyncadd.s32 $0xFFFFE400  }
0xc1: {  	[spmem:s2] =	stream.indirect.scatter.add.f32 [tilespmem:s0], [sflag:$0x8], $0x40, s12, s23, $0xb8;
	[tilespmem:$0x1FEC0] =	vst v63  }
0xc2: {  	_ =	swait.ge [sflag:s6], $0x1C00  }
0xc3: {  	[sflag:s6] =	ssyncset.done $0x0  }
0xc4: {  	s11 =	simm.s32 $0x166F0;
	[sflag:s6] =	ssyncadd.s32 $0xFFFFE400  }
0xc5: {  	[tilespmem:s25], [sflag:$0x2] =	stream.indirect.gather [spmem:s3], $0x40, s11, s23, $0xb8;
	[tilespmem:$0x1FEC0] =	vst v63  }
0xc6: {  	_ =	swait.ge [sflag:s26], $0x1C00  }
0xc7: {  	[sflag:s26] =	ssyncset.done $0x0  }
0xc8: {  	s12 =	simm.s32 $0x18DE0;
	[sflag:s26] =	ssyncadd.s32 $0xFFFFE400  }
0xc9: {  	[spmem:s2] =	stream.indirect.scatter.add.f32 [tilespmem:s18], [sflag:$0x5], $0x40, s12, s23, $0xb8;
	[tilespmem:$0x1FEC0] =	vst v63  }
0xca: {  	_ =	swait.ge [sflag:s7], $0x1C00  }
0xcb: {  	[sflag:s7] =	ssyncset.done $0x0  }
0xcc: {  	[sflag:s7] =	ssyncadd.s32 $0xFFFFE400  }
0xcd: {  	[tilespmem:s29], [sflag:$0x3] =	stream.indirect.gather [spmem:s3], $0x40, s21, s23, $0xb8;
	[tilespmem:$0x1FEC0] =	vst v63  }
0xce: {  	_ =	swait.ge [sflag:s30], $0x1C00  }
0xcf: {  	[sflag:s30] =	ssyncset.done $0x0  }
0xd0: {  	s11 =	simm.s32 $0x18E50;
	[sflag:s30] =	ssyncadd.s32 $0xFFFFE400  }
0xd1: {  	[spmem:s2] =	stream.indirect.scatter.add.f32 [tilespmem:s25], [sflag:$0x6], $0x40, s11, s23, $0xb8;
	[tilespmem:$0x1FEC0] =	vst v63  }
0xd2: {  	_ =	swait.ge [sflag:s8], $0x1C00  }
0xd3: {  	[sflag:s8] =	ssyncset.done $0x0  }
0xd4: {  	[sflag:s8] =	ssyncadd.s32 $0xFFFFE400  }
0xd5: {  	[tilespmem:s0], [sflag:$0x4] =	stream.indirect.gather [spmem:s3], $0x40, s24, s23, $0xb8;
	[tilespmem:$0x1FEC0] =	vst v63  }
0xd6: {  	_ =	swait.ge [sflag:s31], $0x1C00  }
0xd7: {  	[sflag:s31] =	ssyncset.done $0x0  }
0xd8: {  	[sflag:s31] =	ssyncadd.s32 $0xFFFFE400  }
0xd9: {  	_ =	swait.ge [sflag:s6], $0x1C00  }
0xda: {  	[sflag:s6] =	ssyncset.done $0x0  }
0xdb: {  	[sflag:s6] =	ssyncadd.s32 $0xFFFFE400  }
0xdc: {  	_ =	swait.ge [sflag:s28], $0x1C00  }
0xdd: {  	[sflag:s28] =	ssyncset.done $0x0  }
0xde: {  	[sflag:s28] =	ssyncadd.s32 $0xFFFFE400  }
0xdf: {  	_ =	swait.ge [sflag:s1], $0x1C00  }
0xe0: {  	s4 =	sadd.s32 $0x1, s4;
	[sflag:s1] =	ssyncset.done $0x0  }
0xe1: {  	p0 =	sne.s32 s4, s17;
	[sflag:s1] =	ssyncadd.s32 $0xFFFFE400  }
.Ltmp2:
0xe2: {  	s12 =	sshrl.u32 s5, $0x3;
	[bflag:$0x0] =	sbarrier.arrive $0xFFFF;
	(pc) =	sbr.rel @p0 .LBB2_1-.Ltmp2, $4  }
0xe3: {  	[hbm:s16], [sflag:s9] =	dma.local [spmem:s12], $0x1400  }
0xe4: {  	_ =	swait.ge [sflag:s19], $0x1400  }
0xe5: {  	[sflag:s19] =	ssyncset.done $0x0  }
0xe6: {  	[sflag:s19] =	ssyncadd.s32 $0xFFFFEC00  }
0xe7: {  	_ =	sfence.sel $0x180000  }
0xe8: {  	[bflag:$0x0] =	sbarrier.arrive $0xFFFF  }
0xe9: {  	_ =	strace $0x9000004D  }
0xea: {  	s0 =	stileid.u32;
	[bflag:$0x2] =	sbarrier.arrive $0xFFFF  }
0xeb: {  	p0 =	sne.s32 s0, $0x0;
	s0 =	rddreg [dreg:$0x3]  }
0xec: {  	s0 =	sadd.s32 @!p0 $0x100000, s0  }
0xed: {  	[sflag:s0] =	ssyncadd.tile.s32 @!p0 $0x1;
	_ =	shalt  }
.Lfunc_end2:
_tile_overlayer_lowered:
.L_overlay_start_2:
0xee: {  	(tag) =	ssettag $0x2  }
0xef: {  	s0 =	rddreg [dreg:$0x0];
	s2 =	stileid.u32  }
0xf0: {  	s1 =	rddreg [dreg:$0x1];
	p0 =	sne.s32 s2, $0x0  }
0xf1: {  	s3 =	rddreg [dreg:$0x2];
	[bflag:$0x3] =	sbarrier.arrive $0xFFFF;
	s2 =	simm.s32 @!p0 $0x1C09  }
0xf2: {  	[timem:s3], [sflag:s2] =	dma.local @!p0 [hbm:s0], s1  }
0xf3: {  	s0 =	simm.s32 @!p0 $0x9  }
0xf4: {  	_ =	swait.ge @!p0 [sflag:s0], s1  }
0xf5: {  	s1 =	ssub.s32 @!p0 $0x0, s1;
	[sflag:s0] =	ssyncset.done @!p0 $0x0  }
0xf6: {  	[sflag:s0] =	ssyncadd.s32 @!p0 s1  }
0xf7: {  	[bflag:$0x3] =	sbarrier.arrive $0xFFFF  }
0xf8: {  	_ =	shalt  }

// kernel: kernel.19.cloned.1.call-start
scs
__scs_entry_jumppad:
0x0: {  	(pc) =	sbr.rel $0x88, $3  }
0x1: {  	(tag) =	ssettag $0x0;
	lr =	simm.s32 $0x1  }
0x2: {  	[smem:$0x3F8E] =	sst lr;
	_ =	strace $0xD0000000  }
0x3: {  	_ = 	snop  }
0x4: {  	_ = 	snop  }
0x5: {  	_ = 	snop  }
0x6: {  	_ = 	snop  }
0x7: {  	_ = 	snop  }
__scs_overlays_trampoline_lowered:
0x8: {  	[smem:$0x3F9D] =	sst s0  }
0x9: {  	[smem:$0x3F9E] =	sst s1  }
0xa: {  	[smem:$0x3F9F] =	sst s2  }
0xb: {  	[smem:$0x3FA0] =	sst s3  }
0xc: {  	[smem:$0x3FA1] =	sst s4  }
0xd: {  	[smem:$0x3FA2] =	sst s5  }
0xe: {  	[smem:$0x3FA3] =	sst s6  }
0xf: {  	[smem:$0x3FA4] =	sst s7  }
0x10: {  	[smem:$0x3FA5] =	sst s8  }
0x11: {  	[smem:$0x3FA6] =	sst s9;
	s0 =	simm.s32 @!p0 $0x0  }
0x12: {  	s1 =	sld [smem:$0x3F8C];
	s0 =	simm.s32 @p0 $0x1  }
0x13: {  	[smem:$0x3FA7] =	sst s0;
	s0 =	simm.s32 @!p1 $0x0  }
0x14: {  	s2 =	sld [smem:$0x3F8B];
	s0 =	simm.s32 @p1 $0x1  }
0x15: {  	[smem:$0x3FA8] =	sst s0;
	s0 =	simm.s32 @!p2 $0x0  }
0x16: {  	s3 =	sld [smem:$0x3FDB];
	s0 =	simm.s32 @p2 $0x1  }
0x17: {  	s4 =	simm.s32 $0x1BF5;
	[smem:$0x3FAA] =	sst s0  }
0x18: {  	s0 =	sld [smem:$0x3F8D];
	_ =	swait.ge [sflag:s4], $0x0  }
0x19: {  	s7 =	sld [smem:$0x3F8E]  }
0x1a: {  	s8 =	sadd.s32 $0xFFFFE003, lr  }
0x1b: {  	s9 =	sadd.s32 $0xFFFFFEF7, lr;
	s5 =	simm.s32 $0xFFFFFFFF;
	p2 =	slt.u32 s8, $0xFFFFF086  }
0x1c: {  	p1 =	slt.u32 s9, $0xF7A;
	s5 =	simm.s32 @!p2 $0x0  }
0x1d: {  	s5 =	simm.s32 @p1 $0x1;
	p0 =	seq.s32 s7, s2  }
0x1e: {  	s7 =	smul.u32 @!p0 $0xF7A, s2;
	p2 =	seq.s32 @!p0 s5, $0x0  }
0x1f: {  	s9 =	smul.u32 $0xF7A, s1;
	s8 =	simm.s32 @!p0 $0x1BF5;
	p2 =	por !p2, p0  }
0x20: {  	[sflag:s8] =	ssyncset.s32 @!p0 $0xFFFFF086;
	s6 =	sadd.s32 @!p0 s3, s7;
	s7 =	simm.s32 @!p0 $0x108  }
0x21: {  	s3 =	sadd.s32 s3, s9;
	s6 =	sadd.s32 @!p0 $0x88, s6;
	s7 =	simm.s32 @p2 $0x1082  }
0x22: {  	[simem:s7], [sflag:s8] =	dma.local @!p0 [hbm:s6], $0xF7A  }
0x23: {  	s9 =	sor.u32 $0xD0000000, s2;
	s6 =	simm.s32 $0x108;
	_ =	swait.ge @!p0 [sflag:s8], $0x0  }
0x24: {  	s3 =	sadd.s32 $0x88, s3;
	s6 =	simm.s32 @!p1 $0x1082;
	[sflag:s4] =	ssyncset.s32 $0xFFFFF086  }
0x25: {  	[simem:s6], [sflag:s4] =	dma.local [hbm:s3], $0xF7A  }
0x26: {  	[smem:$0x3F8E] =	sst s1;
	(tag) =	ssettag s2;
	_ =	strace s9  }
0x27: {  	s1 =	sld [smem:$0x3F9E]  }
0x28: {  	s2 =	sld [smem:$0x3F9F]  }
0x29: {  	s4 =	sld [smem:$0x3FA1]  }
0x2a: {  	p0 =	seq.s32 s5, $0x0;
	s5 =	sld [smem:$0x3FA2]  }
0x2b: {  	s6 =	sld [smem:$0x3FA3]  }
0x2c: {  	s7 =	sld [smem:$0x3FA4]  }
0x2d: {  	s3 =	simm.s32 $0x108;
	s8 =	sld [smem:$0x3FA5]  }
0x2e: {  	s3 =	simm.s32 @!p0 $0x1082;
	s9 =	sld [smem:$0x3FA6]  }
0x2f: {  	lr =	sadd.s32 s0, s3;
	s0 =	sld [smem:$0x3F9D]  }
0x30: {  	s3 =	sld [smem:$0x3FA0]  }
0x31: {  	[smem:$0x3FA9] =	sst s10  }
0x32: {  	s10 =	sld [smem:$0x3FA7];
	_ =	sdelay $0x3  }
0x33: {  	p0 =	seq.s32 s10, $0x1;
	s10 =	sld [smem:$0x3FA9];
	_ =	sdelay $0x3  }
0x34: {  	[smem:$0x3FA9] =	sst s10  }
0x35: {  	s10 =	sld [smem:$0x3FA8];
	_ =	sdelay $0x3  }
0x36: {  	p1 =	seq.s32 s10, $0x1;
	s10 =	sld [smem:$0x3FA9];
	_ =	sdelay $0x3  }
0x37: {  	[smem:$0x3FA9] =	sst s10  }
0x38: {  	s10 =	sld [smem:$0x3FAA]  }
0x39: {  	_ = 	snop;
	(pc) =	sbr.ind lr, $3  }
0x3a: {  	_ = 	snop  }
0x3b: {  	_ = 	snop  }
0x3c: {  	p2 =	seq.s32 s10, $0x1;
	s10 =	sld [smem:$0x3FA9]  }
0x3d: {  	_ =	shalt  }
0x3e: {  	_ =	shalt  }
0x3f: {  	_ =	shalt  }
0x40: {  	_ =	shalt  }
0x41: {  	_ =	shalt  }
0x42: {  	_ =	shalt  }
0x43: {  	_ =	shalt  }
0x44: {  	_ =	shalt  }
0x45: {  	_ =	shalt  }
0x46: {  	_ =	shalt  }
0x47: {  	_ =	shalt  }
0x48: {  	_ =	shalt  }
0x49: {  	_ =	shalt  }
0x4a: {  	_ =	shalt  }
0x4b: {  	_ =	shalt  }
0x4c: {  	_ =	shalt  }
0x4d: {  	_ =	shalt  }
0x4e: {  	_ =	shalt  }
0x4f: {  	_ =	shalt  }
0x50: {  	_ =	shalt  }
0x51: {  	_ =	shalt  }
0x52: {  	_ =	shalt  }
0x53: {  	_ =	shalt  }
0x54: {  	_ =	shalt  }
0x55: {  	_ =	shalt  }
0x56: {  	_ =	shalt  }
0x57: {  	_ =	shalt  }
0x58: {  	_ =	shalt  }
0x59: {  	_ =	shalt  }
0x5a: {  	_ =	shalt  }
0x5b: {  	_ =	shalt  }
0x5c: {  	_ =	shalt  }
0x5d: {  	_ =	shalt  }
0x5e: {  	_ =	shalt  }
0x5f: {  	_ =	shalt  }
0x60: {  	_ =	shalt  }
0x61: {  	_ =	shalt  }
0x62: {  	_ =	shalt  }
0x63: {  	_ =	shalt  }
0x64: {  	_ =	shalt  }
0x65: {  	_ =	shalt  }
0x66: {  	_ =	shalt  }
0x67: {  	_ =	shalt  }
0x68: {  	_ =	shalt  }
0x69: {  	_ =	shalt  }
0x6a: {  	_ =	shalt  }
0x6b: {  	_ =	shalt  }
0x6c: {  	_ =	shalt  }
0x6d: {  	_ =	shalt  }
0x6e: {  	_ =	shalt  }
0x6f: {  	_ =	shalt  }
0x70: {  	_ =	shalt  }
0x71: {  	_ =	shalt  }
0x72: {  	_ =	shalt  }
0x73: {  	_ =	shalt  }
0x74: {  	_ =	shalt  }
0x75: {  	_ =	shalt  }
0x76: {  	_ =	shalt  }
0x77: {  	_ =	shalt  }
0x78: {  	_ =	shalt  }
0x79: {  	_ =	shalt  }
0x7a: {  	_ =	shalt  }
0x7b: {  	_ =	shalt  }
0x7c: {  	_ =	shalt  }
0x7d: {  	_ =	shalt  }
0x7e: {  	_ =	shalt  }
0x7f: {  	_ =	shalt  }
0x80: {  	_ =	shalt  }
0x81: {  	_ =	shalt  }
0x82: {  	_ =	shalt  }
0x83: {  	_ =	shalt  }
0x84: {  	_ =	shalt  }
0x85: {  	_ =	shalt  }
0x86: {  	_ =	shalt  }
0x87: {  	_ =	shalt  }
.Lfunc_end0:
.L_simem_size_0:
called_computation.3_lowered:
.L_overlay_start_0:
0x88: {  	s2 =	sld [smem:$0x3FD9]  }
0x89: {  	s3 =	sld [smem:$0x3FFE];
	_ =	sdelay $0x1  }
0x8a: {  	s1 =	srdreg.scid  }
0x8b: {  	s0 =	sand.u32 $0x1, s1  }
0x8c: {  	s16 =	sshll.u32 s0, $0xA;
	s2 =	sadd.s32 s3, s2  }
0x8d: {  	s2 =	sadd.s32 s2, s16  }
0x8e: {  	[smem:$0x3FB5] =	sst s2  }
0x8f: {  	_ = 	snop  }
0x90: {  	(tm) =	ssettm $0x1  }
0x91: {  	s17 =	sld [smem:$0x3FFB];
	_ =	sdelay $0x3  }
0x92: {  	_ =	strace s17  }
0x93: {  	s2 =	sld [smem:$0x3FFC];
	_ =	sdelay $0x3  }
0x94: {  	_ =	strace s2  }
0x95: {  	s2 =	sld [smem:$0x3FFD];
	_ =	sdelay $0x3  }
0x96: {  	_ =	strace s2  }
0x97: {  	_ =	strace $0x8FFFFFFF  }
0x98: {  	s18 =	sld [smem:$0x3FDB];
	_ =	sdelay $0x1  }
0x99: {  	s19 =	simm.s32 $_scs_section_size  }
0x9a: {  	s4 =	simm.s32 $_size__tile_overlayer_lowered;
	s5 =	simm.s32 $_tile_overlayer_lowered  }
0x9b: {  	s22 =	simm.s32 $0x1BFF;
	s21 =	sshll.u32 s5, $0x1;
	s2 =	sadd.s32 s19, s18  }
0x9c: {  	s6 =	simm.s32 $0x0;
	s20 =	sshll.u32 s4, $0x1;
	s4 =	sadd.s32 s21, s2  }
0x9d: {  	[timem:s6], [sflag:s22] =	dma.local [hbm:s4], s20  }
0x9e: {  	_ =	swait.ge [sflag:s22], s20  }
0x9f: {  	s3 =	ssub.s32 $0x0, s20;
	[sflag:s22] =	ssyncset.done $0x0  }
0xa0: {  	[sflag:s22] =	ssyncadd.s32 s3;
	_ =	sdelay $0x1  }
0xa1: {  	s23 =	simm.s32 $0x1B8B  }
0xa2: {  	_ =	swait.ge [sflag:s23], $0x1  }
0xa3: {  	[sflag:s23] =	ssyncset.done $0x0  }
0xa4: {  	s25 =	simm.s32 $0x1B8E;
	s24 =	sld [smem:$0x3FFE];
	[sflag:s23] =	ssyncadd.s32 $0xFFFFFFFF  }
0xa5: {  	s26 =	simm.s32 $execute0_lowered;
	[smem:$0x3FD2] =	sst s25  }
0xa6: {  	s4 =	sshll.u32 s26, $0x1;
	_ =	strace $0x8000004F;
	[dreg:$0x1] =	wrdreg $0xFFFFFFFF  }
0xa7: {  	s28 =	simm.s32 $_size_execute0_lowered;
	s2 =	sadd.s32 s2, s4;
	[dreg:$0x0] =	wrdreg $0x0  }
0xa8: {  	s4 =	sshll.u32 s28, $0x1;
	[dreg:$0x2] =	wrdreg s2  }
0xa9: {  	[dreg:$0x3] =	wrdreg s4  }
0xaa: {  	[dreg:$0x4] =	wrdreg $0xC0  }
0xab: {  	_ =	task [dreg:s6], $0x5FFFF  }
0xac: {  	[dreg:$0x1] =	wrdreg $0xFFFFFFFF  }
0xad: {  	[dreg:$0x0] =	wrdreg $0x60  }
0xae: {  	[dreg:$0x2] =	wrdreg s24  }
0xaf: {  	[dreg:$0x3] =	wrdreg $0xA0000  }
0xb0: {  	[dreg:$0x4] =	wrdreg $0x0  }
0xb1: {  	[dreg:$0x5] =	wrdreg $0x9  }
0xb2: {  	_ =	task.clear_ibuf [dreg:s6], $0x6FFFF;
	_ =	strace $0x9000004F  }
0xb3: {  	s29 =	simm.s32 $0x9;
	_ =	strace $0x80000051  }
0xb4: {  	_ =	swait.ge [sflag:s29], $0x1  }
0xb5: {  	[sflag:s29] =	ssyncadd.s32 $0xFFFFFFFF  }
0xb6: {  	_ =	strace $0x90000051  }
0xb7: {  	_ =	sfence  }
0xb8: {  	s30 =	sld [smem:$0x0];
	_ =	sdelay $0x2  }
0xb9: {  	s31 =	sshll.u32 s1, $0xD;
	s1 =	sshrl.u32 s1, $0x2  }
0xba: {  	s3 =	sand.u32 $0x4000, s31;
	s1 =	sadd.s32 s1, s30  }
0xbb: {  	s0 =	sor.u32 s3, s0;
	s1 =	sshll.u32 s1, $0x11  }
0xbc: {  	s0 =	sor.u32 s1, s0  }
0xbd: {  	s0 =	sadd.s32 $0x8F2B, s0  }
0xbe: {  	[sflag:s0] =	ssyncadd.remote.s32 $0x1  }
0xbf: {  	_ =	sfence.sel $0xFFFF  }
0xc0: {  	[dreg:$0x0] =	wrdreg $0xFFFFFFFF;
	(pc) =	sbr.abs _section_cstart, $3  }
0xc1: {  	[dreg:$0x1] =	wrdreg $0xFFFFFFFF  }
0xc2: {  	_ =	task.clear_ibuf [dreg:s6], $0x2FFFF;
	_ =	strace $0x9FFFFFFF  }
0xc3: {  	(tm) =	ssettm $0x7FFFFFFF  }
tec
execute0_lowered:
.L_overlay_start_1:
0x0: {  	(tag) =	ssettag $0x1  }
0x1: {  	s1 =	rddreg [dreg:$0x0]  }
0x2: {  	s0 =	srdreg.scid;
	s2 =	rddreg [dreg:$0x1]  }
0x3: {  	s9 =	stileid.u32;
	s3 =	rddreg [dreg:$0x2]  }
0x4: {  	s29 =	simm.s32 $0x1C6C0;
	s30 =	simm.s32 $0x2;
	s28 =	simm.s32 $0x3  }
0x5: {  	s31 =	simm.s32 $0x5;
	s0 =	sand.u32 $0x1, s0;
	s6 =	smul.u32 $0xA000, s9  }
0x6: {  	s4 =	sshll.u32 s0, $0x4;
	s7 =	smul.u32 $0xA0000, s0;
	s0 =	ssub.s32 $0x2, s0  }
0x7: {  	s5 =	sor.u32 s9, s4;
	s4 =	simm.s32 $0x0;
	s9 =	smul.u32 $0x28000, s9  }
0x8: {  	s8 =	sshrl.u32 s6, $0x3;
	s20 =	sshrl.u32 s0, $0x1;
	s5 =	smul.u32 $0x4EC, s5  }
0x9: {  	[smem:$0x7FF] =	sst s4;
	s8 =	sadd.s32 s8, s1;
	s18 =	sadd.s32 s6, s7  }
0xa: {  	s0 =	ssub.s32 s0, s20;
	_ =	strace $0x80000050;
	s19 =	sshrl.u32 s9, $0x2  }
0xb: {  	s13 =	sadd.s32 $0x21400, s8;
	s17 =	smax.u32 s0, $0x1;
	s0 =	simm.s32 $0x1E2C0  }
0xc: {  	s8 =	simm.s32 $0x8;
	s10 =	sadd.s32 s5, s1;
	s7 =	sadd.s32 s19, s2  }
0xd: {  	s5 =	sshrl.u32 s18, $0x3;
	s18 =	simm.s32 $0x18EC0;
	s21 =	sadd.s32 $0x1400, s7  }
0xe: {  	s19 =	simm.s32 $0x9;
	s22 =	sadd.s32 $0x2800, s7;
	[dreg:$0x4] =	wrdreg s21  }
0xf: {  	s1 =	sadd.s32 s5, s1;
	s23 =	sadd.s32 $0x3C00, s7;
	[dreg:$0x5] =	wrdreg s22  }
0x10: {  	s5 =	sadd.s32 s6, s2;
	s24 =	sadd.s32 $0x5000, s7;
	[dreg:$0x6] =	wrdreg s23  }
0x11: {  	s25 =	sadd.s32 $0x6400, s7;
	s26 =	sadd.s32 $0x7800, s7;
	[dreg:$0x7] =	wrdreg s24  }
0x12: {  	s7 =	sadd.s32 $0x8C00, s7;
	s6 =	sadd.s32 s6, s3;
	[dreg:$0x8] =	wrdreg s25  }
0x13: {  	s14 =	sadd.s32 $0x17600, s10;
	s15 =	sadd.s32 $0x3800, s10;
	[dreg:$0x9] =	wrdreg s26  }
0x14: {  	[dreg:$0xa] =	wrdreg s7;
	s16 =	sadd.s32 $0x35400, s1;
	s20 =	sshrl.u32 s6, $0x3  }
0x15: {  	s21 =	simm.s32 $0x14000;
	s22 =	simm.s32 $0x16760;
	s23 =	simm.s32 $0x70  }
0x16: {  	s24 =	simm.s32 $0x14070;
	s25 =	simm.s32 $0x1AAC0;
	s26 =	simm.s32 $0x1  }
0x17: {  	v0 =	vimm.f32 $0.0e+00;
	s1 =	simm.s32 $0x4;
	s6 =	simm.s32 $0x6;
	s7 =	simm.s32 $0x7  }
.LBB2_1:
0x18: {  	s9 =	simm.s32 $0x18F40  }
0x19: {  	[tilespmem:s9+$0xFFFFFF80] =	vst v0  }
0x1a: {  	[tilespmem:s9+$0x70] =	vst v0  }
0x1b: {  	[tilespmem:s9+$0x60] =	vst v0  }
0x1c: {  	[tilespmem:s9+$0x50] =	vst v0  }
0x1d: {  	[tilespmem:s9+$0x40] =	vst v0  }
0x1e: {  	[tilespmem:s9+$0x30] =	vst v0  }
0x1f: {  	[tilespmem:s9+$0x20] =	vst v0  }
0x20: {  	[tilespmem:s9+$0x10] =	vst v0  }
0x21: {  	[tilespmem:s9+$0x0] =	vst v0  }
0x22: {  	[tilespmem:s9+$0xFFFFFFF0] =	vst v0  }
0x23: {  	[tilespmem:s9+$0xFFFFFFE0] =	vst v0  }
0x24: {  	[tilespmem:s9+$0xFFFFFFD0] =	vst v0  }
0x25: {  	[tilespmem:s9+$0xFFFFFFC0] =	vst v0  }
0x26: {  	[tilespmem:s9+$0xFFFFFFB0] =	vst v0  }
0x27: {  	s10 =	simm.s32 $0x0;
	[tilespmem:s9+$0xFFFFFFA0] =	vst v0  }
.LBB2_2:
0x28: {  	s10 =	sadd.s32 $0x4, s10;
	[tilespmem:s9+$0xFFFFFF90] =	vst v0;
	s9 =	sadd.s32 $0x100, s9  }
0x29: {  	[tilespmem:s9+$0xFFFFFF80] =	vst v0;
	p0 =	slt.u32 s10, $0x6C  }
0x2a: {  	[tilespmem:s9+$0x70] =	vst v0  }
0x2b: {  	[tilespmem:s9+$0x60] =	vst v0  }
0x2c: {  	[tilespmem:s9+$0x50] =	vst v0  }
0x2d: {  	[tilespmem:s9+$0x40] =	vst v0  }
0x2e: {  	[tilespmem:s9+$0x30] =	vst v0  }
0x2f: {  	[tilespmem:s9+$0x20] =	vst v0  }
0x30: {  	[tilespmem:s9+$0x10] =	vst v0  }
0x31: {  	[tilespmem:s9+$0x0] =	vst v0  }
0x32: {  	[tilespmem:s9+$0xFFFFFFF0] =	vst v0  }
.Ltmp0:
0x33: {  	[tilespmem:s9+$0xFFFFFFE0] =	vst v0;
	(pc) =	sbr.rel @p0 .LBB2_2-.Ltmp0, $4  }
0x34: {  	[tilespmem:s9+$0xFFFFFFD0] =	vst v0  }
0x35: {  	[tilespmem:s9+$0xFFFFFFC0] =	vst v0  }
0x36: {  	[tilespmem:s9+$0xFFFFFFB0] =	vst v0  }
0x37: {  	[tilespmem:s9+$0xFFFFFFA0] =	vst v0  }
0x38: {  	[tilespmem:s9+$0xFFFFFF90] =	vst v0  }
0x39: {  	[spmem:s5] =	stream.linear.scatter [tilespmem:s18], [sflag:$0x9], $0x1400, $0x38;
	[tilespmem:$0x1FEC0] =	vst v63  }
0x3a: {  	_ =	swait.ge [sflag:s19], $0x1400  }
0x3b: {  	[sflag:s19] =	ssyncset.done $0x0  }
0x3c: {  	s12 =	rddreg [dreg:$0x4];
	[sflag:s19] =	ssyncadd.s32 $0xFFFFEC00  }
0x3d: {  	[spmem:s12] =	stream.linear.scatter [tilespmem:s18], [sflag:$0x9], $0x1400, $0x38;
	[tilespmem:$0x1FEC0] =	vst v63  }
0x3e: {  	_ =	swait.ge [sflag:s19], $0x1400  }
0x3f: {  	[sflag:s19] =	ssyncset.done $0x0  }
0x40: {  	s10 =	rddreg [dreg:$0x5];
	[sflag:s19] =	ssyncadd.s32 $0xFFFFEC00  }
0x41: {  	[spmem:s10] =	stream.linear.scatter [tilespmem:s18], [sflag:$0x9], $0x1400, $0x38;
	[tilespmem:$0x1FEC0] =	vst v63  }
0x42: {  	_ =	swait.ge [sflag:s19], $0x1400  }
0x43: {  	[sflag:s19] =	ssyncset.done $0x0  }
0x44: {  	s11 =	rddreg [dreg:$0x6];
	[sflag:s19] =	ssyncadd.s32 $0xFFFFEC00  }
0x45: {  	[spmem:s11] =	stream.linear.scatter [tilespmem:s18], [sflag:$0x9], $0x1400, $0x38;
	[tilespmem:$0x1FEC0] =	vst v63  }
0x46: {  	_ =	swait.ge [sflag:s19], $0x1400  }
0x47: {  	[sflag:s19] =	ssyncset.done $0x0  }
0x48: {  	s12 =	rddreg [dreg:$0x7];
	[sflag:s19] =	ssyncadd.s32 $0xFFFFEC00  }
0x49: {  	[spmem:s12] =	stream.linear.scatter [tilespmem:s18], [sflag:$0x9], $0x1400, $0x38;
	[tilespmem:$0x1FEC0] =	vst v63  }
0x4a: {  	_ =	swait.ge [sflag:s19], $0x1400  }
0x4b: {  	[sflag:s19] =	ssyncset.done $0x0  }
0x4c: {  	s10 =	rddreg [dreg:$0x8];
	[sflag:s19] =	ssyncadd.s32 $0xFFFFEC00  }
0x4d: {  	[spmem:s10] =	stream.linear.scatter [tilespmem:s18], [sflag:$0x9], $0x1400, $0x38;
	[tilespmem:$0x1FEC0] =	vst v63  }
0x4e: {  	_ =	swait.ge [sflag:s19], $0x1400  }
0x4f: {  	[sflag:s19] =	ssyncset.done $0x0  }
0x50: {  	s11 =	rddreg [dreg:$0x9];
	[sflag:s19] =	ssyncadd.s32 $0xFFFFEC00  }
0x51: {  	[spmem:s11] =	stream.linear.scatter [tilespmem:s18], [sflag:$0x9], $0x1400, $0x38;
	[tilespmem:$0x1FEC0] =	vst v63  }
0x52: {  	_ =	swait.ge [sflag:s19], $0x1400  }
0x53: {  	[sflag:s19] =	ssyncset.done $0x0  }
0x54: {  	s12 =	rddreg [dreg:$0xa];
	[sflag:s19] =	ssyncadd.s32 $0xFFFFEC00  }
0x55: {  	[spmem:s12] =	stream.linear.scatter [tilespmem:s18], [sflag:$0x9], $0x1400, $0x38;
	[tilespmem:$0x1FEC0] =	vst v63  }
0x56: {  	s10 =	stileid.u32;
	_ =	swait.ge [sflag:s19], $0x1400  }
0x57: {  	s9 =	sshll.u32 s10, $0x6;
	[sflag:s19] =	ssyncset.done $0x0  }
0x58: {  	s9 =	sor.u32 $0x1C09, s9;
	[sflag:s19] =	ssyncadd.s32 $0xFFFFEC00  }
0x59: {  	[spmem:s20], [sflag:s9] =	dma.local [hbm:s13], $0x1400  }
0x5a: {  	_ =	swait.ge [sflag:s19], $0x1400  }
0x5b: {  	[sflag:s19] =	ssyncset.done $0x0  }
0x5c: {  	s10 =	simm.s32 $0x0;
	[sflag:s19] =	ssyncadd.s32 $0xFFFFEC00  }
0x5d: {  	[tilespmem:s21], [sflag:$0x9] =	stream.linear.gather [hbm4b:s14+s10], $0x2760, $0x38;
	[tilespmem:$0x1FEC0] =	vst v63  }
0x5e: {  	_ =	swait.ge [sflag:s19], $0x2760  }
0x5f: {  	[sflag:s19] =	ssyncset.done $0x0  }
0x60: {  	[sflag:s19] =	ssyncadd.s32 $0xFFFFD8A0  }
0x61: {  	[tilespmem:s22], [sflag:$0x9] =	stream.linear.gather [hbm4b:s15+s10], $0x2760, $0x38;
	[tilespmem:$0x1FEC0] =	vst v63  }
0x62: {  	_ =	swait.ge [sflag:s19], $0x2760  }
0x63: {  	[sflag:s19] =	ssyncset.done $0x0  }
0x64: {  	[sflag:s19] =	ssyncadd.s32 $0xFFFFD8A0  }
0x65: {  	[bflag:$0x0] =	sbarrier.arrive $0xFFFF  }
0x66: {  	[tilespmem:s18], [sflag:$0x1] =	stream.indirect.gather [spmem:s3], $0x40, s21, s23, $0xb8;
	[tilespmem:$0x1FEC0] =	vst v63  }
0x67: {  	_ = 	snop  }
0x68: {  	[tilespmem:s25], [sflag:$0x2] =	stream.indirect.gather [spmem:s3], $0x40, s24, s23, $0xb8;
	[tilespmem:$0x1FEC0] =	vst v63  }
0x69: {  	_ =	swait.ge [sflag:s26], $0x1C00  }
0x6a: {  	[sflag:s26] =	ssyncset.done $0x0  }
0x6b: {  	[sflag:s26] =	ssyncadd.s32 $0xFFFFE400  }
0x6c: {  	[spmem:s2] =	stream.indirect.scatter.add.f32 [tilespmem:s18], [sflag:$0x5], $0x40, s22, s23, $0xb8;
	[tilespmem:$0x1FEC0] =	vst v63  }
0x6d: {  	s11 =	simm.s32 $0x140E0  }
0x6e: {  	[tilespmem:s29], [sflag:$0x3] =	stream.indirect.gather [spmem:s3], $0x40, s11, s23, $0xb8;
	[tilespmem:$0x1FEC0] =	vst v63  }
0x6f: {  	_ =	swait.ge [sflag:s30], $0x1C00  }
0x70: {  	[sflag:s30] =	ssyncset.done $0x0  }
0x71: {  	s12 =	simm.s32 $0x167D0;
	[sflag:s30] =	ssyncadd.s32 $0xFFFFE400  }
0x72: {  	[spmem:s2] =	stream.indirect.scatter.add.f32 [tilespmem:s25], [sflag:$0x6], $0x40, s12, s23, $0xb8;
	[tilespmem:$0x1FEC0] =	vst v63  }
0x73: {  	s11 =	simm.s32 $0x14150  }
0x74: {  	[tilespmem:s0], [sflag:$0x4] =	stream.indirect.gather [spmem:s3], $0x40, s11, s23, $0xb8;
	[tilespmem:$0x1FEC0] =	vst v63  }
0x75: {  	_ =	swait.ge [sflag:s28], $0x1C00  }
0x76: {  	[sflag:s28] =	ssyncset.done $0x0  }
0x77: {  	s12 =	simm.s32 $0x16840;
	[sflag:s28] =	ssyncadd.s32 $0xFFFFE400  }
0x78: {  	[spmem:s2] =	stream.indirect.scatter.add.f32 [tilespmem:s29], [sflag:$0x7], $0x40, s12, s23, $0xb8;
	[tilespmem:$0x1FEC0] =	vst v63  }
0x79: {  	_ =	swait.ge [sflag:s31], $0x1C00  }
0x7a: {  	[sflag:s31] =	ssyncset.done $0x0  }
0x7b: {  	s11 =	simm.s32 $0x141C0;
	[sflag:s31] =	ssyncadd.s32 $0xFFFFE400  }
0x7c: {  	[tilespmem:s18], [sflag:$0x1] =	stream.indirect.gather [spmem:s3], $0x40, s11, s23, $0xb8;
	[tilespmem:$0x1FEC0] =	vst v63  }
0x7d: {  	_ =	swait.ge [sflag:s1], $0x1C00  }
0x7e: {  	[sflag:s1] =	ssyncset.done $0x0  }
0x7f: {  	s12 =	simm.s32 $0x168B0;
	[sflag:s1] =	ssyncadd.s32 $0xFFFFE400  }
0x80: {  	[spmem:s2] =	stream.indirect.scatter.add.f32 [tilespmem:s0], [sflag:$0x8], $0x40, s12, s23, $0xb8;
	[tilespmem:$0x1FEC0] =	vst v63  }
0x81: {  	_ =	swait.ge [sflag:s6], $0x1C00  }
0x82: {  	[sflag:s6] =	ssyncset.done $0x0  }
0x83: {  	s11 =	simm.s32 $0x14230;
	[sflag:s6] =	ssyncadd.s32 $0xFFFFE400  }
0x84: {  	[tilespmem:s25], [sflag:$0x2] =	stream.indirect.gather [spmem:s3], $0x40, s11, s23, $0xb8;
	[tilespmem:$0x1FEC0] =	vst v63  }
0x85: {  	_ =	swait.ge [sflag:s26], $0x1C00  }
0x86: {  	[sflag:s26] =	ssyncset.done $0x0  }
0x87: {  	s12 =	simm.s32 $0x16920;
	[sflag:s26] =	ssyncadd.s32 $0xFFFFE400  }
0x88: {  	[spmem:s2] =	stream.indirect.scatter.add.f32 [tilespmem:s18], [sflag:$0x5], $0x40, s12, s23, $0xb8;
	[tilespmem:$0x1FEC0] =	vst v63  }
0x89: {  	_ =	swait.ge [sflag:s7], $0x1C00  }
0x8a: {  	[sflag:s7] =	ssyncset.done $0x0  }
0x8b: {  	s11 =	simm.s32 $0x142A0;
	[sflag:s7] =	ssyncadd.s32 $0xFFFFE400  }
0x8c: {  	[tilespmem:s29], [sflag:$0x3] =	stream.indirect.gather [spmem:s3], $0x40, s11, s23, $0xb8;
	[tilespmem:$0x1FEC0] =	vst v63  }
0x8d: {  	_ =	swait.ge [sflag:s30], $0x1C00  }
0x8e: {  	[sflag:s30] =	ssyncset.done $0x0  }
0x8f: {  	s12 =	simm.s32 $0x16990;
	[sflag:s30] =	ssyncadd.s32 $0xFFFFE400  }
0x90: {  	[spmem:s2] =	stream.indirect.scatter.add.f32 [tilespmem:s25], [sflag:$0x6], $0x40, s12, s23, $0xb8;
	[tilespmem:$0x1FEC0] =	vst v63  }
0x91: {  	_ =	swait.ge [sflag:s8], $0x1C00  }
0x92: {  	[sflag:s8] =	ssyncset.done $0x0  }
0x93: {  	s10 =	simm.s32 $0x700;
	s11 =	simm.s32 $0x14310;
	[sflag:s8] =	ssyncadd.s32 $0xFFFFE400  }
.LBB2_4:
0x94: {  	[tilespmem:s0], [sflag:$0x4] =	stream.indirect.gather [spmem:s3], $0x40, s11, s23, $0xb8;
	[tilespmem:$0x1FEC0] =	vst v63  }
0x95: {  	s11 =	smov.u32 s10  }
0x96: {  	p0 =	sne.s32 s10, $0x8C00;
	s10 =	sadd.s32 $0x700, s10;
	_ =	swait.ge [sflag:s28], $0x1C00  }
0x97: {  	s11 =	sshra.s32 s11, $0x2;
	[sflag:s28] =	ssyncset.done $0x0  }
0x98: {  	s12 =	sadd.s32 $0x16840, s11;
	[sflag:s28] =	ssyncadd.s32 $0xFFFFE400  }
0x99: {  	[spmem:s2] =	stream.indirect.scatter.add.f32 [tilespmem:s29], [sflag:$0x7], $0x40, s12, s23, $0xb8;
	[tilespmem:$0x1FEC0] =	vst v63  }
0x9a: {  	_ =	swait.ge [sflag:s31], $0x1C00  }
0x9b: {  	[sflag:s31] =	ssyncset.done $0x0  }
0x9c: {  	s12 =	sadd.s32 $0x141C0, s11;
	[sflag:s31] =	ssyncadd.s32 $0xFFFFE400  }
0x9d: {  	[tilespmem:s18], [sflag:$0x1] =	stream.indirect.gather [spmem:s3], $0x40, s12, s23, $0xb8;
	[tilespmem:$0x1FEC0] =	vst v63  }
0x9e: {  	_ =	swait.ge [sflag:s1], $0x1C00  }
0x9f: {  	[sflag:s1] =	ssyncset.done $0x0  }
0xa0: {  	s12 =	sadd.s32 $0x168B0, s11;
	[sflag:s1] =	ssyncadd.s32 $0xFFFFE400  }
0xa1: {  	[spmem:s2] =	stream.indirect.scatter.add.f32 [tilespmem:s0], [sflag:$0x8], $0x40, s12, s23, $0xb8;
	[tilespmem:$0x1FEC0] =	vst v63  }
0xa2: {  	_ =	swait.ge [sflag:s6], $0x1C00  }
0xa3: {  	[sflag:s6] =	ssyncset.done $0x0  }
0xa4: {  	s12 =	sadd.s32 $0x14230, s11;
	[sflag:s6] =	ssyncadd.s32 $0xFFFFE400  }
0xa5: {  	[tilespmem:s25], [sflag:$0x2] =	stream.indirect.gather [spmem:s3], $0x40, s12, s23, $0xb8;
	[tilespmem:$0x1FEC0] =	vst v63  }
0xa6: {  	_ =	swait.ge [sflag:s26], $0x1C00  }
0xa7: {  	[sflag:s26] =	ssyncset.done $0x0  }
0xa8: {  	s12 =	sadd.s32 $0x16920, s11;
	[sflag:s26] =	ssyncadd.s32 $0xFFFFE400  }
0xa9: {  	[spmem:s2] =	stream.indirect.scatter.add.f32 [tilespmem:s18], [sflag:$0x5], $0x40, s12, s23, $0xb8;
	[tilespmem:$0x1FEC0] =	vst v63  }
0xaa: {  	_ =	swait.ge [sflag:s7], $0x1C00  }
0xab: {  	[sflag:s7] =	ssyncset.done $0x0  }
0xac: {  	s12 =	sadd.s32 $0x142A0, s11;
	[sflag:s7] =	ssyncadd.s32 $0xFFFFE400  }
0xad: {  	[tilespmem:s29], [sflag:$0x3] =	stream.indirect.gather [spmem:s3], $0x40, s12, s23, $0xb8;
	[tilespmem:$0x1FEC0] =	vst v63  }
0xae: {  	_ =	swait.ge [sflag:s30], $0x1C00  }
0xaf: {  	[sflag:s30] =	ssyncset.done $0x0  }
.Ltmp1:
0xb0: {  	s12 =	sadd.s32 $0x16990, s11;
	[sflag:s30] =	ssyncadd.s32 $0xFFFFE400;
	(pc) =	sbr.rel @p0 .LBB2_4-.Ltmp1, $4  }
0xb1: {  	[spmem:s2] =	stream.indirect.scatter.add.f32 [tilespmem:s25], [sflag:$0x6], $0x40, s12, s23, $0xb8;
	[tilespmem:$0x1FEC0] =	vst v63  }
0xb2: {  	_ =	swait.ge [sflag:s8], $0x1C00  }
0xb3: {  	[sflag:s8] =	ssyncset.done $0x0  }
0xb4: {  	s11 =	sadd.s32 $0x14310, s11;
	[sflag:s8] =	ssyncadd.s32 $0xFFFFE400  }
0xb5: {  	[tilespmem:s0], [sflag:$0x4] =	stream.indirect.gather [spmem:s3], $0x40, s11, s23, $0xb8;
	[tilespmem:$0x1FEC0] =	vst v63  }
0xb6: {  	_ =	swait.ge [sflag:s28], $0x1C00  }
0xb7: {  	[sflag:s28] =	ssyncset.done $0x0  }
0xb8: {  	s10 =	simm.s32 $0x18D00;
	[sflag:s28] =	ssyncadd.s32 $0xFFFFE400  }
0xb9: {  	[spmem:s2] =	stream.indirect.scatter.add.f32 [tilespmem:s29], [sflag:$0x7], $0x40, s10, s23, $0xb8;
	[tilespmem:$0x1FEC0] =	vst v63  }
0xba: {  	_ =	swait.ge [sflag:s31], $0x1C00  }
0xbb: {  	[sflag:s31] =	ssyncset.done $0x0  }
0xbc: {  	s11 =	simm.s32 $0x16680;
	[sflag:s31] =	ssyncadd.s32 $0xFFFFE400  }
0xbd: {  	[tilespmem:s18], [sflag:$0x1] =	stream.indirect.gather [spmem:s3], $0x40, s11, s23, $0xb8;
	[tilespmem:$0x1FEC0] =	vst v63  }
0xbe: {  	_ =	swait.ge [sflag:s1], $0x1C00  }
0xbf: {  	[sflag:s1] =	ssyncset.done $0x0  }
0xc0: {  	s12 =	simm.s32 $0x18D70;
	[sflag:s1] =	ssyncadd.s32 $0xFFFFE400  }
0xc1: {  	[spmem:s2] =	stream.indirect.scatter.add.f32 [tilespmem:s0], [sflag:$0x8], $0x40, s12, s23, $0xb8;
	[tilespmem:$0x1FEC0] =	vst v63  }
0xc2: {  	_ =	swait.ge [sflag:s6], $0x1C00  }
0xc3: {  	[sflag:s6] =	ssyncset.done $0x0  }
0xc4: {  	s11 =	simm.s32 $0x166F0;
	[sflag:s6] =	ssyncadd.s32 $0xFFFFE400  }
0xc5: {  	[tilespmem:s25], [sflag:$0x2] =	stream.indirect.gather [spmem:s3], $0x40, s11, s23, $0xb8;
	[tilespmem:$0x1FEC0] =	vst v63  }
0xc6: {  	_ =	swait.ge [sflag:s26], $0x1C00  }
0xc7: {  	[sflag:s26] =	ssyncset.done $0x0  }
0xc8: {  	s12 =	simm.s32 $0x18DE0;
	[sflag:s26] =	ssyncadd.s32 $0xFFFFE400  }
0xc9: {  	[spmem:s2] =	stream.indirect.scatter.add.f32 [tilespmem:s18], [sflag:$0x5], $0x40, s12, s23, $0xb8;
	[tilespmem:$0x1FEC0] =	vst v63  }
0xca: {  	_ =	swait.ge [sflag:s7], $0x1C00  }
0xcb: {  	[sflag:s7] =	ssyncset.done $0x0  }
0xcc: {  	[sflag:s7] =	ssyncadd.s32 $0xFFFFE400  }
0xcd: {  	[tilespmem:s29], [sflag:$0x3] =	stream.indirect.gather [spmem:s3], $0x40, s21, s23, $0xb8;
	[tilespmem:$0x1FEC0] =	vst v63  }
0xce: {  	_ =	swait.ge [sflag:s30], $0x1C00  }
0xcf: {  	[sflag:s30] =	ssyncset.done $0x0  }
0xd0: {  	s11 =	simm.s32 $0x18E50;
	[sflag:s30] =	ssyncadd.s32 $0xFFFFE400  }
0xd1: {  	[spmem:s2] =	stream.indirect.scatter.add.f32 [tilespmem:s25], [sflag:$0x6], $0x40, s11, s23, $0xb8;
	[tilespmem:$0x1FEC0] =	vst v63  }
0xd2: {  	_ =	swait.ge [sflag:s8], $0x1C00  }
0xd3: {  	[sflag:s8] =	ssyncset.done $0x0  }
0xd4: {  	[sflag:s8] =	ssyncadd.s32 $0xFFFFE400  }
0xd5: {  	[tilespmem:s0], [sflag:$0x4] =	stream.indirect.gather [spmem:s3], $0x40, s24, s23, $0xb8;
	[tilespmem:$0x1FEC0] =	vst v63  }
0xd6: {  	_ =	swait.ge [sflag:s31], $0x1C00  }
0xd7: {  	[sflag:s31] =	ssyncset.done $0x0  }
0xd8: {  	[sflag:s31] =	ssyncadd.s32 $0xFFFFE400  }
0xd9: {  	_ =	swait.ge [sflag:s6], $0x1C00  }
0xda: {  	[sflag:s6] =	ssyncset.done $0x0  }
0xdb: {  	[sflag:s6] =	ssyncadd.s32 $0xFFFFE400  }
0xdc: {  	_ =	swait.ge [sflag:s28], $0x1C00  }
0xdd: {  	[sflag:s28] =	ssyncset.done $0x0  }
0xde: {  	[sflag:s28] =	ssyncadd.s32 $0xFFFFE400  }
0xdf: {  	_ =	swait.ge [sflag:s1], $0x1C00  }
0xe0: {  	s4 =	sadd.s32 $0x1, s4;
	[sflag:s1] =	ssyncset.done $0x0  }
0xe1: {  	p0 =	sne.s32 s4, s17;
	[sflag:s1] =	ssyncadd.s32 $0xFFFFE400  }
.Ltmp2:
0xe2: {  	s12 =	sshrl.u32 s5, $0x3;
	[bflag:$0x0] =	sbarrier.arrive $0xFFFF;
	(pc) =	sbr.rel @p0 .LBB2_1-.Ltmp2, $4  }
0xe3: {  	[hbm:s16], [sflag:s9] =	dma.local [spmem:s12], $0x1400  }
0xe4: {  	_ =	swait.ge [sflag:s19], $0x1400  }
0xe5: {  	[sflag:s19] =	ssyncset.done $0x0  }
0xe6: {  	[sflag:s19] =	ssyncadd.s32 $0xFFFFEC00  }
0xe7: {  	_ =	sfence.sel $0x180000  }
0xe8: {  	[bflag:$0x0] =	sbarrier.arrive $0xFFFF  }
0xe9: {  	_ =	strace $0x90000050  }
0xea: {  	s0 =	stileid.u32;
	[bflag:$0x2] =	sbarrier.arrive $0xFFFF  }
0xeb: {  	p0 =	sne.s32 s0, $0x0;
	s0 =	rddreg [dreg:$0x3]  }
0xec: {  	s0 =	sadd.s32 @!p0 $0x100000, s0  }
0xed: {  	[sflag:s0] =	ssyncadd.tile.s32 @!p0 $0x1;
	_ =	shalt  }
.Lfunc_end2:
_tile_overlayer_lowered:
.L_overlay_start_2:
0xee: {  	(tag) =	ssettag $0x2  }
0xef: {  	s0 =	rddreg [dreg:$0x0];
	s2 =	stileid.u32  }
0xf0: {  	s1 =	rddreg [dreg:$0x1];
	p0 =	sne.s32 s2, $0x0  }
0xf1: {  	s3 =	rddreg [dreg:$0x2];
	[bflag:$0x3] =	sbarrier.arrive $0xFFFF;
	s2 =	simm.s32 @!p0 $0x1C09  }
0xf2: {  	[timem:s3], [sflag:s2] =	dma.local @!p0 [hbm:s0], s1  }
0xf3: {  	s0 =	simm.s32 @!p0 $0x9  }
0xf4: {  	_ =	swait.ge @!p0 [sflag:s0], s1  }
0xf5: {  	s1 =	ssub.s32 @!p0 $0x0, s1;
	[sflag:s0] =	ssyncset.done @!p0 $0x0  }
0xf6: {  	[sflag:s0] =	ssyncadd.s32 @!p0 s1  }
0xf7: {  	[bflag:$0x3] =	sbarrier.arrive $0xFFFF  }
0xf8: {  	_ =	shalt  }

</sc_bundles>
